<compile_context>
chip_gen: v7x
topology: tpu7x:2x2x1
jax: 0.10.2.dev20260603
libtpu: 0.0.44.dev20260713+nightly
codegen_flags: <defaults>
</compile_context>

<pallas_src>
import functools

import jax
import jax.numpy as jnp
from jax import lax
from jax.experimental import pallas as pl
from jax.experimental.pallas import tpu as pltpu
from jax.experimental.pallas import tpu_sc as plsc

NC, NS, L = 2, 16, 16
NW = NC * NS
BN1_EPS = 1e-5
BN2_EPS = 1e-5


def _project(atom, w0t, w1t):
    N, A = atom.shape
    D = w0t.shape[1]
    BN = 2000

    def body(x_ref, w0_ref, w1_ref, p0_ref, p1_ref):
        x = x_ref[...]
        p0_ref[...] = jnp.dot(x, w0_ref[...],
                              preferred_element_type=jnp.float32)
        p1_ref[...] = jnp.dot(x, w1_ref[...],
                              preferred_element_type=jnp.float32)

    return pl.pallas_call(
        body,
        grid=(N // BN,),
        in_specs=[
            pl.BlockSpec((BN, A), lambda i: (i, 0)),
            pl.BlockSpec((A, D), lambda i: (0, 0)),
            pl.BlockSpec((A, D), lambda i: (0, 0)),
        ],
        out_specs=[
            pl.BlockSpec((BN, D), lambda i: (i, 0)),
            pl.BlockSpec((BN, D), lambda i: (i, 0)),
        ],
        out_shape=[jax.ShapeDtypeStruct((N, D), jnp.float32)] * 2,
    )(atom, w0t, w1t)


def _sc_gather_combine(p0, p1, idx0, idx1):
    E = idx0.shape[0]
    D = p0.shape[1]
    per_w = E // NW
    CH = 40
    n_chunks = per_w // CH
    mesh = plsc.VectorSubcoreMesh(core_axis_name="c", subcore_axis_name="s")

    @functools.partial(
        pl.kernel,
        out_type=jax.ShapeDtypeStruct((E, D), jnp.float32),
        mesh=mesh,
        scratch_types=[
            pltpu.VMEM((per_w,), jnp.int32),
            pltpu.VMEM((per_w,), jnp.int32),
            pltpu.VMEM((CH, D), jnp.float32),
            pltpu.VMEM((CH, D), jnp.float32),
            pltpu.VMEM((CH, D), jnp.float32),
            pltpu.VMEM((CH, D), jnp.float32),
            pltpu.SemaphoreType.DMA,
            pltpu.SemaphoreType.DMA,
            pltpu.SemaphoreType.DMA,
            pltpu.SemaphoreType.DMA,
            pltpu.SemaphoreType.DMA,
            pltpu.SemaphoreType.DMA,
        ],
    )
    def k(p0_hbm, p1_hbm, i0_hbm, i1_hbm, out_hbm, i0_v, i1_v,
          buf_a0, buf_b0, buf_a1, buf_b1,
          sem_a0, sem_b0, sem_a1, sem_b1, sem_s0, sem_s1):
        wid = lax.axis_index("s") * NC + lax.axis_index("c")
        base = wid * per_w
        pltpu.sync_copy(i0_hbm.at[pl.ds(base, per_w)], i0_v)
        pltpu.sync_copy(i1_hbm.at[pl.ds(base, per_w)], i1_v)

        bufs = ((buf_a0, buf_b0, sem_a0, sem_b0, sem_s0),
                (buf_a1, buf_b1, sem_a1, sem_b1, sem_s1))

        def issue(slot, ci):
            buf_a, buf_b, sem_a, sem_b, _ = bufs[slot]
            off = ci * CH
            pltpu.async_copy(p0_hbm.at[i0_v.at[pl.ds(off, CH)]], buf_a, sem_a)
            pltpu.async_copy(p1_hbm.at[i1_v.at[pl.ds(off, CH)]], buf_b, sem_b)

        def wait_gathers(slot, ci):
            buf_a, buf_b, sem_a, sem_b, _ = bufs[slot]
            off = ci * CH
            pltpu.make_async_copy(
                p0_hbm.at[i0_v.at[pl.ds(off, CH)]], buf_a, sem_a).wait()
            pltpu.make_async_copy(
                p1_hbm.at[i1_v.at[pl.ds(off, CH)]], buf_b, sem_b).wait()

        def combine(slot):
            buf_a, buf_b, _, _, _ = bufs[slot]

            @plsc.parallel_loop(0, CH, 1, unroll=2)
            def _(e):
                for j in range(D // L):
                    sl = pl.ds(j * L, L)
                    plsc.addupdate(buf_a.at[e, sl], buf_b[e, sl])

        def issue_store(slot, ci):
            buf_a, _, _, _, sem_s = bufs[slot]
            pltpu.async_copy(buf_a, out_hbm.at[pl.ds(base + ci * CH, CH)],
                             sem_s)

        def wait_store(slot, ci):
            buf_a, _, _, _, sem_s = bufs[slot]
            pltpu.make_async_copy(
                buf_a, out_hbm.at[pl.ds(base + ci * CH, CH)], sem_s).wait()

        n_pairs = (n_chunks - 1) // 2
        issue(0, 0)
        issue(1, 1)

        def pair(kk, carry):
            c0 = 2 * kk
            wait_gathers(0, c0)
            combine(0)
            issue_store(0, c0)
            wait_gathers(1, c0 + 1)
            combine(1)
            issue_store(1, c0 + 1)

            @pl.when(kk + 1 < n_pairs)
            def _():
                wait_store(0, c0)
                issue(0, c0 + 2)
                wait_store(1, c0 + 1)
                issue(1, c0 + 3)

            return carry

        lax.fori_loop(0, n_pairs, pair, 0, unroll=False)
        last = n_chunks - 1
        wait_store(0, last - 2)
        wait_store(1, last - 1)
        issue(0, last)
        wait_gathers(0, last)
        combine(0)
        pltpu.sync_copy(buf_a0, out_hbm.at[pl.ds(base + last * CH, CH)])

    return k(p0, p1, idx0, idx1)


def _edge_stats(g, nbr, w2t_s):
    E, Bf = nbr.shape
    D = w2t_s.shape[1]
    BE = 2000

    def body(g_ref, nbr_ref, w2_ref, sum_ref, sq_ref):
        i = pl.program_id(0)
        gated = g_ref[...] + jnp.dot(
            nbr_ref[...], w2_ref[...], preferred_element_type=jnp.float32)
        s = jnp.sum(gated, axis=0, keepdims=True)
        q = jnp.sum(gated * gated, axis=0, keepdims=True)

        @pl.when(i == 0)
        def _():
            sum_ref[...] = s
            sq_ref[...] = q

        @pl.when(i != 0)
        def _():
            sum_ref[...] += s
            sq_ref[...] += q

    return pl.pallas_call(
        body,
        grid=(E // BE,),
        in_specs=[
            pl.BlockSpec((BE, D), lambda i: (i, 0)),
            pl.BlockSpec((BE, Bf), lambda i: (i, 0)),
            pl.BlockSpec((Bf, D), lambda i: (0, 0)),
        ],
        out_specs=[
            pl.BlockSpec((1, D), lambda i: (0, 0)),
            pl.BlockSpec((1, D), lambda i: (0, 0)),
        ],
        out_shape=[jax.ShapeDtypeStruct((1, D), jnp.float32)] * 2,
    )(g, nbr, w2t_s)


def _edge_messages(g, nbr, w2t_s, gsum, gsq, gamma1_s, beta1_s):
    E, Bf = nbr.shape
    D = w2t_s.shape[1]
    Dw = D // 2
    A = D // 2
    H = A // 2
    BE = 2000
    inv_e = 1.0 / E

    def body(g_ref, nbr_ref, w2_ref, sum_ref, sq_ref, gam_ref, bet_ref, o_ref):
        gated = g_ref[...] + jnp.dot(
            nbr_ref[...], w2_ref[...], preferred_element_type=jnp.float32)
        mean = sum_ref[...] * inv_e
        var = sq_ref[...] * inv_e - mean * mean
        scale = lax.rsqrt(var + BN1_EPS) * gam_ref[...]
        shift = bet_ref[...] - mean * scale
        xh = gated * scale + shift
        f = xh[:, :A]
        c = xh[:, A:]
        sig = 1.0 / (1.0 + jnp.exp(-f))
        sp = jnp.maximum(c, 0.0) + jnp.log(1.0 + jnp.exp(-jnp.abs(c)))
        msg = sig * sp
        o_ref[0, ...] = msg[:, :H]
        o_ref[1, ...] = msg[:, H:]

    return pl.pallas_call(
        body,
        grid=(E // BE,),
        in_specs=[
            pl.BlockSpec((BE, D), lambda i: (i, 0)),
            pl.BlockSpec((BE, Bf), lambda i: (i, 0)),
            pl.BlockSpec((Bf, D), lambda i: (0, 0)),
            pl.BlockSpec((1, D), lambda i: (0, 0)),
            pl.BlockSpec((1, D), lambda i: (0, 0)),
            pl.BlockSpec((1, D), lambda i: (0, 0)),
            pl.BlockSpec((1, D), lambda i: (0, 0)),
        ],
        out_specs=pl.BlockSpec((2, BE, H), lambda i: (0, i, 0)),
        out_shape=jax.ShapeDtypeStruct((2, E, H), jnp.float32),
    )(g, nbr, w2t_s, gsum, gsq, gamma1_s, beta1_s)


def _sc_scatter_add(msg2, idx_tiled, n_nodes, zeros_init):
    _, E, half = msg2.shape
    per_t = E // NS
    CH = 80
    n_chunks = per_t // CH
    out_writers = 10
    rows_out = n_nodes // out_writers
    mesh = plsc.VectorSubcoreMesh(core_axis_name="c", subcore_axis_name="s")

    @functools.partial(
        pl.kernel,
        out_type=jax.ShapeDtypeStruct((NC, n_nodes, half), jnp.float32),
        mesh=mesh,
        scratch_types=[
            pltpu.VMEM((n_chunks, CH), jnp.int32),
            pltpu.VMEM((CH, half), jnp.float32),
            pltpu.VMEM((CH, half), jnp.float32),
            pltpu.VMEM_SHARED((n_nodes, half), jnp.float32),
            pltpu.SemaphoreType.DMA,
            pltpu.SemaphoreType.DMA,
        ],
    )
    def k(msg_hbm, idx_hbm, zero_hbm, out_hbm, idx_v, buf0, buf1, acc_sh,
          sem0, sem1):
        cid = lax.axis_index("c")
        sid = lax.axis_index("s")
        tbase = sid * per_t
        pltpu.sync_copy(idx_hbm.at[sid], idx_v)

        @pl.when(sid == 0)
        def _():
            pltpu.sync_copy(zero_hbm, acc_sh)

        plsc.subcore_barrier()

        bufs = ((buf0, sem0), (buf1, sem1))

        def issue(slot, j):
            buf, sem = bufs[slot]
            pltpu.async_copy(
                msg_hbm.at[cid, pl.ds(tbase + j * CH, CH)], buf, sem)

        def scat(slot, j):
            buf, sem = bufs[slot]
            pltpu.make_async_copy(
                msg_hbm.at[cid, pl.ds(tbase + j * CH, CH)], buf, sem).wait()
            pltpu.sync_copy(buf, acc_sh.at[idx_v.at[j]], add=True)

        n_pairs = (n_chunks - 1) // 2
        issue(0, 0)
        issue(1, 1)

        def pair(kk, carry):
            j0 = 2 * kk
            scat(0, j0)
            issue(0, j0 + 2)
            scat(1, j0 + 1)

            @pl.when(kk + 1 < n_pairs)
            def _():
                issue(1, j0 + 3)

            return carry

        lax.fori_loop(0, n_pairs, pair, 0, unroll=False)
        scat(0, n_chunks - 1)
        plsc.subcore_barrier()

        @pl.when(sid < out_writers)
        def _():
            pltpu.sync_copy(
                acc_sh.at[pl.ds(sid * rows_out, rows_out)],
                out_hbm.at[cid, pl.ds(sid * rows_out, rows_out)])

    return k(msg2, idx_tiled, zeros_init)


def _finalize(nbr_sumed, atom, gamma2, beta2):
    N, A = atom.shape
    inv_n = 1.0 / N

    def body(s_ref, a_ref, g_ref, b_ref, o_ref):
        x = jnp.concatenate((s_ref[0, ...], s_ref[1, ...]), axis=1)
        mean = jnp.sum(x, axis=0, keepdims=True) * inv_n
        d = x - mean
        var = jnp.sum(d * d, axis=0, keepdims=True) * inv_n
        xh = d * lax.rsqrt(var + BN2_EPS) * g_ref[...] + b_ref[...]
        y = a_ref[...] + xh
        o_ref[...] = jnp.maximum(y, 0.0) + jnp.log(1.0 + jnp.exp(-jnp.abs(y)))

    return pl.pallas_call(
        body,
        out_shape=jax.ShapeDtypeStruct((N, A), jnp.float32),
    )(nbr_sumed, atom, gamma2, beta2)


def kernel(atom_in_fea, nbr_fea, nbr_fea_idx, W, b, gamma1, beta1, gamma2,
           beta2):
    N, A = atom_in_fea.shape
    E = nbr_fea_idx.shape[0]
    D = 2 * A

    w0t = W[:, :A].T
    w1t = W[:, A:2 * A].T
    w2t = W[:, 2 * A:].T
    idx0 = nbr_fea_idx[:, 0].astype(jnp.int32)
    idx1 = nbr_fea_idx[:, 1].astype(jnp.int32)


    p0, p1 = _project(atom_in_fea, w0t, w1t)
    g = _sc_gather_combine(p0, p1, idx0, idx1)

    gsum, gsq = _edge_stats(g, nbr_fea, w2t)
    msg = _edge_messages(g, nbr_fea, w2t, gsum, gsq,
                         gamma1.reshape(1, D), beta1.reshape(1, D))

    idx_tiled = idx0.reshape(NS, (E // NS) // 80, 80)
    zeros_init = jnp.zeros((N, A // NC), jnp.float32)
    nbr_sumed2 = _sc_scatter_add(msg, idx_tiled, N, zeros_init)

    return _finalize(nbr_sumed2, atom_in_fea,
                     gamma2.reshape(1, A), beta2.reshape(1, A))

# --- scband reference (transcript-rebuilt; emitter-appended) ---
"""Pipeline reference for scband-conv-layer-38749194945198 (READ-ONLY COPY).

The authoritative reference and input builder live on the scoring server;
editing this copy changes nothing except your own understanding.
"""

import jax, jax.numpy as jnp
import numpy as np


def _weighted_bn(x, gamma, beta, eps=1e-5):
    # WeightedBatchNorm1d with weights=None == train-mode BatchNorm1d (biased batch stats)
    mean = jnp.mean(x, axis=0)
    var = jnp.mean((x - mean) ** 2, axis=0)
    return (x - mean) / jnp.sqrt(var + eps) * gamma + beta


def setup_inputs(seed: int = 0) -> dict:
    key = jax.random.key(seed)
    ks = jax.random.split(key, 4)
    N_atoms = 10000
    E = 160000
    A = 256   # atom_fea_len
    Bf = 16   # nbr_fea_len
    atom_in_fea = jax.random.normal(ks[0], (N_atoms, A), dtype=jnp.float32)
    nbr_fea = jax.random.normal(ks[1], (E, Bf), dtype=jnp.float32)
    # Note: the reshape in forward requires M == 2 neighbors per row (edge-pair layout)
    nbr_fea_idx = jax.random.randint(ks[2], (E, 2), 0, N_atoms)
    fan_in = 2 * A + Bf
    W = jax.random.normal(ks[3], (2 * A, fan_in), dtype=jnp.float32) / np.sqrt(fan_in)
    b = jnp.zeros((2 * A,), dtype=jnp.float32)
    gamma1 = jnp.ones((2 * A,), dtype=jnp.float32)
    beta1 = jnp.zeros((2 * A,), dtype=jnp.float32)
    gamma2 = jnp.ones((A,), dtype=jnp.float32)
    beta2 = jnp.zeros((A,), dtype=jnp.float32)
    return {"atom_in_fea": atom_in_fea, "nbr_fea": nbr_fea, "nbr_fea_idx": nbr_fea_idx,
            "W": W, "b": b, "gamma1": gamma1, "beta1": beta1,
            "gamma2": gamma2, "beta2": beta2}


def reference(atom_in_fea, nbr_fea, nbr_fea_idx, W, b, gamma1, beta1, gamma2, beta2):
    E = nbr_fea_idx.shape[0]
    # gather both endpoints: (E, 2, A) -> (E, 2A)
    atom_nbr_fea = atom_in_fea[nbr_fea_idx, :].reshape((E, atom_in_fea.shape[-1] * 2))
    total_nbr_fea = jnp.concatenate([atom_nbr_fea, nbr_fea], axis=-1)
    total_gated_fea = total_nbr_fea @ W.T + b
    total_gated_fea = _weighted_bn(total_gated_fea, gamma1, beta1)
    nbr_filter, nbr_core = jnp.split(total_gated_fea, 2, axis=-1)
    nbr_filter = jax.nn.sigmoid(nbr_filter)
    nbr_core = jax.nn.softplus(nbr_core)
    nbr_sumed = jnp.zeros_like(atom_in_fea).at[nbr_fea_idx[:, 0]].add(nbr_filter * nbr_core)
    nbr_sumed = _weighted_bn(nbr_sumed, gamma2, beta2)
    out = jax.nn.softplus(atom_in_fea + nbr_sumed)
    return out

if __name__ == "__main__":
    import jax
    _d = setup_inputs()
    print(jax.jit(kernel)(*tuple(_d.values())))

</pallas_src>

<mosaic_0001>
#map = affine_map<(d0, d1) -> (0, 0)>
#map1 = affine_map<(d0, d1) -> (0)>
module attributes {stable_mosaic.version = 14 : i64} {
  func.func @k(%arg0: i32, %arg1: i32, %arg2: memref<10000x512xf32, #tpu.memory_space<hbm>>, %arg3: memref<10000x512xf32, #tpu.memory_space<hbm>>, %arg4: memref<160000xi32, #tpu.memory_space<hbm>>, %arg5: memref<160000xi32, #tpu.memory_space<hbm>>, %arg6: memref<160000x512xf32, #tpu.memory_space<hbm>>, %arg7: memref<5000xi32, #tpu.memory_space<vmem>>, %arg8: memref<5000xi32, #tpu.memory_space<vmem>>, %arg9: memref<40x512xf32, #tpu.memory_space<vmem>>, %arg10: memref<40x512xf32, #tpu.memory_space<vmem>>, %arg11: memref<40x512xf32, #tpu.memory_space<vmem>>, %arg12: memref<40x512xf32, #tpu.memory_space<vmem>>, %arg13: memref<!tpu.dma_semaphore, #tpu.memory_space<semaphore_mem>>, %arg14: memref<!tpu.dma_semaphore, #tpu.memory_space<semaphore_mem>>, %arg15: memref<!tpu.dma_semaphore, #tpu.memory_space<semaphore_mem>>, %arg16: memref<!tpu.dma_semaphore, #tpu.memory_space<semaphore_mem>>, %arg17: memref<!tpu.dma_semaphore, #tpu.memory_space<semaphore_mem>>, %arg18: memref<!tpu.dma_semaphore, #tpu.memory_space<semaphore_mem>>) attributes {dimension_semantics = [#tpu.dimension_semantics<core_parallel>, #tpu.dimension_semantics<subcore_parallel>], iteration_bounds = array<i64: 2, 16>, scalar_prefetch = 0 : i64, scratch_operands = 12 : i64, tpu.core_type = #tpu.core_type<sc_vector_subcore>, window_params = [{transform_indices = #map}, {transform_indices = #map}, {transform_indices = #map1}, {transform_indices = #map1}, {transform_indices = #map}]} {
    %mul3A = arith.constant 2 : i32
    %mul3A_0 = arith.muli %arg1, %mul3A : i32
    %add3A = arith.addi %mul3A_0, %arg0 : i32
    %mul3A_1 = arith.constant 5000 : i32
    %mul3A_2 = arith.muli %add3A, %mul3A_1 : i32
    "tpu.region"() ({
      %run_scoped3A = tpu.sem_alloc : memref<!tpu.dma_semaphore, #tpu.memory_space<semaphore_mem>>
      %dma_start3A_62 = tpu.memref_slice %arg4[%mul3A_2] : memref<160000xi32, #tpu.memory_space<hbm>> -> memref<5000xi32, #tpu.memory_space<hbm>>
      %dma_start3A_63 = tpu.memref_slice %arg4[%mul3A_2] : memref<160000xi32, #tpu.memory_space<hbm>> -> memref<5000xi32, #tpu.memory_space<hbm>>
      tpu.enqueue_dma source(%dma_start3A_63 : memref<5000xi32, #tpu.memory_space<hbm>>) target(%arg7 : memref<5000xi32, #tpu.memory_space<vmem>>) target_semaphore(%run_scoped3A : memref<!tpu.dma_semaphore, #tpu.memory_space<semaphore_mem>>)
      %dma_wait3A_64 = tpu.memref_slice %arg4[%mul3A_2] : memref<160000xi32, #tpu.memory_space<hbm>> -> memref<5000xi32, #tpu.memory_space<hbm>>
      %dma_wait3A_65 = tpu.memref_slice %arg4[%mul3A_2] : memref<160000xi32, #tpu.memory_space<hbm>> -> memref<5000xi32, #tpu.memory_space<hbm>>
      tpu.wait_dma2 semaphore(%run_scoped3A : memref<!tpu.dma_semaphore, #tpu.memory_space<semaphore_mem>>) src(%dma_wait3A_65 : memref<5000xi32, #tpu.memory_space<hbm>>) dst(%arg7 : memref<5000xi32, #tpu.memory_space<vmem>>)
      tpu.yield
    }) : () -> ()
    "tpu.region"() ({
      %run_scoped3A = tpu.sem_alloc : memref<!tpu.dma_semaphore, #tpu.memory_space<semaphore_mem>>
      %dma_start3A_62 = tpu.memref_slice %arg5[%mul3A_2] : memref<160000xi32, #tpu.memory_space<hbm>> -> memref<5000xi32, #tpu.memory_space<hbm>>
      %dma_start3A_63 = tpu.memref_slice %arg5[%mul3A_2] : memref<160000xi32, #tpu.memory_space<hbm>> -> memref<5000xi32, #tpu.memory_space<hbm>>
      tpu.enqueue_dma source(%dma_start3A_63 : memref<5000xi32, #tpu.memory_space<hbm>>) target(%arg8 : memref<5000xi32, #tpu.memory_space<vmem>>) target_semaphore(%run_scoped3A : memref<!tpu.dma_semaphore, #tpu.memory_space<semaphore_mem>>)
      %dma_wait3A_64 = tpu.memref_slice %arg5[%mul3A_2] : memref<160000xi32, #tpu.memory_space<hbm>> -> memref<5000xi32, #tpu.memory_space<hbm>>
      %dma_wait3A_65 = tpu.memref_slice %arg5[%mul3A_2] : memref<160000xi32, #tpu.memory_space<hbm>> -> memref<5000xi32, #tpu.memory_space<hbm>>
      tpu.wait_dma2 semaphore(%run_scoped3A : memref<!tpu.dma_semaphore, #tpu.memory_space<semaphore_mem>>) src(%dma_wait3A_65 : memref<5000xi32, #tpu.memory_space<hbm>>) dst(%arg8 : memref<5000xi32, #tpu.memory_space<vmem>>)
      tpu.yield
    }) : () -> ()
    %dma_start3A = arith.constant 0 : i32
    %dma_start3A_3 = tpu.memref_slice %arg7[%dma_start3A] : memref<5000xi32, #tpu.memory_space<vmem>> -> memref<40xi32, #tpu.memory_space<vmem>>
    %dma_start3A_4 = arith.constant 0 : i32
    %dma_start3A_5 = arith.constant 0 : i32
    %dma_start3A_6 = tpu.memref_slice %arg2[%dma_start3A_4, %dma_start3A_5] : memref<10000x512xf32, #tpu.memory_space<hbm>> -> memref<10000x512xf32, #tpu.memory_space<hbm>>
    tpu.enqueue_indirect_dma source(%dma_start3A_6 : memref<10000x512xf32, #tpu.memory_space<hbm>>) target(%arg9 : memref<40x512xf32, #tpu.memory_space<vmem>>) offsets(%dma_start3A_3 : memref<40xi32, #tpu.memory_space<vmem>>) semaphore(%arg13 : memref<!tpu.dma_semaphore, #tpu.memory_space<semaphore_mem>>)
    %dma_start3A_7 = arith.constant 0 : i32
    %dma_start3A_8 = tpu.memref_slice %arg8[%dma_start3A_7] : memref<5000xi32, #tpu.memory_space<vmem>> -> memref<40xi32, #tpu.memory_space<vmem>>
    %dma_start3A_9 = arith.constant 0 : i32
    %dma_start3A_10 = arith.constant 0 : i32
    %dma_start3A_11 = tpu.memref_slice %arg3[%dma_start3A_9, %dma_start3A_10] : memref<10000x512xf32, #tpu.memory_space<hbm>> -> memref<10000x512xf32, #tpu.memory_space<hbm>>
    tpu.enqueue_indirect_dma source(%dma_start3A_11 : memref<10000x512xf32, #tpu.memory_space<hbm>>) target(%arg10 : memref<40x512xf32, #tpu.memory_space<vmem>>) offsets(%dma_start3A_8 : memref<40xi32, #tpu.memory_space<vmem>>) semaphore(%arg14 : memref<!tpu.dma_semaphore, #tpu.memory_space<semaphore_mem>>)
    %dma_start3A_12 = arith.constant 40 : i32
    %dma_start3A_13 = tpu.memref_slice %arg7[%dma_start3A_12] : memref<5000xi32, #tpu.memory_space<vmem>> -> memref<40xi32, #tpu.memory_space<vmem>>
    %dma_start3A_14 = arith.constant 0 : i32
    %dma_start3A_15 = arith.constant 0 : i32
    %dma_start3A_16 = tpu.memref_slice %arg2[%dma_start3A_14, %dma_start3A_15] : memref<10000x512xf32, #tpu.memory_space<hbm>> -> memref<10000x512xf32, #tpu.memory_space<hbm>>
    tpu.enqueue_indirect_dma source(%dma_start3A_16 : memref<10000x512xf32, #tpu.memory_space<hbm>>) target(%arg11 : memref<40x512xf32, #tpu.memory_space<vmem>>) offsets(%dma_start3A_13 : memref<40xi32, #tpu.memory_space<vmem>>) semaphore(%arg15 : memref<!tpu.dma_semaphore, #tpu.memory_space<semaphore_mem>>)
    %dma_start3A_17 = arith.constant 40 : i32
    %dma_start3A_18 = tpu.memref_slice %arg8[%dma_start3A_17] : memref<5000xi32, #tpu.memory_space<vmem>> -> memref<40xi32, #tpu.memory_space<vmem>>
    %dma_start3A_19 = arith.constant 0 : i32
    %dma_start3A_20 = arith.constant 0 : i32
    %dma_start3A_21 = tpu.memref_slice %arg3[%dma_start3A_19, %dma_start3A_20] : memref<10000x512xf32, #tpu.memory_space<hbm>> -> memref<10000x512xf32, #tpu.memory_space<hbm>>
    tpu.enqueue_indirect_dma source(%dma_start3A_21 : memref<10000x512xf32, #tpu.memory_space<hbm>>) target(%arg12 : memref<40x512xf32, #tpu.memory_space<vmem>>) offsets(%dma_start3A_18 : memref<40xi32, #tpu.memory_space<vmem>>) semaphore(%arg16 : memref<!tpu.dma_semaphore, #tpu.memory_space<semaphore_mem>>)
    %scan3A = arith.constant 0 : i32
    %scan3A_22 = arith.constant 0 : i32
    %scan3A_23 = arith.constant 62 : i32
    %scan3A_24 = arith.addi %scan3A_22, %scan3A_23 : i32
    %scan3A_25 = arith.constant 1 : i32
    scf.for %scan3A_62 = %scan3A_22 to %scan3A_24 step %scan3A_25  : i32 {
      %mul3A_63 = arith.constant 2 : i32
      %mul3A_64 = arith.muli %mul3A_63, %scan3A_62 : i32
      %mul3A_65 = arith.constant 40 : i32
      %mul3A_66 = arith.muli %mul3A_64, %mul3A_65 : i32
      %dma_wait3A_67 = tpu.memref_slice %arg7[%mul3A_66] : memref<5000xi32, #tpu.memory_space<vmem>> -> memref<40xi32, #tpu.memory_space<vmem>>
      %dma_wait3A_68 = arith.constant 0 : i32
      %dma_wait3A_69 = arith.constant 0 : i32
      %dma_wait3A_70 = tpu.memref_slice %arg2[%dma_wait3A_68, %dma_wait3A_69] : memref<10000x512xf32, #tpu.memory_space<hbm>> -> memref<10000x512xf32, #tpu.memory_space<hbm>>
      tpu.wait_indirect_dma semaphore(%arg13 : memref<!tpu.dma_semaphore, #tpu.memory_space<semaphore_mem>>) src(%dma_wait3A_70 : memref<10000x512xf32, #tpu.memory_space<hbm>>) dst(%arg9 : memref<40x512xf32, #tpu.memory_space<vmem>>)
      %dma_wait3A_71 = tpu.memref_slice %arg8[%mul3A_66] : memref<5000xi32, #tpu.memory_space<vmem>> -> memref<40xi32, #tpu.memory_space<vmem>>
      %dma_wait3A_72 = arith.constant 0 : i32
      %dma_wait3A_73 = arith.constant 0 : i32
      %dma_wait3A_74 = tpu.memref_slice %arg3[%dma_wait3A_72, %dma_wait3A_73] : memref<10000x512xf32, #tpu.memory_space<hbm>> -> memref<10000x512xf32, #tpu.memory_space<hbm>>
      tpu.wait_indirect_dma semaphore(%arg14 : memref<!tpu.dma_semaphore, #tpu.memory_space<semaphore_mem>>) src(%dma_wait3A_74 : memref<10000x512xf32, #tpu.memory_space<hbm>>) dst(%arg10 : memref<40x512xf32, #tpu.memory_space<vmem>>)
      %parallel_loop3A_75 = arith.constant 0 : i32
      %parallel_loop3A_76 = arith.constant 40 : i32
      %parallel_loop3A_77 = arith.constant 1 : i32
      scf.for %parallel_loop3A_113 = %parallel_loop3A_75 to %parallel_loop3A_76 step %parallel_loop3A_77  : i32 {
        %parallel_loop3A_114 = arith.index_cast %parallel_loop3A_113 : i32 to index
        %parallel_loop3A_115 = arith.constant 0 : index
        %parallel_loop3A_116 = tpu.vector_load %arg10[%parallel_loop3A_114, %parallel_loop3A_115] {strides = array<i32>} : memref<40x512xf32, #tpu.memory_space<vmem>>, vector<1x16xf32>,
        %parallel_loop3A_117 = vector.shape_cast %parallel_loop3A_116 : vector<1x16xf32> to vector<16xf32>
        %parallel_loop3A_118 = arith.index_cast %parallel_loop3A_113 : i32 to index
        %parallel_loop3A_119 = arith.constant 0 : index
        %parallel_loop3A_120 = tpu.vector_load %arg9[%parallel_loop3A_118, %parallel_loop3A_119] {strides = array<i32>} : memref<40x512xf32, #tpu.memory_space<vmem>>, vector<1x16xf32>,
        %parallel_loop3A_121 = vector.shape_cast %parallel_loop3A_120 : vector<1x16xf32> to vector<16xf32>
        %parallel_loop3A_122 = vector.shape_cast %parallel_loop3A_117 : vector<16xf32> to vector<1x16xf32>
        tpu.vector_store %arg9[%parallel_loop3A_118, %parallel_loop3A_119], %parallel_loop3A_122 {add = true, strides = array<i32>} : memref<40x512xf32, #tpu.memory_space<vmem>>, vector<1x16xf32>,
        %parallel_loop3A_123 = arith.index_cast %parallel_loop3A_113 : i32 to index
        %parallel_loop3A_124 = arith.constant 16 : index
        %parallel_loop3A_125 = tpu.vector_load %arg10[%parallel_loop3A_123, %parallel_loop3A_124] {strides = array<i32>} : memref<40x512xf32, #tpu.memory_space<vmem>>, vector<1x16xf32>,
        %parallel_loop3A_126 = vector.shape_cast %parallel_loop3A_125 : vector<1x16xf32> to vector<16xf32>
        %parallel_loop3A_127 = arith.index_cast %parallel_loop3A_113 : i32 to index
        %parallel_loop3A_128 = arith.constant 16 : index
        %parallel_loop3A_129 = tpu.vector_load %arg9[%parallel_loop3A_127, %parallel_loop3A_128] {strides = array<i32>} : memref<40x512xf32, #tpu.memory_space<vmem>>, vector<1x16xf32>,
        %parallel_loop3A_130 = vector.shape_cast %parallel_loop3A_129 : vector<1x16xf32> to vector<16xf32>
        %parallel_loop3A_131 = vector.shape_cast %parallel_loop3A_126 : vector<16xf32> to vector<1x16xf32>
        tpu.vector_store %arg9[%parallel_loop3A_127, %parallel_loop3A_128], %parallel_loop3A_131 {add = true, strides = array<i32>} : memref<40x512xf32, #tpu.memory_space<vmem>>, vector<1x16xf32>,
        %parallel_loop3A_132 = arith.index_cast %parallel_loop3A_113 : i32 to index
        %parallel_loop3A_133 = arith.constant 32 : index
        %parallel_loop3A_134 = tpu.vector_load %arg10[%parallel_loop3A_132, %parallel_loop3A_133] {strides = array<i32>} : memref<40x512xf32, #tpu.memory_space<vmem>>, vector<1x16xf32>,
        %parallel_loop3A_135 = vector.shape_cast %parallel_loop3A_134 : vector<1x16xf32> to vector<16xf32>
        %parallel_loop3A_136 = arith.index_cast %parallel_loop3A_113 : i32 to index
        %parallel_loop3A_137 = arith.constant 32 : index
        %parallel_loop3A_138 = tpu.vector_load %arg9[%parallel_loop3A_136, %parallel_loop3A_137] {strides = array<i32>} : memref<40x512xf32, #tpu.memory_space<vmem>>, vector<1x16xf32>,
        %parallel_loop3A_139 = vector.shape_cast %parallel_loop3A_138 : vector<1x16xf32> to vector<16xf32>
        %parallel_loop3A_140 = vector.shape_cast %parallel_loop3A_135 : vector<16xf32> to vector<1x16xf32>
        tpu.vector_store %arg9[%parallel_loop3A_136, %parallel_loop3A_137], %parallel_loop3A_140 {add = true, strides = array<i32>} : memref<40x512xf32, #tpu.memory_space<vmem>>, vector<1x16xf32>,
        %parallel_loop3A_141 = arith.index_cast %parallel_loop3A_113 : i32 to index
        %parallel_loop3A_142 = arith.constant 48 : index
        %parallel_loop3A_143 = tpu.vector_load %arg10[%parallel_loop3A_141, %parallel_loop3A_142] {strides = array<i32>} : memref<40x512xf32, #tpu.memory_space<vmem>>, vector<1x16xf32>,
        %parallel_loop3A_144 = vector.shape_cast %parallel_loop3A_143 : vector<1x16xf32> to vector<16xf32>
        %parallel_loop3A_145 = arith.index_cast %parallel_loop3A_113 : i32 to index
        %parallel_loop3A_146 = arith.constant 48 : index
        %parallel_loop3A_147 = tpu.vector_load %arg9[%parallel_loop3A_145, %parallel_loop3A_146] {strides = array<i32>} : memref<40x512xf32, #tpu.memory_space<vmem>>, vector<1x16xf32>,
        %parallel_loop3A_148 = vector.shape_cast %parallel_loop3A_147 : vector<1x16xf32> to vector<16xf32>
        %parallel_loop3A_149 = vector.shape_cast %parallel_loop3A_144 : vector<16xf32> to vector<1x16xf32>
        tpu.vector_store %arg9[%parallel_loop3A_145, %parallel_loop3A_146], %parallel_loop3A_149 {add = true, strides = array<i32>} : memref<40x512xf32, #tpu.memory_space<vmem>>, vector<1x16xf32>,
        %parallel_loop3A_150 = arith.index_cast %parallel_loop3A_113 : i32 to index
        %parallel_loop3A_151 = arith.constant 64 : index
        %parallel_loop3A_152 = tpu.vector_load %arg10[%parallel_loop3A_150, %parallel_loop3A_151] {strides = array<i32>} : memref<40x512xf32, #tpu.memory_space<vmem>>, vector<1x16xf32>,
        %parallel_loop3A_153 = vector.shape_cast %parallel_loop3A_152 : vector<1x16xf32> to vector<16xf32>
        %parallel_loop3A_154 = arith.index_cast %parallel_loop3A_113 : i32 to index
        %parallel_loop3A_155 = arith.constant 64 : index
        %parallel_loop3A_156 = tpu.vector_load %arg9[%parallel_loop3A_154, %parallel_loop3A_155] {strides = array<i32>} : memref<40x512xf32, #tpu.memory_space<vmem>>, vector<1x16xf32>,
        %parallel_loop3A_157 = vector.shape_cast %parallel_loop3A_156 : vector<1x16xf32> to vector<16xf32>
        %parallel_loop3A_158 = vector.shape_cast %parallel_loop3A_153 : vector<16xf32> to vector<1x16xf32>
        tpu.vector_store %arg9[%parallel_loop3A_154, %parallel_loop3A_155], %parallel_loop3A_158 {add = true, strides = array<i32>} : memref<40x512xf32, #tpu.memory_space<vmem>>, vector<1x16xf32>,
        %parallel_loop3A_159 = arith.index_cast %parallel_loop3A_113 : i32 to index
        %parallel_loop3A_160 = arith.constant 80 : index
        %parallel_loop3A_161 = tpu.vector_load %arg10[%parallel_loop3A_159, %parallel_loop3A_160] {strides = array<i32>} : memref<40x512xf32, #tpu.memory_space<vmem>>, vector<1x16xf32>,
        %parallel_loop3A_162 = vector.shape_cast %parallel_loop3A_161 : vector<1x16xf32> to vector<16xf32>
        %parallel_loop3A_163 = arith.index_cast %parallel_loop3A_113 : i32 to index
        %parallel_loop3A_164 = arith.constant 80 : index
        %parallel_loop3A_165 = tpu.vector_load %arg9[%parallel_loop3A_163, %parallel_loop3A_164] {strides = array<i32>} : memref<40x512xf32, #tpu.memory_space<vmem>>, vector<1x16xf32>,
        %parallel_loop3A_166 = vector.shape_cast %parallel_loop3A_165 : vector<1x16xf32> to vector<16xf32>
        %parallel_loop3A_167 = vector.shape_cast %parallel_loop3A_162 : vector<16xf32> to vector<1x16xf32>
        tpu.vector_store %arg9[%parallel_loop3A_163, %parallel_loop3A_164], %parallel_loop3A_167 {add = true, strides = array<i32>} : memref<40x512xf32, #tpu.memory_space<vmem>>, vector<1x16xf32>,
        %parallel_loop3A_168 = arith.index_cast %parallel_loop3A_113 : i32 to index
        %parallel_loop3A_169 = arith.constant 96 : index
        %parallel_loop3A_170 = tpu.vector_load %arg10[%parallel_loop3A_168, %parallel_loop3A_169] {strides = array<i32>} : memref<40x512xf32, #tpu.memory_space<vmem>>, vector<1x16xf32>,
        %parallel_loop3A_171 = vector.shape_cast %parallel_loop3A_170 : vector<1x16xf32> to vector<16xf32>
        %parallel_loop3A_172 = arith.index_cast %parallel_loop3A_113 : i32 to index
        %parallel_loop3A_173 = arith.constant 96 : index
        %parallel_loop3A_174 = tpu.vector_load %arg9[%parallel_loop3A_172, %parallel_loop3A_173] {strides = array<i32>} : memref<40x512xf32, #tpu.memory_space<vmem>>, vector<1x16xf32>,
        %parallel_loop3A_175 = vector.shape_cast %parallel_loop3A_174 : vector<1x16xf32> to vector<16xf32>
        %parallel_loop3A_176 = vector.shape_cast %parallel_loop3A_171 : vector<16xf32> to vector<1x16xf32>
        tpu.vector_store %arg9[%parallel_loop3A_172, %parallel_loop3A_173], %parallel_loop3A_176 {add = true, strides = array<i32>} : memref<40x512xf32, #tpu.memory_space<vmem>>, vector<1x16xf32>,
        %parallel_loop3A_177 = arith.index_cast %parallel_loop3A_113 : i32 to index
        %parallel_loop3A_178 = arith.constant 112 : index
        %parallel_loop3A_179 = tpu.vector_load %arg10[%parallel_loop3A_177, %parallel_loop3A_178] {strides = array<i32>} : memref<40x512xf32, #tpu.memory_space<vmem>>, vector<1x16xf32>,
        %parallel_loop3A_180 = vector.shape_cast %parallel_loop3A_179 : vector<1x16xf32> to vector<16xf32>
        %parallel_loop3A_181 = arith.index_cast %parallel_loop3A_113 : i32 to index
        %parallel_loop3A_182 = arith.constant 112 : index
        %parallel_loop3A_183 = tpu.vector_load %arg9[%parallel_loop3A_181, %parallel_loop3A_182] {strides = array<i32>} : memref<40x512xf32, #tpu.memory_space<vmem>>, vector<1x16xf32>,
        %parallel_loop3A_184 = vector.shape_cast %parallel_loop3A_183 : vector<1x16xf32> to vector<16xf32>
        %parallel_loop3A_185 = vector.shape_cast %parallel_loop3A_180 : vector<16xf32> to vector<1x16xf32>
        tpu.vector_store %arg9[%parallel_loop3A_181, %parallel_loop3A_182], %parallel_loop3A_185 {add = true, strides = array<i32>} : memref<40x512xf32, #tpu.memory_space<vmem>>, vector<1x16xf32>,
        %parallel_loop3A_186 = arith.index_cast %parallel_loop3A_113 : i32 to index
        %parallel_loop3A_187 = arith.constant 128 : index
        %parallel_loop3A_188 = tpu.vector_load %arg10[%parallel_loop3A_186, %parallel_loop3A_187] {strides = array<i32>} : memref<40x512xf32, #tpu.memory_space<vmem>>, vector<1x16xf32>,
        %parallel_loop3A_189 = vector.shape_cast %parallel_loop3A_188 : vector<1x16xf32> to vector<16xf32>
        %parallel_loop3A_190 = arith.index_cast %parallel_loop3A_113 : i32 to index
        %parallel_loop3A_191 = arith.constant 128 : index
        %parallel_loop3A_192 = tpu.vector_load %arg9[%parallel_loop3A_190, %parallel_loop3A_191] {strides = array<i32>} : memref<40x512xf32, #tpu.memory_space<vmem>>, vector<1x16xf32>,
        %parallel_loop3A_193 = vector.shape_cast %parallel_loop3A_192 : vector<1x16xf32> to vector<16xf32>
        %parallel_loop3A_194 = vector.shape_cast %parallel_loop3A_189 : vector<16xf32> to vector<1x16xf32>
        tpu.vector_store %arg9[%parallel_loop3A_190, %parallel_loop3A_191], %parallel_loop3A_194 {add = true, strides = array<i32>} : memref<40x512xf32, #tpu.memory_space<vmem>>, vector<1x16xf32>,
        %parallel_loop3A_195 = arith.index_cast %parallel_loop3A_113 : i32 to index
        %parallel_loop3A_196 = arith.constant 144 : index
        %parallel_loop3A_197 = tpu.vector_load %arg10[%parallel_loop3A_195, %parallel_loop3A_196] {strides = array<i32>} : memref<40x512xf32, #tpu.memory_space<vmem>>, vector<1x16xf32>,
        %parallel_loop3A_198 = vector.shape_cast %parallel_loop3A_197 : vector<1x16xf32> to vector<16xf32>
        %parallel_loop3A_199 = arith.index_cast %parallel_loop3A_113 : i32 to index
        %parallel_loop3A_200 = arith.constant 144 : index
        %parallel_loop3A_201 = tpu.vector_load %arg9[%parallel_loop3A_199, %parallel_loop3A_200] {strides = array<i32>} : memref<40x512xf32, #tpu.memory_space<vmem>>, vector<1x16xf32>,
        %parallel_loop3A_202 = vector.shape_cast %parallel_loop3A_201 : vector<1x16xf32> to vector<16xf32>
        %parallel_loop3A_203 = vector.shape_cast %parallel_loop3A_198 : vector<16xf32> to vector<1x16xf32>
        tpu.vector_store %arg9[%parallel_loop3A_199, %parallel_loop3A_200], %parallel_loop3A_203 {add = true, strides = array<i32>} : memref<40x512xf32, #tpu.memory_space<vmem>>, vector<1x16xf32>,
        %parallel_loop3A_204 = arith.index_cast %parallel_loop3A_113 : i32 to index
        %parallel_loop3A_205 = arith.constant 160 : index
        %parallel_loop3A_206 = tpu.vector_load %arg10[%parallel_loop3A_204, %parallel_loop3A_205] {strides = array<i32>} : memref<40x512xf32, #tpu.memory_space<vmem>>, vector<1x16xf32>,
        %parallel_loop3A_207 = vector.shape_cast %parallel_loop3A_206 : vector<1x16xf32> to vector<16xf32>
        %parallel_loop3A_208 = arith.index_cast %parallel_loop3A_113 : i32 to index
        %parallel_loop3A_209 = arith.constant 160 : index
        %parallel_loop3A_210 = tpu.vector_load %arg9[%parallel_loop3A_208, %parallel_loop3A_209] {strides = array<i32>} : memref<40x512xf32, #tpu.memory_space<vmem>>, vector<1x16xf32>,
        %parallel_loop3A_211 = vector.shape_cast %parallel_loop3A_210 : vector<1x16xf32> to vector<16xf32>
        %parallel_loop3A_212 = vector.shape_cast %parallel_loop3A_207 : vector<16xf32> to vector<1x16xf32>
        tpu.vector_store %arg9[%parallel_loop3A_208, %parallel_loop3A_209], %parallel_loop3A_212 {add = true, strides = array<i32>} : memref<40x512xf32, #tpu.memory_space<vmem>>, vector<1x16xf32>,
        %parallel_loop3A_213 = arith.index_cast %parallel_loop3A_113 : i32 to index
        %parallel_loop3A_214 = arith.constant 176 : index
        %parallel_loop3A_215 = tpu.vector_load %arg10[%parallel_loop3A_213, %parallel_loop3A_214] {strides = array<i32>} : memref<40x512xf32, #tpu.memory_space<vmem>>, vector<1x16xf32>,
        %parallel_loop3A_216 = vector.shape_cast %parallel_loop3A_215 : vector<1x16xf32> to vector<16xf32>
        %parallel_loop3A_217 = arith.index_cast %parallel_loop3A_113 : i32 to index
        %parallel_loop3A_218 = arith.constant 176 : index
        %parallel_loop3A_219 = tpu.vector_load %arg9[%parallel_loop3A_217, %parallel_loop3A_218] {strides = array<i32>} : memref<40x512xf32, #tpu.memory_space<vmem>>, vector<1x16xf32>,
        %parallel_loop3A_220 = vector.shape_cast %parallel_loop3A_219 : vector<1x16xf32> to vector<16xf32>
        %parallel_loop3A_221 = vector.shape_cast %parallel_loop3A_216 : vector<16xf32> to vector<1x16xf32>
        tpu.vector_store %arg9[%parallel_loop3A_217, %parallel_loop3A_218], %parallel_loop3A_221 {add = true, strides = array<i32>} : memref<40x512xf32, #tpu.memory_space<vmem>>, vector<1x16xf32>,
        %parallel_loop3A_222 = arith.index_cast %parallel_loop3A_113 : i32 to index
        %parallel_loop3A_223 = arith.constant 192 : index
        %parallel_loop3A_224 = tpu.vector_load %arg10[%parallel_loop3A_222, %parallel_loop3A_223] {strides = array<i32>} : memref<40x512xf32, #tpu.memory_space<vmem>>, vector<1x16xf32>,
        %parallel_loop3A_225 = vector.shape_cast %parallel_loop3A_224 : vector<1x16xf32> to vector<16xf32>
        %parallel_loop3A_226 = arith.index_cast %parallel_loop3A_113 : i32 to index
        %parallel_loop3A_227 = arith.constant 192 : index
        %parallel_loop3A_228 = tpu.vector_load %arg9[%parallel_loop3A_226, %parallel_loop3A_227] {strides = array<i32>} : memref<40x512xf32, #tpu.memory_space<vmem>>, vector<1x16xf32>,
        %parallel_loop3A_229 = vector.shape_cast %parallel_loop3A_228 : vector<1x16xf32> to vector<16xf32>
        %parallel_loop3A_230 = vector.shape_cast %parallel_loop3A_225 : vector<16xf32> to vector<1x16xf32>
        tpu.vector_store %arg9[%parallel_loop3A_226, %parallel_loop3A_227], %parallel_loop3A_230 {add = true, strides = array<i32>} : memref<40x512xf32, #tpu.memory_space<vmem>>, vector<1x16xf32>,
        %parallel_loop3A_231 = arith.index_cast %parallel_loop3A_113 : i32 to index
        %parallel_loop3A_232 = arith.constant 208 : index
        %parallel_loop3A_233 = tpu.vector_load %arg10[%parallel_loop3A_231, %parallel_loop3A_232] {strides = array<i32>} : memref<40x512xf32, #tpu.memory_space<vmem>>, vector<1x16xf32>,
        %parallel_loop3A_234 = vector.shape_cast %parallel_loop3A_233 : vector<1x16xf32> to vector<16xf32>
        %parallel_loop3A_235 = arith.index_cast %parallel_loop3A_113 : i32 to index
        %parallel_loop3A_236 = arith.constant 208 : index
        %parallel_loop3A_237 = tpu.vector_load %arg9[%parallel_loop3A_235, %parallel_loop3A_236] {strides = array<i32>} : memref<40x512xf32, #tpu.memory_space<vmem>>, vector<1x16xf32>,
        %parallel_loop3A_238 = vector.shape_cast %parallel_loop3A_237 : vector<1x16xf32> to vector<16xf32>
        %parallel_loop3A_239 = vector.shape_cast %parallel_loop3A_234 : vector<16xf32> to vector<1x16xf32>
        tpu.vector_store %arg9[%parallel_loop3A_235, %parallel_loop3A_236], %parallel_loop3A_239 {add = true, strides = array<i32>} : memref<40x512xf32, #tpu.memory_space<vmem>>, vector<1x16xf32>,
        %parallel_loop3A_240 = arith.index_cast %parallel_loop3A_113 : i32 to index
        %parallel_loop3A_241 = arith.constant 224 : index
        %parallel_loop3A_242 = tpu.vector_load %arg10[%parallel_loop3A_240, %parallel_loop3A_241] {strides = array<i32>} : memref<40x512xf32, #tpu.memory_space<vmem>>, vector<1x16xf32>,
        %parallel_loop3A_243 = vector.shape_cast %parallel_loop3A_242 : vector<1x16xf32> to vector<16xf32>
        %parallel_loop3A_244 = arith.index_cast %parallel_loop3A_113 : i32 to index
        %parallel_loop3A_245 = arith.constant 224 : index
        %parallel_loop3A_246 = tpu.vector_load %arg9[%parallel_loop3A_244, %parallel_loop3A_245] {strides = array<i32>} : memref<40x512xf32, #tpu.memory_space<vmem>>, vector<1x16xf32>,
        %parallel_loop3A_247 = vector.shape_cast %parallel_loop3A_246 : vector<1x16xf32> to vector<16xf32>
        %parallel_loop3A_248 = vector.shape_cast %parallel_loop3A_243 : vector<16xf32> to vector<1x16xf32>
        tpu.vector_store %arg9[%parallel_loop3A_244, %parallel_loop3A_245], %parallel_loop3A_248 {add = true, strides = array<i32>} : memref<40x512xf32, #tpu.memory_space<vmem>>, vector<1x16xf32>,
        %parallel_loop3A_249 = arith.index_cast %parallel_loop3A_113 : i32 to index
        %parallel_loop3A_250 = arith.constant 240 : index
        %parallel_loop3A_251 = tpu.vector_load %arg10[%parallel_loop3A_249, %parallel_loop3A_250] {strides = array<i32>} : memref<40x512xf32, #tpu.memory_space<vmem>>, vector<1x16xf32>,
        %parallel_loop3A_252 = vector.shape_cast %parallel_loop3A_251 : vector<1x16xf32> to vector<16xf32>
        %parallel_loop3A_253 = arith.index_cast %parallel_loop3A_113 : i32 to index
        %parallel_loop3A_254 = arith.constant 240 : index
        %parallel_loop3A_255 = tpu.vector_load %arg9[%parallel_loop3A_253, %parallel_loop3A_254] {strides = array<i32>} : memref<40x512xf32, #tpu.memory_space<vmem>>, vector<1x16xf32>,
        %parallel_loop3A_256 = vector.shape_cast %parallel_loop3A_255 : vector<1x16xf32> to vector<16xf32>
        %parallel_loop3A_257 = vector.shape_cast %parallel_loop3A_252 : vector<16xf32> to vector<1x16xf32>
        tpu.vector_store %arg9[%parallel_loop3A_253, %parallel_loop3A_254], %parallel_loop3A_257 {add = true, strides = array<i32>} : memref<40x512xf32, #tpu.memory_space<vmem>>, vector<1x16xf32>,
        %parallel_loop3A_258 = arith.index_cast %parallel_loop3A_113 : i32 to index
        %parallel_loop3A_259 = arith.constant 256 : index
        %parallel_loop3A_260 = tpu.vector_load %arg10[%parallel_loop3A_258, %parallel_loop3A_259] {strides = array<i32>} : memref<40x512xf32, #tpu.memory_space<vmem>>, vector<1x16xf32>,
        %parallel_loop3A_261 = vector.shape_cast %parallel_loop3A_260 : vector<1x16xf32> to vector<16xf32>
        %parallel_loop3A_262 = arith.index_cast %parallel_loop3A_113 : i32 to index
        %parallel_loop3A_263 = arith.constant 256 : index
        %parallel_loop3A_264 = tpu.vector_load %arg9[%parallel_loop3A_262, %parallel_loop3A_263] {strides = array<i32>} : memref<40x512xf32, #tpu.memory_space<vmem>>, vector<1x16xf32>,
        %parallel_loop3A_265 = vector.shape_cast %parallel_loop3A_264 : vector<1x16xf32> to vector<16xf32>
        %parallel_loop3A_266 = vector.shape_cast %parallel_loop3A_261 : vector<16xf32> to vector<1x16xf32>
        tpu.vector_store %arg9[%parallel_loop3A_262, %parallel_loop3A_263], %parallel_loop3A_266 {add = true, strides = array<i32>} : memref<40x512xf32, #tpu.memory_space<vmem>>, vector<1x16xf32>,
        %parallel_loop3A_267 = arith.index_cast %parallel_loop3A_113 : i32 to index
        %parallel_loop3A_268 = arith.constant 272 : index
        %parallel_loop3A_269 = tpu.vector_load %arg10[%parallel_loop3A_267, %parallel_loop3A_268] {strides = array<i32>} : memref<40x512xf32, #tpu.memory_space<vmem>>, vector<1x16xf32>,
        %parallel_loop3A_270 = vector.shape_cast %parallel_loop3A_269 : vector<1x16xf32> to vector<16xf32>
        %parallel_loop3A_271 = arith.index_cast %parallel_loop3A_113 : i32 to index
        %parallel_loop3A_272 = arith.constant 272 : index
        %parallel_loop3A_273 = tpu.vector_load %arg9[%parallel_loop3A_271, %parallel_loop3A_272] {strides = array<i32>} : memref<40x512xf32, #tpu.memory_space<vmem>>, vector<1x16xf32>,
        %parallel_loop3A_274 = vector.shape_cast %parallel_loop3A_273 : vector<1x16xf32> to vector<16xf32>
        %parallel_loop3A_275 = vector.shape_cast %parallel_loop3A_270 : vector<16xf32> to vector<1x16xf32>
        tpu.vector_store %arg9[%parallel_loop3A_271, %parallel_loop3A_272], %parallel_loop3A_275 {add = true, strides = array<i32>} : memref<40x512xf32, #tpu.memory_space<vmem>>, vector<1x16xf32>,
        %parallel_loop3A_276 = arith.index_cast %parallel_loop3A_113 : i32 to index
        %parallel_loop3A_277 = arith.constant 288 : index
        %parallel_loop3A_278 = tpu.vector_load %arg10[%parallel_loop3A_276, %parallel_loop3A_277] {strides = array<i32>} : memref<40x512xf32, #tpu.memory_space<vmem>>, vector<1x16xf32>,
        %parallel_loop3A_279 = vector.shape_cast %parallel_loop3A_278 : vector<1x16xf32> to vector<16xf32>
        %parallel_loop3A_280 = arith.index_cast %parallel_loop3A_113 : i32 to index
        %parallel_loop3A_281 = arith.constant 288 : index
        %parallel_loop3A_282 = tpu.vector_load %arg9[%parallel_loop3A_280, %parallel_loop3A_281] {strides = array<i32>} : memref<40x512xf32, #tpu.memory_space<vmem>>, vector<1x16xf32>,
        %parallel_loop3A_283 = vector.shape_cast %parallel_loop3A_282 : vector<1x16xf32> to vector<16xf32>
        %parallel_loop3A_284 = vector.shape_cast %parallel_loop3A_279 : vector<16xf32> to vector<1x16xf32>
        tpu.vector_store %arg9[%parallel_loop3A_280, %parallel_loop3A_281], %parallel_loop3A_284 {add = true, strides = array<i32>} : memref<40x512xf32, #tpu.memory_space<vmem>>, vector<1x16xf32>,
        %parallel_loop3A_285 = arith.index_cast %parallel_loop3A_113 : i32 to index
        %parallel_loop3A_286 = arith.constant 304 : index
        %parallel_loop3A_287 = tpu.vector_load %arg10[%parallel_loop3A_285, %parallel_loop3A_286] {strides = array<i32>} : memref<40x512xf32, #tpu.memory_space<vmem>>, vector<1x16xf32>,
        %parallel_loop3A_288 = vector.shape_cast %parallel_loop3A_287 : vector<1x16xf32> to vector<16xf32>
        %parallel_loop3A_289 = arith.index_cast %parallel_loop3A_113 : i32 to index
        %parallel_loop3A_290 = arith.constant 304 : index
        %parallel_loop3A_291 = tpu.vector_load %arg9[%parallel_loop3A_289, %parallel_loop3A_290] {strides = array<i32>} : memref<40x512xf32, #tpu.memory_space<vmem>>, vector<1x16xf32>,
        %parallel_loop3A_292 = vector.shape_cast %parallel_loop3A_291 : vector<1x16xf32> to vector<16xf32>
        %parallel_loop3A_293 = vector.shape_cast %parallel_loop3A_288 : vector<16xf32> to vector<1x16xf32>
        tpu.vector_store %arg9[%parallel_loop3A_289, %parallel_loop3A_290], %parallel_loop3A_293 {add = true, strides = array<i32>} : memref<40x512xf32, #tpu.memory_space<vmem>>, vector<1x16xf32>,
        %parallel_loop3A_294 = arith.index_cast %parallel_loop3A_113 : i32 to index
        %parallel_loop3A_295 = arith.constant 320 : index
        %parallel_loop3A_296 = tpu.vector_load %arg10[%parallel_loop3A_294, %parallel_loop3A_295] {strides = array<i32>} : memref<40x512xf32, #tpu.memory_space<vmem>>, vector<1x16xf32>,
        %parallel_loop3A_297 = vector.shape_cast %parallel_loop3A_296 : vector<1x16xf32> to vector<16xf32>
        %parallel_loop3A_298 = arith.index_cast %parallel_loop3A_113 : i32 to index
        %parallel_loop3A_299 = arith.constant 320 : index
        %parallel_loop3A_300 = tpu.vector_load %arg9[%parallel_loop3A_298, %parallel_loop3A_299] {strides = array<i32>} : memref<40x512xf32, #tpu.memory_space<vmem>>, vector<1x16xf32>,
        %parallel_loop3A_301 = vector.shape_cast %parallel_loop3A_300 : vector<1x16xf32> to vector<16xf32>
        %parallel_loop3A_302 = vector.shape_cast %parallel_loop3A_297 : vector<16xf32> to vector<1x16xf32>
        tpu.vector_store %arg9[%parallel_loop3A_298, %parallel_loop3A_299], %parallel_loop3A_302 {add = true, strides = array<i32>} : memref<40x512xf32, #tpu.memory_space<vmem>>, vector<1x16xf32>,
        %parallel_loop3A_303 = arith.index_cast %parallel_loop3A_113 : i32 to index
        %parallel_loop3A_304 = arith.constant 336 : index
        %parallel_loop3A_305 = tpu.vector_load %arg10[%parallel_loop3A_303, %parallel_loop3A_304] {strides = array<i32>} : memref<40x512xf32, #tpu.memory_space<vmem>>, vector<1x16xf32>,
        %parallel_loop3A_306 = vector.shape_cast %parallel_loop3A_305 : vector<1x16xf32> to vector<16xf32>
        %parallel_loop3A_307 = arith.index_cast %parallel_loop3A_113 : i32 to index
        %parallel_loop3A_308 = arith.constant 336 : index
        %parallel_loop3A_309 = tpu.vector_load %arg9[%parallel_loop3A_307, %parallel_loop3A_308] {strides = array<i32>} : memref<40x512xf32, #tpu.memory_space<vmem>>, vector<1x16xf32>,
        %parallel_loop3A_310 = vector.shape_cast %parallel_loop3A_309 : vector<1x16xf32> to vector<16xf32>
        %parallel_loop3A_311 = vector.shape_cast %parallel_loop3A_306 : vector<16xf32> to vector<1x16xf32>
        tpu.vector_store %arg9[%parallel_loop3A_307, %parallel_loop3A_308], %parallel_loop3A_311 {add = true, strides = array<i32>} : memref<40x512xf32, #tpu.memory_space<vmem>>, vector<1x16xf32>,
        %parallel_loop3A_312 = arith.index_cast %parallel_loop3A_113 : i32 to index
        %parallel_loop3A_313 = arith.constant 352 : index
        %parallel_loop3A_314 = tpu.vector_load %arg10[%parallel_loop3A_312, %parallel_loop3A_313] {strides = array<i32>} : memref<40x512xf32, #tpu.memory_space<vmem>>, vector<1x16xf32>,
        %parallel_loop3A_315 = vector.shape_cast %parallel_loop3A_314 : vector<1x16xf32> to vector<16xf32>
        %parallel_loop3A_316 = arith.index_cast %parallel_loop3A_113 : i32 to index
        %parallel_loop3A_317 = arith.constant 352 : index
        %parallel_loop3A_318 = tpu.vector_load %arg9[%parallel_loop3A_316, %parallel_loop3A_317] {strides = array<i32>} : memref<40x512xf32, #tpu.memory_space<vmem>>, vector<1x16xf32>,
        %parallel_loop3A_319 = vector.shape_cast %parallel_loop3A_318 : vector<1x16xf32> to vector<16xf32>
        %parallel_loop3A_320 = vector.shape_cast %parallel_loop3A_315 : vector<16xf32> to vector<1x16xf32>
        tpu.vector_store %arg9[%parallel_loop3A_316, %parallel_loop3A_317], %parallel_loop3A_320 {add = true, strides = array<i32>} : memref<40x512xf32, #tpu.memory_space<vmem>>, vector<1x16xf32>,
        %parallel_loop3A_321 = arith.index_cast %parallel_loop3A_113 : i32 to index
        %parallel_loop3A_322 = arith.constant 368 : index
        %parallel_loop3A_323 = tpu.vector_load %arg10[%parallel_loop3A_321, %parallel_loop3A_322] {strides = array<i32>} : memref<40x512xf32, #tpu.memory_space<vmem>>, vector<1x16xf32>,
        %parallel_loop3A_324 = vector.shape_cast %parallel_loop3A_323 : vector<1x16xf32> to vector<16xf32>
        %parallel_loop3A_325 = arith.index_cast %parallel_loop3A_113 : i32 to index
        %parallel_loop3A_326 = arith.constant 368 : index
        %parallel_loop3A_327 = tpu.vector_load %arg9[%parallel_loop3A_325, %parallel_loop3A_326] {strides = array<i32>} : memref<40x512xf32, #tpu.memory_space<vmem>>, vector<1x16xf32>,
        %parallel_loop3A_328 = vector.shape_cast %parallel_loop3A_327 : vector<1x16xf32> to vector<16xf32>
        %parallel_loop3A_329 = vector.shape_cast %parallel_loop3A_324 : vector<16xf32> to vector<1x16xf32>
        tpu.vector_store %arg9[%parallel_loop3A_325, %parallel_loop3A_326], %parallel_loop3A_329 {add = true, strides = array<i32>} : memref<40x512xf32, #tpu.memory_space<vmem>>, vector<1x16xf32>,
        %parallel_loop3A_330 = arith.index_cast %parallel_loop3A_113 : i32 to index
        %parallel_loop3A_331 = arith.constant 384 : index
        %parallel_loop3A_332 = tpu.vector_load %arg10[%parallel_loop3A_330, %parallel_loop3A_331] {strides = array<i32>} : memref<40x512xf32, #tpu.memory_space<vmem>>, vector<1x16xf32>,
        %parallel_loop3A_333 = vector.shape_cast %parallel_loop3A_332 : vector<1x16xf32> to vector<16xf32>
        %parallel_loop3A_334 = arith.index_cast %parallel_loop3A_113 : i32 to index
        %parallel_loop3A_335 = arith.constant 384 : index
        %parallel_loop3A_336 = tpu.vector_load %arg9[%parallel_loop3A_334, %parallel_loop3A_335] {strides = array<i32>} : memref<40x512xf32, #tpu.memory_space<vmem>>, vector<1x16xf32>,
        %parallel_loop3A_337 = vector.shape_cast %parallel_loop3A_336 : vector<1x16xf32> to vector<16xf32>
        %parallel_loop3A_338 = vector.shape_cast %parallel_loop3A_333 : vector<16xf32> to vector<1x16xf32>
        tpu.vector_store %arg9[%parallel_loop3A_334, %parallel_loop3A_335], %parallel_loop3A_338 {add = true, strides = array<i32>} : memref<40x512xf32, #tpu.memory_space<vmem>>, vector<1x16xf32>,
        %parallel_loop3A_339 = arith.index_cast %parallel_loop3A_113 : i32 to index
        %parallel_loop3A_340 = arith.constant 400 : index
        %parallel_loop3A_341 = tpu.vector_load %arg10[%parallel_loop3A_339, %parallel_loop3A_340] {strides = array<i32>} : memref<40x512xf32, #tpu.memory_space<vmem>>, vector<1x16xf32>,
        %parallel_loop3A_342 = vector.shape_cast %parallel_loop3A_341 : vector<1x16xf32> to vector<16xf32>
        %parallel_loop3A_343 = arith.index_cast %parallel_loop3A_113 : i32 to index
        %parallel_loop3A_344 = arith.constant 400 : index
        %parallel_loop3A_345 = tpu.vector_load %arg9[%parallel_loop3A_343, %parallel_loop3A_344] {strides = array<i32>} : memref<40x512xf32, #tpu.memory_space<vmem>>, vector<1x16xf32>,
        %parallel_loop3A_346 = vector.shape_cast %parallel_loop3A_345 : vector<1x16xf32> to vector<16xf32>
        %parallel_loop3A_347 = vector.shape_cast %parallel_loop3A_342 : vector<16xf32> to vector<1x16xf32>
        tpu.vector_store %arg9[%parallel_loop3A_343, %parallel_loop3A_344], %parallel_loop3A_347 {add = true, strides = array<i32>} : memref<40x512xf32, #tpu.memory_space<vmem>>, vector<1x16xf32>,
        %parallel_loop3A_348 = arith.index_cast %parallel_loop3A_113 : i32 to index
        %parallel_loop3A_349 = arith.constant 416 : index
        %parallel_loop3A_350 = tpu.vector_load %arg10[%parallel_loop3A_348, %parallel_loop3A_349] {strides = array<i32>} : memref<40x512xf32, #tpu.memory_space<vmem>>, vector<1x16xf32>,
        %parallel_loop3A_351 = vector.shape_cast %parallel_loop3A_350 : vector<1x16xf32> to vector<16xf32>
        %parallel_loop3A_352 = arith.index_cast %parallel_loop3A_113 : i32 to index
        %parallel_loop3A_353 = arith.constant 416 : index
        %parallel_loop3A_354 = tpu.vector_load %arg9[%parallel_loop3A_352, %parallel_loop3A_353] {strides = array<i32>} : memref<40x512xf32, #tpu.memory_space<vmem>>, vector<1x16xf32>,
        %parallel_loop3A_355 = vector.shape_cast %parallel_loop3A_354 : vector<1x16xf32> to vector<16xf32>
        %parallel_loop3A_356 = vector.shape_cast %parallel_loop3A_351 : vector<16xf32> to vector<1x16xf32>
        tpu.vector_store %arg9[%parallel_loop3A_352, %parallel_loop3A_353], %parallel_loop3A_356 {add = true, strides = array<i32>} : memref<40x512xf32, #tpu.memory_space<vmem>>, vector<1x16xf32>,
        %parallel_loop3A_357 = arith.index_cast %parallel_loop3A_113 : i32 to index
        %parallel_loop3A_358 = arith.constant 432 : index
        %parallel_loop3A_359 = tpu.vector_load %arg10[%parallel_loop3A_357, %parallel_loop3A_358] {strides = array<i32>} : memref<40x512xf32, #tpu.memory_space<vmem>>, vector<1x16xf32>,
        %parallel_loop3A_360 = vector.shape_cast %parallel_loop3A_359 : vector<1x16xf32> to vector<16xf32>
        %parallel_loop3A_361 = arith.index_cast %parallel_loop3A_113 : i32 to index
        %parallel_loop3A_362 = arith.constant 432 : index
        %parallel_loop3A_363 = tpu.vector_load %arg9[%parallel_loop3A_361, %parallel_loop3A_362] {strides = array<i32>} : memref<40x512xf32, #tpu.memory_space<vmem>>, vector<1x16xf32>,
        %parallel_loop3A_364 = vector.shape_cast %parallel_loop3A_363 : vector<1x16xf32> to vector<16xf32>
        %parallel_loop3A_365 = vector.shape_cast %parallel_loop3A_360 : vector<16xf32> to vector<1x16xf32>
        tpu.vector_store %arg9[%parallel_loop3A_361, %parallel_loop3A_362], %parallel_loop3A_365 {add = true, strides = array<i32>} : memref<40x512xf32, #tpu.memory_space<vmem>>, vector<1x16xf32>,
        %parallel_loop3A_366 = arith.index_cast %parallel_loop3A_113 : i32 to index
        %parallel_loop3A_367 = arith.constant 448 : index
        %parallel_loop3A_368 = tpu.vector_load %arg10[%parallel_loop3A_366, %parallel_loop3A_367] {strides = array<i32>} : memref<40x512xf32, #tpu.memory_space<vmem>>, vector<1x16xf32>,
        %parallel_loop3A_369 = vector.shape_cast %parallel_loop3A_368 : vector<1x16xf32> to vector<16xf32>
        %parallel_loop3A_370 = arith.index_cast %parallel_loop3A_113 : i32 to index
        %parallel_loop3A_371 = arith.constant 448 : index
        %parallel_loop3A_372 = tpu.vector_load %arg9[%parallel_loop3A_370, %parallel_loop3A_371] {strides = array<i32>} : memref<40x512xf32, #tpu.memory_space<vmem>>, vector<1x16xf32>,
        %parallel_loop3A_373 = vector.shape_cast %parallel_loop3A_372 : vector<1x16xf32> to vector<16xf32>
        %parallel_loop3A_374 = vector.shape_cast %parallel_loop3A_369 : vector<16xf32> to vector<1x16xf32>
        tpu.vector_store %arg9[%parallel_loop3A_370, %parallel_loop3A_371], %parallel_loop3A_374 {add = true, strides = array<i32>} : memref<40x512xf32, #tpu.memory_space<vmem>>, vector<1x16xf32>,
        %parallel_loop3A_375 = arith.index_cast %parallel_loop3A_113 : i32 to index
        %parallel_loop3A_376 = arith.constant 464 : index
        %parallel_loop3A_377 = tpu.vector_load %arg10[%parallel_loop3A_375, %parallel_loop3A_376] {strides = array<i32>} : memref<40x512xf32, #tpu.memory_space<vmem>>, vector<1x16xf32>,
        %parallel_loop3A_378 = vector.shape_cast %parallel_loop3A_377 : vector<1x16xf32> to vector<16xf32>
        %parallel_loop3A_379 = arith.index_cast %parallel_loop3A_113 : i32 to index
        %parallel_loop3A_380 = arith.constant 464 : index
        %parallel_loop3A_381 = tpu.vector_load %arg9[%parallel_loop3A_379, %parallel_loop3A_380] {strides = array<i32>} : memref<40x512xf32, #tpu.memory_space<vmem>>, vector<1x16xf32>,
        %parallel_loop3A_382 = vector.shape_cast %parallel_loop3A_381 : vector<1x16xf32> to vector<16xf32>
        %parallel_loop3A_383 = vector.shape_cast %parallel_loop3A_378 : vector<16xf32> to vector<1x16xf32>
        tpu.vector_store %arg9[%parallel_loop3A_379, %parallel_loop3A_380], %parallel_loop3A_383 {add = true, strides = array<i32>} : memref<40x512xf32, #tpu.memory_space<vmem>>, vector<1x16xf32>,
        %parallel_loop3A_384 = arith.index_cast %parallel_loop3A_113 : i32 to index
        %parallel_loop3A_385 = arith.constant 480 : index
        %parallel_loop3A_386 = tpu.vector_load %arg10[%parallel_loop3A_384, %parallel_loop3A_385] {strides = array<i32>} : memref<40x512xf32, #tpu.memory_space<vmem>>, vector<1x16xf32>,
        %parallel_loop3A_387 = vector.shape_cast %parallel_loop3A_386 : vector<1x16xf32> to vector<16xf32>
        %parallel_loop3A_388 = arith.index_cast %parallel_loop3A_113 : i32 to index
        %parallel_loop3A_389 = arith.constant 480 : index
        %parallel_loop3A_390 = tpu.vector_load %arg9[%parallel_loop3A_388, %parallel_loop3A_389] {strides = array<i32>} : memref<40x512xf32, #tpu.memory_space<vmem>>, vector<1x16xf32>,
        %parallel_loop3A_391 = vector.shape_cast %parallel_loop3A_390 : vector<1x16xf32> to vector<16xf32>
        %parallel_loop3A_392 = vector.shape_cast %parallel_loop3A_387 : vector<16xf32> to vector<1x16xf32>
        tpu.vector_store %arg9[%parallel_loop3A_388, %parallel_loop3A_389], %parallel_loop3A_392 {add = true, strides = array<i32>} : memref<40x512xf32, #tpu.memory_space<vmem>>, vector<1x16xf32>,
        %parallel_loop3A_393 = arith.index_cast %parallel_loop3A_113 : i32 to index
        %parallel_loop3A_394 = arith.constant 496 : index
        %parallel_loop3A_395 = tpu.vector_load %arg10[%parallel_loop3A_393, %parallel_loop3A_394] {strides = array<i32>} : memref<40x512xf32, #tpu.memory_space<vmem>>, vector<1x16xf32>,
        %parallel_loop3A_396 = vector.shape_cast %parallel_loop3A_395 : vector<1x16xf32> to vector<16xf32>
        %parallel_loop3A_397 = arith.index_cast %parallel_loop3A_113 : i32 to index
        %parallel_loop3A_398 = arith.constant 496 : index
        %parallel_loop3A_399 = tpu.vector_load %arg9[%parallel_loop3A_397, %parallel_loop3A_398] {strides = array<i32>} : memref<40x512xf32, #tpu.memory_space<vmem>>, vector<1x16xf32>,
        %parallel_loop3A_400 = vector.shape_cast %parallel_loop3A_399 : vector<1x16xf32> to vector<16xf32>
        %parallel_loop3A_401 = vector.shape_cast %parallel_loop3A_396 : vector<16xf32> to vector<1x16xf32>
        tpu.vector_store %arg9[%parallel_loop3A_397, %parallel_loop3A_398], %parallel_loop3A_401 {add = true, strides = array<i32>} : memref<40x512xf32, #tpu.memory_space<vmem>>, vector<1x16xf32>,
      } {sc.loop_unroll_factor = 2 : i64, sc.parallel_access}
      %mul3A_78 = arith.constant 40 : i32
      %mul3A_79 = arith.muli %mul3A_64, %mul3A_78 : i32
      %add3A_80 = arith.addi %mul3A_2, %mul3A_79 : i32
      %dma_start3A_81 = arith.constant 0 : i32
      %dma_start3A_82 = tpu.memref_slice %arg6[%add3A_80, %dma_start3A_81] : memref<160000x512xf32, #tpu.memory_space<hbm>> -> memref<40x512xf32, #tpu.memory_space<hbm>>
      %dma_start3A_83 = arith.constant 0 : i32
      %dma_start3A_84 = tpu.memref_slice %arg6[%add3A_80, %dma_start3A_83] : memref<160000x512xf32, #tpu.memory_space<hbm>> -> memref<40x512xf32, #tpu.memory_space<hbm>>
      tpu.enqueue_dma source(%arg9 : memref<40x512xf32, #tpu.memory_space<vmem>>) target(%dma_start3A_84 : memref<40x512xf32, #tpu.memory_space<hbm>>) target_semaphore(%arg17 : memref<!tpu.dma_semaphore, #tpu.memory_space<semaphore_mem>>)
      %add3A_85 = arith.constant 1 : i32
      %add3A_86 = arith.addi %mul3A_64, %add3A_85 : i32
      %mul3A_87 = arith.constant 40 : i32
      %mul3A_88 = arith.muli %add3A_86, %mul3A_87 : i32
      %dma_wait3A_89 = tpu.memref_slice %arg7[%mul3A_88] : memref<5000xi32, #tpu.memory_space<vmem>> -> memref<40xi32, #tpu.memory_space<vmem>>
      %dma_wait3A_90 = arith.constant 0 : i32
      %dma_wait3A_91 = arith.constant 0 : i32
      %dma_wait3A_92 = tpu.memref_slice %arg2[%dma_wait3A_90, %dma_wait3A_91] : memref<10000x512xf32, #tpu.memory_space<hbm>> -> memref<10000x512xf32, #tpu.memory_space<hbm>>
      tpu.wait_indirect_dma semaphore(%arg15 : memref<!tpu.dma_semaphore, #tpu.memory_space<semaphore_mem>>) src(%dma_wait3A_92 : memref<10000x512xf32, #tpu.memory_space<hbm>>) dst(%arg11 : memref<40x512xf32, #tpu.memory_space<vmem>>)
      %dma_wait3A_93 = tpu.memref_slice %arg8[%mul3A_88] : memref<5000xi32, #tpu.memory_space<vmem>> -> memref<40xi32, #tpu.memory_space<vmem>>
      %dma_wait3A_94 = arith.constant 0 : i32
      %dma_wait3A_95 = arith.constant 0 : i32
      %dma_wait3A_96 = tpu.memref_slice %arg3[%dma_wait3A_94, %dma_wait3A_95] : memref<10000x512xf32, #tpu.memory_space<hbm>> -> memref<10000x512xf32, #tpu.memory_space<hbm>>
      tpu.wait_indirect_dma semaphore(%arg16 : memref<!tpu.dma_semaphore, #tpu.memory_space<semaphore_mem>>) src(%dma_wait3A_96 : memref<10000x512xf32, #tpu.memory_space<hbm>>) dst(%arg12 : memref<40x512xf32, #tpu.memory_space<vmem>>)
      %parallel_loop3A_97 = arith.constant 0 : i32
      %parallel_loop3A_98 = arith.constant 40 : i32
      %parallel_loop3A_99 = arith.constant 1 : i32
      scf.for %parallel_loop3A_113 = %parallel_loop3A_97 to %parallel_loop3A_98 step %parallel_loop3A_99  : i32 {
        %parallel_loop3A_114 = arith.index_cast %parallel_loop3A_113 : i32 to index
        %parallel_loop3A_115 = arith.constant 0 : index
        %parallel_loop3A_116 = tpu.vector_load %arg12[%parallel_loop3A_114, %parallel_loop3A_115] {strides = array<i32>} : memref<40x512xf32, #tpu.memory_space<vmem>>, vector<1x16xf32>,
        %parallel_loop3A_117 = vector.shape_cast %parallel_loop3A_116 : vector<1x16xf32> to vector<16xf32>
        %parallel_loop3A_118 = arith.index_cast %parallel_loop3A_113 : i32 to index
        %parallel_loop3A_119 = arith.constant 0 : index
        %parallel_loop3A_120 = tpu.vector_load %arg11[%parallel_loop3A_118, %parallel_loop3A_119] {strides = array<i32>} : memref<40x512xf32, #tpu.memory_space<vmem>>, vector<1x16xf32>,
        %parallel_loop3A_121 = vector.shape_cast %parallel_loop3A_120 : vector<1x16xf32> to vector<16xf32>
        %parallel_loop3A_122 = vector.shape_cast %parallel_loop3A_117 : vector<16xf32> to vector<1x16xf32>
        tpu.vector_store %arg11[%parallel_loop3A_118, %parallel_loop3A_119], %parallel_loop3A_122 {add = true, strides = array<i32>} : memref<40x512xf32, #tpu.memory_space<vmem>>, vector<1x16xf32>,
        %parallel_loop3A_123 = arith.index_cast %parallel_loop3A_113 : i32 to index
        %parallel_loop3A_124 = arith.constant 16 : index
        %parallel_loop3A_125 = tpu.vector_load %arg12[%parallel_loop3A_123, %parallel_loop3A_124] {strides = array<i32>} : memref<40x512xf32, #tpu.memory_space<vmem>>, vector<1x16xf32>,
        %parallel_loop3A_126 = vector.shape_cast %parallel_loop3A_125 : vector<1x16xf32> to vector<16xf32>
        %parallel_loop3A_127 = arith.index_cast %parallel_loop3A_113 : i32 to index
        %parallel_loop3A_128 = arith.constant 16 : index
        %parallel_loop3A_129 = tpu.vector_load %arg11[%parallel_loop3A_127, %parallel_loop3A_128] {strides = array<i32>} : memref<40x512xf32, #tpu.memory_space<vmem>>, vector<1x16xf32>,
        %parallel_loop3A_130 = vector.shape_cast %parallel_loop3A_129 : vector<1x16xf32> to vector<16xf32>
        %parallel_loop3A_131 = vector.shape_cast %parallel_loop3A_126 : vector<16xf32> to vector<1x16xf32>
        tpu.vector_store %arg11[%parallel_loop3A_127, %parallel_loop3A_128], %parallel_loop3A_131 {add = true, strides = array<i32>} : memref<40x512xf32, #tpu.memory_space<vmem>>, vector<1x16xf32>,
        %parallel_loop3A_132 = arith.index_cast %parallel_loop3A_113 : i32 to index
        %parallel_loop3A_133 = arith.constant 32 : index
        %parallel_loop3A_134 = tpu.vector_load %arg12[%parallel_loop3A_132, %parallel_loop3A_133] {strides = array<i32>} : memref<40x512xf32, #tpu.memory_space<vmem>>, vector<1x16xf32>,
        %parallel_loop3A_135 = vector.shape_cast %parallel_loop3A_134 : vector<1x16xf32> to vector<16xf32>
        %parallel_loop3A_136 = arith.index_cast %parallel_loop3A_113 : i32 to index
        %parallel_loop3A_137 = arith.constant 32 : index
        %parallel_loop3A_138 = tpu.vector_load %arg11[%parallel_loop3A_136, %parallel_loop3A_137] {strides = array<i32>} : memref<40x512xf32, #tpu.memory_space<vmem>>, vector<1x16xf32>,
        %parallel_loop3A_139 = vector.shape_cast %parallel_loop3A_138 : vector<1x16xf32> to vector<16xf32>
        %parallel_loop3A_140 = vector.shape_cast %parallel_loop3A_135 : vector<16xf32> to vector<1x16xf32>
        tpu.vector_store %arg11[%parallel_loop3A_136, %parallel_loop3A_137], %parallel_loop3A_140 {add = true, strides = array<i32>} : memref<40x512xf32, #tpu.memory_space<vmem>>, vector<1x16xf32>,
        %parallel_loop3A_141 = arith.index_cast %parallel_loop3A_113 : i32 to index
        %parallel_loop3A_142 = arith.constant 48 : index
        %parallel_loop3A_143 = tpu.vector_load %arg12[%parallel_loop3A_141, %parallel_loop3A_142] {strides = array<i32>} : memref<40x512xf32, #tpu.memory_space<vmem>>, vector<1x16xf32>,
        %parallel_loop3A_144 = vector.shape_cast %parallel_loop3A_143 : vector<1x16xf32> to vector<16xf32>
        %parallel_loop3A_145 = arith.index_cast %parallel_loop3A_113 : i32 to index
        %parallel_loop3A_146 = arith.constant 48 : index
        %parallel_loop3A_147 = tpu.vector_load %arg11[%parallel_loop3A_145, %parallel_loop3A_146] {strides = array<i32>} : memref<40x512xf32, #tpu.memory_space<vmem>>, vector<1x16xf32>,
        %parallel_loop3A_148 = vector.shape_cast %parallel_loop3A_147 : vector<1x16xf32> to vector<16xf32>
        %parallel_loop3A_149 = vector.shape_cast %parallel_loop3A_144 : vector<16xf32> to vector<1x16xf32>
        tpu.vector_store %arg11[%parallel_loop3A_145, %parallel_loop3A_146], %parallel_loop3A_149 {add = true, strides = array<i32>} : memref<40x512xf32, #tpu.memory_space<vmem>>, vector<1x16xf32>,
        %parallel_loop3A_150 = arith.index_cast %parallel_loop3A_113 : i32 to index
        %parallel_loop3A_151 = arith.constant 64 : index
        %parallel_loop3A_152 = tpu.vector_load %arg12[%parallel_loop3A_150, %parallel_loop3A_151] {strides = array<i32>} : memref<40x512xf32, #tpu.memory_space<vmem>>, vector<1x16xf32>,
        %parallel_loop3A_153 = vector.shape_cast %parallel_loop3A_152 : vector<1x16xf32> to vector<16xf32>
        %parallel_loop3A_154 = arith.index_cast %parallel_loop3A_113 : i32 to index
        %parallel_loop3A_155 = arith.constant 64 : index
        %parallel_loop3A_156 = tpu.vector_load %arg11[%parallel_loop3A_154, %parallel_loop3A_155] {strides = array<i32>} : memref<40x512xf32, #tpu.memory_space<vmem>>, vector<1x16xf32>,
        %parallel_loop3A_157 = vector.shape_cast %parallel_loop3A_156 : vector<1x16xf32> to vector<16xf32>
        %parallel_loop3A_158 = vector.shape_cast %parallel_loop3A_153 : vector<16xf32> to vector<1x16xf32>
        tpu.vector_store %arg11[%parallel_loop3A_154, %parallel_loop3A_155], %parallel_loop3A_158 {add = true, strides = array<i32>} : memref<40x512xf32, #tpu.memory_space<vmem>>, vector<1x16xf32>,
        %parallel_loop3A_159 = arith.index_cast %parallel_loop3A_113 : i32 to index
        %parallel_loop3A_160 = arith.constant 80 : index
        %parallel_loop3A_161 = tpu.vector_load %arg12[%parallel_loop3A_159, %parallel_loop3A_160] {strides = array<i32>} : memref<40x512xf32, #tpu.memory_space<vmem>>, vector<1x16xf32>,
        %parallel_loop3A_162 = vector.shape_cast %parallel_loop3A_161 : vector<1x16xf32> to vector<16xf32>
        %parallel_loop3A_163 = arith.index_cast %parallel_loop3A_113 : i32 to index
        %parallel_loop3A_164 = arith.constant 80 : index
        %parallel_loop3A_165 = tpu.vector_load %arg11[%parallel_loop3A_163, %parallel_loop3A_164] {strides = array<i32>} : memref<40x512xf32, #tpu.memory_space<vmem>>, vector<1x16xf32>,
        %parallel_loop3A_166 = vector.shape_cast %parallel_loop3A_165 : vector<1x16xf32> to vector<16xf32>
        %parallel_loop3A_167 = vector.shape_cast %parallel_loop3A_162 : vector<16xf32> to vector<1x16xf32>
        tpu.vector_store %arg11[%parallel_loop3A_163, %parallel_loop3A_164], %parallel_loop3A_167 {add = true, strides = array<i32>} : memref<40x512xf32, #tpu.memory_space<vmem>>, vector<1x16xf32>,
        %parallel_loop3A_168 = arith.index_cast %parallel_loop3A_113 : i32 to index
        %parallel_loop3A_169 = arith.constant 96 : index
        %parallel_loop3A_170 = tpu.vector_load %arg12[%parallel_loop3A_168, %parallel_loop3A_169] {strides = array<i32>} : memref<40x512xf32, #tpu.memory_space<vmem>>, vector<1x16xf32>,
        %parallel_loop3A_171 = vector.shape_cast %parallel_loop3A_170 : vector<1x16xf32> to vector<16xf32>
        %parallel_loop3A_172 = arith.index_cast %parallel_loop3A_113 : i32 to index
        %parallel_loop3A_173 = arith.constant 96 : index
        %parallel_loop3A_174 = tpu.vector_load %arg11[%parallel_loop3A_172, %parallel_loop3A_173] {strides = array<i32>} : memref<40x512xf32, #tpu.memory_space<vmem>>, vector<1x16xf32>,
        %parallel_loop3A_175 = vector.shape_cast %parallel_loop3A_174 : vector<1x16xf32> to vector<16xf32>
        %parallel_loop3A_176 = vector.shape_cast %parallel_loop3A_171 : vector<16xf32> to vector<1x16xf32>
        tpu.vector_store %arg11[%parallel_loop3A_172, %parallel_loop3A_173], %parallel_loop3A_176 {add = true, strides = array<i32>} : memref<40x512xf32, #tpu.memory_space<vmem>>, vector<1x16xf32>,
        %parallel_loop3A_177 = arith.index_cast %parallel_loop3A_113 : i32 to index
        %parallel_loop3A_178 = arith.constant 112 : index
        %parallel_loop3A_179 = tpu.vector_load %arg12[%parallel_loop3A_177, %parallel_loop3A_178] {strides = array<i32>} : memref<40x512xf32, #tpu.memory_space<vmem>>, vector<1x16xf32>,
        %parallel_loop3A_180 = vector.shape_cast %parallel_loop3A_179 : vector<1x16xf32> to vector<16xf32>
        %parallel_loop3A_181 = arith.index_cast %parallel_loop3A_113 : i32 to index
        %parallel_loop3A_182 = arith.constant 112 : index
        %parallel_loop3A_183 = tpu.vector_load %arg11[%parallel_loop3A_181, %parallel_loop3A_182] {strides = array<i32>} : memref<40x512xf32, #tpu.memory_space<vmem>>, vector<1x16xf32>,
        %parallel_loop3A_184 = vector.shape_cast %parallel_loop3A_183 : vector<1x16xf32> to vector<16xf32>
        %parallel_loop3A_185 = vector.shape_cast %parallel_loop3A_180 : vector<16xf32> to vector<1x16xf32>
        tpu.vector_store %arg11[%parallel_loop3A_181, %parallel_loop3A_182], %parallel_loop3A_185 {add = true, strides = array<i32>} : memref<40x512xf32, #tpu.memory_space<vmem>>, vector<1x16xf32>,
        %parallel_loop3A_186 = arith.index_cast %parallel_loop3A_113 : i32 to index
        %parallel_loop3A_187 = arith.constant 128 : index
        %parallel_loop3A_188 = tpu.vector_load %arg12[%parallel_loop3A_186, %parallel_loop3A_187] {strides = array<i32>} : memref<40x512xf32, #tpu.memory_space<vmem>>, vector<1x16xf32>,
        %parallel_loop3A_189 = vector.shape_cast %parallel_loop3A_188 : vector<1x16xf32> to vector<16xf32>
        %parallel_loop3A_190 = arith.index_cast %parallel_loop3A_113 : i32 to index
        %parallel_loop3A_191 = arith.constant 128 : index
        %parallel_loop3A_192 = tpu.vector_load %arg11[%parallel_loop3A_190, %parallel_loop3A_191] {strides = array<i32>} : memref<40x512xf32, #tpu.memory_space<vmem>>, vector<1x16xf32>,
        %parallel_loop3A_193 = vector.shape_cast %parallel_loop3A_192 : vector<1x16xf32> to vector<16xf32>
        %parallel_loop3A_194 = vector.shape_cast %parallel_loop3A_189 : vector<16xf32> to vector<1x16xf32>
        tpu.vector_store %arg11[%parallel_loop3A_190, %parallel_loop3A_191], %parallel_loop3A_194 {add = true, strides = array<i32>} : memref<40x512xf32, #tpu.memory_space<vmem>>, vector<1x16xf32>,
        %parallel_loop3A_195 = arith.index_cast %parallel_loop3A_113 : i32 to index
        %parallel_loop3A_196 = arith.constant 144 : index
        %parallel_loop3A_197 = tpu.vector_load %arg12[%parallel_loop3A_195, %parallel_loop3A_196] {strides = array<i32>} : memref<40x512xf32, #tpu.memory_space<vmem>>, vector<1x16xf32>,
        %parallel_loop3A_198 = vector.shape_cast %parallel_loop3A_197 : vector<1x16xf32> to vector<16xf32>
        %parallel_loop3A_199 = arith.index_cast %parallel_loop3A_113 : i32 to index
        %parallel_loop3A_200 = arith.constant 144 : index
        %parallel_loop3A_201 = tpu.vector_load %arg11[%parallel_loop3A_199, %parallel_loop3A_200] {strides = array<i32>} : memref<40x512xf32, #tpu.memory_space<vmem>>, vector<1x16xf32>,
        %parallel_loop3A_202 = vector.shape_cast %parallel_loop3A_201 : vector<1x16xf32> to vector<16xf32>
        %parallel_loop3A_203 = vector.shape_cast %parallel_loop3A_198 : vector<16xf32> to vector<1x16xf32>
        tpu.vector_store %arg11[%parallel_loop3A_199, %parallel_loop3A_200], %parallel_loop3A_203 {add = true, strides = array<i32>} : memref<40x512xf32, #tpu.memory_space<vmem>>, vector<1x16xf32>,
        %parallel_loop3A_204 = arith.index_cast %parallel_loop3A_113 : i32 to index
        %parallel_loop3A_205 = arith.constant 160 : index
        %parallel_loop3A_206 = tpu.vector_load %arg12[%parallel_loop3A_204, %parallel_loop3A_205] {strides = array<i32>} : memref<40x512xf32, #tpu.memory_space<vmem>>, vector<1x16xf32>,
        %parallel_loop3A_207 = vector.shape_cast %parallel_loop3A_206 : vector<1x16xf32> to vector<16xf32>
        %parallel_loop3A_208 = arith.index_cast %parallel_loop3A_113 : i32 to index
        %parallel_loop3A_209 = arith.constant 160 : index
        %parallel_loop3A_210 = tpu.vector_load %arg11[%parallel_loop3A_208, %parallel_loop3A_209] {strides = array<i32>} : memref<40x512xf32, #tpu.memory_space<vmem>>, vector<1x16xf32>,
        %parallel_loop3A_211 = vector.shape_cast %parallel_loop3A_210 : vector<1x16xf32> to vector<16xf32>
        %parallel_loop3A_212 = vector.shape_cast %parallel_loop3A_207 : vector<16xf32> to vector<1x16xf32>
        tpu.vector_store %arg11[%parallel_loop3A_208, %parallel_loop3A_209], %parallel_loop3A_212 {add = true, strides = array<i32>} : memref<40x512xf32, #tpu.memory_space<vmem>>, vector<1x16xf32>,
        %parallel_loop3A_213 = arith.index_cast %parallel_loop3A_113 : i32 to index
        %parallel_loop3A_214 = arith.constant 176 : index
        %parallel_loop3A_215 = tpu.vector_load %arg12[%parallel_loop3A_213, %parallel_loop3A_214] {strides = array<i32>} : memref<40x512xf32, #tpu.memory_space<vmem>>, vector<1x16xf32>,
        %parallel_loop3A_216 = vector.shape_cast %parallel_loop3A_215 : vector<1x16xf32> to vector<16xf32>
        %parallel_loop3A_217 = arith.index_cast %parallel_loop3A_113 : i32 to index
        %parallel_loop3A_218 = arith.constant 176 : index
        %parallel_loop3A_219 = tpu.vector_load %arg11[%parallel_loop3A_217, %parallel_loop3A_218] {strides = array<i32>} : memref<40x512xf32, #tpu.memory_space<vmem>>, vector<1x16xf32>,
        %parallel_loop3A_220 = vector.shape_cast %parallel_loop3A_219 : vector<1x16xf32> to vector<16xf32>
        %parallel_loop3A_221 = vector.shape_cast %parallel_loop3A_216 : vector<16xf32> to vector<1x16xf32>
        tpu.vector_store %arg11[%parallel_loop3A_217, %parallel_loop3A_218], %parallel_loop3A_221 {add = true, strides = array<i32>} : memref<40x512xf32, #tpu.memory_space<vmem>>, vector<1x16xf32>,
        %parallel_loop3A_222 = arith.index_cast %parallel_loop3A_113 : i32 to index
        %parallel_loop3A_223 = arith.constant 192 : index
        %parallel_loop3A_224 = tpu.vector_load %arg12[%parallel_loop3A_222, %parallel_loop3A_223] {strides = array<i32>} : memref<40x512xf32, #tpu.memory_space<vmem>>, vector<1x16xf32>,
        %parallel_loop3A_225 = vector.shape_cast %parallel_loop3A_224 : vector<1x16xf32> to vector<16xf32>
        %parallel_loop3A_226 = arith.index_cast %parallel_loop3A_113 : i32 to index
        %parallel_loop3A_227 = arith.constant 192 : index
        %parallel_loop3A_228 = tpu.vector_load %arg11[%parallel_loop3A_226, %parallel_loop3A_227] {strides = array<i32>} : memref<40x512xf32, #tpu.memory_space<vmem>>, vector<1x16xf32>,
        %parallel_loop3A_229 = vector.shape_cast %parallel_loop3A_228 : vector<1x16xf32> to vector<16xf32>
        %parallel_loop3A_230 = vector.shape_cast %parallel_loop3A_225 : vector<16xf32> to vector<1x16xf32>
        tpu.vector_store %arg11[%parallel_loop3A_226, %parallel_loop3A_227], %parallel_loop3A_230 {add = true, strides = array<i32>} : memref<40x512xf32, #tpu.memory_space<vmem>>, vector<1x16xf32>,
        %parallel_loop3A_231 = arith.index_cast %parallel_loop3A_113 : i32 to index
        %parallel_loop3A_232 = arith.constant 208 : index
        %parallel_loop3A_233 = tpu.vector_load %arg12[%parallel_loop3A_231, %parallel_loop3A_232] {strides = array<i32>} : memref<40x512xf32, #tpu.memory_space<vmem>>, vector<1x16xf32>,
        %parallel_loop3A_234 = vector.shape_cast %parallel_loop3A_233 : vector<1x16xf32> to vector<16xf32>
        %parallel_loop3A_235 = arith.index_cast %parallel_loop3A_113 : i32 to index
        %parallel_loop3A_236 = arith.constant 208 : index
        %parallel_loop3A_237 = tpu.vector_load %arg11[%parallel_loop3A_235, %parallel_loop3A_236] {strides = array<i32>} : memref<40x512xf32, #tpu.memory_space<vmem>>, vector<1x16xf32>,
        %parallel_loop3A_238 = vector.shape_cast %parallel_loop3A_237 : vector<1x16xf32> to vector<16xf32>
        %parallel_loop3A_239 = vector.shape_cast %parallel_loop3A_234 : vector<16xf32> to vector<1x16xf32>
        tpu.vector_store %arg11[%parallel_loop3A_235, %parallel_loop3A_236], %parallel_loop3A_239 {add = true, strides = array<i32>} : memref<40x512xf32, #tpu.memory_space<vmem>>, vector<1x16xf32>,
        %parallel_loop3A_240 = arith.index_cast %parallel_loop3A_113 : i32 to index
        %parallel_loop3A_241 = arith.constant 224 : index
        %parallel_loop3A_242 = tpu.vector_load %arg12[%parallel_loop3A_240, %parallel_loop3A_241] {strides = array<i32>} : memref<40x512xf32, #tpu.memory_space<vmem>>, vector<1x16xf32>,
        %parallel_loop3A_243 = vector.shape_cast %parallel_loop3A_242 : vector<1x16xf32> to vector<16xf32>
        %parallel_loop3A_244 = arith.index_cast %parallel_loop3A_113 : i32 to index
        %parallel_loop3A_245 = arith.constant 224 : index
        %parallel_loop3A_246 = tpu.vector_load %arg11[%parallel_loop3A_244, %parallel_loop3A_245] {strides = array<i32>} : memref<40x512xf32, #tpu.memory_space<vmem>>, vector<1x16xf32>,
        %parallel_loop3A_247 = vector.shape_cast %parallel_loop3A_246 : vector<1x16xf32> to vector<16xf32>
        %parallel_loop3A_248 = vector.shape_cast %parallel_loop3A_243 : vector<16xf32> to vector<1x16xf32>
        tpu.vector_store %arg11[%parallel_loop3A_244, %parallel_loop3A_245], %parallel_loop3A_248 {add = true, strides = array<i32>} : memref<40x512xf32, #tpu.memory_space<vmem>>, vector<1x16xf32>,
        %parallel_loop3A_249 = arith.index_cast %parallel_loop3A_113 : i32 to index
        %parallel_loop3A_250 = arith.constant 240 : index
        %parallel_loop3A_251 = tpu.vector_load %arg12[%parallel_loop3A_249, %parallel_loop3A_250] {strides = array<i32>} : memref<40x512xf32, #tpu.memory_space<vmem>>, vector<1x16xf32>,
        %parallel_loop3A_252 = vector.shape_cast %parallel_loop3A_251 : vector<1x16xf32> to vector<16xf32>
        %parallel_loop3A_253 = arith.index_cast %parallel_loop3A_113 : i32 to index
        %parallel_loop3A_254 = arith.constant 240 : index
        %parallel_loop3A_255 = tpu.vector_load %arg11[%parallel_loop3A_253, %parallel_loop3A_254] {strides = array<i32>} : memref<40x512xf32, #tpu.memory_space<vmem>>, vector<1x16xf32>,
        %parallel_loop3A_256 = vector.shape_cast %parallel_loop3A_255 : vector<1x16xf32> to vector<16xf32>
        %parallel_loop3A_257 = vector.shape_cast %parallel_loop3A_252 : vector<16xf32> to vector<1x16xf32>
        tpu.vector_store %arg11[%parallel_loop3A_253, %parallel_loop3A_254], %parallel_loop3A_257 {add = true, strides = array<i32>} : memref<40x512xf32, #tpu.memory_space<vmem>>, vector<1x16xf32>,
        %parallel_loop3A_258 = arith.index_cast %parallel_loop3A_113 : i32 to index
        %parallel_loop3A_259 = arith.constant 256 : index
        %parallel_loop3A_260 = tpu.vector_load %arg12[%parallel_loop3A_258, %parallel_loop3A_259] {strides = array<i32>} : memref<40x512xf32, #tpu.memory_space<vmem>>, vector<1x16xf32>,
        %parallel_loop3A_261 = vector.shape_cast %parallel_loop3A_260 : vector<1x16xf32> to vector<16xf32>
        %parallel_loop3A_262 = arith.index_cast %parallel_loop3A_113 : i32 to index
        %parallel_loop3A_263 = arith.constant 256 : index
        %parallel_loop3A_264 = tpu.vector_load %arg11[%parallel_loop3A_262, %parallel_loop3A_263] {strides = array<i32>} : memref<40x512xf32, #tpu.memory_space<vmem>>, vector<1x16xf32>,
        %parallel_loop3A_265 = vector.shape_cast %parallel_loop3A_264 : vector<1x16xf32> to vector<16xf32>
        %parallel_loop3A_266 = vector.shape_cast %parallel_loop3A_261 : vector<16xf32> to vector<1x16xf32>
        tpu.vector_store %arg11[%parallel_loop3A_262, %parallel_loop3A_263], %parallel_loop3A_266 {add = true, strides = array<i32>} : memref<40x512xf32, #tpu.memory_space<vmem>>, vector<1x16xf32>,
        %parallel_loop3A_267 = arith.index_cast %parallel_loop3A_113 : i32 to index
        %parallel_loop3A_268 = arith.constant 272 : index
        %parallel_loop3A_269 = tpu.vector_load %arg12[%parallel_loop3A_267, %parallel_loop3A_268] {strides = array<i32>} : memref<40x512xf32, #tpu.memory_space<vmem>>, vector<1x16xf32>,
        %parallel_loop3A_270 = vector.shape_cast %parallel_loop3A_269 : vector<1x16xf32> to vector<16xf32>
        %parallel_loop3A_271 = arith.index_cast %parallel_loop3A_113 : i32 to index
        %parallel_loop3A_272 = arith.constant 272 : index
        %parallel_loop3A_273 = tpu.vector_load %arg11[%parallel_loop3A_271, %parallel_loop3A_272] {strides = array<i32>} : memref<40x512xf32, #tpu.memory_space<vmem>>, vector<1x16xf32>,
        %parallel_loop3A_274 = vector.shape_cast %parallel_loop3A_273 : vector<1x16xf32> to vector<16xf32>
        %parallel_loop3A_275 = vector.shape_cast %parallel_loop3A_270 : vector<16xf32> to vector<1x16xf32>
        tpu.vector_store %arg11[%parallel_loop3A_271, %parallel_loop3A_272], %parallel_loop3A_275 {add = true, strides = array<i32>} : memref<40x512xf32, #tpu.memory_space<vmem>>, vector<1x16xf32>,
        %parallel_loop3A_276 = arith.index_cast %parallel_loop3A_113 : i32 to index
        %parallel_loop3A_277 = arith.constant 288 : index
        %parallel_loop3A_278 = tpu.vector_load %arg12[%parallel_loop3A_276, %parallel_loop3A_277] {strides = array<i32>} : memref<40x512xf32, #tpu.memory_space<vmem>>, vector<1x16xf32>,
        %parallel_loop3A_279 = vector.shape_cast %parallel_loop3A_278 : vector<1x16xf32> to vector<16xf32>
        %parallel_loop3A_280 = arith.index_cast %parallel_loop3A_113 : i32 to index
        %parallel_loop3A_281 = arith.constant 288 : index
        %parallel_loop3A_282 = tpu.vector_load %arg11[%parallel_loop3A_280, %parallel_loop3A_281] {strides = array<i32>} : memref<40x512xf32, #tpu.memory_space<vmem>>, vector<1x16xf32>,
        %parallel_loop3A_283 = vector.shape_cast %parallel_loop3A_282 : vector<1x16xf32> to vector<16xf32>
        %parallel_loop3A_284 = vector.shape_cast %parallel_loop3A_279 : vector<16xf32> to vector<1x16xf32>
        tpu.vector_store %arg11[%parallel_loop3A_280, %parallel_loop3A_281], %parallel_loop3A_284 {add = true, strides = array<i32>} : memref<40x512xf32, #tpu.memory_space<vmem>>, vector<1x16xf32>,
        %parallel_loop3A_285 = arith.index_cast %parallel_loop3A_113 : i32 to index
        %parallel_loop3A_286 = arith.constant 304 : index
        %parallel_loop3A_287 = tpu.vector_load %arg12[%parallel_loop3A_285, %parallel_loop3A_286] {strides = array<i32>} : memref<40x512xf32, #tpu.memory_space<vmem>>, vector<1x16xf32>,
        %parallel_loop3A_288 = vector.shape_cast %parallel_loop3A_287 : vector<1x16xf32> to vector<16xf32>
        %parallel_loop3A_289 = arith.index_cast %parallel_loop3A_113 : i32 to index
        %parallel_loop3A_290 = arith.constant 304 : index
        %parallel_loop3A_291 = tpu.vector_load %arg11[%parallel_loop3A_289, %parallel_loop3A_290] {strides = array<i32>} : memref<40x512xf32, #tpu.memory_space<vmem>>, vector<1x16xf32>,
        %parallel_loop3A_292 = vector.shape_cast %parallel_loop3A_291 : vector<1x16xf32> to vector<16xf32>
        %parallel_loop3A_293 = vector.shape_cast %parallel_loop3A_288 : vector<16xf32> to vector<1x16xf32>
        tpu.vector_store %arg11[%parallel_loop3A_289, %parallel_loop3A_290], %parallel_loop3A_293 {add = true, strides = array<i32>} : memref<40x512xf32, #tpu.memory_space<vmem>>, vector<1x16xf32>,
        %parallel_loop3A_294 = arith.index_cast %parallel_loop3A_113 : i32 to index
        %parallel_loop3A_295 = arith.constant 320 : index
        %parallel_loop3A_296 = tpu.vector_load %arg12[%parallel_loop3A_294, %parallel_loop3A_295] {strides = array<i32>} : memref<40x512xf32, #tpu.memory_space<vmem>>, vector<1x16xf32>,
        %parallel_loop3A_297 = vector.shape_cast %parallel_loop3A_296 : vector<1x16xf32> to vector<16xf32>
        %parallel_loop3A_298 = arith.index_cast %parallel_loop3A_113 : i32 to index
        %parallel_loop3A_299 = arith.constant 320 : index
        %parallel_loop3A_300 = tpu.vector_load %arg11[%parallel_loop3A_298, %parallel_loop3A_299] {strides = array<i32>} : memref<40x512xf32, #tpu.memory_space<vmem>>, vector<1x16xf32>,
        %parallel_loop3A_301 = vector.shape_cast %parallel_loop3A_300 : vector<1x16xf32> to vector<16xf32>
        %parallel_loop3A_302 = vector.shape_cast %parallel_loop3A_297 : vector<16xf32> to vector<1x16xf32>
        tpu.vector_store %arg11[%parallel_loop3A_298, %parallel_loop3A_299], %parallel_loop3A_302 {add = true, strides = array<i32>} : memref<40x512xf32, #tpu.memory_space<vmem>>, vector<1x16xf32>,
        %parallel_loop3A_303 = arith.index_cast %parallel_loop3A_113 : i32 to index
        %parallel_loop3A_304 = arith.constant 336 : index
        %parallel_loop3A_305 = tpu.vector_load %arg12[%parallel_loop3A_303, %parallel_loop3A_304] {strides = array<i32>} : memref<40x512xf32, #tpu.memory_space<vmem>>, vector<1x16xf32>,
        %parallel_loop3A_306 = vector.shape_cast %parallel_loop3A_305 : vector<1x16xf32> to vector<16xf32>
        %parallel_loop3A_307 = arith.index_cast %parallel_loop3A_113 : i32 to index
        %parallel_loop3A_308 = arith.constant 336 : index
        %parallel_loop3A_309 = tpu.vector_load %arg11[%parallel_loop3A_307, %parallel_loop3A_308] {strides = array<i32>} : memref<40x512xf32, #tpu.memory_space<vmem>>, vector<1x16xf32>,
        %parallel_loop3A_310 = vector.shape_cast %parallel_loop3A_309 : vector<1x16xf32> to vector<16xf32>
        %parallel_loop3A_311 = vector.shape_cast %parallel_loop3A_306 : vector<16xf32> to vector<1x16xf32>
        tpu.vector_store %arg11[%parallel_loop3A_307, %parallel_loop3A_308], %parallel_loop3A_311 {add = true, strides = array<i32>} : memref<40x512xf32, #tpu.memory_space<vmem>>, vector<1x16xf32>,
        %parallel_loop3A_312 = arith.index_cast %parallel_loop3A_113 : i32 to index
        %parallel_loop3A_313 = arith.constant 352 : index
        %parallel_loop3A_314 = tpu.vector_load %arg12[%parallel_loop3A_312, %parallel_loop3A_313] {strides = array<i32>} : memref<40x512xf32, #tpu.memory_space<vmem>>, vector<1x16xf32>,
        %parallel_loop3A_315 = vector.shape_cast %parallel_loop3A_314 : vector<1x16xf32> to vector<16xf32>
        %parallel_loop3A_316 = arith.index_cast %parallel_loop3A_113 : i32 to index
        %parallel_loop3A_317 = arith.constant 352 : index
        %parallel_loop3A_318 = tpu.vector_load %arg11[%parallel_loop3A_316, %parallel_loop3A_317] {strides = array<i32>} : memref<40x512xf32, #tpu.memory_space<vmem>>, vector<1x16xf32>,
        %parallel_loop3A_319 = vector.shape_cast %parallel_loop3A_318 : vector<1x16xf32> to vector<16xf32>
        %parallel_loop3A_320 = vector.shape_cast %parallel_loop3A_315 : vector<16xf32> to vector<1x16xf32>
        tpu.vector_store %arg11[%parallel_loop3A_316, %parallel_loop3A_317], %parallel_loop3A_320 {add = true, strides = array<i32>} : memref<40x512xf32, #tpu.memory_space<vmem>>, vector<1x16xf32>,
        %parallel_loop3A_321 = arith.index_cast %parallel_loop3A_113 : i32 to index
        %parallel_loop3A_322 = arith.constant 368 : index
        %parallel_loop3A_323 = tpu.vector_load %arg12[%parallel_loop3A_321, %parallel_loop3A_322] {strides = array<i32>} : memref<40x512xf32, #tpu.memory_space<vmem>>, vector<1x16xf32>,
        %parallel_loop3A_324 = vector.shape_cast %parallel_loop3A_323 : vector<1x16xf32> to vector<16xf32>
        %parallel_loop3A_325 = arith.index_cast %parallel_loop3A_113 : i32 to index
        %parallel_loop3A_326 = arith.constant 368 : index
        %parallel_loop3A_327 = tpu.vector_load %arg11[%parallel_loop3A_325, %parallel_loop3A_326] {strides = array<i32>} : memref<40x512xf32, #tpu.memory_space<vmem>>, vector<1x16xf32>,
        %parallel_loop3A_328 = vector.shape_cast %parallel_loop3A_327 : vector<1x16xf32> to vector<16xf32>
        %parallel_loop3A_329 = vector.shape_cast %parallel_loop3A_324 : vector<16xf32> to vector<1x16xf32>
        tpu.vector_store %arg11[%parallel_loop3A_325, %parallel_loop3A_326], %parallel_loop3A_329 {add = true, strides = array<i32>} : memref<40x512xf32, #tpu.memory_space<vmem>>, vector<1x16xf32>,
        %parallel_loop3A_330 = arith.index_cast %parallel_loop3A_113 : i32 to index
        %parallel_loop3A_331 = arith.constant 384 : index
        %parallel_loop3A_332 = tpu.vector_load %arg12[%parallel_loop3A_330, %parallel_loop3A_331] {strides = array<i32>} : memref<40x512xf32, #tpu.memory_space<vmem>>, vector<1x16xf32>,
        %parallel_loop3A_333 = vector.shape_cast %parallel_loop3A_332 : vector<1x16xf32> to vector<16xf32>
        %parallel_loop3A_334 = arith.index_cast %parallel_loop3A_113 : i32 to index
        %parallel_loop3A_335 = arith.constant 384 : index
        %parallel_loop3A_336 = tpu.vector_load %arg11[%parallel_loop3A_334, %parallel_loop3A_335] {strides = array<i32>} : memref<40x512xf32, #tpu.memory_space<vmem>>, vector<1x16xf32>,
        %parallel_loop3A_337 = vector.shape_cast %parallel_loop3A_336 : vector<1x16xf32> to vector<16xf32>
        %parallel_loop3A_338 = vector.shape_cast %parallel_loop3A_333 : vector<16xf32> to vector<1x16xf32>
        tpu.vector_store %arg11[%parallel_loop3A_334, %parallel_loop3A_335], %parallel_loop3A_338 {add = true, strides = array<i32>} : memref<40x512xf32, #tpu.memory_space<vmem>>, vector<1x16xf32>,
        %parallel_loop3A_339 = arith.index_cast %parallel_loop3A_113 : i32 to index
        %parallel_loop3A_340 = arith.constant 400 : index
        %parallel_loop3A_341 = tpu.vector_load %arg12[%parallel_loop3A_339, %parallel_loop3A_340] {strides = array<i32>} : memref<40x512xf32, #tpu.memory_space<vmem>>, vector<1x16xf32>,
        %parallel_loop3A_342 = vector.shape_cast %parallel_loop3A_341 : vector<1x16xf32> to vector<16xf32>
        %parallel_loop3A_343 = arith.index_cast %parallel_loop3A_113 : i32 to index
        %parallel_loop3A_344 = arith.constant 400 : index
        %parallel_loop3A_345 = tpu.vector_load %arg11[%parallel_loop3A_343, %parallel_loop3A_344] {strides = array<i32>} : memref<40x512xf32, #tpu.memory_space<vmem>>, vector<1x16xf32>,
        %parallel_loop3A_346 = vector.shape_cast %parallel_loop3A_345 : vector<1x16xf32> to vector<16xf32>
        %parallel_loop3A_347 = vector.shape_cast %parallel_loop3A_342 : vector<16xf32> to vector<1x16xf32>
        tpu.vector_store %arg11[%parallel_loop3A_343, %parallel_loop3A_344], %parallel_loop3A_347 {add = true, strides = array<i32>} : memref<40x512xf32, #tpu.memory_space<vmem>>, vector<1x16xf32>,
        %parallel_loop3A_348 = arith.index_cast %parallel_loop3A_113 : i32 to index
        %parallel_loop3A_349 = arith.constant 416 : index
        %parallel_loop3A_350 = tpu.vector_load %arg12[%parallel_loop3A_348, %parallel_loop3A_349] {strides = array<i32>} : memref<40x512xf32, #tpu.memory_space<vmem>>, vector<1x16xf32>,
        %parallel_loop3A_351 = vector.shape_cast %parallel_loop3A_350 : vector<1x16xf32> to vector<16xf32>
        %parallel_loop3A_352 = arith.index_cast %parallel_loop3A_113 : i32 to index
        %parallel_loop3A_353 = arith.constant 416 : index
        %parallel_loop3A_354 = tpu.vector_load %arg11[%parallel_loop3A_352, %parallel_loop3A_353] {strides = array<i32>} : memref<40x512xf32, #tpu.memory_space<vmem>>, vector<1x16xf32>,
        %parallel_loop3A_355 = vector.shape_cast %parallel_loop3A_354 : vector<1x16xf32> to vector<16xf32>
        %parallel_loop3A_356 = vector.shape_cast %parallel_loop3A_351 : vector<16xf32> to vector<1x16xf32>
        tpu.vector_store %arg11[%parallel_loop3A_352, %parallel_loop3A_353], %parallel_loop3A_356 {add = true, strides = array<i32>} : memref<40x512xf32, #tpu.memory_space<vmem>>, vector<1x16xf32>,
        %parallel_loop3A_357 = arith.index_cast %parallel_loop3A_113 : i32 to index
        %parallel_loop3A_358 = arith.constant 432 : index
        %parallel_loop3A_359 = tpu.vector_load %arg12[%parallel_loop3A_357, %parallel_loop3A_358] {strides = array<i32>} : memref<40x512xf32, #tpu.memory_space<vmem>>, vector<1x16xf32>,
        %parallel_loop3A_360 = vector.shape_cast %parallel_loop3A_359 : vector<1x16xf32> to vector<16xf32>
        %parallel_loop3A_361 = arith.index_cast %parallel_loop3A_113 : i32 to index
        %parallel_loop3A_362 = arith.constant 432 : index
        %parallel_loop3A_363 = tpu.vector_load %arg11[%parallel_loop3A_361, %parallel_loop3A_362] {strides = array<i32>} : memref<40x512xf32, #tpu.memory_space<vmem>>, vector<1x16xf32>,
        %parallel_loop3A_364 = vector.shape_cast %parallel_loop3A_363 : vector<1x16xf32> to vector<16xf32>
        %parallel_loop3A_365 = vector.shape_cast %parallel_loop3A_360 : vector<16xf32> to vector<1x16xf32>
        tpu.vector_store %arg11[%parallel_loop3A_361, %parallel_loop3A_362], %parallel_loop3A_365 {add = true, strides = array<i32>} : memref<40x512xf32, #tpu.memory_space<vmem>>, vector<1x16xf32>,
        %parallel_loop3A_366 = arith.index_cast %parallel_loop3A_113 : i32 to index
        %parallel_loop3A_367 = arith.constant 448 : index
        %parallel_loop3A_368 = tpu.vector_load %arg12[%parallel_loop3A_366, %parallel_loop3A_367] {strides = array<i32>} : memref<40x512xf32, #tpu.memory_space<vmem>>, vector<1x16xf32>,
        %parallel_loop3A_369 = vector.shape_cast %parallel_loop3A_368 : vector<1x16xf32> to vector<16xf32>
        %parallel_loop3A_370 = arith.index_cast %parallel_loop3A_113 : i32 to index
        %parallel_loop3A_371 = arith.constant 448 : index
        %parallel_loop3A_372 = tpu.vector_load %arg11[%parallel_loop3A_370, %parallel_loop3A_371] {strides = array<i32>} : memref<40x512xf32, #tpu.memory_space<vmem>>, vector<1x16xf32>,
        %parallel_loop3A_373 = vector.shape_cast %parallel_loop3A_372 : vector<1x16xf32> to vector<16xf32>
        %parallel_loop3A_374 = vector.shape_cast %parallel_loop3A_369 : vector<16xf32> to vector<1x16xf32>
        tpu.vector_store %arg11[%parallel_loop3A_370, %parallel_loop3A_371], %parallel_loop3A_374 {add = true, strides = array<i32>} : memref<40x512xf32, #tpu.memory_space<vmem>>, vector<1x16xf32>,
        %parallel_loop3A_375 = arith.index_cast %parallel_loop3A_113 : i32 to index
        %parallel_loop3A_376 = arith.constant 464 : index
        %parallel_loop3A_377 = tpu.vector_load %arg12[%parallel_loop3A_375, %parallel_loop3A_376] {strides = array<i32>} : memref<40x512xf32, #tpu.memory_space<vmem>>, vector<1x16xf32>,
        %parallel_loop3A_378 = vector.shape_cast %parallel_loop3A_377 : vector<1x16xf32> to vector<16xf32>
        %parallel_loop3A_379 = arith.index_cast %parallel_loop3A_113 : i32 to index
        %parallel_loop3A_380 = arith.constant 464 : index
        %parallel_loop3A_381 = tpu.vector_load %arg11[%parallel_loop3A_379, %parallel_loop3A_380] {strides = array<i32>} : memref<40x512xf32, #tpu.memory_space<vmem>>, vector<1x16xf32>,
        %parallel_loop3A_382 = vector.shape_cast %parallel_loop3A_381 : vector<1x16xf32> to vector<16xf32>
        %parallel_loop3A_383 = vector.shape_cast %parallel_loop3A_378 : vector<16xf32> to vector<1x16xf32>
        tpu.vector_store %arg11[%parallel_loop3A_379, %parallel_loop3A_380], %parallel_loop3A_383 {add = true, strides = array<i32>} : memref<40x512xf32, #tpu.memory_space<vmem>>, vector<1x16xf32>,
        %parallel_loop3A_384 = arith.index_cast %parallel_loop3A_113 : i32 to index
        %parallel_loop3A_385 = arith.constant 480 : index
        %parallel_loop3A_386 = tpu.vector_load %arg12[%parallel_loop3A_384, %parallel_loop3A_385] {strides = array<i32>} : memref<40x512xf32, #tpu.memory_space<vmem>>, vector<1x16xf32>,
        %parallel_loop3A_387 = vector.shape_cast %parallel_loop3A_386 : vector<1x16xf32> to vector<16xf32>
        %parallel_loop3A_388 = arith.index_cast %parallel_loop3A_113 : i32 to index
        %parallel_loop3A_389 = arith.constant 480 : index
        %parallel_loop3A_390 = tpu.vector_load %arg11[%parallel_loop3A_388, %parallel_loop3A_389] {strides = array<i32>} : memref<40x512xf32, #tpu.memory_space<vmem>>, vector<1x16xf32>,
        %parallel_loop3A_391 = vector.shape_cast %parallel_loop3A_390 : vector<1x16xf32> to vector<16xf32>
        %parallel_loop3A_392 = vector.shape_cast %parallel_loop3A_387 : vector<16xf32> to vector<1x16xf32>
        tpu.vector_store %arg11[%parallel_loop3A_388, %parallel_loop3A_389], %parallel_loop3A_392 {add = true, strides = array<i32>} : memref<40x512xf32, #tpu.memory_space<vmem>>, vector<1x16xf32>,
        %parallel_loop3A_393 = arith.index_cast %parallel_loop3A_113 : i32 to index
        %parallel_loop3A_394 = arith.constant 496 : index
        %parallel_loop3A_395 = tpu.vector_load %arg12[%parallel_loop3A_393, %parallel_loop3A_394] {strides = array<i32>} : memref<40x512xf32, #tpu.memory_space<vmem>>, vector<1x16xf32>,
        %parallel_loop3A_396 = vector.shape_cast %parallel_loop3A_395 : vector<1x16xf32> to vector<16xf32>
        %parallel_loop3A_397 = arith.index_cast %parallel_loop3A_113 : i32 to index
        %parallel_loop3A_398 = arith.constant 496 : index
        %parallel_loop3A_399 = tpu.vector_load %arg11[%parallel_loop3A_397, %parallel_loop3A_398] {strides = array<i32>} : memref<40x512xf32, #tpu.memory_space<vmem>>, vector<1x16xf32>,
        %parallel_loop3A_400 = vector.shape_cast %parallel_loop3A_399 : vector<1x16xf32> to vector<16xf32>
        %parallel_loop3A_401 = vector.shape_cast %parallel_loop3A_396 : vector<16xf32> to vector<1x16xf32>
        tpu.vector_store %arg11[%parallel_loop3A_397, %parallel_loop3A_398], %parallel_loop3A_401 {add = true, strides = array<i32>} : memref<40x512xf32, #tpu.memory_space<vmem>>, vector<1x16xf32>,
      } {sc.loop_unroll_factor = 2 : i64, sc.parallel_access}
      %add3A_100 = arith.constant 1 : i32
      %add3A_101 = arith.addi %mul3A_64, %add3A_100 : i32
      %mul3A_102 = arith.constant 40 : i32
      %mul3A_103 = arith.muli %add3A_101, %mul3A_102 : i32
      %add3A_104 = arith.addi %mul3A_2, %mul3A_103 : i32
      %dma_start3A_105 = arith.constant 0 : i32
      %dma_start3A_106 = tpu.memref_slice %arg6[%add3A_104, %dma_start3A_105] : memref<160000x512xf32, #tpu.memory_space<hbm>> -> memref<40x512xf32, #tpu.memory_space<hbm>>
      %dma_start3A_107 = arith.constant 0 : i32
      %dma_start3A_108 = tpu.memref_slice %arg6[%add3A_104, %dma_start3A_107] : memref<160000x512xf32, #tpu.memory_space<hbm>> -> memref<40x512xf32, #tpu.memory_space<hbm>>
      tpu.enqueue_dma source(%arg11 : memref<40x512xf32, #tpu.memory_space<vmem>>) target(%dma_start3A_108 : memref<40x512xf32, #tpu.memory_space<hbm>>) target_semaphore(%arg18 : memref<!tpu.dma_semaphore, #tpu.memory_space<semaphore_mem>>)
      %add3A_109 = arith.constant 1 : i32
      %add3A_110 = arith.addi %scan3A_62, %add3A_109 : i32
      %lt3A = arith.constant 62 : i32
      %lt3A_111 = arith.cmpi slt, %add3A_110, %lt3A : i32
      %convert_element_type3A = arith.extui %lt3A_111 : i1 to i32
      %cond3A = arith.constant 0 : i32
      %cond3A_112 = arith.cmpi ne, %convert_element_type3A, %cond3A : i32
      scf.if %cond3A_112 {
        %mul3A_113 = arith.constant 40 : i32
        %mul3A_114 = arith.muli %mul3A_64, %mul3A_113 : i32
        %add3A_115 = arith.addi %mul3A_2, %mul3A_114 : i32
        %dma_wait3A_116 = arith.constant 0 : i32
        %dma_wait3A_117 = tpu.memref_slice %arg6[%add3A_115, %dma_wait3A_116] : memref<160000x512xf32, #tpu.memory_space<hbm>> -> memref<40x512xf32, #tpu.memory_space<hbm>>
        %dma_wait3A_118 = arith.constant 0 : i32
        %dma_wait3A_119 = tpu.memref_slice %arg6[%add3A_115, %dma_wait3A_118] : memref<160000x512xf32, #tpu.memory_space<hbm>> -> memref<40x512xf32, #tpu.memory_space<hbm>>
        tpu.wait_dma2 semaphore(%arg17 : memref<!tpu.dma_semaphore, #tpu.memory_space<semaphore_mem>>) src(%arg9 : memref<40x512xf32, #tpu.memory_space<vmem>>) dst(%dma_wait3A_119 : memref<40x512xf32, #tpu.memory_space<hbm>>)
        %add3A_120 = arith.constant 2 : i32
        %add3A_121 = arith.addi %mul3A_64, %add3A_120 : i32
        %mul3A_122 = arith.constant 40 : i32
        %mul3A_123 = arith.muli %add3A_121, %mul3A_122 : i32
        %dma_start3A_124 = tpu.memref_slice %arg7[%mul3A_123] : memref<5000xi32, #tpu.memory_space<vmem>> -> memref<40xi32, #tpu.memory_space<vmem>>
        %dma_start3A_125 = arith.constant 0 : i32
        %dma_start3A_126 = arith.constant 0 : i32
        %dma_start3A_127 = tpu.memref_slice %arg2[%dma_start3A_125, %dma_start3A_126] : memref<10000x512xf32, #tpu.memory_space<hbm>> -> memref<10000x512xf32, #tpu.memory_space<hbm>>
        tpu.enqueue_indirect_dma source(%dma_start3A_127 : memref<10000x512xf32, #tpu.memory_space<hbm>>) target(%arg9 : memref<40x512xf32, #tpu.memory_space<vmem>>) offsets(%dma_start3A_124 : memref<40xi32, #tpu.memory_space<vmem>>) semaphore(%arg13 : memref<!tpu.dma_semaphore, #tpu.memory_space<semaphore_mem>>)
        %dma_start3A_128 = tpu.memref_slice %arg8[%mul3A_123] : memref<5000xi32, #tpu.memory_space<vmem>> -> memref<40xi32, #tpu.memory_space<vmem>>
        %dma_start3A_129 = arith.constant 0 : i32
        %dma_start3A_130 = arith.constant 0 : i32
        %dma_start3A_131 = tpu.memref_slice %arg3[%dma_start3A_129, %dma_start3A_130] : memref<10000x512xf32, #tpu.memory_space<hbm>> -> memref<10000x512xf32, #tpu.memory_space<hbm>>
        tpu.enqueue_indirect_dma source(%dma_start3A_131 : memref<10000x512xf32, #tpu.memory_space<hbm>>) target(%arg10 : memref<40x512xf32, #tpu.memory_space<vmem>>) offsets(%dma_start3A_128 : memref<40xi32, #tpu.memory_space<vmem>>) semaphore(%arg14 : memref<!tpu.dma_semaphore, #tpu.memory_space<semaphore_mem>>)
        %add3A_132 = arith.constant 1 : i32
        %add3A_133 = arith.addi %mul3A_64, %add3A_132 : i32
        %mul3A_134 = arith.constant 40 : i32
        %mul3A_135 = arith.muli %add3A_133, %mul3A_134 : i32
        %add3A_136 = arith.addi %mul3A_2, %mul3A_135 : i32
        %dma_wait3A_137 = arith.constant 0 : i32
        %dma_wait3A_138 = tpu.memref_slice %arg6[%add3A_136, %dma_wait3A_137] : memref<160000x512xf32, #tpu.memory_space<hbm>> -> memref<40x512xf32, #tpu.memory_space<hbm>>
        %dma_wait3A_139 = arith.constant 0 : i32
        %dma_wait3A_140 = tpu.memref_slice %arg6[%add3A_136, %dma_wait3A_139] : memref<160000x512xf32, #tpu.memory_space<hbm>> -> memref<40x512xf32, #tpu.memory_space<hbm>>
        tpu.wait_dma2 semaphore(%arg18 : memref<!tpu.dma_semaphore, #tpu.memory_space<semaphore_mem>>) src(%arg11 : memref<40x512xf32, #tpu.memory_space<vmem>>) dst(%dma_wait3A_140 : memref<40x512xf32, #tpu.memory_space<hbm>>)
        %add3A_141 = arith.constant 3 : i32
        %add3A_142 = arith.addi %mul3A_64, %add3A_141 : i32
        %mul3A_143 = arith.constant 40 : i32
        %mul3A_144 = arith.muli %add3A_142, %mul3A_143 : i32
        %dma_start3A_145 = tpu.memref_slice %arg7[%mul3A_144] : memref<5000xi32, #tpu.memory_space<vmem>> -> memref<40xi32, #tpu.memory_space<vmem>>
        %dma_start3A_146 = arith.constant 0 : i32
        %dma_start3A_147 = arith.constant 0 : i32
        %dma_start3A_148 = tpu.memref_slice %arg2[%dma_start3A_146, %dma_start3A_147] : memref<10000x512xf32, #tpu.memory_space<hbm>> -> memref<10000x512xf32, #tpu.memory_space<hbm>>
        tpu.enqueue_indirect_dma source(%dma_start3A_148 : memref<10000x512xf32, #tpu.memory_space<hbm>>) target(%arg11 : memref<40x512xf32, #tpu.memory_space<vmem>>) offsets(%dma_start3A_145 : memref<40xi32, #tpu.memory_space<vmem>>) semaphore(%arg15 : memref<!tpu.dma_semaphore, #tpu.memory_space<semaphore_mem>>)
        %dma_start3A_149 = tpu.memref_slice %arg8[%mul3A_144] : memref<5000xi32, #tpu.memory_space<vmem>> -> memref<40xi32, #tpu.memory_space<vmem>>
        %dma_start3A_150 = arith.constant 0 : i32
        %dma_start3A_151 = arith.constant 0 : i32
        %dma_start3A_152 = tpu.memref_slice %arg3[%dma_start3A_150, %dma_start3A_151] : memref<10000x512xf32, #tpu.memory_space<hbm>> -> memref<10000x512xf32, #tpu.memory_space<hbm>>
        tpu.enqueue_indirect_dma source(%dma_start3A_152 : memref<10000x512xf32, #tpu.memory_space<hbm>>) target(%arg12 : memref<40x512xf32, #tpu.memory_space<vmem>>) offsets(%dma_start3A_149 : memref<40xi32, #tpu.memory_space<vmem>>) semaphore(%arg16 : memref<!tpu.dma_semaphore, #tpu.memory_space<semaphore_mem>>)
      } else {
      }
    }
    %scan3A_26 = arith.constant 62 : i32
    %add3A_27 = arith.constant 4880 : i32
    %add3A_28 = arith.addi %mul3A_2, %add3A_27 : i32
    %dma_wait3A = arith.constant 0 : i32
    %dma_wait3A_29 = tpu.memref_slice %arg6[%add3A_28, %dma_wait3A] : memref<160000x512xf32, #tpu.memory_space<hbm>> -> memref<40x512xf32, #tpu.memory_space<hbm>>
    %dma_wait3A_30 = arith.constant 0 : i32
    %dma_wait3A_31 = tpu.memref_slice %arg6[%add3A_28, %dma_wait3A_30] : memref<160000x512xf32, #tpu.memory_space<hbm>> -> memref<40x512xf32, #tpu.memory_space<hbm>>
    tpu.wait_dma2 semaphore(%arg17 : memref<!tpu.dma_semaphore, #tpu.memory_space<semaphore_mem>>) src(%arg9 : memref<40x512xf32, #tpu.memory_space<vmem>>) dst(%dma_wait3A_31 : memref<40x512xf32, #tpu.memory_space<hbm>>)
    %add3A_32 = arith.constant 4920 : i32
    %add3A_33 = arith.addi %mul3A_2, %add3A_32 : i32
    %dma_wait3A_34 = arith.constant 0 : i32
    %dma_wait3A_35 = tpu.memref_slice %arg6[%add3A_33, %dma_wait3A_34] : memref<160000x512xf32, #tpu.memory_space<hbm>> -> memref<40x512xf32, #tpu.memory_space<hbm>>
    %dma_wait3A_36 = arith.constant 0 : i32
    %dma_wait3A_37 = tpu.memref_slice %arg6[%add3A_33, %dma_wait3A_36] : memref<160000x512xf32, #tpu.memory_space<hbm>> -> memref<40x512xf32, #tpu.memory_space<hbm>>
    tpu.wait_dma2 semaphore(%arg18 : memref<!tpu.dma_semaphore, #tpu.memory_space<semaphore_mem>>) src(%arg11 : memref<40x512xf32, #tpu.memory_space<vmem>>) dst(%dma_wait3A_37 : memref<40x512xf32, #tpu.memory_space<hbm>>)
    %dma_start3A_38 = arith.constant 4960 : i32
    %dma_start3A_39 = tpu.memref_slice %arg7[%dma_start3A_38] : memref<5000xi32, #tpu.memory_space<vmem>> -> memref<40xi32, #tpu.memory_space<vmem>>
    %dma_start3A_40 = arith.constant 0 : i32
    %dma_start3A_41 = arith.constant 0 : i32
    %dma_start3A_42 = tpu.memref_slice %arg2[%dma_start3A_40, %dma_start3A_41] : memref<10000x512xf32, #tpu.memory_space<hbm>> -> memref<10000x512xf32, #tpu.memory_space<hbm>>
    tpu.enqueue_indirect_dma source(%dma_start3A_42 : memref<10000x512xf32, #tpu.memory_space<hbm>>) target(%arg9 : memref<40x512xf32, #tpu.memory_space<vmem>>) offsets(%dma_start3A_39 : memref<40xi32, #tpu.memory_space<vmem>>) semaphore(%arg13 : memref<!tpu.dma_semaphore, #tpu.memory_space<semaphore_mem>>)
    %dma_start3A_43 = arith.constant 4960 : i32
    %dma_start3A_44 = tpu.memref_slice %arg8[%dma_start3A_43] : memref<5000xi32, #tpu.memory_space<vmem>> -> memref<40xi32, #tpu.memory_space<vmem>>
    %dma_start3A_45 = arith.constant 0 : i32
    %dma_start3A_46 = arith.constant 0 : i32
    %dma_start3A_47 = tpu.memref_slice %arg3[%dma_start3A_45, %dma_start3A_46] : memref<10000x512xf32, #tpu.memory_space<hbm>> -> memref<10000x512xf32, #tpu.memory_space<hbm>>
    tpu.enqueue_indirect_dma source(%dma_start3A_47 : memref<10000x512xf32, #tpu.memory_space<hbm>>) target(%arg10 : memref<40x512xf32, #tpu.memory_space<vmem>>) offsets(%dma_start3A_44 : memref<40xi32, #tpu.memory_space<vmem>>) semaphore(%arg14 : memref<!tpu.dma_semaphore, #tpu.memory_space<semaphore_mem>>)
    %dma_wait3A_48 = arith.constant 4960 : i32
    %dma_wait3A_49 = tpu.memref_slice %arg7[%dma_wait3A_48] : memref<5000xi32, #tpu.memory_space<vmem>> -> memref<40xi32, #tpu.memory_space<vmem>>
    %dma_wait3A_50 = arith.constant 0 : i32
    %dma_wait3A_51 = arith.constant 0 : i32
    %dma_wait3A_52 = tpu.memref_slice %arg2[%dma_wait3A_50, %dma_wait3A_51] : memref<10000x512xf32, #tpu.memory_space<hbm>> -> memref<10000x512xf32, #tpu.memory_space<hbm>>
    tpu.wait_indirect_dma semaphore(%arg13 : memref<!tpu.dma_semaphore, #tpu.memory_space<semaphore_mem>>) src(%dma_wait3A_52 : memref<10000x512xf32, #tpu.memory_space<hbm>>) dst(%arg9 : memref<40x512xf32, #tpu.memory_space<vmem>>)
    %dma_wait3A_53 = arith.constant 4960 : i32
    %dma_wait3A_54 = tpu.memref_slice %arg8[%dma_wait3A_53] : memref<5000xi32, #tpu.memory_space<vmem>> -> memref<40xi32, #tpu.memory_space<vmem>>
    %dma_wait3A_55 = arith.constant 0 : i32
    %dma_wait3A_56 = arith.constant 0 : i32
    %dma_wait3A_57 = tpu.memref_slice %arg3[%dma_wait3A_55, %dma_wait3A_56] : memref<10000x512xf32, #tpu.memory_space<hbm>> -> memref<10000x512xf32, #tpu.memory_space<hbm>>
    tpu.wait_indirect_dma semaphore(%arg14 : memref<!tpu.dma_semaphore, #tpu.memory_space<semaphore_mem>>) src(%dma_wait3A_57 : memref<10000x512xf32, #tpu.memory_space<hbm>>) dst(%arg10 : memref<40x512xf32, #tpu.memory_space<vmem>>)
    %parallel_loop3A = arith.constant 0 : i32
    %parallel_loop3A_58 = arith.constant 40 : i32
    %parallel_loop3A_59 = arith.constant 1 : i32
    scf.for %parallel_loop3A_62 = %parallel_loop3A to %parallel_loop3A_58 step %parallel_loop3A_59  : i32 {
      %parallel_loop3A_63 = arith.index_cast %parallel_loop3A_62 : i32 to index
      %parallel_loop3A_64 = arith.constant 0 : index
      %parallel_loop3A_65 = tpu.vector_load %arg10[%parallel_loop3A_63, %parallel_loop3A_64] {strides = array<i32>} : memref<40x512xf32, #tpu.memory_space<vmem>>, vector<1x16xf32>,
      %parallel_loop3A_66 = vector.shape_cast %parallel_loop3A_65 : vector<1x16xf32> to vector<16xf32>
      %parallel_loop3A_67 = arith.index_cast %parallel_loop3A_62 : i32 to index
      %parallel_loop3A_68 = arith.constant 0 : index
      %parallel_loop3A_69 = tpu.vector_load %arg9[%parallel_loop3A_67, %parallel_loop3A_68] {strides = array<i32>} : memref<40x512xf32, #tpu.memory_space<vmem>>, vector<1x16xf32>,
      %parallel_loop3A_70 = vector.shape_cast %parallel_loop3A_69 : vector<1x16xf32> to vector<16xf32>
      %parallel_loop3A_71 = vector.shape_cast %parallel_loop3A_66 : vector<16xf32> to vector<1x16xf32>
      tpu.vector_store %arg9[%parallel_loop3A_67, %parallel_loop3A_68], %parallel_loop3A_71 {add = true, strides = array<i32>} : memref<40x512xf32, #tpu.memory_space<vmem>>, vector<1x16xf32>,
      %parallel_loop3A_72 = arith.index_cast %parallel_loop3A_62 : i32 to index
      %parallel_loop3A_73 = arith.constant 16 : index
      %parallel_loop3A_74 = tpu.vector_load %arg10[%parallel_loop3A_72, %parallel_loop3A_73] {strides = array<i32>} : memref<40x512xf32, #tpu.memory_space<vmem>>, vector<1x16xf32>,
      %parallel_loop3A_75 = vector.shape_cast %parallel_loop3A_74 : vector<1x16xf32> to vector<16xf32>
      %parallel_loop3A_76 = arith.index_cast %parallel_loop3A_62 : i32 to index
      %parallel_loop3A_77 = arith.constant 16 : index
      %parallel_loop3A_78 = tpu.vector_load %arg9[%parallel_loop3A_76, %parallel_loop3A_77] {strides = array<i32>} : memref<40x512xf32, #tpu.memory_space<vmem>>, vector<1x16xf32>,
      %parallel_loop3A_79 = vector.shape_cast %parallel_loop3A_78 : vector<1x16xf32> to vector<16xf32>
      %parallel_loop3A_80 = vector.shape_cast %parallel_loop3A_75 : vector<16xf32> to vector<1x16xf32>
      tpu.vector_store %arg9[%parallel_loop3A_76, %parallel_loop3A_77], %parallel_loop3A_80 {add = true, strides = array<i32>} : memref<40x512xf32, #tpu.memory_space<vmem>>, vector<1x16xf32>,
      %parallel_loop3A_81 = arith.index_cast %parallel_loop3A_62 : i32 to index
      %parallel_loop3A_82 = arith.constant 32 : index
      %parallel_loop3A_83 = tpu.vector_load %arg10[%parallel_loop3A_81, %parallel_loop3A_82] {strides = array<i32>} : memref<40x512xf32, #tpu.memory_space<vmem>>, vector<1x16xf32>,
      %parallel_loop3A_84 = vector.shape_cast %parallel_loop3A_83 : vector<1x16xf32> to vector<16xf32>
      %parallel_loop3A_85 = arith.index_cast %parallel_loop3A_62 : i32 to index
      %parallel_loop3A_86 = arith.constant 32 : index
      %parallel_loop3A_87 = tpu.vector_load %arg9[%parallel_loop3A_85, %parallel_loop3A_86] {strides = array<i32>} : memref<40x512xf32, #tpu.memory_space<vmem>>, vector<1x16xf32>,
      %parallel_loop3A_88 = vector.shape_cast %parallel_loop3A_87 : vector<1x16xf32> to vector<16xf32>
      %parallel_loop3A_89 = vector.shape_cast %parallel_loop3A_84 : vector<16xf32> to vector<1x16xf32>
      tpu.vector_store %arg9[%parallel_loop3A_85, %parallel_loop3A_86], %parallel_loop3A_89 {add = true, strides = array<i32>} : memref<40x512xf32, #tpu.memory_space<vmem>>, vector<1x16xf32>,
      %parallel_loop3A_90 = arith.index_cast %parallel_loop3A_62 : i32 to index
      %parallel_loop3A_91 = arith.constant 48 : index
      %parallel_loop3A_92 = tpu.vector_load %arg10[%parallel_loop3A_90, %parallel_loop3A_91] {strides = array<i32>} : memref<40x512xf32, #tpu.memory_space<vmem>>, vector<1x16xf32>,
      %parallel_loop3A_93 = vector.shape_cast %parallel_loop3A_92 : vector<1x16xf32> to vector<16xf32>
      %parallel_loop3A_94 = arith.index_cast %parallel_loop3A_62 : i32 to index
      %parallel_loop3A_95 = arith.constant 48 : index
      %parallel_loop3A_96 = tpu.vector_load %arg9[%parallel_loop3A_94, %parallel_loop3A_95] {strides = array<i32>} : memref<40x512xf32, #tpu.memory_space<vmem>>, vector<1x16xf32>,
      %parallel_loop3A_97 = vector.shape_cast %parallel_loop3A_96 : vector<1x16xf32> to vector<16xf32>
      %parallel_loop3A_98 = vector.shape_cast %parallel_loop3A_93 : vector<16xf32> to vector<1x16xf32>
      tpu.vector_store %arg9[%parallel_loop3A_94, %parallel_loop3A_95], %parallel_loop3A_98 {add = true, strides = array<i32>} : memref<40x512xf32, #tpu.memory_space<vmem>>, vector<1x16xf32>,
      %parallel_loop3A_99 = arith.index_cast %parallel_loop3A_62 : i32 to index
      %parallel_loop3A_100 = arith.constant 64 : index
      %parallel_loop3A_101 = tpu.vector_load %arg10[%parallel_loop3A_99, %parallel_loop3A_100] {strides = array<i32>} : memref<40x512xf32, #tpu.memory_space<vmem>>, vector<1x16xf32>,
      %parallel_loop3A_102 = vector.shape_cast %parallel_loop3A_101 : vector<1x16xf32> to vector<16xf32>
      %parallel_loop3A_103 = arith.index_cast %parallel_loop3A_62 : i32 to index
      %parallel_loop3A_104 = arith.constant 64 : index
      %parallel_loop3A_105 = tpu.vector_load %arg9[%parallel_loop3A_103, %parallel_loop3A_104] {strides = array<i32>} : memref<40x512xf32, #tpu.memory_space<vmem>>, vector<1x16xf32>,
      %parallel_loop3A_106 = vector.shape_cast %parallel_loop3A_105 : vector<1x16xf32> to vector<16xf32>
      %parallel_loop3A_107 = vector.shape_cast %parallel_loop3A_102 : vector<16xf32> to vector<1x16xf32>
      tpu.vector_store %arg9[%parallel_loop3A_103, %parallel_loop3A_104], %parallel_loop3A_107 {add = true, strides = array<i32>} : memref<40x512xf32, #tpu.memory_space<vmem>>, vector<1x16xf32>,
      %parallel_loop3A_108 = arith.index_cast %parallel_loop3A_62 : i32 to index
      %parallel_loop3A_109 = arith.constant 80 : index
      %parallel_loop3A_110 = tpu.vector_load %arg10[%parallel_loop3A_108, %parallel_loop3A_109] {strides = array<i32>} : memref<40x512xf32, #tpu.memory_space<vmem>>, vector<1x16xf32>,
      %parallel_loop3A_111 = vector.shape_cast %parallel_loop3A_110 : vector<1x16xf32> to vector<16xf32>
      %parallel_loop3A_112 = arith.index_cast %parallel_loop3A_62 : i32 to index
      %parallel_loop3A_113 = arith.constant 80 : index
      %parallel_loop3A_114 = tpu.vector_load %arg9[%parallel_loop3A_112, %parallel_loop3A_113] {strides = array<i32>} : memref<40x512xf32, #tpu.memory_space<vmem>>, vector<1x16xf32>,
      %parallel_loop3A_115 = vector.shape_cast %parallel_loop3A_114 : vector<1x16xf32> to vector<16xf32>
      %parallel_loop3A_116 = vector.shape_cast %parallel_loop3A_111 : vector<16xf32> to vector<1x16xf32>
      tpu.vector_store %arg9[%parallel_loop3A_112, %parallel_loop3A_113], %parallel_loop3A_116 {add = true, strides = array<i32>} : memref<40x512xf32, #tpu.memory_space<vmem>>, vector<1x16xf32>,
      %parallel_loop3A_117 = arith.index_cast %parallel_loop3A_62 : i32 to index
      %parallel_loop3A_118 = arith.constant 96 : index
      %parallel_loop3A_119 = tpu.vector_load %arg10[%parallel_loop3A_117, %parallel_loop3A_118] {strides = array<i32>} : memref<40x512xf32, #tpu.memory_space<vmem>>, vector<1x16xf32>,
      %parallel_loop3A_120 = vector.shape_cast %parallel_loop3A_119 : vector<1x16xf32> to vector<16xf32>
      %parallel_loop3A_121 = arith.index_cast %parallel_loop3A_62 : i32 to index
      %parallel_loop3A_122 = arith.constant 96 : index
      %parallel_loop3A_123 = tpu.vector_load %arg9[%parallel_loop3A_121, %parallel_loop3A_122] {strides = array<i32>} : memref<40x512xf32, #tpu.memory_space<vmem>>, vector<1x16xf32>,
      %parallel_loop3A_124 = vector.shape_cast %parallel_loop3A_123 : vector<1x16xf32> to vector<16xf32>
      %parallel_loop3A_125 = vector.shape_cast %parallel_loop3A_120 : vector<16xf32> to vector<1x16xf32>
      tpu.vector_store %arg9[%parallel_loop3A_121, %parallel_loop3A_122], %parallel_loop3A_125 {add = true, strides = array<i32>} : memref<40x512xf32, #tpu.memory_space<vmem>>, vector<1x16xf32>,
      %parallel_loop3A_126 = arith.index_cast %parallel_loop3A_62 : i32 to index
      %parallel_loop3A_127 = arith.constant 112 : index
      %parallel_loop3A_128 = tpu.vector_load %arg10[%parallel_loop3A_126, %parallel_loop3A_127] {strides = array<i32>} : memref<40x512xf32, #tpu.memory_space<vmem>>, vector<1x16xf32>,
      %parallel_loop3A_129 = vector.shape_cast %parallel_loop3A_128 : vector<1x16xf32> to vector<16xf32>
      %parallel_loop3A_130 = arith.index_cast %parallel_loop3A_62 : i32 to index
      %parallel_loop3A_131 = arith.constant 112 : index
      %parallel_loop3A_132 = tpu.vector_load %arg9[%parallel_loop3A_130, %parallel_loop3A_131] {strides = array<i32>} : memref<40x512xf32, #tpu.memory_space<vmem>>, vector<1x16xf32>,
      %parallel_loop3A_133 = vector.shape_cast %parallel_loop3A_132 : vector<1x16xf32> to vector<16xf32>
      %parallel_loop3A_134 = vector.shape_cast %parallel_loop3A_129 : vector<16xf32> to vector<1x16xf32>
      tpu.vector_store %arg9[%parallel_loop3A_130, %parallel_loop3A_131], %parallel_loop3A_134 {add = true, strides = array<i32>} : memref<40x512xf32, #tpu.memory_space<vmem>>, vector<1x16xf32>,
      %parallel_loop3A_135 = arith.index_cast %parallel_loop3A_62 : i32 to index
      %parallel_loop3A_136 = arith.constant 128 : index
      %parallel_loop3A_137 = tpu.vector_load %arg10[%parallel_loop3A_135, %parallel_loop3A_136] {strides = array<i32>} : memref<40x512xf32, #tpu.memory_space<vmem>>, vector<1x16xf32>,
      %parallel_loop3A_138 = vector.shape_cast %parallel_loop3A_137 : vector<1x16xf32> to vector<16xf32>
      %parallel_loop3A_139 = arith.index_cast %parallel_loop3A_62 : i32 to index
      %parallel_loop3A_140 = arith.constant 128 : index
      %parallel_loop3A_141 = tpu.vector_load %arg9[%parallel_loop3A_139, %parallel_loop3A_140] {strides = array<i32>} : memref<40x512xf32, #tpu.memory_space<vmem>>, vector<1x16xf32>,
      %parallel_loop3A_142 = vector.shape_cast %parallel_loop3A_141 : vector<1x16xf32> to vector<16xf32>
      %parallel_loop3A_143 = vector.shape_cast %parallel_loop3A_138 : vector<16xf32> to vector<1x16xf32>
      tpu.vector_store %arg9[%parallel_loop3A_139, %parallel_loop3A_140], %parallel_loop3A_143 {add = true, strides = array<i32>} : memref<40x512xf32, #tpu.memory_space<vmem>>, vector<1x16xf32>,
      %parallel_loop3A_144 = arith.index_cast %parallel_loop3A_62 : i32 to index
      %parallel_loop3A_145 = arith.constant 144 : index
      %parallel_loop3A_146 = tpu.vector_load %arg10[%parallel_loop3A_144, %parallel_loop3A_145] {strides = array<i32>} : memref<40x512xf32, #tpu.memory_space<vmem>>, vector<1x16xf32>,
      %parallel_loop3A_147 = vector.shape_cast %parallel_loop3A_146 : vector<1x16xf32> to vector<16xf32>
      %parallel_loop3A_148 = arith.index_cast %parallel_loop3A_62 : i32 to index
      %parallel_loop3A_149 = arith.constant 144 : index
      %parallel_loop3A_150 = tpu.vector_load %arg9[%parallel_loop3A_148, %parallel_loop3A_149] {strides = array<i32>} : memref<40x512xf32, #tpu.memory_space<vmem>>, vector<1x16xf32>,
      %parallel_loop3A_151 = vector.shape_cast %parallel_loop3A_150 : vector<1x16xf32> to vector<16xf32>
      %parallel_loop3A_152 = vector.shape_cast %parallel_loop3A_147 : vector<16xf32> to vector<1x16xf32>
      tpu.vector_store %arg9[%parallel_loop3A_148, %parallel_loop3A_149], %parallel_loop3A_152 {add = true, strides = array<i32>} : memref<40x512xf32, #tpu.memory_space<vmem>>, vector<1x16xf32>,
      %parallel_loop3A_153 = arith.index_cast %parallel_loop3A_62 : i32 to index
      %parallel_loop3A_154 = arith.constant 160 : index
      %parallel_loop3A_155 = tpu.vector_load %arg10[%parallel_loop3A_153, %parallel_loop3A_154] {strides = array<i32>} : memref<40x512xf32, #tpu.memory_space<vmem>>, vector<1x16xf32>,
      %parallel_loop3A_156 = vector.shape_cast %parallel_loop3A_155 : vector<1x16xf32> to vector<16xf32>
      %parallel_loop3A_157 = arith.index_cast %parallel_loop3A_62 : i32 to index
      %parallel_loop3A_158 = arith.constant 160 : index
      %parallel_loop3A_159 = tpu.vector_load %arg9[%parallel_loop3A_157, %parallel_loop3A_158] {strides = array<i32>} : memref<40x512xf32, #tpu.memory_space<vmem>>, vector<1x16xf32>,
      %parallel_loop3A_160 = vector.shape_cast %parallel_loop3A_159 : vector<1x16xf32> to vector<16xf32>
      %parallel_loop3A_161 = vector.shape_cast %parallel_loop3A_156 : vector<16xf32> to vector<1x16xf32>
      tpu.vector_store %arg9[%parallel_loop3A_157, %parallel_loop3A_158], %parallel_loop3A_161 {add = true, strides = array<i32>} : memref<40x512xf32, #tpu.memory_space<vmem>>, vector<1x16xf32>,
      %parallel_loop3A_162 = arith.index_cast %parallel_loop3A_62 : i32 to index
      %parallel_loop3A_163 = arith.constant 176 : index
      %parallel_loop3A_164 = tpu.vector_load %arg10[%parallel_loop3A_162, %parallel_loop3A_163] {strides = array<i32>} : memref<40x512xf32, #tpu.memory_space<vmem>>, vector<1x16xf32>,
      %parallel_loop3A_165 = vector.shape_cast %parallel_loop3A_164 : vector<1x16xf32> to vector<16xf32>
      %parallel_loop3A_166 = arith.index_cast %parallel_loop3A_62 : i32 to index
      %parallel_loop3A_167 = arith.constant 176 : index
      %parallel_loop3A_168 = tpu.vector_load %arg9[%parallel_loop3A_166, %parallel_loop3A_167] {strides = array<i32>} : memref<40x512xf32, #tpu.memory_space<vmem>>, vector<1x16xf32>,
      %parallel_loop3A_169 = vector.shape_cast %parallel_loop3A_168 : vector<1x16xf32> to vector<16xf32>
      %parallel_loop3A_170 = vector.shape_cast %parallel_loop3A_165 : vector<16xf32> to vector<1x16xf32>
      tpu.vector_store %arg9[%parallel_loop3A_166, %parallel_loop3A_167], %parallel_loop3A_170 {add = true, strides = array<i32>} : memref<40x512xf32, #tpu.memory_space<vmem>>, vector<1x16xf32>,
      %parallel_loop3A_171 = arith.index_cast %parallel_loop3A_62 : i32 to index
      %parallel_loop3A_172 = arith.constant 192 : index
      %parallel_loop3A_173 = tpu.vector_load %arg10[%parallel_loop3A_171, %parallel_loop3A_172] {strides = array<i32>} : memref<40x512xf32, #tpu.memory_space<vmem>>, vector<1x16xf32>,
      %parallel_loop3A_174 = vector.shape_cast %parallel_loop3A_173 : vector<1x16xf32> to vector<16xf32>
      %parallel_loop3A_175 = arith.index_cast %parallel_loop3A_62 : i32 to index
      %parallel_loop3A_176 = arith.constant 192 : index
      %parallel_loop3A_177 = tpu.vector_load %arg9[%parallel_loop3A_175, %parallel_loop3A_176] {strides = array<i32>} : memref<40x512xf32, #tpu.memory_space<vmem>>, vector<1x16xf32>,
      %parallel_loop3A_178 = vector.shape_cast %parallel_loop3A_177 : vector<1x16xf32> to vector<16xf32>
      %parallel_loop3A_179 = vector.shape_cast %parallel_loop3A_174 : vector<16xf32> to vector<1x16xf32>
      tpu.vector_store %arg9[%parallel_loop3A_175, %parallel_loop3A_176], %parallel_loop3A_179 {add = true, strides = array<i32>} : memref<40x512xf32, #tpu.memory_space<vmem>>, vector<1x16xf32>,
      %parallel_loop3A_180 = arith.index_cast %parallel_loop3A_62 : i32 to index
      %parallel_loop3A_181 = arith.constant 208 : index
      %parallel_loop3A_182 = tpu.vector_load %arg10[%parallel_loop3A_180, %parallel_loop3A_181] {strides = array<i32>} : memref<40x512xf32, #tpu.memory_space<vmem>>, vector<1x16xf32>,
      %parallel_loop3A_183 = vector.shape_cast %parallel_loop3A_182 : vector<1x16xf32> to vector<16xf32>
      %parallel_loop3A_184 = arith.index_cast %parallel_loop3A_62 : i32 to index
      %parallel_loop3A_185 = arith.constant 208 : index
      %parallel_loop3A_186 = tpu.vector_load %arg9[%parallel_loop3A_184, %parallel_loop3A_185] {strides = array<i32>} : memref<40x512xf32, #tpu.memory_space<vmem>>, vector<1x16xf32>,
      %parallel_loop3A_187 = vector.shape_cast %parallel_loop3A_186 : vector<1x16xf32> to vector<16xf32>
      %parallel_loop3A_188 = vector.shape_cast %parallel_loop3A_183 : vector<16xf32> to vector<1x16xf32>
      tpu.vector_store %arg9[%parallel_loop3A_184, %parallel_loop3A_185], %parallel_loop3A_188 {add = true, strides = array<i32>} : memref<40x512xf32, #tpu.memory_space<vmem>>, vector<1x16xf32>,
      %parallel_loop3A_189 = arith.index_cast %parallel_loop3A_62 : i32 to index
      %parallel_loop3A_190 = arith.constant 224 : index
      %parallel_loop3A_191 = tpu.vector_load %arg10[%parallel_loop3A_189, %parallel_loop3A_190] {strides = array<i32>} : memref<40x512xf32, #tpu.memory_space<vmem>>, vector<1x16xf32>,
      %parallel_loop3A_192 = vector.shape_cast %parallel_loop3A_191 : vector<1x16xf32> to vector<16xf32>
      %parallel_loop3A_193 = arith.index_cast %parallel_loop3A_62 : i32 to index
      %parallel_loop3A_194 = arith.constant 224 : index
      %parallel_loop3A_195 = tpu.vector_load %arg9[%parallel_loop3A_193, %parallel_loop3A_194] {strides = array<i32>} : memref<40x512xf32, #tpu.memory_space<vmem>>, vector<1x16xf32>,
      %parallel_loop3A_196 = vector.shape_cast %parallel_loop3A_195 : vector<1x16xf32> to vector<16xf32>
      %parallel_loop3A_197 = vector.shape_cast %parallel_loop3A_192 : vector<16xf32> to vector<1x16xf32>
      tpu.vector_store %arg9[%parallel_loop3A_193, %parallel_loop3A_194], %parallel_loop3A_197 {add = true, strides = array<i32>} : memref<40x512xf32, #tpu.memory_space<vmem>>, vector<1x16xf32>,
      %parallel_loop3A_198 = arith.index_cast %parallel_loop3A_62 : i32 to index
      %parallel_loop3A_199 = arith.constant 240 : index
      %parallel_loop3A_200 = tpu.vector_load %arg10[%parallel_loop3A_198, %parallel_loop3A_199] {strides = array<i32>} : memref<40x512xf32, #tpu.memory_space<vmem>>, vector<1x16xf32>,
      %parallel_loop3A_201 = vector.shape_cast %parallel_loop3A_200 : vector<1x16xf32> to vector<16xf32>
      %parallel_loop3A_202 = arith.index_cast %parallel_loop3A_62 : i32 to index
      %parallel_loop3A_203 = arith.constant 240 : index
      %parallel_loop3A_204 = tpu.vector_load %arg9[%parallel_loop3A_202, %parallel_loop3A_203] {strides = array<i32>} : memref<40x512xf32, #tpu.memory_space<vmem>>, vector<1x16xf32>,
      %parallel_loop3A_205 = vector.shape_cast %parallel_loop3A_204 : vector<1x16xf32> to vector<16xf32>
      %parallel_loop3A_206 = vector.shape_cast %parallel_loop3A_201 : vector<16xf32> to vector<1x16xf32>
      tpu.vector_store %arg9[%parallel_loop3A_202, %parallel_loop3A_203], %parallel_loop3A_206 {add = true, strides = array<i32>} : memref<40x512xf32, #tpu.memory_space<vmem>>, vector<1x16xf32>,
      %parallel_loop3A_207 = arith.index_cast %parallel_loop3A_62 : i32 to index
      %parallel_loop3A_208 = arith.constant 256 : index
      %parallel_loop3A_209 = tpu.vector_load %arg10[%parallel_loop3A_207, %parallel_loop3A_208] {strides = array<i32>} : memref<40x512xf32, #tpu.memory_space<vmem>>, vector<1x16xf32>,
      %parallel_loop3A_210 = vector.shape_cast %parallel_loop3A_209 : vector<1x16xf32> to vector<16xf32>
      %parallel_loop3A_211 = arith.index_cast %parallel_loop3A_62 : i32 to index
      %parallel_loop3A_212 = arith.constant 256 : index
      %parallel_loop3A_213 = tpu.vector_load %arg9[%parallel_loop3A_211, %parallel_loop3A_212] {strides = array<i32>} : memref<40x512xf32, #tpu.memory_space<vmem>>, vector<1x16xf32>,
      %parallel_loop3A_214 = vector.shape_cast %parallel_loop3A_213 : vector<1x16xf32> to vector<16xf32>
      %parallel_loop3A_215 = vector.shape_cast %parallel_loop3A_210 : vector<16xf32> to vector<1x16xf32>
      tpu.vector_store %arg9[%parallel_loop3A_211, %parallel_loop3A_212], %parallel_loop3A_215 {add = true, strides = array<i32>} : memref<40x512xf32, #tpu.memory_space<vmem>>, vector<1x16xf32>,
      %parallel_loop3A_216 = arith.index_cast %parallel_loop3A_62 : i32 to index
      %parallel_loop3A_217 = arith.constant 272 : index
      %parallel_loop3A_218 = tpu.vector_load %arg10[%parallel_loop3A_216, %parallel_loop3A_217] {strides = array<i32>} : memref<40x512xf32, #tpu.memory_space<vmem>>, vector<1x16xf32>,
      %parallel_loop3A_219 = vector.shape_cast %parallel_loop3A_218 : vector<1x16xf32> to vector<16xf32>
      %parallel_loop3A_220 = arith.index_cast %parallel_loop3A_62 : i32 to index
      %parallel_loop3A_221 = arith.constant 272 : index
      %parallel_loop3A_222 = tpu.vector_load %arg9[%parallel_loop3A_220, %parallel_loop3A_221] {strides = array<i32>} : memref<40x512xf32, #tpu.memory_space<vmem>>, vector<1x16xf32>,
      %parallel_loop3A_223 = vector.shape_cast %parallel_loop3A_222 : vector<1x16xf32> to vector<16xf32>
      %parallel_loop3A_224 = vector.shape_cast %parallel_loop3A_219 : vector<16xf32> to vector<1x16xf32>
      tpu.vector_store %arg9[%parallel_loop3A_220, %parallel_loop3A_221], %parallel_loop3A_224 {add = true, strides = array<i32>} : memref<40x512xf32, #tpu.memory_space<vmem>>, vector<1x16xf32>,
      %parallel_loop3A_225 = arith.index_cast %parallel_loop3A_62 : i32 to index
      %parallel_loop3A_226 = arith.constant 288 : index
      %parallel_loop3A_227 = tpu.vector_load %arg10[%parallel_loop3A_225, %parallel_loop3A_226] {strides = array<i32>} : memref<40x512xf32, #tpu.memory_space<vmem>>, vector<1x16xf32>,
      %parallel_loop3A_228 = vector.shape_cast %parallel_loop3A_227 : vector<1x16xf32> to vector<16xf32>
      %parallel_loop3A_229 = arith.index_cast %parallel_loop3A_62 : i32 to index
      %parallel_loop3A_230 = arith.constant 288 : index
      %parallel_loop3A_231 = tpu.vector_load %arg9[%parallel_loop3A_229, %parallel_loop3A_230] {strides = array<i32>} : memref<40x512xf32, #tpu.memory_space<vmem>>, vector<1x16xf32>,
      %parallel_loop3A_232 = vector.shape_cast %parallel_loop3A_231 : vector<1x16xf32> to vector<16xf32>
      %parallel_loop3A_233 = vector.shape_cast %parallel_loop3A_228 : vector<16xf32> to vector<1x16xf32>
      tpu.vector_store %arg9[%parallel_loop3A_229, %parallel_loop3A_230], %parallel_loop3A_233 {add = true, strides = array<i32>} : memref<40x512xf32, #tpu.memory_space<vmem>>, vector<1x16xf32>,
      %parallel_loop3A_234 = arith.index_cast %parallel_loop3A_62 : i32 to index
      %parallel_loop3A_235 = arith.constant 304 : index
      %parallel_loop3A_236 = tpu.vector_load %arg10[%parallel_loop3A_234, %parallel_loop3A_235] {strides = array<i32>} : memref<40x512xf32, #tpu.memory_space<vmem>>, vector<1x16xf32>,
      %parallel_loop3A_237 = vector.shape_cast %parallel_loop3A_236 : vector<1x16xf32> to vector<16xf32>
      %parallel_loop3A_238 = arith.index_cast %parallel_loop3A_62 : i32 to index
      %parallel_loop3A_239 = arith.constant 304 : index
      %parallel_loop3A_240 = tpu.vector_load %arg9[%parallel_loop3A_238, %parallel_loop3A_239] {strides = array<i32>} : memref<40x512xf32, #tpu.memory_space<vmem>>, vector<1x16xf32>,
      %parallel_loop3A_241 = vector.shape_cast %parallel_loop3A_240 : vector<1x16xf32> to vector<16xf32>
      %parallel_loop3A_242 = vector.shape_cast %parallel_loop3A_237 : vector<16xf32> to vector<1x16xf32>
      tpu.vector_store %arg9[%parallel_loop3A_238, %parallel_loop3A_239], %parallel_loop3A_242 {add = true, strides = array<i32>} : memref<40x512xf32, #tpu.memory_space<vmem>>, vector<1x16xf32>,
      %parallel_loop3A_243 = arith.index_cast %parallel_loop3A_62 : i32 to index
      %parallel_loop3A_244 = arith.constant 320 : index
      %parallel_loop3A_245 = tpu.vector_load %arg10[%parallel_loop3A_243, %parallel_loop3A_244] {strides = array<i32>} : memref<40x512xf32, #tpu.memory_space<vmem>>, vector<1x16xf32>,
      %parallel_loop3A_246 = vector.shape_cast %parallel_loop3A_245 : vector<1x16xf32> to vector<16xf32>
      %parallel_loop3A_247 = arith.index_cast %parallel_loop3A_62 : i32 to index
      %parallel_loop3A_248 = arith.constant 320 : index
      %parallel_loop3A_249 = tpu.vector_load %arg9[%parallel_loop3A_247, %parallel_loop3A_248] {strides = array<i32>} : memref<40x512xf32, #tpu.memory_space<vmem>>, vector<1x16xf32>,
      %parallel_loop3A_250 = vector.shape_cast %parallel_loop3A_249 : vector<1x16xf32> to vector<16xf32>
      %parallel_loop3A_251 = vector.shape_cast %parallel_loop3A_246 : vector<16xf32> to vector<1x16xf32>
      tpu.vector_store %arg9[%parallel_loop3A_247, %parallel_loop3A_248], %parallel_loop3A_251 {add = true, strides = array<i32>} : memref<40x512xf32, #tpu.memory_space<vmem>>, vector<1x16xf32>,
      %parallel_loop3A_252 = arith.index_cast %parallel_loop3A_62 : i32 to index
      %parallel_loop3A_253 = arith.constant 336 : index
      %parallel_loop3A_254 = tpu.vector_load %arg10[%parallel_loop3A_252, %parallel_loop3A_253] {strides = array<i32>} : memref<40x512xf32, #tpu.memory_space<vmem>>, vector<1x16xf32>,
      %parallel_loop3A_255 = vector.shape_cast %parallel_loop3A_254 : vector<1x16xf32> to vector<16xf32>
      %parallel_loop3A_256 = arith.index_cast %parallel_loop3A_62 : i32 to index
      %parallel_loop3A_257 = arith.constant 336 : index
      %parallel_loop3A_258 = tpu.vector_load %arg9[%parallel_loop3A_256, %parallel_loop3A_257] {strides = array<i32>} : memref<40x512xf32, #tpu.memory_space<vmem>>, vector<1x16xf32>,
      %parallel_loop3A_259 = vector.shape_cast %parallel_loop3A_258 : vector<1x16xf32> to vector<16xf32>
      %parallel_loop3A_260 = vector.shape_cast %parallel_loop3A_255 : vector<16xf32> to vector<1x16xf32>
      tpu.vector_store %arg9[%parallel_loop3A_256, %parallel_loop3A_257], %parallel_loop3A_260 {add = true, strides = array<i32>} : memref<40x512xf32, #tpu.memory_space<vmem>>, vector<1x16xf32>,
      %parallel_loop3A_261 = arith.index_cast %parallel_loop3A_62 : i32 to index
      %parallel_loop3A_262 = arith.constant 352 : index
      %parallel_loop3A_263 = tpu.vector_load %arg10[%parallel_loop3A_261, %parallel_loop3A_262] {strides = array<i32>} : memref<40x512xf32, #tpu.memory_space<vmem>>, vector<1x16xf32>,
      %parallel_loop3A_264 = vector.shape_cast %parallel_loop3A_263 : vector<1x16xf32> to vector<16xf32>
      %parallel_loop3A_265 = arith.index_cast %parallel_loop3A_62 : i32 to index
      %parallel_loop3A_266 = arith.constant 352 : index
      %parallel_loop3A_267 = tpu.vector_load %arg9[%parallel_loop3A_265, %parallel_loop3A_266] {strides = array<i32>} : memref<40x512xf32, #tpu.memory_space<vmem>>, vector<1x16xf32>,
      %parallel_loop3A_268 = vector.shape_cast %parallel_loop3A_267 : vector<1x16xf32> to vector<16xf32>
      %parallel_loop3A_269 = vector.shape_cast %parallel_loop3A_264 : vector<16xf32> to vector<1x16xf32>
      tpu.vector_store %arg9[%parallel_loop3A_265, %parallel_loop3A_266], %parallel_loop3A_269 {add = true, strides = array<i32>} : memref<40x512xf32, #tpu.memory_space<vmem>>, vector<1x16xf32>,
      %parallel_loop3A_270 = arith.index_cast %parallel_loop3A_62 : i32 to index
      %parallel_loop3A_271 = arith.constant 368 : index
      %parallel_loop3A_272 = tpu.vector_load %arg10[%parallel_loop3A_270, %parallel_loop3A_271] {strides = array<i32>} : memref<40x512xf32, #tpu.memory_space<vmem>>, vector<1x16xf32>,
      %parallel_loop3A_273 = vector.shape_cast %parallel_loop3A_272 : vector<1x16xf32> to vector<16xf32>
      %parallel_loop3A_274 = arith.index_cast %parallel_loop3A_62 : i32 to index
      %parallel_loop3A_275 = arith.constant 368 : index
      %parallel_loop3A_276 = tpu.vector_load %arg9[%parallel_loop3A_274, %parallel_loop3A_275] {strides = array<i32>} : memref<40x512xf32, #tpu.memory_space<vmem>>, vector<1x16xf32>,
      %parallel_loop3A_277 = vector.shape_cast %parallel_loop3A_276 : vector<1x16xf32> to vector<16xf32>
      %parallel_loop3A_278 = vector.shape_cast %parallel_loop3A_273 : vector<16xf32> to vector<1x16xf32>
      tpu.vector_store %arg9[%parallel_loop3A_274, %parallel_loop3A_275], %parallel_loop3A_278 {add = true, strides = array<i32>} : memref<40x512xf32, #tpu.memory_space<vmem>>, vector<1x16xf32>,
      %parallel_loop3A_279 = arith.index_cast %parallel_loop3A_62 : i32 to index
      %parallel_loop3A_280 = arith.constant 384 : index
      %parallel_loop3A_281 = tpu.vector_load %arg10[%parallel_loop3A_279, %parallel_loop3A_280] {strides = array<i32>} : memref<40x512xf32, #tpu.memory_space<vmem>>, vector<1x16xf32>,
      %parallel_loop3A_282 = vector.shape_cast %parallel_loop3A_281 : vector<1x16xf32> to vector<16xf32>
      %parallel_loop3A_283 = arith.index_cast %parallel_loop3A_62 : i32 to index
      %parallel_loop3A_284 = arith.constant 384 : index
      %parallel_loop3A_285 = tpu.vector_load %arg9[%parallel_loop3A_283, %parallel_loop3A_284] {strides = array<i32>} : memref<40x512xf32, #tpu.memory_space<vmem>>, vector<1x16xf32>,
      %parallel_loop3A_286 = vector.shape_cast %parallel_loop3A_285 : vector<1x16xf32> to vector<16xf32>
      %parallel_loop3A_287 = vector.shape_cast %parallel_loop3A_282 : vector<16xf32> to vector<1x16xf32>
      tpu.vector_store %arg9[%parallel_loop3A_283, %parallel_loop3A_284], %parallel_loop3A_287 {add = true, strides = array<i32>} : memref<40x512xf32, #tpu.memory_space<vmem>>, vector<1x16xf32>,
      %parallel_loop3A_288 = arith.index_cast %parallel_loop3A_62 : i32 to index
      %parallel_loop3A_289 = arith.constant 400 : index
      %parallel_loop3A_290 = tpu.vector_load %arg10[%parallel_loop3A_288, %parallel_loop3A_289] {strides = array<i32>} : memref<40x512xf32, #tpu.memory_space<vmem>>, vector<1x16xf32>,
      %parallel_loop3A_291 = vector.shape_cast %parallel_loop3A_290 : vector<1x16xf32> to vector<16xf32>
      %parallel_loop3A_292 = arith.index_cast %parallel_loop3A_62 : i32 to index
      %parallel_loop3A_293 = arith.constant 400 : index
      %parallel_loop3A_294 = tpu.vector_load %arg9[%parallel_loop3A_292, %parallel_loop3A_293] {strides = array<i32>} : memref<40x512xf32, #tpu.memory_space<vmem>>, vector<1x16xf32>,
      %parallel_loop3A_295 = vector.shape_cast %parallel_loop3A_294 : vector<1x16xf32> to vector<16xf32>
      %parallel_loop3A_296 = vector.shape_cast %parallel_loop3A_291 : vector<16xf32> to vector<1x16xf32>
      tpu.vector_store %arg9[%parallel_loop3A_292, %parallel_loop3A_293], %parallel_loop3A_296 {add = true, strides = array<i32>} : memref<40x512xf32, #tpu.memory_space<vmem>>, vector<1x16xf32>,
      %parallel_loop3A_297 = arith.index_cast %parallel_loop3A_62 : i32 to index
      %parallel_loop3A_298 = arith.constant 416 : index
      %parallel_loop3A_299 = tpu.vector_load %arg10[%parallel_loop3A_297, %parallel_loop3A_298] {strides = array<i32>} : memref<40x512xf32, #tpu.memory_space<vmem>>, vector<1x16xf32>,
      %parallel_loop3A_300 = vector.shape_cast %parallel_loop3A_299 : vector<1x16xf32> to vector<16xf32>
      %parallel_loop3A_301 = arith.index_cast %parallel_loop3A_62 : i32 to index
      %parallel_loop3A_302 = arith.constant 416 : index
      %parallel_loop3A_303 = tpu.vector_load %arg9[%parallel_loop3A_301, %parallel_loop3A_302] {strides = array<i32>} : memref<40x512xf32, #tpu.memory_space<vmem>>, vector<1x16xf32>,
      %parallel_loop3A_304 = vector.shape_cast %parallel_loop3A_303 : vector<1x16xf32> to vector<16xf32>
      %parallel_loop3A_305 = vector.shape_cast %parallel_loop3A_300 : vector<16xf32> to vector<1x16xf32>
      tpu.vector_store %arg9[%parallel_loop3A_301, %parallel_loop3A_302], %parallel_loop3A_305 {add = true, strides = array<i32>} : memref<40x512xf32, #tpu.memory_space<vmem>>, vector<1x16xf32>,
      %parallel_loop3A_306 = arith.index_cast %parallel_loop3A_62 : i32 to index
      %parallel_loop3A_307 = arith.constant 432 : index
      %parallel_loop3A_308 = tpu.vector_load %arg10[%parallel_loop3A_306, %parallel_loop3A_307] {strides = array<i32>} : memref<40x512xf32, #tpu.memory_space<vmem>>, vector<1x16xf32>,
      %parallel_loop3A_309 = vector.shape_cast %parallel_loop3A_308 : vector<1x16xf32> to vector<16xf32>
      %parallel_loop3A_310 = arith.index_cast %parallel_loop3A_62 : i32 to index
      %parallel_loop3A_311 = arith.constant 432 : index
      %parallel_loop3A_312 = tpu.vector_load %arg9[%parallel_loop3A_310, %parallel_loop3A_311] {strides = array<i32>} : memref<40x512xf32, #tpu.memory_space<vmem>>, vector<1x16xf32>,
      %parallel_loop3A_313 = vector.shape_cast %parallel_loop3A_312 : vector<1x16xf32> to vector<16xf32>
      %parallel_loop3A_314 = vector.shape_cast %parallel_loop3A_309 : vector<16xf32> to vector<1x16xf32>
      tpu.vector_store %arg9[%parallel_loop3A_310, %parallel_loop3A_311], %parallel_loop3A_314 {add = true, strides = array<i32>} : memref<40x512xf32, #tpu.memory_space<vmem>>, vector<1x16xf32>,
      %parallel_loop3A_315 = arith.index_cast %parallel_loop3A_62 : i32 to index
      %parallel_loop3A_316 = arith.constant 448 : index
      %parallel_loop3A_317 = tpu.vector_load %arg10[%parallel_loop3A_315, %parallel_loop3A_316] {strides = array<i32>} : memref<40x512xf32, #tpu.memory_space<vmem>>, vector<1x16xf32>,
      %parallel_loop3A_318 = vector.shape_cast %parallel_loop3A_317 : vector<1x16xf32> to vector<16xf32>
      %parallel_loop3A_319 = arith.index_cast %parallel_loop3A_62 : i32 to index
      %parallel_loop3A_320 = arith.constant 448 : index
      %parallel_loop3A_321 = tpu.vector_load %arg9[%parallel_loop3A_319, %parallel_loop3A_320] {strides = array<i32>} : memref<40x512xf32, #tpu.memory_space<vmem>>, vector<1x16xf32>,
      %parallel_loop3A_322 = vector.shape_cast %parallel_loop3A_321 : vector<1x16xf32> to vector<16xf32>
      %parallel_loop3A_323 = vector.shape_cast %parallel_loop3A_318 : vector<16xf32> to vector<1x16xf32>
      tpu.vector_store %arg9[%parallel_loop3A_319, %parallel_loop3A_320], %parallel_loop3A_323 {add = true, strides = array<i32>} : memref<40x512xf32, #tpu.memory_space<vmem>>, vector<1x16xf32>,
      %parallel_loop3A_324 = arith.index_cast %parallel_loop3A_62 : i32 to index
      %parallel_loop3A_325 = arith.constant 464 : index
      %parallel_loop3A_326 = tpu.vector_load %arg10[%parallel_loop3A_324, %parallel_loop3A_325] {strides = array<i32>} : memref<40x512xf32, #tpu.memory_space<vmem>>, vector<1x16xf32>,
      %parallel_loop3A_327 = vector.shape_cast %parallel_loop3A_326 : vector<1x16xf32> to vector<16xf32>
      %parallel_loop3A_328 = arith.index_cast %parallel_loop3A_62 : i32 to index
      %parallel_loop3A_329 = arith.constant 464 : index
      %parallel_loop3A_330 = tpu.vector_load %arg9[%parallel_loop3A_328, %parallel_loop3A_329] {strides = array<i32>} : memref<40x512xf32, #tpu.memory_space<vmem>>, vector<1x16xf32>,
      %parallel_loop3A_331 = vector.shape_cast %parallel_loop3A_330 : vector<1x16xf32> to vector<16xf32>
      %parallel_loop3A_332 = vector.shape_cast %parallel_loop3A_327 : vector<16xf32> to vector<1x16xf32>
      tpu.vector_store %arg9[%parallel_loop3A_328, %parallel_loop3A_329], %parallel_loop3A_332 {add = true, strides = array<i32>} : memref<40x512xf32, #tpu.memory_space<vmem>>, vector<1x16xf32>,
      %parallel_loop3A_333 = arith.index_cast %parallel_loop3A_62 : i32 to index
      %parallel_loop3A_334 = arith.constant 480 : index
      %parallel_loop3A_335 = tpu.vector_load %arg10[%parallel_loop3A_333, %parallel_loop3A_334] {strides = array<i32>} : memref<40x512xf32, #tpu.memory_space<vmem>>, vector<1x16xf32>,
      %parallel_loop3A_336 = vector.shape_cast %parallel_loop3A_335 : vector<1x16xf32> to vector<16xf32>
      %parallel_loop3A_337 = arith.index_cast %parallel_loop3A_62 : i32 to index
      %parallel_loop3A_338 = arith.constant 480 : index
      %parallel_loop3A_339 = tpu.vector_load %arg9[%parallel_loop3A_337, %parallel_loop3A_338] {strides = array<i32>} : memref<40x512xf32, #tpu.memory_space<vmem>>, vector<1x16xf32>,
      %parallel_loop3A_340 = vector.shape_cast %parallel_loop3A_339 : vector<1x16xf32> to vector<16xf32>
      %parallel_loop3A_341 = vector.shape_cast %parallel_loop3A_336 : vector<16xf32> to vector<1x16xf32>
      tpu.vector_store %arg9[%parallel_loop3A_337, %parallel_loop3A_338], %parallel_loop3A_341 {add = true, strides = array<i32>} : memref<40x512xf32, #tpu.memory_space<vmem>>, vector<1x16xf32>,
      %parallel_loop3A_342 = arith.index_cast %parallel_loop3A_62 : i32 to index
      %parallel_loop3A_343 = arith.constant 496 : index
      %parallel_loop3A_344 = tpu.vector_load %arg10[%parallel_loop3A_342, %parallel_loop3A_343] {strides = array<i32>} : memref<40x512xf32, #tpu.memory_space<vmem>>, vector<1x16xf32>,
      %parallel_loop3A_345 = vector.shape_cast %parallel_loop3A_344 : vector<1x16xf32> to vector<16xf32>
      %parallel_loop3A_346 = arith.index_cast %parallel_loop3A_62 : i32 to index
      %parallel_loop3A_347 = arith.constant 496 : index
      %parallel_loop3A_348 = tpu.vector_load %arg9[%parallel_loop3A_346, %parallel_loop3A_347] {strides = array<i32>} : memref<40x512xf32, #tpu.memory_space<vmem>>, vector<1x16xf32>,
      %parallel_loop3A_349 = vector.shape_cast %parallel_loop3A_348 : vector<1x16xf32> to vector<16xf32>
      %parallel_loop3A_350 = vector.shape_cast %parallel_loop3A_345 : vector<16xf32> to vector<1x16xf32>
      tpu.vector_store %arg9[%parallel_loop3A_346, %parallel_loop3A_347], %parallel_loop3A_350 {add = true, strides = array<i32>} : memref<40x512xf32, #tpu.memory_space<vmem>>, vector<1x16xf32>,
    } {sc.loop_unroll_factor = 2 : i64, sc.parallel_access}
    %add3A_60 = arith.constant 4960 : i32
    %add3A_61 = arith.addi %mul3A_2, %add3A_60 : i32
    "tpu.region"() ({
      %run_scoped3A = tpu.sem_alloc : memref<!tpu.dma_semaphore, #tpu.memory_space<semaphore_mem>>
      %dma_start3A_62 = arith.constant 0 : i32
      %dma_start3A_63 = tpu.memref_slice %arg6[%add3A_61, %dma_start3A_62] : memref<160000x512xf32, #tpu.memory_space<hbm>> -> memref<40x512xf32, #tpu.memory_space<hbm>>
      %dma_start3A_64 = arith.constant 0 : i32
      %dma_start3A_65 = tpu.memref_slice %arg6[%add3A_61, %dma_start3A_64] : memref<160000x512xf32, #tpu.memory_space<hbm>> -> memref<40x512xf32, #tpu.memory_space<hbm>>
      tpu.enqueue_dma source(%arg9 : memref<40x512xf32, #tpu.memory_space<vmem>>) target(%dma_start3A_65 : memref<40x512xf32, #tpu.memory_space<hbm>>) target_semaphore(%run_scoped3A : memref<!tpu.dma_semaphore, #tpu.memory_space<semaphore_mem>>)
      %dma_wait3A_66 = arith.constant 0 : i32
      %dma_wait3A_67 = tpu.memref_slice %arg6[%add3A_61, %dma_wait3A_66] : memref<160000x512xf32, #tpu.memory_space<hbm>> -> memref<40x512xf32, #tpu.memory_space<hbm>>
      %dma_wait3A_68 = arith.constant 0 : i32
      %dma_wait3A_69 = tpu.memref_slice %arg6[%add3A_61, %dma_wait3A_68] : memref<160000x512xf32, #tpu.memory_space<hbm>> -> memref<40x512xf32, #tpu.memory_space<hbm>>
      tpu.wait_dma2 semaphore(%run_scoped3A : memref<!tpu.dma_semaphore, #tpu.memory_space<semaphore_mem>>) src(%arg9 : memref<40x512xf32, #tpu.memory_space<vmem>>) dst(%dma_wait3A_69 : memref<40x512xf32, #tpu.memory_space<hbm>>)
      tpu.yield
    }) : () -> ()
    return
  }
}

#map = affine_map<(d0, d1) -> (0, 0, 0)>
#map1 = affine_map<(d0, d1) -> (0, 0)>
module attributes {stable_mosaic.version = 14 : i64} {
  func.func @k(%arg0: i32, %arg1: i32, %arg2: memref<2x160000x128xf32, #tpu.memory_space<hbm>>, %arg3: memref<16x125x80xi32, #tpu.memory_space<hbm>>, %arg4: memref<10000x128xf32, #tpu.memory_space<hbm>>, %arg5: memref<2x10000x128xf32, #tpu.memory_space<hbm>>, %arg6: memref<125x80xi32, #tpu.memory_space<vmem>>, %arg7: memref<80x128xf32, #tpu.memory_space<vmem>>, %arg8: memref<80x128xf32, #tpu.memory_space<vmem>>, %arg9: memref<10000x128xf32, #tpu.memory_space<vmem_shared>>, %arg10: memref<!tpu.dma_semaphore, #tpu.memory_space<semaphore_mem>>, %arg11: memref<!tpu.dma_semaphore, #tpu.memory_space<semaphore_mem>>) attributes {dimension_semantics = [#tpu.dimension_semantics<core_parallel>, #tpu.dimension_semantics<subcore_parallel>], iteration_bounds = array<i64: 2, 16>, scalar_prefetch = 0 : i64, scratch_operands = 6 : i64, tpu.core_type = #tpu.core_type<sc_vector_subcore>, window_params = [{transform_indices = #map}, {transform_indices = #map}, {transform_indices = #map1}, {transform_indices = #map}]} {
    %mul3A = arith.constant 10000 : i32
    %mul3A_0 = arith.muli %arg1, %mul3A : i32
    "tpu.region"() ({
      %run_scoped3A_34 = tpu.sem_alloc : memref<!tpu.dma_semaphore, #tpu.memory_space<semaphore_mem>>
      %dma_start3A_35 = arith.constant 0 : i32
      %dma_start3A_36 = arith.constant 0 : i32
      %dma_start3A_37 = tpu.memref_slice %arg3[%arg1, %dma_start3A_35, %dma_start3A_36] : memref<16x125x80xi32, #tpu.memory_space<hbm>> -> memref<1x125x80xi32, #tpu.memory_space<hbm>>
      %dma_start3A_38 = tpu.memref_squeeze %dma_start3A_37 : memref<1x125x80xi32, #tpu.memory_space<hbm>> -> memref<125x80xi32, #tpu.memory_space<hbm>>
      %dma_start3A_39 = arith.constant 0 : i32
      %dma_start3A_40 = arith.constant 0 : i32
      %dma_start3A_41 = tpu.memref_slice %arg3[%arg1, %dma_start3A_39, %dma_start3A_40] : memref<16x125x80xi32, #tpu.memory_space<hbm>> -> memref<1x125x80xi32, #tpu.memory_space<hbm>>
      %dma_start3A_42 = tpu.memref_squeeze %dma_start3A_41 : memref<1x125x80xi32, #tpu.memory_space<hbm>> -> memref<125x80xi32, #tpu.memory_space<hbm>>
      tpu.enqueue_dma source(%dma_start3A_42 : memref<125x80xi32, #tpu.memory_space<hbm>>) target(%arg6 : memref<125x80xi32, #tpu.memory_space<vmem>>) target_semaphore(%run_scoped3A_34 : memref<!tpu.dma_semaphore, #tpu.memory_space<semaphore_mem>>)
      %dma_wait3A_43 = arith.constant 0 : i32
      %dma_wait3A_44 = arith.constant 0 : i32
      %dma_wait3A_45 = tpu.memref_slice %arg3[%arg1, %dma_wait3A_43, %dma_wait3A_44] : memref<16x125x80xi32, #tpu.memory_space<hbm>> -> memref<1x125x80xi32, #tpu.memory_space<hbm>>
      %dma_wait3A_46 = tpu.memref_squeeze %dma_wait3A_45 : memref<1x125x80xi32, #tpu.memory_space<hbm>> -> memref<125x80xi32, #tpu.memory_space<hbm>>
      %dma_wait3A_47 = arith.constant 0 : i32
      %dma_wait3A_48 = arith.constant 0 : i32
      %dma_wait3A_49 = tpu.memref_slice %arg3[%arg1, %dma_wait3A_47, %dma_wait3A_48] : memref<16x125x80xi32, #tpu.memory_space<hbm>> -> memref<1x125x80xi32, #tpu.memory_space<hbm>>
      %dma_wait3A_50 = tpu.memref_squeeze %dma_wait3A_49 : memref<1x125x80xi32, #tpu.memory_space<hbm>> -> memref<125x80xi32, #tpu.memory_space<hbm>>
      tpu.wait_dma2 semaphore(%run_scoped3A_34 : memref<!tpu.dma_semaphore, #tpu.memory_space<semaphore_mem>>) src(%dma_wait3A_50 : memref<125x80xi32, #tpu.memory_space<hbm>>) dst(%arg6 : memref<125x80xi32, #tpu.memory_space<vmem>>)
      tpu.yield
    }) : () -> ()
    %eq3A = arith.constant 0 : i32
    %eq3A_1 = arith.cmpi eq, %arg1, %eq3A : i32
    %convert_element_type3A = arith.extui %eq3A_1 : i1 to i32
    %cond3A = arith.constant 0 : i32
    %cond3A_2 = arith.cmpi ne, %convert_element_type3A, %cond3A : i32
    scf.if %cond3A_2 {
      "tpu.region"() ({
        %run_scoped3A_34 = tpu.sem_alloc : memref<!tpu.dma_semaphore, #tpu.memory_space<semaphore_mem>>
        tpu.enqueue_dma source(%arg4 : memref<10000x128xf32, #tpu.memory_space<hbm>>) target(%arg9 : memref<10000x128xf32, #tpu.memory_space<vmem_shared>>) target_semaphore(%run_scoped3A_34 : memref<!tpu.dma_semaphore, #tpu.memory_space<semaphore_mem>>)
        tpu.wait_dma2 semaphore(%run_scoped3A_34 : memref<!tpu.dma_semaphore, #tpu.memory_space<semaphore_mem>>) src(%arg4 : memref<10000x128xf32, #tpu.memory_space<hbm>>) dst(%arg9 : memref<10000x128xf32, #tpu.memory_space<vmem_shared>>)
        tpu.yield
      }) : () -> ()
    } else {
    }
    %barrier3A = arith.constant 0 : index
    tpu.barrier barrier_id(%barrier3A)
    %add3A = arith.constant 0 : i32
    %add3A_3 = arith.addi %mul3A_0, %add3A : i32
    %dma_start3A = arith.constant 0 : i32
    %dma_start3A_4 = tpu.memref_slice %arg2[%arg0, %add3A_3, %dma_start3A] : memref<2x160000x128xf32, #tpu.memory_space<hbm>> -> memref<1x80x128xf32, #tpu.memory_space<hbm>>
    %dma_start3A_5 = tpu.memref_squeeze %dma_start3A_4 : memref<1x80x128xf32, #tpu.memory_space<hbm>> -> memref<80x128xf32, #tpu.memory_space<hbm>>
    %dma_start3A_6 = arith.constant 0 : i32
    %dma_start3A_7 = tpu.memref_slice %arg2[%arg0, %add3A_3, %dma_start3A_6] : memref<2x160000x128xf32, #tpu.memory_space<hbm>> -> memref<1x80x128xf32, #tpu.memory_space<hbm>>
    %dma_start3A_8 = tpu.memref_squeeze %dma_start3A_7 : memref<1x80x128xf32, #tpu.memory_space<hbm>> -> memref<80x128xf32, #tpu.memory_space<hbm>>
    tpu.enqueue_dma source(%dma_start3A_8 : memref<80x128xf32, #tpu.memory_space<hbm>>) target(%arg7 : memref<80x128xf32, #tpu.memory_space<vmem>>) target_semaphore(%arg10 : memref<!tpu.dma_semaphore, #tpu.memory_space<semaphore_mem>>)
    %add3A_9 = arith.constant 80 : i32
    %add3A_10 = arith.addi %mul3A_0, %add3A_9 : i32
    %dma_start3A_11 = arith.constant 0 : i32
    %dma_start3A_12 = tpu.memref_slice %arg2[%arg0, %add3A_10, %dma_start3A_11] : memref<2x160000x128xf32, #tpu.memory_space<hbm>> -> memref<1x80x128xf32, #tpu.memory_space<hbm>>
    %dma_start3A_13 = tpu.memref_squeeze %dma_start3A_12 : memref<1x80x128xf32, #tpu.memory_space<hbm>> -> memref<80x128xf32, #tpu.memory_space<hbm>>
    %dma_start3A_14 = arith.constant 0 : i32
    %dma_start3A_15 = tpu.memref_slice %arg2[%arg0, %add3A_10, %dma_start3A_14] : memref<2x160000x128xf32, #tpu.memory_space<hbm>> -> memref<1x80x128xf32, #tpu.memory_space<hbm>>
    %dma_start3A_16 = tpu.memref_squeeze %dma_start3A_15 : memref<1x80x128xf32, #tpu.memory_space<hbm>> -> memref<80x128xf32, #tpu.memory_space<hbm>>
    tpu.enqueue_dma source(%dma_start3A_16 : memref<80x128xf32, #tpu.memory_space<hbm>>) target(%arg8 : memref<80x128xf32, #tpu.memory_space<vmem>>) target_semaphore(%arg11 : memref<!tpu.dma_semaphore, #tpu.memory_space<semaphore_mem>>)
    %scan3A = arith.constant 0 : i32
    %scan3A_17 = arith.constant 0 : i32
    %scan3A_18 = arith.constant 62 : i32
    %scan3A_19 = arith.addi %scan3A_17, %scan3A_18 : i32
    %scan3A_20 = arith.constant 1 : i32
    scf.for %scan3A_34 = %scan3A_17 to %scan3A_19 step %scan3A_20  : i32 {
      %mul3A_35 = arith.constant 2 : i32
      %mul3A_36 = arith.muli %mul3A_35, %scan3A_34 : i32
      %mul3A_37 = arith.constant 80 : i32
      %mul3A_38 = arith.muli %mul3A_36, %mul3A_37 : i32
      %add3A_39 = arith.addi %mul3A_0, %mul3A_38 : i32
      %dma_wait3A_40 = arith.constant 0 : i32
      %dma_wait3A_41 = tpu.memref_slice %arg2[%arg0, %add3A_39, %dma_wait3A_40] : memref<2x160000x128xf32, #tpu.memory_space<hbm>> -> memref<1x80x128xf32, #tpu.memory_space<hbm>>
      %dma_wait3A_42 = tpu.memref_squeeze %dma_wait3A_41 : memref<1x80x128xf32, #tpu.memory_space<hbm>> -> memref<80x128xf32, #tpu.memory_space<hbm>>
      %dma_wait3A_43 = arith.constant 0 : i32
      %dma_wait3A_44 = tpu.memref_slice %arg2[%arg0, %add3A_39, %dma_wait3A_43] : memref<2x160000x128xf32, #tpu.memory_space<hbm>> -> memref<1x80x128xf32, #tpu.memory_space<hbm>>
      %dma_wait3A_45 = tpu.memref_squeeze %dma_wait3A_44 : memref<1x80x128xf32, #tpu.memory_space<hbm>> -> memref<80x128xf32, #tpu.memory_space<hbm>>
      tpu.wait_dma2 semaphore(%arg10 : memref<!tpu.dma_semaphore, #tpu.memory_space<semaphore_mem>>) src(%dma_wait3A_45 : memref<80x128xf32, #tpu.memory_space<hbm>>) dst(%arg7 : memref<80x128xf32, #tpu.memory_space<vmem>>)
      "tpu.region"() ({
        %run_scoped3A_75 = tpu.sem_alloc : memref<!tpu.dma_semaphore, #tpu.memory_space<semaphore_mem>>
        %dma_start3A_76 = arith.constant 0 : i32
        %dma_start3A_77 = tpu.memref_slice %arg6[%mul3A_36, %dma_start3A_76] : memref<125x80xi32, #tpu.memory_space<vmem>> -> memref<1x80xi32, #tpu.memory_space<vmem>>
        %dma_start3A_78 = tpu.memref_squeeze %dma_start3A_77 : memref<1x80xi32, #tpu.memory_space<vmem>> -> memref<80xi32, #tpu.memory_space<vmem>>
        %dma_start3A_79 = arith.constant 0 : i32
        %dma_start3A_80 = arith.constant 0 : i32
        %dma_start3A_81 = tpu.memref_slice %arg9[%dma_start3A_79, %dma_start3A_80] : memref<10000x128xf32, #tpu.memory_space<vmem_shared>> -> memref<10000x128xf32, #tpu.memory_space<vmem_shared>>
        tpu.enqueue_indirect_dma source(%arg7 : memref<80x128xf32, #tpu.memory_space<vmem>>) target(%dma_start3A_81 : memref<10000x128xf32, #tpu.memory_space<vmem_shared>>) offsets(%dma_start3A_78 : memref<80xi32, #tpu.memory_space<vmem>>) semaphore(%run_scoped3A_75 : memref<!tpu.dma_semaphore, #tpu.memory_space<semaphore_mem>>) {add = true}
        %dma_wait3A_82 = arith.constant 0 : i32
        %dma_wait3A_83 = tpu.memref_slice %arg6[%mul3A_36, %dma_wait3A_82] : memref<125x80xi32, #tpu.memory_space<vmem>> -> memref<1x80xi32, #tpu.memory_space<vmem>>
        %dma_wait3A_84 = tpu.memref_squeeze %dma_wait3A_83 : memref<1x80xi32, #tpu.memory_space<vmem>> -> memref<80xi32, #tpu.memory_space<vmem>>
        %dma_wait3A_85 = arith.constant 0 : i32
        %dma_wait3A_86 = arith.constant 0 : i32
        %dma_wait3A_87 = tpu.memref_slice %arg9[%dma_wait3A_85, %dma_wait3A_86] : memref<10000x128xf32, #tpu.memory_space<vmem_shared>> -> memref<10000x128xf32, #tpu.memory_space<vmem_shared>>
        tpu.wait_indirect_dma semaphore(%run_scoped3A_75 : memref<!tpu.dma_semaphore, #tpu.memory_space<semaphore_mem>>) src(%arg7 : memref<80x128xf32, #tpu.memory_space<vmem>>) dst(%dma_wait3A_87 : memref<10000x128xf32, #tpu.memory_space<vmem_shared>>)
        tpu.yield
      }) : () -> ()
      %add3A_46 = arith.constant 2 : i32
      %add3A_47 = arith.addi %mul3A_36, %add3A_46 : i32
      %mul3A_48 = arith.constant 80 : i32
      %mul3A_49 = arith.muli %add3A_47, %mul3A_48 : i32
      %add3A_50 = arith.addi %mul3A_0, %mul3A_49 : i32
      %dma_start3A_51 = arith.constant 0 : i32
      %dma_start3A_52 = tpu.memref_slice %arg2[%arg0, %add3A_50, %dma_start3A_51] : memref<2x160000x128xf32, #tpu.memory_space<hbm>> -> memref<1x80x128xf32, #tpu.memory_space<hbm>>
      %dma_start3A_53 = tpu.memref_squeeze %dma_start3A_52 : memref<1x80x128xf32, #tpu.memory_space<hbm>> -> memref<80x128xf32, #tpu.memory_space<hbm>>
      %dma_start3A_54 = arith.constant 0 : i32
      %dma_start3A_55 = tpu.memref_slice %arg2[%arg0, %add3A_50, %dma_start3A_54] : memref<2x160000x128xf32, #tpu.memory_space<hbm>> -> memref<1x80x128xf32, #tpu.memory_space<hbm>>
      %dma_start3A_56 = tpu.memref_squeeze %dma_start3A_55 : memref<1x80x128xf32, #tpu.memory_space<hbm>> -> memref<80x128xf32, #tpu.memory_space<hbm>>
      tpu.enqueue_dma source(%dma_start3A_56 : memref<80x128xf32, #tpu.memory_space<hbm>>) target(%arg7 : memref<80x128xf32, #tpu.memory_space<vmem>>) target_semaphore(%arg10 : memref<!tpu.dma_semaphore, #tpu.memory_space<semaphore_mem>>)
      %add3A_57 = arith.constant 1 : i32
      %add3A_58 = arith.addi %mul3A_36, %add3A_57 : i32
      %mul3A_59 = arith.constant 80 : i32
      %mul3A_60 = arith.muli %add3A_58, %mul3A_59 : i32
      %add3A_61 = arith.addi %mul3A_0, %mul3A_60 : i32
      %dma_wait3A_62 = arith.constant 0 : i32
      %dma_wait3A_63 = tpu.memref_slice %arg2[%arg0, %add3A_61, %dma_wait3A_62] : memref<2x160000x128xf32, #tpu.memory_space<hbm>> -> memref<1x80x128xf32, #tpu.memory_space<hbm>>
      %dma_wait3A_64 = tpu.memref_squeeze %dma_wait3A_63 : memref<1x80x128xf32, #tpu.memory_space<hbm>> -> memref<80x128xf32, #tpu.memory_space<hbm>>
      %dma_wait3A_65 = arith.constant 0 : i32
      %dma_wait3A_66 = tpu.memref_slice %arg2[%arg0, %add3A_61, %dma_wait3A_65] : memref<2x160000x128xf32, #tpu.memory_space<hbm>> -> memref<1x80x128xf32, #tpu.memory_space<hbm>>
      %dma_wait3A_67 = tpu.memref_squeeze %dma_wait3A_66 : memref<1x80x128xf32, #tpu.memory_space<hbm>> -> memref<80x128xf32, #tpu.memory_space<hbm>>
      tpu.wait_dma2 semaphore(%arg11 : memref<!tpu.dma_semaphore, #tpu.memory_space<semaphore_mem>>) src(%dma_wait3A_67 : memref<80x128xf32, #tpu.memory_space<hbm>>) dst(%arg8 : memref<80x128xf32, #tpu.memory_space<vmem>>)
      "tpu.region"() ({
        %run_scoped3A_75 = tpu.sem_alloc : memref<!tpu.dma_semaphore, #tpu.memory_space<semaphore_mem>>
        %dma_start3A_76 = arith.constant 0 : i32
        %dma_start3A_77 = tpu.memref_slice %arg6[%add3A_58, %dma_start3A_76] : memref<125x80xi32, #tpu.memory_space<vmem>> -> memref<1x80xi32, #tpu.memory_space<vmem>>
        %dma_start3A_78 = tpu.memref_squeeze %dma_start3A_77 : memref<1x80xi32, #tpu.memory_space<vmem>> -> memref<80xi32, #tpu.memory_space<vmem>>
        %dma_start3A_79 = arith.constant 0 : i32
        %dma_start3A_80 = arith.constant 0 : i32
        %dma_start3A_81 = tpu.memref_slice %arg9[%dma_start3A_79, %dma_start3A_80] : memref<10000x128xf32, #tpu.memory_space<vmem_shared>> -> memref<10000x128xf32, #tpu.memory_space<vmem_shared>>
        tpu.enqueue_indirect_dma source(%arg8 : memref<80x128xf32, #tpu.memory_space<vmem>>) target(%dma_start3A_81 : memref<10000x128xf32, #tpu.memory_space<vmem_shared>>) offsets(%dma_start3A_78 : memref<80xi32, #tpu.memory_space<vmem>>) semaphore(%run_scoped3A_75 : memref<!tpu.dma_semaphore, #tpu.memory_space<semaphore_mem>>) {add = true}
        %dma_wait3A_82 = arith.constant 0 : i32
        %dma_wait3A_83 = tpu.memref_slice %arg6[%add3A_58, %dma_wait3A_82] : memref<125x80xi32, #tpu.memory_space<vmem>> -> memref<1x80xi32, #tpu.memory_space<vmem>>
        %dma_wait3A_84 = tpu.memref_squeeze %dma_wait3A_83 : memref<1x80xi32, #tpu.memory_space<vmem>> -> memref<80xi32, #tpu.memory_space<vmem>>
        %dma_wait3A_85 = arith.constant 0 : i32
        %dma_wait3A_86 = arith.constant 0 : i32
        %dma_wait3A_87 = tpu.memref_slice %arg9[%dma_wait3A_85, %dma_wait3A_86] : memref<10000x128xf32, #tpu.memory_space<vmem_shared>> -> memref<10000x128xf32, #tpu.memory_space<vmem_shared>>
        tpu.wait_indirect_dma semaphore(%run_scoped3A_75 : memref<!tpu.dma_semaphore, #tpu.memory_space<semaphore_mem>>) src(%arg8 : memref<80x128xf32, #tpu.memory_space<vmem>>) dst(%dma_wait3A_87 : memref<10000x128xf32, #tpu.memory_space<vmem_shared>>)
        tpu.yield
      }) : () -> ()
      %add3A_68 = arith.constant 1 : i32
      %add3A_69 = arith.addi %scan3A_34, %add3A_68 : i32
      %lt3A_70 = arith.constant 62 : i32
      %lt3A_71 = arith.cmpi slt, %add3A_69, %lt3A_70 : i32
      %convert_element_type3A_72 = arith.extui %lt3A_71 : i1 to i32
      %cond3A_73 = arith.constant 0 : i32
      %cond3A_74 = arith.cmpi ne, %convert_element_type3A_72, %cond3A_73 : i32
      scf.if %cond3A_74 {
        %add3A_75 = arith.constant 3 : i32
        %add3A_76 = arith.addi %mul3A_36, %add3A_75 : i32
        %mul3A_77 = arith.constant 80 : i32
        %mul3A_78 = arith.muli %add3A_76, %mul3A_77 : i32
        %add3A_79 = arith.addi %mul3A_0, %mul3A_78 : i32
        %dma_start3A_80 = arith.constant 0 : i32
        %dma_start3A_81 = tpu.memref_slice %arg2[%arg0, %add3A_79, %dma_start3A_80] : memref<2x160000x128xf32, #tpu.memory_space<hbm>> -> memref<1x80x128xf32, #tpu.memory_space<hbm>>
        %dma_start3A_82 = tpu.memref_squeeze %dma_start3A_81 : memref<1x80x128xf32, #tpu.memory_space<hbm>> -> memref<80x128xf32, #tpu.memory_space<hbm>>
        %dma_start3A_83 = arith.constant 0 : i32
        %dma_start3A_84 = tpu.memref_slice %arg2[%arg0, %add3A_79, %dma_start3A_83] : memref<2x160000x128xf32, #tpu.memory_space<hbm>> -> memref<1x80x128xf32, #tpu.memory_space<hbm>>
        %dma_start3A_85 = tpu.memref_squeeze %dma_start3A_84 : memref<1x80x128xf32, #tpu.memory_space<hbm>> -> memref<80x128xf32, #tpu.memory_space<hbm>>
        tpu.enqueue_dma source(%dma_start3A_85 : memref<80x128xf32, #tpu.memory_space<hbm>>) target(%arg8 : memref<80x128xf32, #tpu.memory_space<vmem>>) target_semaphore(%arg11 : memref<!tpu.dma_semaphore, #tpu.memory_space<semaphore_mem>>)
      } else {
      }
    }
    %scan3A_21 = arith.constant 62 : i32
    %add3A_22 = arith.constant 9920 : i32
    %add3A_23 = arith.addi %mul3A_0, %add3A_22 : i32
    %dma_wait3A = arith.constant 0 : i32
    %dma_wait3A_24 = tpu.memref_slice %arg2[%arg0, %add3A_23, %dma_wait3A] : memref<2x160000x128xf32, #tpu.memory_space<hbm>> -> memref<1x80x128xf32, #tpu.memory_space<hbm>>
    %dma_wait3A_25 = tpu.memref_squeeze %dma_wait3A_24 : memref<1x80x128xf32, #tpu.memory_space<hbm>> -> memref<80x128xf32, #tpu.memory_space<hbm>>
    %dma_wait3A_26 = arith.constant 0 : i32
    %dma_wait3A_27 = tpu.memref_slice %arg2[%arg0, %add3A_23, %dma_wait3A_26] : memref<2x160000x128xf32, #tpu.memory_space<hbm>> -> memref<1x80x128xf32, #tpu.memory_space<hbm>>
    %dma_wait3A_28 = tpu.memref_squeeze %dma_wait3A_27 : memref<1x80x128xf32, #tpu.memory_space<hbm>> -> memref<80x128xf32, #tpu.memory_space<hbm>>
    tpu.wait_dma2 semaphore(%arg10 : memref<!tpu.dma_semaphore, #tpu.memory_space<semaphore_mem>>) src(%dma_wait3A_28 : memref<80x128xf32, #tpu.memory_space<hbm>>) dst(%arg7 : memref<80x128xf32, #tpu.memory_space<vmem>>)
    %run_scoped3A = arith.constant 124 : i32
    "tpu.region"() ({
      %run_scoped3A_34 = tpu.sem_alloc : memref<!tpu.dma_semaphore, #tpu.memory_space<semaphore_mem>>
      %dma_start3A_35 = arith.constant 0 : i32
      %dma_start3A_36 = tpu.memref_slice %arg6[%run_scoped3A, %dma_start3A_35] : memref<125x80xi32, #tpu.memory_space<vmem>> -> memref<1x80xi32, #tpu.memory_space<vmem>>
      %dma_start3A_37 = tpu.memref_squeeze %dma_start3A_36 : memref<1x80xi32, #tpu.memory_space<vmem>> -> memref<80xi32, #tpu.memory_space<vmem>>
      %dma_start3A_38 = arith.constant 0 : i32
      %dma_start3A_39 = arith.constant 0 : i32
      %dma_start3A_40 = tpu.memref_slice %arg9[%dma_start3A_38, %dma_start3A_39] : memref<10000x128xf32, #tpu.memory_space<vmem_shared>> -> memref<10000x128xf32, #tpu.memory_space<vmem_shared>>
      tpu.enqueue_indirect_dma source(%arg7 : memref<80x128xf32, #tpu.memory_space<vmem>>) target(%dma_start3A_40 : memref<10000x128xf32, #tpu.memory_space<vmem_shared>>) offsets(%dma_start3A_37 : memref<80xi32, #tpu.memory_space<vmem>>) semaphore(%run_scoped3A_34 : memref<!tpu.dma_semaphore, #tpu.memory_space<semaphore_mem>>) {add = true}
      %dma_wait3A_41 = arith.constant 0 : i32
      %dma_wait3A_42 = tpu.memref_slice %arg6[%run_scoped3A, %dma_wait3A_41] : memref<125x80xi32, #tpu.memory_space<vmem>> -> memref<1x80xi32, #tpu.memory_space<vmem>>
      %dma_wait3A_43 = tpu.memref_squeeze %dma_wait3A_42 : memref<1x80xi32, #tpu.memory_space<vmem>> -> memref<80xi32, #tpu.memory_space<vmem>>
      %dma_wait3A_44 = arith.constant 0 : i32
      %dma_wait3A_45 = arith.constant 0 : i32
      %dma_wait3A_46 = tpu.memref_slice %arg9[%dma_wait3A_44, %dma_wait3A_45] : memref<10000x128xf32, #tpu.memory_space<vmem_shared>> -> memref<10000x128xf32, #tpu.memory_space<vmem_shared>>
      tpu.wait_indirect_dma semaphore(%run_scoped3A_34 : memref<!tpu.dma_semaphore, #tpu.memory_space<semaphore_mem>>) src(%arg7 : memref<80x128xf32, #tpu.memory_space<vmem>>) dst(%dma_wait3A_46 : memref<10000x128xf32, #tpu.memory_space<vmem_shared>>)
      tpu.yield
    }) : () -> ()
    %barrier3A_29 = arith.constant 0 : index
    tpu.barrier barrier_id(%barrier3A_29)
    %lt3A = arith.constant 10 : i32
    %lt3A_30 = arith.cmpi slt, %arg1, %lt3A : i32
    %convert_element_type3A_31 = arith.extui %lt3A_30 : i1 to i32
    %cond3A_32 = arith.constant 0 : i32
    %cond3A_33 = arith.cmpi ne, %convert_element_type3A_31, %cond3A_32 : i32
    scf.if %cond3A_33 {
      %mul3A_34 = arith.constant 1000 : i32
      %mul3A_35 = arith.muli %arg1, %mul3A_34 : i32
      %mul3A_36 = arith.constant 1000 : i32
      %mul3A_37 = arith.muli %arg1, %mul3A_36 : i32
      "tpu.region"() ({
        %run_scoped3A_38 = tpu.sem_alloc : memref<!tpu.dma_semaphore, #tpu.memory_space<semaphore_mem>>
        %dma_start3A_39 = arith.constant 0 : i32
        %dma_start3A_40 = tpu.memref_slice %arg5[%arg0, %mul3A_37, %dma_start3A_39] : memref<2x10000x128xf32, #tpu.memory_space<hbm>> -> memref<1x1000x128xf32, #tpu.memory_space<hbm>>
        %dma_start3A_41 = tpu.memref_squeeze %dma_start3A_40 : memref<1x1000x128xf32, #tpu.memory_space<hbm>> -> memref<1000x128xf32, #tpu.memory_space<hbm>>
        %dma_start3A_42 = arith.constant 0 : i32
        %dma_start3A_43 = tpu.memref_slice %arg9[%mul3A_35, %dma_start3A_42] : memref<10000x128xf32, #tpu.memory_space<vmem_shared>> -> memref<1000x128xf32, #tpu.memory_space<vmem_shared>>
        tpu.enqueue_dma source(%dma_start3A_43 : memref<1000x128xf32, #tpu.memory_space<vmem_shared>>) target(%dma_start3A_41 : memref<1000x128xf32, #tpu.memory_space<hbm>>) target_semaphore(%run_scoped3A_38 : memref<!tpu.dma_semaphore, #tpu.memory_space<semaphore_mem>>)
        %dma_wait3A_44 = arith.constant 0 : i32
        %dma_wait3A_45 = tpu.memref_slice %arg5[%arg0, %mul3A_37, %dma_wait3A_44] : memref<2x10000x128xf32, #tpu.memory_space<hbm>> -> memref<1x1000x128xf32, #tpu.memory_space<hbm>>
        %dma_wait3A_46 = tpu.memref_squeeze %dma_wait3A_45 : memref<1x1000x128xf32, #tpu.memory_space<hbm>> -> memref<1000x128xf32, #tpu.memory_space<hbm>>
        %dma_wait3A_47 = arith.constant 0 : i32
        %dma_wait3A_48 = tpu.memref_slice %arg9[%mul3A_35, %dma_wait3A_47] : memref<10000x128xf32, #tpu.memory_space<vmem_shared>> -> memref<1000x128xf32, #tpu.memory_space<vmem_shared>>
        tpu.wait_dma2 semaphore(%run_scoped3A_38 : memref<!tpu.dma_semaphore, #tpu.memory_space<semaphore_mem>>) src(%dma_wait3A_48 : memref<1000x128xf32, #tpu.memory_space<vmem_shared>>) dst(%dma_wait3A_46 : memref<1000x128xf32, #tpu.memory_space<hbm>>)
        tpu.yield
      }) : () -> ()
    } else {
    }
    return
  }
}

module attributes {stable_mosaic.version = 14 : i64} {
  func.func @body(%arg0: i32, %arg1: memref<2000x256xf32, #tpu.memory_space<vmem>>, %arg2: memref<256x512xf32, #tpu.memory_space<vmem>>, %arg3: memref<256x512xf32, #tpu.memory_space<vmem>>, %arg4: memref<2000x512xf32, #tpu.memory_space<vmem>>, %arg5: memref<2000x512xf32, #tpu.memory_space<vmem>>) attributes {dimension_semantics = [#tpu.dimension_semantics<arbitrary>], iteration_bounds = array<i64: 5>, scalar_prefetch = 0 : i64, scratch_operands = 0 : i64, tpu.core_type = #tpu.core_type<tc>, window_params = [{transform_indices = @transform_0, window_bounds = array<i64: 2000, 256>}, {pipeline_mode = #tpu.pipeline_mode<synchronous>, transform_indices = @transform_1, window_bounds = array<i64: 256, 512>}, {pipeline_mode = #tpu.pipeline_mode<synchronous>, transform_indices = @transform_2, window_bounds = array<i64: 256, 512>}, {transform_indices = @transform_3, window_bounds = array<i64: 2000, 512>}, {transform_indices = @transform_4, window_bounds = array<i64: 2000, 512>}]} {
    %get3A = arith.constant 0 : index
    %get3A_0 = arith.constant 0 : index
    %get3A_1 = vector.load %arg1[%get3A, %get3A_0] : memref<2000x256xf32, #tpu.memory_space<vmem>>, vector<2000x256xf32>
    %get3A_2 = arith.constant 0 : index
    %get3A_3 = arith.constant 0 : index
    %get3A_4 = vector.load %arg2[%get3A_2, %get3A_3] : memref<256x512xf32, #tpu.memory_space<vmem>>, vector<256x512xf32>
    %dot_general3A = arith.constant dense<0.000000e+00> : vector<2000x512xf32>
    %dot_general3A_5 = tpu.matmul %get3A_1, %get3A_4, %dot_general3A {dimension_numbers = #tpu.dot_dimension_numbers<[1], [0], [0], [1], [0, 0, 1, 1], [], []>, transpose_lhs_hint = false} : vector<2000x256xf32>, vector<256x512xf32>, vector<2000x512xf32> -> vector<2000x512xf32>
    %swap3A = arith.constant 0 : index
    %swap3A_6 = arith.constant 0 : index
    %swap3A_7 = vector.load %arg4[%swap3A, %swap3A_6] : memref<2000x512xf32, #tpu.memory_space<vmem>>, vector<2000x512xf32>
    tpu.vector_store %arg4[%swap3A, %swap3A_6], %dot_general3A_5 {strides = array<i32>} : memref<2000x512xf32, #tpu.memory_space<vmem>>, vector<2000x512xf32>,
    %get3A_8 = arith.constant 0 : index
    %get3A_9 = arith.constant 0 : index
    %get3A_10 = vector.load %arg3[%get3A_8, %get3A_9] : memref<256x512xf32, #tpu.memory_space<vmem>>, vector<256x512xf32>
    %dot_general3A_11 = arith.constant dense<0.000000e+00> : vector<2000x512xf32>
    %dot_general3A_12 = tpu.matmul %get3A_1, %get3A_10, %dot_general3A_11 {dimension_numbers = #tpu.dot_dimension_numbers<[1], [0], [0], [1], [0, 0, 1, 1], [], []>, transpose_lhs_hint = false} : vector<2000x256xf32>, vector<256x512xf32>, vector<2000x512xf32> -> vector<2000x512xf32>
    %swap3A_13 = arith.constant 0 : index
    %swap3A_14 = arith.constant 0 : index
    %swap3A_15 = vector.load %arg5[%swap3A_13, %swap3A_14] : memref<2000x512xf32, #tpu.memory_space<vmem>>, vector<2000x512xf32>
    tpu.vector_store %arg5[%swap3A_13, %swap3A_14], %dot_general3A_12 {strides = array<i32>} : memref<2000x512xf32, #tpu.memory_space<vmem>>, vector<2000x512xf32>,
    return
  }
  func.func @transform_0(%arg0: i32) -> (i32, i32) {
    %c0_i32 = arith.constant 0 : i32
    %c0_i32_0 = arith.constant 0 : i32
    return %arg0, %c0_i32 : i32, i32
  }
  func.func @transform_1(%arg0: i32) -> (i32, i32) {
    %c0_i32 = arith.constant 0 : i32
    %c0_i32_0 = arith.constant 0 : i32
    %c0_i32_1 = arith.constant 0 : i32
    return %c0_i32, %c0_i32_0 : i32, i32
  }
  func.func @transform_2(%arg0: i32) -> (i32, i32) {
    %c0_i32 = arith.constant 0 : i32
    %c0_i32_0 = arith.constant 0 : i32
    %c0_i32_1 = arith.constant 0 : i32
    return %c0_i32, %c0_i32_0 : i32, i32
  }
  func.func @transform_3(%arg0: i32) -> (i32, i32) {
    %c0_i32 = arith.constant 0 : i32
    %c0_i32_0 = arith.constant 0 : i32
    return %arg0, %c0_i32 : i32, i32
  }
  func.func @transform_4(%arg0: i32) -> (i32, i32) {
    %c0_i32 = arith.constant 0 : i32
    %c0_i32_0 = arith.constant 0 : i32
    return %arg0, %c0_i32 : i32, i32
  }
}

module attributes {stable_mosaic.version = 14 : i64} {
  func.func @body(%arg0: i32, %arg1: memref<2000x512xf32, #tpu.memory_space<vmem>>, %arg2: memref<2000x16xf32, #tpu.memory_space<vmem>>, %arg3: memref<16x512xf32, #tpu.memory_space<vmem>>, %arg4: memref<1x512xf32, #tpu.memory_space<vmem>>, %arg5: memref<1x512xf32, #tpu.memory_space<vmem>>) attributes {dimension_semantics = [#tpu.dimension_semantics<arbitrary>], iteration_bounds = array<i64: 80>, scalar_prefetch = 0 : i64, scratch_operands = 0 : i64, tpu.core_type = #tpu.core_type<tc>, window_params = [{transform_indices = @transform_0, window_bounds = array<i64: 2000, 512>}, {transform_indices = @transform_1, window_bounds = array<i64: 2000, 16>}, {pipeline_mode = #tpu.pipeline_mode<synchronous>, transform_indices = @transform_2, window_bounds = array<i64: 16, 512>}, {pipeline_mode = #tpu.pipeline_mode<synchronous>, transform_indices = @transform_3, window_bounds = array<i64: 1, 512>}, {pipeline_mode = #tpu.pipeline_mode<synchronous>, transform_indices = @transform_4, window_bounds = array<i64: 1, 512>}]} {
    %get3A = arith.constant 0 : index
    %get3A_0 = arith.constant 0 : index
    %get3A_1 = vector.load %arg1[%get3A, %get3A_0] : memref<2000x512xf32, #tpu.memory_space<vmem>>, vector<2000x512xf32>
    %get3A_2 = arith.constant 0 : index
    %get3A_3 = arith.constant 0 : index
    %get3A_4 = vector.load %arg2[%get3A_2, %get3A_3] : memref<2000x16xf32, #tpu.memory_space<vmem>>, vector<2000x16xf32>
    %get3A_5 = arith.constant 0 : index
    %get3A_6 = arith.constant 0 : index
    %get3A_7 = vector.load %arg3[%get3A_5, %get3A_6] : memref<16x512xf32, #tpu.memory_space<vmem>>, vector<16x512xf32>
    %dot_general3A = arith.constant dense<0.000000e+00> : vector<2000x512xf32>
    %dot_general3A_8 = tpu.matmul %get3A_4, %get3A_7, %dot_general3A {dimension_numbers = #tpu.dot_dimension_numbers<[1], [0], [0], [1], [0, 0, 1, 1], [], []>, transpose_lhs_hint = false} : vector<2000x16xf32>, vector<16x512xf32>, vector<2000x512xf32> -> vector<2000x512xf32>
    %add3A = arith.addf %get3A_1, %dot_general3A_8 : vector<2000x512xf32>
    %reduce_sum3A = arith.constant dense<0.000000e+00> : vector<512xf32>
    %reduce_sum3A_9 = vector.multi_reduction <add>, %add3A, %reduce_sum3A [0] : vector<2000x512xf32> to vector<512xf32>
    %broadcast_in_dim3A = vector.shape_cast %reduce_sum3A_9 : vector<512xf32> to vector<1x512xf32>
    %mul3A = arith.mulf %add3A, %add3A : vector<2000x512xf32>
    %reduce_sum3A_10 = arith.constant dense<0.000000e+00> : vector<512xf32>
    %reduce_sum3A_11 = vector.multi_reduction <add>, %mul3A, %reduce_sum3A_10 [0] : vector<2000x512xf32> to vector<512xf32>
    %broadcast_in_dim3A_12 = vector.shape_cast %reduce_sum3A_11 : vector<512xf32> to vector<1x512xf32>
    %eq3A = arith.constant 0 : i32
    %eq3A_13 = arith.cmpi eq, %arg0, %eq3A : i32
    %convert_element_type3A = arith.extui %eq3A_13 : i1 to i32
    %cond3A = arith.constant 0 : i32
    %cond3A_14 = arith.cmpi ne, %convert_element_type3A, %cond3A : i32
    scf.if %cond3A_14 {
      %swap3A = arith.constant 0 : index
      %swap3A_19 = arith.constant 0 : index
      %swap3A_20 = vector.load %arg4[%swap3A, %swap3A_19] : memref<1x512xf32, #tpu.memory_space<vmem>>, vector<1x512xf32>
      tpu.vector_store %arg4[%swap3A, %swap3A_19], %broadcast_in_dim3A {strides = array<i32>} : memref<1x512xf32, #tpu.memory_space<vmem>>, vector<1x512xf32>,
      %swap3A_21 = arith.constant 0 : index
      %swap3A_22 = arith.constant 0 : index
      %swap3A_23 = vector.load %arg5[%swap3A_21, %swap3A_22] : memref<1x512xf32, #tpu.memory_space<vmem>>, vector<1x512xf32>
      tpu.vector_store %arg5[%swap3A_21, %swap3A_22], %broadcast_in_dim3A_12 {strides = array<i32>} : memref<1x512xf32, #tpu.memory_space<vmem>>, vector<1x512xf32>,
    } else {
    }
    %ne3A = arith.constant 0 : i32
    %ne3A_15 = arith.cmpi ne, %arg0, %ne3A : i32
    %convert_element_type3A_16 = arith.extui %ne3A_15 : i1 to i32
    %cond3A_17 = arith.constant 0 : i32
    %cond3A_18 = arith.cmpi ne, %convert_element_type3A_16, %cond3A_17 : i32
    scf.if %cond3A_18 {
      %get3A_19 = arith.constant 0 : index
      %get3A_20 = arith.constant 0 : index
      %get3A_21 = vector.load %arg4[%get3A_19, %get3A_20] : memref<1x512xf32, #tpu.memory_space<vmem>>, vector<1x512xf32>
      %add3A_22 = arith.addf %get3A_21, %broadcast_in_dim3A : vector<1x512xf32>
      %swap3A = arith.constant 0 : index
      %swap3A_23 = arith.constant 0 : index
      %swap3A_24 = vector.load %arg4[%swap3A, %swap3A_23] : memref<1x512xf32, #tpu.memory_space<vmem>>, vector<1x512xf32>
      tpu.vector_store %arg4[%swap3A, %swap3A_23], %add3A_22 {strides = array<i32>} : memref<1x512xf32, #tpu.memory_space<vmem>>, vector<1x512xf32>,
      %get3A_25 = arith.constant 0 : index
      %get3A_26 = arith.constant 0 : index
      %get3A_27 = vector.load %arg5[%get3A_25, %get3A_26] : memref<1x512xf32, #tpu.memory_space<vmem>>, vector<1x512xf32>
      %add3A_28 = arith.addf %get3A_27, %broadcast_in_dim3A_12 : vector<1x512xf32>
      %swap3A_29 = arith.constant 0 : index
      %swap3A_30 = arith.constant 0 : index
      %swap3A_31 = vector.load %arg5[%swap3A_29, %swap3A_30] : memref<1x512xf32, #tpu.memory_space<vmem>>, vector<1x512xf32>
      tpu.vector_store %arg5[%swap3A_29, %swap3A_30], %add3A_28 {strides = array<i32>} : memref<1x512xf32, #tpu.memory_space<vmem>>, vector<1x512xf32>,
    } else {
    }
    return
  }
  func.func @transform_0(%arg0: i32) -> (i32, i32) {
    %c0_i32 = arith.constant 0 : i32
    %c0_i32_0 = arith.constant 0 : i32
    return %arg0, %c0_i32 : i32, i32
  }
  func.func @transform_1(%arg0: i32) -> (i32, i32) {
    %c0_i32 = arith.constant 0 : i32
    %c0_i32_0 = arith.constant 0 : i32
    return %arg0, %c0_i32 : i32, i32
  }
  func.func @transform_2(%arg0: i32) -> (i32, i32) {
    %c0_i32 = arith.constant 0 : i32
    %c0_i32_0 = arith.constant 0 : i32
    %c0_i32_1 = arith.constant 0 : i32
    return %c0_i32, %c0_i32_0 : i32, i32
  }
  func.func @transform_3(%arg0: i32) -> (i32, i32) {
    %c0_i32 = arith.constant 0 : i32
    %c0_i32_0 = arith.constant 0 : i32
    %c0_i32_1 = arith.constant 0 : i32
    return %c0_i32, %c0_i32_0 : i32, i32
  }
  func.func @transform_4(%arg0: i32) -> (i32, i32) {
    %c0_i32 = arith.constant 0 : i32
    %c0_i32_0 = arith.constant 0 : i32
    %c0_i32_1 = arith.constant 0 : i32
    return %c0_i32, %c0_i32_0 : i32, i32
  }
}

module attributes {stable_mosaic.version = 14 : i64} {
  func.func @body(%arg0: i32, %arg1: memref<2000x512xf32, #tpu.memory_space<vmem>>, %arg2: memref<2000x16xf32, #tpu.memory_space<vmem>>, %arg3: memref<16x512xf32, #tpu.memory_space<vmem>>, %arg4: memref<1x512xf32, #tpu.memory_space<vmem>>, %arg5: memref<1x512xf32, #tpu.memory_space<vmem>>, %arg6: memref<1x512xf32, #tpu.memory_space<vmem>>, %arg7: memref<1x512xf32, #tpu.memory_space<vmem>>, %arg8: memref<2x2000x128xf32, #tpu.memory_space<vmem>>) attributes {dimension_semantics = [#tpu.dimension_semantics<arbitrary>], iteration_bounds = array<i64: 80>, scalar_prefetch = 0 : i64, scratch_operands = 0 : i64, tpu.core_type = #tpu.core_type<tc>, window_params = [{transform_indices = @transform_0, window_bounds = array<i64: 2000, 512>}, {transform_indices = @transform_1, window_bounds = array<i64: 2000, 16>}, {pipeline_mode = #tpu.pipeline_mode<synchronous>, transform_indices = @transform_2, window_bounds = array<i64: 16, 512>}, {pipeline_mode = #tpu.pipeline_mode<synchronous>, transform_indices = @transform_3, window_bounds = array<i64: 1, 512>}, {pipeline_mode = #tpu.pipeline_mode<synchronous>, transform_indices = @transform_4, window_bounds = array<i64: 1, 512>}, {pipeline_mode = #tpu.pipeline_mode<synchronous>, transform_indices = @transform_5, window_bounds = array<i64: 1, 512>}, {pipeline_mode = #tpu.pipeline_mode<synchronous>, transform_indices = @transform_6, window_bounds = array<i64: 1, 512>}, {transform_indices = @transform_7, window_bounds = array<i64: 2, 2000, 128>}]} {
    %get3A = arith.constant 0 : index
    %get3A_0 = arith.constant 0 : index
    %get3A_1 = vector.load %arg1[%get3A, %get3A_0] : memref<2000x512xf32, #tpu.memory_space<vmem>>, vector<2000x512xf32>
    %get3A_2 = arith.constant 0 : index
    %get3A_3 = arith.constant 0 : index
    %get3A_4 = vector.load %arg2[%get3A_2, %get3A_3] : memref<2000x16xf32, #tpu.memory_space<vmem>>, vector<2000x16xf32>
    %get3A_5 = arith.constant 0 : index
    %get3A_6 = arith.constant 0 : index
    %get3A_7 = vector.load %arg3[%get3A_5, %get3A_6] : memref<16x512xf32, #tpu.memory_space<vmem>>, vector<16x512xf32>
    %dot_general3A = arith.constant dense<0.000000e+00> : vector<2000x512xf32>
    %dot_general3A_8 = tpu.matmul %get3A_4, %get3A_7, %dot_general3A {dimension_numbers = #tpu.dot_dimension_numbers<[1], [0], [0], [1], [0, 0, 1, 1], [], []>, transpose_lhs_hint = false} : vector<2000x16xf32>, vector<16x512xf32>, vector<2000x512xf32> -> vector<2000x512xf32>
    %add3A = arith.addf %get3A_1, %dot_general3A_8 : vector<2000x512xf32>
    %get3A_9 = arith.constant 0 : index
    %get3A_10 = arith.constant 0 : index
    %get3A_11 = vector.load %arg4[%get3A_9, %get3A_10] : memref<1x512xf32, #tpu.memory_space<vmem>>, vector<1x512xf32>
    %mul3A = arith.constant 6.250000e-06 : f32
    %mul3A_12 = vector.broadcast %mul3A : f32 to vector<1x512xf32>
    %mul3A_13 = arith.mulf %get3A_11, %mul3A_12 : vector<1x512xf32>
    %get3A_14 = arith.constant 0 : index
    %get3A_15 = arith.constant 0 : index
    %get3A_16 = vector.load %arg5[%get3A_14, %get3A_15] : memref<1x512xf32, #tpu.memory_space<vmem>>, vector<1x512xf32>
    %mul3A_17 = arith.constant 6.250000e-06 : f32
    %mul3A_18 = vector.broadcast %mul3A_17 : f32 to vector<1x512xf32>
    %mul3A_19 = arith.mulf %get3A_16, %mul3A_18 : vector<1x512xf32>
    %mul3A_20 = arith.mulf %mul3A_13, %mul3A_13 : vector<1x512xf32>
    %sub3A = arith.subf %mul3A_19, %mul3A_20 : vector<1x512xf32>
    %add3A_21 = arith.constant 9.99999974E-6 : f32
    %add3A_22 = vector.broadcast %add3A_21 : f32 to vector<1x512xf32>
    %add3A_23 = arith.addf %sub3A, %add3A_22 : vector<1x512xf32>
    %rsqrt3A = math.rsqrt %add3A_23 : vector<1x512xf32>
    %get3A_24 = arith.constant 0 : index
    %get3A_25 = arith.constant 0 : index
    %get3A_26 = vector.load %arg6[%get3A_24, %get3A_25] : memref<1x512xf32, #tpu.memory_space<vmem>>, vector<1x512xf32>
    %mul3A_27 = arith.mulf %rsqrt3A, %get3A_26 : vector<1x512xf32>
    %get3A_28 = arith.constant 0 : index
    %get3A_29 = arith.constant 0 : index
    %get3A_30 = vector.load %arg7[%get3A_28, %get3A_29] : memref<1x512xf32, #tpu.memory_space<vmem>>, vector<1x512xf32>
    %mul3A_31 = arith.mulf %mul3A_13, %mul3A_27 : vector<1x512xf32>
    %sub3A_32 = arith.subf %get3A_30, %mul3A_31 : vector<1x512xf32>
    %mul3A_33 = vector.broadcast %mul3A_27 : vector<1x512xf32> to vector<2000x512xf32>
    %mul3A_34 = arith.mulf %add3A, %mul3A_33 : vector<2000x512xf32>
    %add3A_35 = vector.broadcast %sub3A_32 : vector<1x512xf32> to vector<2000x512xf32>
    %add3A_36 = arith.addf %mul3A_34, %add3A_35 : vector<2000x512xf32>
    %slice3A = vector.extract_strided_slice %add3A_36 {offsets = [0, 0], sizes = [2000, 256], strides = [1, 1]} : vector<2000x512xf32> to vector<2000x256xf32>
    %slice3A_37 = vector.extract_strided_slice %add3A_36 {offsets = [0, 256], sizes = [2000, 256], strides = [1, 1]} : vector<2000x512xf32> to vector<2000x256xf32>
    %neg3A = arith.constant 0.000000e+00 : f32
    %neg3A_38 = vector.broadcast %neg3A : f32 to vector<2000x256xf32>
    %neg3A_39 = arith.subf %neg3A_38, %slice3A : vector<2000x256xf32>
    %exp3A = math.exp %neg3A_39 : vector<2000x256xf32>
    %add3A_40 = arith.constant 1.000000e+00 : f32
    %add3A_41 = vector.broadcast %add3A_40 : f32 to vector<2000x256xf32>
    %add3A_42 = arith.addf %add3A_41, %exp3A : vector<2000x256xf32>
    %div3A = arith.constant 1.000000e+00 : f32
    %div3A_43 = vector.broadcast %div3A : f32 to vector<2000x256xf32>
    %div3A_44 = arith.divf %div3A_43, %add3A_42 : vector<2000x256xf32>
    %max3A = arith.constant 0.000000e+00 : f32
    %max3A_45 = vector.broadcast %max3A : f32 to vector<2000x256xf32>
    %max3A_46 = arith.maximumf %slice3A_37, %max3A_45 : vector<2000x256xf32>
    %abs3A = math.absf %slice3A_37 : vector<2000x256xf32>
    %neg3A_47 = arith.constant 0.000000e+00 : f32
    %neg3A_48 = vector.broadcast %neg3A_47 : f32 to vector<2000x256xf32>
    %neg3A_49 = arith.subf %neg3A_48, %abs3A : vector<2000x256xf32>
    %exp3A_50 = math.exp %neg3A_49 : vector<2000x256xf32>
    %add3A_51 = arith.constant 1.000000e+00 : f32
    %add3A_52 = vector.broadcast %add3A_51 : f32 to vector<2000x256xf32>
    %add3A_53 = arith.addf %add3A_52, %exp3A_50 : vector<2000x256xf32>
    %log3A = math.log %add3A_53 : vector<2000x256xf32>
    %add3A_54 = arith.addf %max3A_46, %log3A : vector<2000x256xf32>
    %mul3A_55 = arith.mulf %div3A_44, %add3A_54 : vector<2000x256xf32>
    %slice3A_56 = vector.extract_strided_slice %mul3A_55 {offsets = [0, 0], sizes = [2000, 128], strides = [1, 1]} : vector<2000x256xf32> to vector<2000x128xf32>
    %swap3A = arith.constant 0 : index
    %swap3A_57 = arith.constant 0 : index
    %swap3A_58 = arith.constant 0 : index
    %swap3A_59 = vector.load %arg8[%swap3A, %swap3A_57, %swap3A_58] : memref<2x2000x128xf32, #tpu.memory_space<vmem>>, vector<1x2000x128xf32>
    %swap3A_60 = vector.shape_cast %swap3A_59 : vector<1x2000x128xf32> to vector<2000x128xf32>
    %swap3A_61 = vector.shape_cast %slice3A_56 : vector<2000x128xf32> to vector<1x2000x128xf32>
    tpu.vector_store %arg8[%swap3A, %swap3A_57, %swap3A_58], %swap3A_61 {strides = array<i32>} : memref<2x2000x128xf32, #tpu.memory_space<vmem>>, vector<1x2000x128xf32>,
    %slice3A_62 = vector.extract_strided_slice %mul3A_55 {offsets = [0, 128], sizes = [2000, 128], strides = [1, 1]} : vector<2000x256xf32> to vector<2000x128xf32>
    %swap3A_63 = arith.constant 1 : index
    %swap3A_64 = arith.constant 0 : index
    %swap3A_65 = arith.constant 0 : index
    %swap3A_66 = vector.load %arg8[%swap3A_63, %swap3A_64, %swap3A_65] : memref<2x2000x128xf32, #tpu.memory_space<vmem>>, vector<1x2000x128xf32>
    %swap3A_67 = vector.shape_cast %swap3A_66 : vector<1x2000x128xf32> to vector<2000x128xf32>
    %swap3A_68 = vector.shape_cast %slice3A_62 : vector<2000x128xf32> to vector<1x2000x128xf32>
    tpu.vector_store %arg8[%swap3A_63, %swap3A_64, %swap3A_65], %swap3A_68 {strides = array<i32>} : memref<2x2000x128xf32, #tpu.memory_space<vmem>>, vector<1x2000x128xf32>,
    return
  }
  func.func @transform_0(%arg0: i32) -> (i32, i32) {
    %c0_i32 = arith.constant 0 : i32
    %c0_i32_0 = arith.constant 0 : i32
    return %arg0, %c0_i32 : i32, i32
  }
  func.func @transform_1(%arg0: i32) -> (i32, i32) {
    %c0_i32 = arith.constant 0 : i32
    %c0_i32_0 = arith.constant 0 : i32
    return %arg0, %c0_i32 : i32, i32
  }
  func.func @transform_2(%arg0: i32) -> (i32, i32) {
    %c0_i32 = arith.constant 0 : i32
    %c0_i32_0 = arith.constant 0 : i32
    %c0_i32_1 = arith.constant 0 : i32
    return %c0_i32, %c0_i32_0 : i32, i32
  }
  func.func @transform_3(%arg0: i32) -> (i32, i32) {
    %c0_i32 = arith.constant 0 : i32
    %c0_i32_0 = arith.constant 0 : i32
    %c0_i32_1 = arith.constant 0 : i32
    return %c0_i32, %c0_i32_0 : i32, i32
  }
  func.func @transform_4(%arg0: i32) -> (i32, i32) {
    %c0_i32 = arith.constant 0 : i32
    %c0_i32_0 = arith.constant 0 : i32
    %c0_i32_1 = arith.constant 0 : i32
    return %c0_i32, %c0_i32_0 : i32, i32
  }
  func.func @transform_5(%arg0: i32) -> (i32, i32) {
    %c0_i32 = arith.constant 0 : i32
    %c0_i32_0 = arith.constant 0 : i32
    %c0_i32_1 = arith.constant 0 : i32
    return %c0_i32, %c0_i32_0 : i32, i32
  }
  func.func @transform_6(%arg0: i32) -> (i32, i32) {
    %c0_i32 = arith.constant 0 : i32
    %c0_i32_0 = arith.constant 0 : i32
    %c0_i32_1 = arith.constant 0 : i32
    return %c0_i32, %c0_i32_0 : i32, i32
  }
  func.func @transform_7(%arg0: i32) -> (i32, i32, i32) {
    %c0_i32 = arith.constant 0 : i32
    %c0_i32_0 = arith.constant 0 : i32
    %c0_i32_1 = arith.constant 0 : i32
    return %c0_i32, %arg0, %c0_i32_0 : i32, i32, i32
  }
}

module attributes {stable_mosaic.version = 14 : i64} {
  func.func @body(%arg0: memref<2x10000x128xf32, #tpu.memory_space<vmem>>, %arg1: memref<10000x256xf32, #tpu.memory_space<vmem>>, %arg2: memref<1x256xf32, #tpu.memory_space<vmem>>, %arg3: memref<1x256xf32, #tpu.memory_space<vmem>>, %arg4: memref<10000x256xf32, #tpu.memory_space<vmem>>) attributes {dimension_semantics = [], scalar_prefetch = 0 : i64, scratch_operands = 0 : i64, tpu.core_type = #tpu.core_type<tc>} {
    %get3A = arith.constant 0 : index
    %get3A_0 = arith.constant 0 : index
    %get3A_1 = arith.constant 0 : index
    %get3A_2 = vector.load %arg0[%get3A, %get3A_0, %get3A_1] : memref<2x10000x128xf32, #tpu.memory_space<vmem>>, vector<1x10000x128xf32>
    %get3A_3 = vector.shape_cast %get3A_2 : vector<1x10000x128xf32> to vector<10000x128xf32>
    %get3A_4 = arith.constant 1 : index
    %get3A_5 = arith.constant 0 : index
    %get3A_6 = arith.constant 0 : index
    %get3A_7 = vector.load %arg0[%get3A_4, %get3A_5, %get3A_6] : memref<2x10000x128xf32, #tpu.memory_space<vmem>>, vector<1x10000x128xf32>
    %get3A_8 = vector.shape_cast %get3A_7 : vector<1x10000x128xf32> to vector<10000x128xf32>
    %concatenate3A = tpu.concatenate %get3A_3, %get3A_8 in 1 : vector<10000x128xf32>, vector<10000x128xf32> -> vector<10000x256xf32>
    %reduce_sum3A = arith.constant dense<0.000000e+00> : vector<256xf32>
    %reduce_sum3A_9 = vector.multi_reduction <add>, %concatenate3A, %reduce_sum3A [0] : vector<10000x256xf32> to vector<256xf32>
    %broadcast_in_dim3A = vector.shape_cast %reduce_sum3A_9 : vector<256xf32> to vector<1x256xf32>
    %mul3A = arith.constant 9.99999974E-5 : f32
    %mul3A_10 = vector.broadcast %mul3A : f32 to vector<1x256xf32>
    %mul3A_11 = arith.mulf %broadcast_in_dim3A, %mul3A_10 : vector<1x256xf32>
    %sub3A = vector.broadcast %mul3A_11 : vector<1x256xf32> to vector<10000x256xf32>
    %sub3A_12 = arith.subf %concatenate3A, %sub3A : vector<10000x256xf32>
    %mul3A_13 = arith.mulf %sub3A_12, %sub3A_12 : vector<10000x256xf32>
    %reduce_sum3A_14 = arith.constant dense<0.000000e+00> : vector<256xf32>
    %reduce_sum3A_15 = vector.multi_reduction <add>, %mul3A_13, %reduce_sum3A_14 [0] : vector<10000x256xf32> to vector<256xf32>
    %broadcast_in_dim3A_16 = vector.shape_cast %reduce_sum3A_15 : vector<256xf32> to vector<1x256xf32>
    %mul3A_17 = arith.constant 9.99999974E-5 : f32
    %mul3A_18 = vector.broadcast %mul3A_17 : f32 to vector<1x256xf32>
    %mul3A_19 = arith.mulf %broadcast_in_dim3A_16, %mul3A_18 : vector<1x256xf32>
    %add3A = arith.constant 9.99999974E-6 : f32
    %add3A_20 = vector.broadcast %add3A : f32 to vector<1x256xf32>
    %add3A_21 = arith.addf %mul3A_19, %add3A_20 : vector<1x256xf32>
    %rsqrt3A = math.rsqrt %add3A_21 : vector<1x256xf32>
    %mul3A_22 = vector.broadcast %rsqrt3A : vector<1x256xf32> to vector<10000x256xf32>
    %mul3A_23 = arith.mulf %sub3A_12, %mul3A_22 : vector<10000x256xf32>
    %get3A_24 = arith.constant 0 : index
    %get3A_25 = arith.constant 0 : index
    %get3A_26 = vector.load %arg2[%get3A_24, %get3A_25] : memref<1x256xf32, #tpu.memory_space<vmem>>, vector<1x256xf32>
    %mul3A_27 = vector.broadcast %get3A_26 : vector<1x256xf32> to vector<10000x256xf32>
    %mul3A_28 = arith.mulf %mul3A_23, %mul3A_27 : vector<10000x256xf32>
    %get3A_29 = arith.constant 0 : index
    %get3A_30 = arith.constant 0 : index
    %get3A_31 = vector.load %arg3[%get3A_29, %get3A_30] : memref<1x256xf32, #tpu.memory_space<vmem>>, vector<1x256xf32>
    %add3A_32 = vector.broadcast %get3A_31 : vector<1x256xf32> to vector<10000x256xf32>
    %add3A_33 = arith.addf %mul3A_28, %add3A_32 : vector<10000x256xf32>
    %get3A_34 = arith.constant 0 : index
    %get3A_35 = arith.constant 0 : index
    %get3A_36 = vector.load %arg1[%get3A_34, %get3A_35] : memref<10000x256xf32, #tpu.memory_space<vmem>>, vector<10000x256xf32>
    %add3A_37 = arith.addf %get3A_36, %add3A_33 : vector<10000x256xf32>
    %max3A = arith.constant 0.000000e+00 : f32
    %max3A_38 = vector.broadcast %max3A : f32 to vector<10000x256xf32>
    %max3A_39 = arith.maximumf %add3A_37, %max3A_38 : vector<10000x256xf32>
    %abs3A = math.absf %add3A_37 : vector<10000x256xf32>
    %neg3A = arith.constant 0.000000e+00 : f32
    %neg3A_40 = vector.broadcast %neg3A : f32 to vector<10000x256xf32>
    %neg3A_41 = arith.subf %neg3A_40, %abs3A : vector<10000x256xf32>
    %exp3A = math.exp %neg3A_41 : vector<10000x256xf32>
    %add3A_42 = arith.constant 1.000000e+00 : f32
    %add3A_43 = vector.broadcast %add3A_42 : f32 to vector<10000x256xf32>
    %add3A_44 = arith.addf %add3A_43, %exp3A : vector<10000x256xf32>
    %log3A = math.log %add3A_44 : vector<10000x256xf32>
    %add3A_45 = arith.addf %max3A_39, %log3A : vector<10000x256xf32>
    %swap3A = arith.constant 0 : index
    %swap3A_46 = arith.constant 0 : index
    %swap3A_47 = vector.load %arg4[%swap3A, %swap3A_46] : memref<10000x256xf32, #tpu.memory_space<vmem>>, vector<10000x256xf32>
    tpu.vector_store %arg4[%swap3A, %swap3A_46], %add3A_45 {strides = array<i32>} : memref<10000x256xf32, #tpu.memory_space<vmem>>, vector<10000x256xf32>,
    return
  }
}

</mosaic_0001>

<sc_bundles>
// kernel: kernel.11.cloned.1.call-start
scs
__scs_entry_jumppad:
0x0: {  	(pc) =	sbr.rel $0x88, $3  }
0x1: {  	(tag) =	ssettag $0x0;
	lr =	simm.s32 $0x1  }
0x2: {  	[smem:$0x3F99] =	sst lr;
	_ =	strace $0xD0000000  }
0x3: {  	_ = 	snop  }
0x4: {  	_ = 	snop  }
0x5: {  	_ = 	snop  }
0x6: {  	_ = 	snop  }
0x7: {  	_ = 	snop  }
__scs_overlays_trampoline_lowered:
0x8: {  	[smem:$0x3FA8] =	sst s0  }
0x9: {  	[smem:$0x3FA9] =	sst s1  }
0xa: {  	[smem:$0x3FAA] =	sst s2  }
0xb: {  	[smem:$0x3FAB] =	sst s3  }
0xc: {  	[smem:$0x3FAC] =	sst s4  }
0xd: {  	[smem:$0x3FAD] =	sst s5  }
0xe: {  	[smem:$0x3FAE] =	sst s6  }
0xf: {  	[smem:$0x3FAF] =	sst s7  }
0x10: {  	[smem:$0x3FB0] =	sst s8  }
0x11: {  	[smem:$0x3FB1] =	sst s9;
	s0 =	simm.s32 @!p0 $0x0  }
0x12: {  	s1 =	sld [smem:$0x3F97];
	s0 =	simm.s32 @p0 $0x1  }
0x13: {  	[smem:$0x3FB2] =	sst s0;
	s0 =	simm.s32 @!p1 $0x0  }
0x14: {  	s2 =	sld [smem:$0x3F96];
	s0 =	simm.s32 @p1 $0x1  }
0x15: {  	[smem:$0x3FB3] =	sst s0;
	s0 =	simm.s32 @!p2 $0x0  }
0x16: {  	s3 =	sld [smem:$0x3FDB];
	s0 =	simm.s32 @p2 $0x1  }
0x17: {  	s4 =	simm.s32 $0x1BF5;
	[smem:$0x3FB5] =	sst s0  }
0x18: {  	s0 =	sld [smem:$0x3F98];
	_ =	swait.ge [sflag:s4], $0x0  }
0x19: {  	s7 =	sld [smem:$0x3F99]  }
0x1a: {  	s8 =	sadd.s32 $0xFFFFE003, lr  }
0x1b: {  	s9 =	sadd.s32 $0xFFFFFEF7, lr;
	s5 =	simm.s32 $0xFFFFFFFF;
	p2 =	slt.u32 s8, $0xFFFFF086  }
0x1c: {  	p1 =	slt.u32 s9, $0xF7A;
	s5 =	simm.s32 @!p2 $0x0  }
0x1d: {  	s5 =	simm.s32 @p1 $0x1;
	p0 =	seq.s32 s7, s2  }
0x1e: {  	s7 =	smul.u32 @!p0 $0xF7A, s2;
	p2 =	seq.s32 @!p0 s5, $0x0  }
0x1f: {  	s9 =	smul.u32 $0xF7A, s1;
	s8 =	simm.s32 @!p0 $0x1BF5;
	p2 =	por !p2, p0  }
0x20: {  	[sflag:s8] =	ssyncset.s32 @!p0 $0xFFFFF086;
	s6 =	sadd.s32 @!p0 s3, s7;
	s7 =	simm.s32 @!p0 $0x108  }
0x21: {  	s3 =	sadd.s32 s3, s9;
	s6 =	sadd.s32 @!p0 $0x88, s6;
	s7 =	simm.s32 @p2 $0x1082  }
0x22: {  	[simem:s7], [sflag:s8] =	dma.local @!p0 [hbm:s6], $0xF7A  }
0x23: {  	s9 =	sor.u32 $0xD0000000, s2;
	s6 =	simm.s32 $0x108;
	_ =	swait.ge @!p0 [sflag:s8], $0x0  }
0x24: {  	s3 =	sadd.s32 $0x88, s3;
	s6 =	simm.s32 @!p1 $0x1082;
	[sflag:s4] =	ssyncset.s32 $0xFFFFF086  }
0x25: {  	[simem:s6], [sflag:s4] =	dma.local [hbm:s3], $0xF7A  }
0x26: {  	[smem:$0x3F99] =	sst s1;
	(tag) =	ssettag s2;
	_ =	strace s9  }
0x27: {  	s1 =	sld [smem:$0x3FA9]  }
0x28: {  	s2 =	sld [smem:$0x3FAA]  }
0x29: {  	s4 =	sld [smem:$0x3FAC]  }
0x2a: {  	p0 =	seq.s32 s5, $0x0;
	s5 =	sld [smem:$0x3FAD]  }
0x2b: {  	s6 =	sld [smem:$0x3FAE]  }
0x2c: {  	s7 =	sld [smem:$0x3FAF]  }
0x2d: {  	s3 =	simm.s32 $0x108;
	s8 =	sld [smem:$0x3FB0]  }
0x2e: {  	s3 =	simm.s32 @!p0 $0x1082;
	s9 =	sld [smem:$0x3FB1]  }
0x2f: {  	lr =	sadd.s32 s0, s3;
	s0 =	sld [smem:$0x3FA8]  }
0x30: {  	s3 =	sld [smem:$0x3FAB]  }
0x31: {  	[smem:$0x3FB4] =	sst s10  }
0x32: {  	s10 =	sld [smem:$0x3FB2];
	_ =	sdelay $0x3  }
0x33: {  	p0 =	seq.s32 s10, $0x1;
	s10 =	sld [smem:$0x3FB4];
	_ =	sdelay $0x3  }
0x34: {  	[smem:$0x3FB4] =	sst s10  }
0x35: {  	s10 =	sld [smem:$0x3FB3];
	_ =	sdelay $0x3  }
0x36: {  	p1 =	seq.s32 s10, $0x1;
	s10 =	sld [smem:$0x3FB4];
	_ =	sdelay $0x3  }
0x37: {  	[smem:$0x3FB4] =	sst s10  }
0x38: {  	s10 =	sld [smem:$0x3FB5]  }
0x39: {  	_ = 	snop;
	(pc) =	sbr.ind lr, $3  }
0x3a: {  	_ = 	snop  }
0x3b: {  	_ = 	snop  }
0x3c: {  	p2 =	seq.s32 s10, $0x1;
	s10 =	sld [smem:$0x3FB4]  }
0x3d: {  	_ =	shalt  }
0x3e: {  	_ =	shalt  }
0x3f: {  	_ =	shalt  }
0x40: {  	_ =	shalt  }
0x41: {  	_ =	shalt  }
0x42: {  	_ =	shalt  }
0x43: {  	_ =	shalt  }
0x44: {  	_ =	shalt  }
0x45: {  	_ =	shalt  }
0x46: {  	_ =	shalt  }
0x47: {  	_ =	shalt  }
0x48: {  	_ =	shalt  }
0x49: {  	_ =	shalt  }
0x4a: {  	_ =	shalt  }
0x4b: {  	_ =	shalt  }
0x4c: {  	_ =	shalt  }
0x4d: {  	_ =	shalt  }
0x4e: {  	_ =	shalt  }
0x4f: {  	_ =	shalt  }
0x50: {  	_ =	shalt  }
0x51: {  	_ =	shalt  }
0x52: {  	_ =	shalt  }
0x53: {  	_ =	shalt  }
0x54: {  	_ =	shalt  }
0x55: {  	_ =	shalt  }
0x56: {  	_ =	shalt  }
0x57: {  	_ =	shalt  }
0x58: {  	_ =	shalt  }
0x59: {  	_ =	shalt  }
0x5a: {  	_ =	shalt  }
0x5b: {  	_ =	shalt  }
0x5c: {  	_ =	shalt  }
0x5d: {  	_ =	shalt  }
0x5e: {  	_ =	shalt  }
0x5f: {  	_ =	shalt  }
0x60: {  	_ =	shalt  }
0x61: {  	_ =	shalt  }
0x62: {  	_ =	shalt  }
0x63: {  	_ =	shalt  }
0x64: {  	_ =	shalt  }
0x65: {  	_ =	shalt  }
0x66: {  	_ =	shalt  }
0x67: {  	_ =	shalt  }
0x68: {  	_ =	shalt  }
0x69: {  	_ =	shalt  }
0x6a: {  	_ =	shalt  }
0x6b: {  	_ =	shalt  }
0x6c: {  	_ =	shalt  }
0x6d: {  	_ =	shalt  }
0x6e: {  	_ =	shalt  }
0x6f: {  	_ =	shalt  }
0x70: {  	_ =	shalt  }
0x71: {  	_ =	shalt  }
0x72: {  	_ =	shalt  }
0x73: {  	_ =	shalt  }
0x74: {  	_ =	shalt  }
0x75: {  	_ =	shalt  }
0x76: {  	_ =	shalt  }
0x77: {  	_ =	shalt  }
0x78: {  	_ =	shalt  }
0x79: {  	_ =	shalt  }
0x7a: {  	_ =	shalt  }
0x7b: {  	_ =	shalt  }
0x7c: {  	_ =	shalt  }
0x7d: {  	_ =	shalt  }
0x7e: {  	_ =	shalt  }
0x7f: {  	_ =	shalt  }
0x80: {  	_ =	shalt  }
0x81: {  	_ =	shalt  }
0x82: {  	_ =	shalt  }
0x83: {  	_ =	shalt  }
0x84: {  	_ =	shalt  }
0x85: {  	_ =	shalt  }
0x86: {  	_ =	shalt  }
0x87: {  	_ =	shalt  }
.Lfunc_end0:
.L_simem_size_0:
called_computation.1_lowered:
.L_overlay_start_0:
0x88: {  	s2 =	sld [smem:$0x3FD9]  }
0x89: {  	s3 =	sld [smem:$0x3FFE];
	_ =	sdelay $0x1  }
0x8a: {  	s1 =	srdreg.scid  }
0x8b: {  	s0 =	sand.u32 $0x1, s1  }
0x8c: {  	s17 =	sshll.u32 s0, $0xA;
	s2 =	sadd.s32 s3, s2  }
0x8d: {  	s2 =	sadd.s32 s2, s17  }
0x8e: {  	[smem:$0x3FC0] =	sst s2  }
0x8f: {  	_ = 	snop  }
0x90: {  	s2 =	sld [smem:$0x3FD0];
	(tm) =	ssettm $0x1  }
0x91: {  	s18 =	sld [smem:$0x3FFB];
	_ =	sdelay $0x3  }
0x92: {  	_ =	strace s18  }
0x93: {  	s3 =	sld [smem:$0x3FFC];
	_ =	sdelay $0x3  }
0x94: {  	_ =	strace s3  }
0x95: {  	s3 =	sld [smem:$0x3FFD];
	_ =	sdelay $0x3  }
0x96: {  	_ =	strace s3  }
0x97: {  	_ =	strace $0x8FFFFFFF  }
0x98: {  	s19 =	sld [smem:$0x3FDB];
	_ =	sdelay $0x1  }
0x99: {  	s4 =	simm.s32 $_scs_section_size  }
0x9a: {  	s5 =	simm.s32 $_size__tile_overlayer_lowered;
	s6 =	simm.s32 $_tile_overlayer_lowered  }
0x9b: {  	s22 =	simm.s32 $0x1BFF;
	s21 =	sshll.u32 s6, $0x1;
	s3 =	sadd.s32 s4, s19  }
0x9c: {  	s7 =	simm.s32 $0x0;
	s20 =	sshll.u32 s5, $0x1;
	s5 =	sadd.s32 s21, s3  }
0x9d: {  	[timem:s7], [sflag:s22] =	dma.local [hbm:s5], s20  }
0x9e: {  	_ =	swait.ge [sflag:s22], s20  }
0x9f: {  	s4 =	ssub.s32 $0x0, s20;
	[sflag:s22] =	ssyncset.done $0x0  }
0xa0: {  	[sflag:s22] =	ssyncadd.s32 s4;
	_ =	sdelay $0x1  }
0xa1: {  	s23 =	simm.s32 $0x1B8B  }
0xa2: {  	_ =	swait.ge [sflag:s23], $0x1  }
0xa3: {  	[sflag:s23] =	ssyncset.done $0x0  }
0xa4: {  	s25 =	simm.s32 $0x1B8E;
	s24 =	sld [smem:$0x3FFE];
	[sflag:s23] =	ssyncadd.s32 $0xFFFFFFFF  }
0xa5: {  	s26 =	simm.s32 $execute0_lowered;
	[smem:$0x3FD2] =	sst s25  }
0xa6: {  	s5 =	sshll.u32 s26, $0x1;
	_ =	strace $0x80000049;
	[dreg:$0x1] =	wrdreg $0xFFFFFFFF  }
0xa7: {  	s28 =	simm.s32 $_size_execute0_lowered;
	s3 =	sadd.s32 s3, s5;
	[dreg:$0x0] =	wrdreg $0x0  }
0xa8: {  	s5 =	sshll.u32 s28, $0x1;
	[dreg:$0x2] =	wrdreg s3  }
0xa9: {  	[dreg:$0x3] =	wrdreg s5  }
0xaa: {  	[dreg:$0x4] =	wrdreg $0xC0  }
0xab: {  	_ =	task [dreg:s7], $0x5FFFF  }
0xac: {  	[dreg:$0x1] =	wrdreg $0xFFFFFFFF  }
0xad: {  	[dreg:$0x0] =	wrdreg $0x60  }
0xae: {  	[dreg:$0x2] =	wrdreg s24  }
0xaf: {  	[dreg:$0x3] =	wrdreg s2  }
0xb0: {  	[dreg:$0x4] =	wrdreg $0x90000  }
0xb1: {  	[dreg:$0x5] =	wrdreg $0x9  }
0xb2: {  	_ =	task.clear_ibuf [dreg:s7], $0x6FFFF;
	_ =	strace $0x90000049  }
0xb3: {  	s29 =	simm.s32 $0x9;
	_ =	strace $0x8000004B  }
0xb4: {  	_ =	swait.ge [sflag:s29], $0x1  }
0xb5: {  	[sflag:s29] =	ssyncadd.s32 $0xFFFFFFFF  }
0xb6: {  	_ =	strace $0x9000004B  }
0xb7: {  	_ =	sfence  }
0xb8: {  	s30 =	sld [smem:$0x0];
	_ =	sdelay $0x2  }
0xb9: {  	s31 =	sshll.u32 s1, $0xD;
	s1 =	sshrl.u32 s1, $0x2  }
0xba: {  	s3 =	sand.u32 $0x4000, s31;
	s1 =	sadd.s32 s1, s30  }
0xbb: {  	s0 =	sor.u32 s3, s0;
	s1 =	sshll.u32 s1, $0x11  }
0xbc: {  	s0 =	sor.u32 s1, s0  }
0xbd: {  	s0 =	sadd.s32 $0x8F2B, s0  }
0xbe: {  	[sflag:s0] =	ssyncadd.remote.s32 $0x1  }
0xbf: {  	_ =	sfence.sel $0xFFFF  }
0xc0: {  	[dreg:$0x0] =	wrdreg $0xFFFFFFFF;
	(pc) =	sbr.abs _section_cstart, $3  }
0xc1: {  	[dreg:$0x1] =	wrdreg $0xFFFFFFFF  }
0xc2: {  	_ =	task.clear_ibuf [dreg:s7], $0x2FFFF;
	_ =	strace $0x9FFFFFFF  }
0xc3: {  	(tm) =	ssettm $0x7FFFFFFF  }
tec
execute0_lowered:
.L_overlay_start_1:
0x0: {  	(tag) =	ssettag $0x1  }
0x1: {  	s5 =	rddreg [dreg:$0x0]  }
0x2: {  	s9 =	rddreg [dreg:$0x1]  }
0x3: {  	s1 =	rddreg [dreg:$0x2]  }
0x4: {  	s0 =	rddreg [dreg:$0x3]  }
0x5: {  	s2 =	simm.s32 $0x0;
	s3 =	srdreg.scid;
	s16 =	simm.s32 $0x4000  }
0x6: {  	s17 =	simm.s32 $0x6800;
	s18 =	simm.s32 $0x1;
	s19 =	simm.s32 $0x50  }
0x7: {  	s20 =	simm.s32 $0x2;
	s21 =	simm.s32 $0x3D00;
	s6 =	sand.u32 $0x1, s3  }
0x8: {  	s22 =	simm.s32 $0x3D80;
	s3 =	stileid.u32;
	s7 =	smul.u32 $0x1388000, s6  }
0x9: {  	s23 =	simm.s32 $0x3E00;
	s25 =	simm.s32 $0x0;
	s10 =	smul.u32 $0x138800, s3  }
0xa: {  	[smem:$0x7FF] =	sst s2;
	s4 =	sadd.s32 $0xD7C000, s5;
	s26 =	smul.u32 $0x138800, s6  }
0xb: {  	_ =	strace $0x8000004A;
	s8 =	sshll.u32 s3, $0xB;
	s12 =	smul.u32 $0x1F400, s3  }
0xc: {  	s11 =	ssub.s32 $0x2, s6;
	s14 =	smul.u32 $0x7D000, s3;
	p0 =	sne.s32 s3, $0x0  }
0xd: {  	p1 =	sgt.u32 s3, $0x9;
	s8 =	sadd.s32 s8, s5;
	s5 =	sadd.s32 $0xB0B000, s5  }
0xe: {  	s28 =	sshrl.u32 s11, $0x1;
	s15 =	sshrl.u32 @!p0 s1, $0x3;
	s13 =	sadd.s32 s10, s7  }
0xf: {  	s11 =	ssub.s32 s11, s28;
	s10 =	sadd.s32 s12, s26;
	s29 =	sshrl.u32 s14, $0x2  }
0x10: {  	s14 =	simm.s32 $0x3;
	s7 =	sshrl.u32 s13, $0x3;
	s10 =	sshrl.u32 s10, $0x3  }
0x11: {  	s30 =	sadd.s32 $0x7800, s13;
	s24 =	sadd.s32 s29, s1;
	s13 =	sadd.s32 $0x5000, s13  }
0x12: {  	s6 =	sadd.s32 s4, s7;
	s7 =	sadd.s32 $0xB03000, s8;
	s9 =	sadd.s32 s9, s10  }
0x13: {  	s31 =	sshrl.u32 s30, $0x3;
	s10 =	smax.u32 s11, $0x1;
	s24 =	sshrl.u32 @!p1 s24, $0x3  }
0x14: {  	s8 =	sadd.s32 $0x500, s6;
	s11 =	sadd.s32 $0x26C00, s6;
	s12 =	sadd.s32 s31, s4  }
.LBB2_1:
0x15: {  	[tilespmem:s2], [sflag:$0x3] =	stream.linear.gather [hbm4b:s7+s2], $0x3E80, $0x38;
	[tilespmem:$0x1C880] =	vst v63  }
0x16: {  	_ =	swait.ge [sflag:s14], $0x3E80  }
0x17: {  	[sflag:s14] =	ssyncset.done $0x0  }
0x18: {  	s26 =	simm.s32 @!p0 $0x1C03;
	[sflag:s14] =	ssyncadd.s32 $0xFFFFC180  }
0x19: {  	[spmem:s15], [sflag:s26] =	dma.local @!p0 [hbm:s5], $0x27100  }
0x1a: {  	s26 =	simm.s32 @!p0 $0x3  }
0x1b: {  	_ =	swait.ge @!p0 [sflag:s26], $0x27100  }
0x1c: {  	[sflag:s26] =	ssyncset.done @!p0 $0x0  }
0x1d: {  	[sflag:s26] =	ssyncadd.s32 @!p0 $0xFFFD8F00  }
0x1e: {  	[bflag:$0x0] =	sbarrier.arrive $0xFFFF  }
0x1f: {  	[tilespmem:s16], [sflag:$0x1] =	stream.linear.gather [hbm4b:s6+s2], $0x2800, $0x38;
	[tilespmem:$0x1C880] =	vst v63  }
0x20: {  	_ = 	snop  }
0x21: {  	[tilespmem:s17], [sflag:$0x2] =	stream.linear.gather [hbm4b:s8+s2], $0x2800, $0x38;
	[tilespmem:$0x1C880] =	vst v63  }
0x22: {  	_ =	swait.ge [sflag:s18], $0x2800  }
0x23: {  	[sflag:s18] =	ssyncset.done $0x0  }
0x24: {  	s31 =	simm.s32 $0x0;
	[sflag:s18] =	ssyncadd.s32 $0xFFFFD800  }
0x25: {  	[spmem:s1] =	stream.indirect.scatter.add.f32 [tilespmem:s16], [sflag:$0x3], $0x80, s31, s19, $0xb8;
	[tilespmem:$0x1C880] =	vst v63  }
0x26: {  	_ =	swait.ge [sflag:s14], $0x2800  }
0x27: {  	s31 =	sshrl.u32 s13, $0x3;
	[sflag:s14] =	ssyncset.done $0x0  }
0x28: {  	s26 =	sadd.s32 s4, s31;
	[sflag:s14] =	ssyncadd.s32 $0xFFFFD800  }
0x29: {  	[tilespmem:s16], [sflag:$0x1] =	stream.linear.gather [hbm4b:s26+s2], $0x2800, $0x38;
	[tilespmem:$0x1C880] =	vst v63  }
0x2a: {  	_ =	swait.ge [sflag:s20], $0x2800  }
0x2b: {  	[sflag:s20] =	ssyncset.done $0x0  }
0x2c: {  	s31 =	simm.s32 $0x80;
	[sflag:s20] =	ssyncadd.s32 $0xFFFFD800  }
0x2d: {  	[spmem:s1] =	stream.indirect.scatter.add.f32 [tilespmem:s17], [sflag:$0x3], $0x80, s31, s19, $0xb8;
	[tilespmem:$0x1C880] =	vst v63  }
0x2e: {  	_ =	swait.ge [sflag:s14], $0x2800  }
0x2f: {  	s28 =	simm.s32 $0x180;
	s30 =	sadd.s32 $0x0, s12;
	[sflag:s14] =	ssyncset.done $0x0  }
0x30: {  	s29 =	sadd.s32 $0x5000, s13;
	s26 =	simm.s32 $0xA00;
	[sflag:s14] =	ssyncadd.s32 $0xFFFFD800  }
.LBB2_2:
0x31: {  	[tilespmem:s17], [sflag:$0x2] =	stream.linear.gather [hbm4b:s30+s2], $0x2800, $0x38;
	[tilespmem:$0x1C880] =	vst v63  }
0x32: {  	s30 =	smov.u32 s26  }
0x33: {  	p2 =	sne.s32 s26, $0x25800;
	s26 =	sadd.s32 $0xA00, s26;
	_ =	swait.ge [sflag:s18], $0x2800  }
0x34: {  	[sflag:s18] =	ssyncset.done $0x0  }
0x35: {  	s31 =	sadd.s32 $0xFFFFFF80, s28;
	[sflag:s18] =	ssyncadd.s32 $0xFFFFD800  }
0x36: {  	[spmem:s1] =	stream.indirect.scatter.add.f32 [tilespmem:s16], [sflag:$0x3], $0x80, s31, s19, $0xb8;
	[tilespmem:$0x1C880] =	vst v63  }
0x37: {  	_ =	swait.ge [sflag:s14], $0x2800  }
0x38: {  	s31 =	sshrl.u32 s29, $0x3;
	[sflag:s14] =	ssyncset.done $0x0  }
0x39: {  	s31 =	sadd.s32 s4, s31;
	[sflag:s14] =	ssyncadd.s32 $0xFFFFD800  }
0x3a: {  	[tilespmem:s16], [sflag:$0x1] =	stream.linear.gather [hbm4b:s31+s2], $0x2800, $0x38;
	[tilespmem:$0x1C880] =	vst v63  }
0x3b: {  	_ =	swait.ge [sflag:s20], $0x2800  }
0x3c: {  	[sflag:s20] =	ssyncset.done $0x0  }
.Ltmp0:
0x3d: {  	[sflag:s20] =	ssyncadd.s32 $0xFFFFD800;
	(pc) =	sbr.rel @p2 .LBB2_2-.Ltmp0, $4  }
0x3e: {  	[spmem:s1] =	stream.indirect.scatter.add.f32 [tilespmem:s17], [sflag:$0x3], $0x80, s28, s19, $0xb8;
	[tilespmem:$0x1C880] =	vst v63  }
0x3f: {  	_ =	swait.ge [sflag:s14], $0x2800  }
0x40: {  	s28 =	sadd.s32 $0x100, s28;
	[sflag:s14] =	ssyncset.done $0x0  }
0x41: {  	s30 =	sadd.s32 s30, s12;
	s29 =	sadd.s32 $0x5000, s29;
	[sflag:s14] =	ssyncadd.s32 $0xFFFFD800  }
0x42: {  	[tilespmem:s17], [sflag:$0x2] =	stream.linear.gather [hbm4b:s30+s2], $0x2800, $0x38;
	[tilespmem:$0x1C880] =	vst v63  }
0x43: {  	_ =	swait.ge [sflag:s18], $0x2800  }
0x44: {  	[sflag:s18] =	ssyncset.done $0x0  }
0x45: {  	[sflag:s18] =	ssyncadd.s32 $0xFFFFD800  }
0x46: {  	[spmem:s1] =	stream.indirect.scatter.add.f32 [tilespmem:s16], [sflag:$0x3], $0x80, s21, s19, $0xb8;
	[tilespmem:$0x1C880] =	vst v63  }
0x47: {  	_ =	swait.ge [sflag:s14], $0x2800  }
0x48: {  	[sflag:s14] =	ssyncset.done $0x0  }
0x49: {  	[sflag:s14] =	ssyncadd.s32 $0xFFFFD800  }
0x4a: {  	[tilespmem:s16], [sflag:$0x1] =	stream.linear.gather [hbm4b:s11+s2], $0x2800, $0x38;
	[tilespmem:$0x1C880] =	vst v63  }
0x4b: {  	_ =	swait.ge [sflag:s20], $0x2800  }
0x4c: {  	[sflag:s20] =	ssyncset.done $0x0  }
0x4d: {  	[sflag:s20] =	ssyncadd.s32 $0xFFFFD800  }
0x4e: {  	[spmem:s1] =	stream.indirect.scatter.add.f32 [tilespmem:s17], [sflag:$0x3], $0x80, s22, s19, $0xb8;
	[tilespmem:$0x1C880] =	vst v63  }
0x4f: {  	_ =	swait.ge [sflag:s14], $0x2800  }
0x50: {  	[sflag:s14] =	ssyncset.done $0x0  }
0x51: {  	[sflag:s14] =	ssyncadd.s32 $0xFFFFD800  }
0x52: {  	_ =	swait.ge [sflag:s18], $0x2800  }
0x53: {  	[sflag:s18] =	ssyncset.done $0x0  }
0x54: {  	[sflag:s18] =	ssyncadd.s32 $0xFFFFD800  }
0x55: {  	[spmem:s1] =	stream.indirect.scatter.add.f32 [tilespmem:s16], [sflag:$0x3], $0x80, s23, s19, $0xb8;
	[tilespmem:$0x1C880] =	vst v63  }
0x56: {  	_ =	swait.ge [sflag:s14], $0x2800  }
0x57: {  	[sflag:s14] =	ssyncset.done $0x0  }
0x58: {  	s26 =	sshll.u32 @!p1 s3, $0x6;
	s25 =	sadd.s32 $0x1, s25;
	[sflag:s14] =	ssyncadd.s32 $0xFFFFD800  }
0x59: {  	s26 =	sor.u32 @!p1 $0x1C03, s26;
	p2 =	sne.s32 s25, s10;
	[bflag:$0x0] =	sbarrier.arrive $0xFFFF  }
0x5a: {  	[hbm:s9], [sflag:s26] =	dma.local @!p1 [spmem:s24], $0x3E80  }
.Ltmp1:
0x5b: {  	_ = 	snop;
	(pc) =	sbr.rel @p2 .LBB2_1-.Ltmp1, $4  }
0x5c: {  	s26 =	simm.s32 @!p1 $0x3  }
0x5d: {  	_ =	swait.ge @!p1 [sflag:s26], $0x3E80  }
0x5e: {  	[sflag:s26] =	ssyncset.done @!p1 $0x0  }
0x5f: {  	[sflag:s26] =	ssyncadd.s32 @!p1 $0xFFFFC180  }
0x60: {  	_ =	sfence.sel $0x180000  }
0x61: {  	[bflag:$0x0] =	sbarrier.arrive $0xFFFF  }
0x62: {  	_ =	strace $0x9000004A  }
0x63: {  	s0 =	sadd.s32 @!p0 $0x100000, s0;
	[bflag:$0x2] =	sbarrier.arrive $0xFFFF  }
0x64: {  	[sflag:s0] =	ssyncadd.tile.s32 @!p0 $0x1;
	_ =	shalt  }
.Lfunc_end2:
_tile_overlayer_lowered:
.L_overlay_start_2:
0x65: {  	(tag) =	ssettag $0x2  }
0x66: {  	s0 =	rddreg [dreg:$0x0];
	s2 =	stileid.u32  }
0x67: {  	s1 =	rddreg [dreg:$0x1];
	p0 =	sne.s32 s2, $0x0  }
0x68: {  	s3 =	rddreg [dreg:$0x2];
	[bflag:$0x3] =	sbarrier.arrive $0xFFFF;
	s2 =	simm.s32 @!p0 $0x1C03  }
0x69: {  	[timem:s3], [sflag:s2] =	dma.local @!p0 [hbm:s0], s1  }
0x6a: {  	s0 =	simm.s32 @!p0 $0x3  }
0x6b: {  	_ =	swait.ge @!p0 [sflag:s0], s1  }
0x6c: {  	s1 =	ssub.s32 @!p0 $0x0, s1;
	[sflag:s0] =	ssyncset.done @!p0 $0x0  }
0x6d: {  	[sflag:s0] =	ssyncadd.s32 @!p0 s1  }
0x6e: {  	[bflag:$0x3] =	sbarrier.arrive $0xFFFF  }
0x6f: {  	_ =	shalt  }

// kernel: kernel.8.cloned.1.call-start
scs
__scs_entry_jumppad:
0x0: {  	(pc) =	sbr.rel $0x88, $3  }
0x1: {  	(tag) =	ssettag $0x0;
	lr =	simm.s32 $0x1  }
0x2: {  	[smem:$0x3F99] =	sst lr;
	_ =	strace $0xD0000000  }
0x3: {  	_ = 	snop  }
0x4: {  	_ = 	snop  }
0x5: {  	_ = 	snop  }
0x6: {  	_ = 	snop  }
0x7: {  	_ = 	snop  }
__scs_overlays_trampoline_lowered:
0x8: {  	[smem:$0x3FA8] =	sst s0  }
0x9: {  	[smem:$0x3FA9] =	sst s1  }
0xa: {  	[smem:$0x3FAA] =	sst s2  }
0xb: {  	[smem:$0x3FAB] =	sst s3  }
0xc: {  	[smem:$0x3FAC] =	sst s4  }
0xd: {  	[smem:$0x3FAD] =	sst s5  }
0xe: {  	[smem:$0x3FAE] =	sst s6  }
0xf: {  	[smem:$0x3FAF] =	sst s7  }
0x10: {  	[smem:$0x3FB0] =	sst s8  }
0x11: {  	[smem:$0x3FB1] =	sst s9;
	s0 =	simm.s32 @!p0 $0x0  }
0x12: {  	s1 =	sld [smem:$0x3F97];
	s0 =	simm.s32 @p0 $0x1  }
0x13: {  	[smem:$0x3FB2] =	sst s0;
	s0 =	simm.s32 @!p1 $0x0  }
0x14: {  	s2 =	sld [smem:$0x3F96];
	s0 =	simm.s32 @p1 $0x1  }
0x15: {  	[smem:$0x3FB3] =	sst s0;
	s0 =	simm.s32 @!p2 $0x0  }
0x16: {  	s3 =	sld [smem:$0x3FDB];
	s0 =	simm.s32 @p2 $0x1  }
0x17: {  	s4 =	simm.s32 $0x1BF5;
	[smem:$0x3FB5] =	sst s0  }
0x18: {  	s0 =	sld [smem:$0x3F98];
	_ =	swait.ge [sflag:s4], $0x0  }
0x19: {  	s7 =	sld [smem:$0x3F99]  }
0x1a: {  	s8 =	sadd.s32 $0xFFFFE003, lr  }
0x1b: {  	s9 =	sadd.s32 $0xFFFFFEF7, lr;
	s5 =	simm.s32 $0xFFFFFFFF;
	p2 =	slt.u32 s8, $0xFFFFF086  }
0x1c: {  	p1 =	slt.u32 s9, $0xF7A;
	s5 =	simm.s32 @!p2 $0x0  }
0x1d: {  	s5 =	simm.s32 @p1 $0x1;
	p0 =	seq.s32 s7, s2  }
0x1e: {  	s7 =	smul.u32 @!p0 $0xF7A, s2;
	p2 =	seq.s32 @!p0 s5, $0x0  }
0x1f: {  	s9 =	smul.u32 $0xF7A, s1;
	s8 =	simm.s32 @!p0 $0x1BF5;
	p2 =	por !p2, p0  }
0x20: {  	[sflag:s8] =	ssyncset.s32 @!p0 $0xFFFFF086;
	s6 =	sadd.s32 @!p0 s3, s7;
	s7 =	simm.s32 @!p0 $0x108  }
0x21: {  	s3 =	sadd.s32 s3, s9;
	s6 =	sadd.s32 @!p0 $0x88, s6;
	s7 =	simm.s32 @p2 $0x1082  }
0x22: {  	[simem:s7], [sflag:s8] =	dma.local @!p0 [hbm:s6], $0xF7A  }
0x23: {  	s9 =	sor.u32 $0xD0000000, s2;
	s6 =	simm.s32 $0x108;
	_ =	swait.ge @!p0 [sflag:s8], $0x0  }
0x24: {  	s3 =	sadd.s32 $0x88, s3;
	s6 =	simm.s32 @!p1 $0x1082;
	[sflag:s4] =	ssyncset.s32 $0xFFFFF086  }
0x25: {  	[simem:s6], [sflag:s4] =	dma.local [hbm:s3], $0xF7A  }
0x26: {  	[smem:$0x3F99] =	sst s1;
	(tag) =	ssettag s2;
	_ =	strace s9  }
0x27: {  	s1 =	sld [smem:$0x3FA9]  }
0x28: {  	s2 =	sld [smem:$0x3FAA]  }
0x29: {  	s4 =	sld [smem:$0x3FAC]  }
0x2a: {  	p0 =	seq.s32 s5, $0x0;
	s5 =	sld [smem:$0x3FAD]  }
0x2b: {  	s6 =	sld [smem:$0x3FAE]  }
0x2c: {  	s7 =	sld [smem:$0x3FAF]  }
0x2d: {  	s3 =	simm.s32 $0x108;
	s8 =	sld [smem:$0x3FB0]  }
0x2e: {  	s3 =	simm.s32 @!p0 $0x1082;
	s9 =	sld [smem:$0x3FB1]  }
0x2f: {  	lr =	sadd.s32 s0, s3;
	s0 =	sld [smem:$0x3FA8]  }
0x30: {  	s3 =	sld [smem:$0x3FAB]  }
0x31: {  	[smem:$0x3FB4] =	sst s10  }
0x32: {  	s10 =	sld [smem:$0x3FB2];
	_ =	sdelay $0x3  }
0x33: {  	p0 =	seq.s32 s10, $0x1;
	s10 =	sld [smem:$0x3FB4];
	_ =	sdelay $0x3  }
0x34: {  	[smem:$0x3FB4] =	sst s10  }
0x35: {  	s10 =	sld [smem:$0x3FB3];
	_ =	sdelay $0x3  }
0x36: {  	p1 =	seq.s32 s10, $0x1;
	s10 =	sld [smem:$0x3FB4];
	_ =	sdelay $0x3  }
0x37: {  	[smem:$0x3FB4] =	sst s10  }
0x38: {  	s10 =	sld [smem:$0x3FB5]  }
0x39: {  	_ = 	snop;
	(pc) =	sbr.ind lr, $3  }
0x3a: {  	_ = 	snop  }
0x3b: {  	_ = 	snop  }
0x3c: {  	p2 =	seq.s32 s10, $0x1;
	s10 =	sld [smem:$0x3FB4]  }
0x3d: {  	_ =	shalt  }
0x3e: {  	_ =	shalt  }
0x3f: {  	_ =	shalt  }
0x40: {  	_ =	shalt  }
0x41: {  	_ =	shalt  }
0x42: {  	_ =	shalt  }
0x43: {  	_ =	shalt  }
0x44: {  	_ =	shalt  }
0x45: {  	_ =	shalt  }
0x46: {  	_ =	shalt  }
0x47: {  	_ =	shalt  }
0x48: {  	_ =	shalt  }
0x49: {  	_ =	shalt  }
0x4a: {  	_ =	shalt  }
0x4b: {  	_ =	shalt  }
0x4c: {  	_ =	shalt  }
0x4d: {  	_ =	shalt  }
0x4e: {  	_ =	shalt  }
0x4f: {  	_ =	shalt  }
0x50: {  	_ =	shalt  }
0x51: {  	_ =	shalt  }
0x52: {  	_ =	shalt  }
0x53: {  	_ =	shalt  }
0x54: {  	_ =	shalt  }
0x55: {  	_ =	shalt  }
0x56: {  	_ =	shalt  }
0x57: {  	_ =	shalt  }
0x58: {  	_ =	shalt  }
0x59: {  	_ =	shalt  }
0x5a: {  	_ =	shalt  }
0x5b: {  	_ =	shalt  }
0x5c: {  	_ =	shalt  }
0x5d: {  	_ =	shalt  }
0x5e: {  	_ =	shalt  }
0x5f: {  	_ =	shalt  }
0x60: {  	_ =	shalt  }
0x61: {  	_ =	shalt  }
0x62: {  	_ =	shalt  }
0x63: {  	_ =	shalt  }
0x64: {  	_ =	shalt  }
0x65: {  	_ =	shalt  }
0x66: {  	_ =	shalt  }
0x67: {  	_ =	shalt  }
0x68: {  	_ =	shalt  }
0x69: {  	_ =	shalt  }
0x6a: {  	_ =	shalt  }
0x6b: {  	_ =	shalt  }
0x6c: {  	_ =	shalt  }
0x6d: {  	_ =	shalt  }
0x6e: {  	_ =	shalt  }
0x6f: {  	_ =	shalt  }
0x70: {  	_ =	shalt  }
0x71: {  	_ =	shalt  }
0x72: {  	_ =	shalt  }
0x73: {  	_ =	shalt  }
0x74: {  	_ =	shalt  }
0x75: {  	_ =	shalt  }
0x76: {  	_ =	shalt  }
0x77: {  	_ =	shalt  }
0x78: {  	_ =	shalt  }
0x79: {  	_ =	shalt  }
0x7a: {  	_ =	shalt  }
0x7b: {  	_ =	shalt  }
0x7c: {  	_ =	shalt  }
0x7d: {  	_ =	shalt  }
0x7e: {  	_ =	shalt  }
0x7f: {  	_ =	shalt  }
0x80: {  	_ =	shalt  }
0x81: {  	_ =	shalt  }
0x82: {  	_ =	shalt  }
0x83: {  	_ =	shalt  }
0x84: {  	_ =	shalt  }
0x85: {  	_ =	shalt  }
0x86: {  	_ =	shalt  }
0x87: {  	_ =	shalt  }
.Lfunc_end0:
.L_simem_size_0:
called_computation_lowered:
.L_overlay_start_0:
0x88: {  	s2 =	sld [smem:$0x3FD9]  }
0x89: {  	s3 =	sld [smem:$0x3FFE];
	_ =	sdelay $0x1  }
0x8a: {  	s1 =	srdreg.scid  }
0x8b: {  	s0 =	sand.u32 $0x1, s1  }
0x8c: {  	s17 =	sshll.u32 s0, $0xA;
	s2 =	sadd.s32 s3, s2  }
0x8d: {  	s2 =	sadd.s32 s2, s17  }
0x8e: {  	[smem:$0x3FC0] =	sst s2  }
0x8f: {  	_ = 	snop  }
0x90: {  	s2 =	sld [smem:$0x3FD0];
	(tm) =	ssettm $0x1  }
0x91: {  	s18 =	sld [smem:$0x3FFB];
	_ =	sdelay $0x3  }
0x92: {  	_ =	strace s18  }
0x93: {  	s3 =	sld [smem:$0x3FFC];
	_ =	sdelay $0x3  }
0x94: {  	_ =	strace s3  }
0x95: {  	s3 =	sld [smem:$0x3FFD];
	_ =	sdelay $0x3  }
0x96: {  	_ =	strace s3  }
0x97: {  	_ =	strace $0x8FFFFFFF  }
0x98: {  	s19 =	sld [smem:$0x3FDB];
	_ =	sdelay $0x1  }
0x99: {  	s4 =	simm.s32 $_scs_section_size  }
0x9a: {  	s5 =	simm.s32 $_size__tile_overlayer_lowered;
	s6 =	simm.s32 $_tile_overlayer_lowered  }
0x9b: {  	s22 =	simm.s32 $0x1BFF;
	s21 =	sshll.u32 s6, $0x1;
	s3 =	sadd.s32 s4, s19  }
0x9c: {  	s7 =	simm.s32 $0x0;
	s20 =	sshll.u32 s5, $0x1;
	s5 =	sadd.s32 s21, s3  }
0x9d: {  	[timem:s7], [sflag:s22] =	dma.local [hbm:s5], s20  }
0x9e: {  	_ =	swait.ge [sflag:s22], s20  }
0x9f: {  	s4 =	ssub.s32 $0x0, s20;
	[sflag:s22] =	ssyncset.done $0x0  }
0xa0: {  	[sflag:s22] =	ssyncadd.s32 s4;
	_ =	sdelay $0x1  }
0xa1: {  	s23 =	simm.s32 $0x1B8B  }
0xa2: {  	_ =	swait.ge [sflag:s23], $0x1  }
0xa3: {  	[sflag:s23] =	ssyncset.done $0x0  }
0xa4: {  	s25 =	simm.s32 $0x1B8E;
	s24 =	sld [smem:$0x3FFE];
	[sflag:s23] =	ssyncadd.s32 $0xFFFFFFFF  }
0xa5: {  	s26 =	simm.s32 $execute0_lowered;
	[smem:$0x3FD2] =	sst s25  }
0xa6: {  	s5 =	sshll.u32 s26, $0x1;
	_ =	strace $0x80000046;
	[dreg:$0x1] =	wrdreg $0xFFFFFFFF  }
0xa7: {  	s28 =	simm.s32 $_size_execute0_lowered;
	s3 =	sadd.s32 s3, s5;
	[dreg:$0x0] =	wrdreg $0x0  }
0xa8: {  	s5 =	sshll.u32 s28, $0x1;
	[dreg:$0x2] =	wrdreg s3  }
0xa9: {  	[dreg:$0x3] =	wrdreg s5  }
0xaa: {  	[dreg:$0x4] =	wrdreg $0xC0  }
0xab: {  	_ =	task [dreg:s7], $0x5FFFF  }
0xac: {  	[dreg:$0x1] =	wrdreg $0xFFFFFFFF  }
0xad: {  	[dreg:$0x0] =	wrdreg $0x60  }
0xae: {  	[dreg:$0x2] =	wrdreg s24  }
0xaf: {  	[dreg:$0x3] =	wrdreg s2  }
0xb0: {  	[dreg:$0x4] =	wrdreg $0x9  }
0xb1: {  	_ =	task.clear_ibuf [dreg:s7], $0x5FFFF;
	_ =	strace $0x90000046  }
0xb2: {  	s29 =	simm.s32 $0x9;
	_ =	strace $0x80000048  }
0xb3: {  	_ =	swait.ge [sflag:s29], $0x1  }
0xb4: {  	[sflag:s29] =	ssyncadd.s32 $0xFFFFFFFF  }
0xb5: {  	_ =	strace $0x90000048  }
0xb6: {  	_ =	sfence  }
0xb7: {  	s30 =	sld [smem:$0x0];
	_ =	sdelay $0x2  }
0xb8: {  	s31 =	sshll.u32 s1, $0xD;
	s1 =	sshrl.u32 s1, $0x2  }
0xb9: {  	s3 =	sand.u32 $0x4000, s31;
	s1 =	sadd.s32 s1, s30  }
0xba: {  	s0 =	sor.u32 s3, s0;
	s1 =	sshll.u32 s1, $0x11  }
0xbb: {  	s0 =	sor.u32 s1, s0  }
0xbc: {  	s0 =	sadd.s32 $0x8F2B, s0  }
0xbd: {  	[sflag:s0] =	ssyncadd.remote.s32 $0x1  }
0xbe: {  	_ =	sfence.sel $0xFFFF  }
0xbf: {  	[dreg:$0x0] =	wrdreg $0xFFFFFFFF;
	(pc) =	sbr.abs _section_cstart, $3  }
0xc0: {  	[dreg:$0x1] =	wrdreg $0xFFFFFFFF  }
0xc1: {  	_ =	task.clear_ibuf [dreg:s7], $0x2FFFF;
	_ =	strace $0x9FFFFFFF  }
0xc2: {  	(tm) =	ssettm $0x7FFFFFFF  }
0xc3: {  	_ =	shalt  }
tec
execute0_lowered:
.L_overlay_start_1:
0x0: {  	(tag) =	ssettag $0x1  }
0x1: {  	s0 =	rddreg [dreg:$0x0];
	s1 =	srdreg.scid  }
0x2: {  	s2 =	stileid.u32;
	s3 =	rddreg [dreg:$0x1]  }
0x3: {  	s31 =	simm.s32 $0xC800;
	s1 =	sand.u32 $0x1, s1;
	s4 =	sshll.u32 s2, $0x1  }
0x4: {  	s2 =	simm.s32 $0x0;
	s5 =	sadd.s32 $0xA2C00, s0;
	s25 =	sadd.s32 $0x13F000, s0  }
0x5: {  	s6 =	sor.u32 s1, s4;
	[smem:$0x7FF] =	sst s2;
	s4 =	sadd.s32 $0x6800, s0  }
0x6: {  	s1 =	ssub.s32 $0x2, s1;
	s11 =	smul.u32 $0x1388, s6;
	_ =	strace $0x80000047  }
0x7: {  	s9 =	sshrl.u32 s1, $0x1;
	s10 =	smul.u32 $0x271000, s6;
	[dreg:$0x4] =	wrdreg s25  }
0x8: {  	s6 =	simm.s32 $0x2800;
	s1 =	ssub.s32 s1, s9;
	s9 =	sadd.s32 $0x6900, s0  }
0x9: {  	s7 =	sshrl.u32 s11, $0x3;
	[dreg:$0x3] =	wrdreg s11;
	s28 =	sadd.s32 $0x28, s11  }
0xa: {  	s26 =	sshrl.u32 s10, $0x3;
	s30 =	smax.u32 s1, $0x1;
	[dreg:$0x7] =	wrdreg s28  }
0xb: {  	s8 =	sadd.s32 s7, s0;
	s3 =	sadd.s32 s3, s7;
	[dreg:$0x9] =	wrdreg s30  }
0xc: {  	v2 =	vlaneseq.u32;
	s29 =	sadd.s32 s25, s26;
	s8 =	sadd.s32 $0x1800, s8;
	[dreg:$0x6] =	wrdreg s3  }
0xd: {  	vm0 =	vmmov $0xffff;
	v1 =	vshrl.u32 v2, $0x3;
	s10 =	sadd.s32 $0xA2D00, s0;
	s0 =	sadd.s32 $0x4D800, s29;
	[dreg:$0x5] =	wrdreg s8  }
0xe: {  	v0 =	vand.u32 $0x7, v2;
	v2 =	vor.u32 $0x8, v2;
	v1 =	vmul.u32 $0x8, v1;
	s1 =	simm.s32 $0x7;
	s3 =	simm.s32 $0x0;
	[dreg:$0x8] =	wrdreg s0  }
.LBB2_1:
0xf: {  	[dreg:$0xa] =	wrdreg s3  }
0x10: {  	s0 =	rddreg [dreg:$0x5]  }
0x11: {  	[tilespmem:s2], [sflag:$0x7] =	stream.linear.gather [hbm4b:s0+s2], $0x1388, $0x38;
	[tilespmem:$0x16800] =	vst v63  }
0x12: {  	_ =	swait.ge [sflag:s1], $0x1388  }
0x13: {  	[sflag:s1] =	ssyncset.done $0x0  }
0x14: {  	s15 =	simm.s32 $0x1400;
	s14 =	rddreg [dreg:$0x6];
	[sflag:s1] =	ssyncadd.s32 $0xFFFFEC78  }
0x15: {  	[tilespmem:s15], [sflag:$0x7] =	stream.linear.gather [hbm4b:s14+s2], $0x1388, $0x38;
	[tilespmem:$0x16800] =	vst v63  }
0x16: {  	_ =	swait.ge [sflag:s1], $0x1388  }
0x17: {  	[sflag:s1] =	ssyncset.done $0x0  }
0x18: {  	[sflag:s1] =	ssyncadd.s32 $0xFFFFEC78  }
0x19: {  	v3 =	vld [tilespmem:$0x0];
	_ =	sdelay $0x4  }
0x1a: {  	v4 =	vshll.u32 v3, $0x2  }
0x1b: {  	v3 =	vand.u32 $0x7, v3;
	v4 =	vand.u32 $0xFFFFFFE0, v4  }
0x1c: {  	v3 =	vor.u32 v3, v4  }
0x1d: {  	v4 =	vperm.xlane v3, v0;
	_ =	sdelay $0x1  }
0x1e: {  	v4 =	vadd.s32 v1, v4;
	_ =	sdelay $0x1  }
0x1f: {  	v3 =	vperm.xlane v3, v2;
	_ =	sdelay $0x1  }
0x20: {  	v3 =	vadd.s32 v1, v3  }
0x21: {  	[tilespmem:s6], [sflag:$0x1] =	stream.indirect_vreg.gather [hbm4b:s4+s2], $0x80, v4, vm0, $0xb8;
	[tilespmem:$0x16800] =	vst v63  }
0x22: {  	s16 =	simm.s32 $0x3000  }
0x23: {  	[tilespmem:s16], [sflag:$0x1] =	stream.indirect_vreg.gather [hbm4b:s9+s2], $0x80, v4, vm0, $0xb8;
	[tilespmem:$0x16800] =	vst v63  }
0x24: {  	s17 =	simm.s32 $0x3800  }
0x25: {  	[tilespmem:s17], [sflag:$0x1] =	stream.indirect_vreg.gather [hbm4b:s4+s2], $0x80, v3, vm0, $0xb8;
	[tilespmem:$0x16800] =	vst v63  }
0x26: {  	s18 =	simm.s32 $0x4000  }
0x27: {  	[tilespmem:s18], [sflag:$0x1] =	stream.indirect_vreg.gather [hbm4b:s9+s2], $0x80, v3, vm0, $0xb8;
	[tilespmem:$0x16800] =	vst v63  }
0x28: {  	v3 =	vld [tilespmem:$0x10];
	_ =	sdelay $0x4  }
0x29: {  	v53 =	vshll.u32 v3, $0x2  }
0x2a: {  	v3 =	vand.u32 $0x7, v3;
	v4 =	vand.u32 $0xFFFFFFE0, v53  }
0x2b: {  	v3 =	vor.u32 v3, v4  }
0x2c: {  	v4 =	vperm.xlane v3, v0;
	_ =	sdelay $0x1  }
0x2d: {  	v4 =	vadd.s32 v1, v4;
	_ =	sdelay $0x1  }
0x2e: {  	v3 =	vperm.xlane v3, v2;
	_ =	sdelay $0x1  }
0x2f: {  	s19 =	simm.s32 $0x4800;
	v3 =	vadd.s32 v1, v3  }
0x30: {  	[tilespmem:s19], [sflag:$0x1] =	stream.indirect_vreg.gather [hbm4b:s4+s2], $0x80, v4, vm0, $0xb8;
	[tilespmem:$0x16800] =	vst v63  }
0x31: {  	s20 =	simm.s32 $0x5000  }
0x32: {  	[tilespmem:s20], [sflag:$0x1] =	stream.indirect_vreg.gather [hbm4b:s9+s2], $0x80, v4, vm0, $0xb8;
	[tilespmem:$0x16800] =	vst v63  }
0x33: {  	s21 =	simm.s32 $0x5800  }
0x34: {  	[tilespmem:s21], [sflag:$0x1] =	stream.indirect_vreg.gather [hbm4b:s4+s2], $0x80, v3, vm0, $0xb8;
	[tilespmem:$0x16800] =	vst v63  }
0x35: {  	s22 =	simm.s32 $0x6000  }
0x36: {  	[tilespmem:s22], [sflag:$0x1] =	stream.indirect_vreg.gather [hbm4b:s9+s2], $0x80, v3, vm0, $0xb8;
	[tilespmem:$0x16800] =	vst v63  }
0x37: {  	v3 =	vld.msk [tilespmem:$0x20], $0xff;
	_ =	sdelay $0x4  }
0x38: {  	v54 =	vshll.u32 v3, $0x2  }
0x39: {  	v3 =	vand.u32 $0x7, v3;
	v4 =	vand.u32 $0xFFFFFFE0, v54  }
0x3a: {  	v3 =	vor.u32 v3, v4  }
0x3b: {  	v3 =	vperm.xlane v3, v0;
	_ =	sdelay $0x1  }
0x3c: {  	v3 =	vadd.s32 v1, v3;
	_ =	sdelay $0x3  }
0x3d: {  	s23 =	simm.s32 $0x6800  }
0x3e: {  	[tilespmem:s23], [sflag:$0x1] =	stream.indirect_vreg.gather [hbm4b:s4+s2], $0x80, v3, vm0, $0xb8;
	[tilespmem:$0x16800] =	vst v63  }
0x3f: {  	s24 =	simm.s32 $0x7000  }
0x40: {  	[tilespmem:s24], [sflag:$0x1] =	stream.indirect_vreg.gather [hbm4b:s9+s2], $0x80, v3, vm0, $0xb8;
	[tilespmem:$0x16800] =	vst v63  }
0x41: {  	v3 =	vld [tilespmem:$0x1400];
	_ =	sdelay $0x4  }
0x42: {  	v55 =	vshll.u32 v3, $0x2  }
0x43: {  	v3 =	vand.u32 $0x7, v3;
	v4 =	vand.u32 $0xFFFFFFE0, v55  }
0x44: {  	v3 =	vor.u32 v3, v4  }
0x45: {  	v4 =	vperm.xlane v3, v0;
	_ =	sdelay $0x1  }
0x46: {  	v4 =	vadd.s32 v1, v4;
	_ =	sdelay $0x1  }
0x47: {  	v3 =	vperm.xlane v3, v2;
	_ =	sdelay $0x1  }
0x48: {  	s25 =	simm.s32 $0x7800;
	v3 =	vadd.s32 v1, v3  }
0x49: {  	[tilespmem:s25], [sflag:$0x2] =	stream.indirect_vreg.gather [hbm4b:s5+s2], $0x80, v4, vm0, $0xb8;
	[tilespmem:$0x16800] =	vst v63  }
0x4a: {  	s26 =	simm.s32 $0x8000  }
0x4b: {  	[tilespmem:s26], [sflag:$0x2] =	stream.indirect_vreg.gather [hbm4b:s10+s2], $0x80, v4, vm0, $0xb8;
	[tilespmem:$0x16800] =	vst v63  }
0x4c: {  	s28 =	simm.s32 $0x8800  }
0x4d: {  	[tilespmem:s28], [sflag:$0x2] =	stream.indirect_vreg.gather [hbm4b:s5+s2], $0x80, v3, vm0, $0xb8;
	[tilespmem:$0x16800] =	vst v63  }
0x4e: {  	s29 =	simm.s32 $0x9000  }
0x4f: {  	[tilespmem:s29], [sflag:$0x2] =	stream.indirect_vreg.gather [hbm4b:s10+s2], $0x80, v3, vm0, $0xb8;
	[tilespmem:$0x16800] =	vst v63  }
0x50: {  	v3 =	vld [tilespmem:$0x1410];
	_ =	sdelay $0x4  }
0x51: {  	v56 =	vshll.u32 v3, $0x2  }
0x52: {  	v3 =	vand.u32 $0x7, v3;
	v4 =	vand.u32 $0xFFFFFFE0, v56  }
0x53: {  	v3 =	vor.u32 v3, v4  }
0x54: {  	v4 =	vperm.xlane v3, v0;
	_ =	sdelay $0x1  }
0x55: {  	v4 =	vadd.s32 v1, v4;
	_ =	sdelay $0x1  }
0x56: {  	v3 =	vperm.xlane v3, v2;
	_ =	sdelay $0x1  }
0x57: {  	s30 =	simm.s32 $0x9800;
	v3 =	vadd.s32 v1, v3  }
0x58: {  	[tilespmem:s30], [sflag:$0x2] =	stream.indirect_vreg.gather [hbm4b:s5+s2], $0x80, v4, vm0, $0xb8;
	[tilespmem:$0x16800] =	vst v63  }
0x59: {  	s1 =	simm.s32 $0xA000  }
0x5a: {  	[tilespmem:s1], [sflag:$0x2] =	stream.indirect_vreg.gather [hbm4b:s10+s2], $0x80, v4, vm0, $0xb8;
	[tilespmem:$0x16800] =	vst v63  }
0x5b: {  	s3 =	simm.s32 $0xA800  }
0x5c: {  	[tilespmem:s3], [sflag:$0x2] =	stream.indirect_vreg.gather [hbm4b:s5+s2], $0x80, v3, vm0, $0xb8;
	[tilespmem:$0x16800] =	vst v63  }
0x5d: {  	s7 =	simm.s32 $0xB000  }
0x5e: {  	[tilespmem:s7], [sflag:$0x2] =	stream.indirect_vreg.gather [hbm4b:s10+s2], $0x80, v3, vm0, $0xb8;
	[tilespmem:$0x16800] =	vst v63  }
0x5f: {  	v3 =	vld.msk [tilespmem:$0x1420], $0xff;
	_ =	sdelay $0x4  }
0x60: {  	v57 =	vshll.u32 v3, $0x2  }
0x61: {  	v3 =	vand.u32 $0x7, v3;
	v4 =	vand.u32 $0xFFFFFFE0, v57  }
0x62: {  	v3 =	vor.u32 v3, v4  }
0x63: {  	v3 =	vperm.xlane v3, v0;
	_ =	sdelay $0x1  }
0x64: {  	v3 =	vadd.s32 v1, v3;
	_ =	sdelay $0x3  }
0x65: {  	s8 =	simm.s32 $0xB800  }
0x66: {  	[tilespmem:s8], [sflag:$0x2] =	stream.indirect_vreg.gather [hbm4b:s5+s2], $0x80, v3, vm0, $0xb8;
	[tilespmem:$0x16800] =	vst v63  }
0x67: {  	s11 =	simm.s32 $0xC000  }
0x68: {  	[tilespmem:s11], [sflag:$0x2] =	stream.indirect_vreg.gather [hbm4b:s10+s2], $0x80, v3, vm0, $0xb8;
	[tilespmem:$0x16800] =	vst v63  }
0x69: {  	v3 =	vld [tilespmem:$0x28];
	_ =	sdelay $0x4  }
0x6a: {  	v58 =	vshll.u32 v3, $0x2  }
0x6b: {  	v3 =	vand.u32 $0x7, v3;
	v4 =	vand.u32 $0xFFFFFFE0, v58  }
0x6c: {  	v3 =	vor.u32 v3, v4  }
0x6d: {  	v4 =	vperm.xlane v3, v0;
	_ =	sdelay $0x1  }
0x6e: {  	v4 =	vadd.s32 v1, v4;
	_ =	sdelay $0x1  }
0x6f: {  	v3 =	vperm.xlane v3, v2;
	_ =	sdelay $0x1  }
0x70: {  	v3 =	vadd.s32 v1, v3  }
0x71: {  	[tilespmem:s31], [sflag:$0x3] =	stream.indirect_vreg.gather [hbm4b:s4+s2], $0x80, v4, vm0, $0xb8;
	[tilespmem:$0x16800] =	vst v63  }
0x72: {  	s12 =	simm.s32 $0xD000  }
0x73: {  	[tilespmem:s12], [sflag:$0x3] =	stream.indirect_vreg.gather [hbm4b:s9+s2], $0x80, v4, vm0, $0xb8;
	[tilespmem:$0x16800] =	vst v63  }
0x74: {  	s13 =	simm.s32 $0xD800  }
0x75: {  	[tilespmem:s13], [sflag:$0x3] =	stream.indirect_vreg.gather [hbm4b:s4+s2], $0x80, v3, vm0, $0xb8;
	[tilespmem:$0x16800] =	vst v63  }
0x76: {  	s14 =	simm.s32 $0xE000  }
0x77: {  	[tilespmem:s14], [sflag:$0x3] =	stream.indirect_vreg.gather [hbm4b:s9+s2], $0x80, v3, vm0, $0xb8;
	[tilespmem:$0x16800] =	vst v63  }
0x78: {  	v3 =	vld [tilespmem:$0x38];
	_ =	sdelay $0x4  }
0x79: {  	v59 =	vshll.u32 v3, $0x2  }
0x7a: {  	v3 =	vand.u32 $0x7, v3;
	v4 =	vand.u32 $0xFFFFFFE0, v59  }
0x7b: {  	v3 =	vor.u32 v3, v4  }
0x7c: {  	v4 =	vperm.xlane v3, v0;
	_ =	sdelay $0x1  }
0x7d: {  	v4 =	vadd.s32 v1, v4;
	_ =	sdelay $0x1  }
0x7e: {  	v3 =	vperm.xlane v3, v2;
	_ =	sdelay $0x1  }
0x7f: {  	s15 =	simm.s32 $0xE800;
	v3 =	vadd.s32 v1, v3  }
0x80: {  	[tilespmem:s15], [sflag:$0x3] =	stream.indirect_vreg.gather [hbm4b:s4+s2], $0x80, v4, vm0, $0xb8;
	[tilespmem:$0x16800] =	vst v63  }
0x81: {  	s16 =	simm.s32 $0xF000  }
0x82: {  	[tilespmem:s16], [sflag:$0x3] =	stream.indirect_vreg.gather [hbm4b:s9+s2], $0x80, v4, vm0, $0xb8;
	[tilespmem:$0x16800] =	vst v63  }
0x83: {  	s17 =	simm.s32 $0xF800  }
0x84: {  	[tilespmem:s17], [sflag:$0x3] =	stream.indirect_vreg.gather [hbm4b:s4+s2], $0x80, v3, vm0, $0xb8;
	[tilespmem:$0x16800] =	vst v63  }
0x85: {  	s18 =	simm.s32 $0x10000  }
0x86: {  	[tilespmem:s18], [sflag:$0x3] =	stream.indirect_vreg.gather [hbm4b:s9+s2], $0x80, v3, vm0, $0xb8;
	[tilespmem:$0x16800] =	vst v63  }
0x87: {  	v3 =	vld.msk [tilespmem:$0x48], $0xff;
	_ =	sdelay $0x4  }
0x88: {  	v60 =	vshll.u32 v3, $0x2  }
0x89: {  	v3 =	vand.u32 $0x7, v3;
	v4 =	vand.u32 $0xFFFFFFE0, v60  }
0x8a: {  	v3 =	vor.u32 v3, v4  }
0x8b: {  	v3 =	vperm.xlane v3, v0;
	_ =	sdelay $0x1  }
0x8c: {  	v3 =	vadd.s32 v1, v3;
	_ =	sdelay $0x3  }
0x8d: {  	s19 =	simm.s32 $0x10800  }
0x8e: {  	[tilespmem:s19], [sflag:$0x3] =	stream.indirect_vreg.gather [hbm4b:s4+s2], $0x80, v3, vm0, $0xb8;
	[tilespmem:$0x16800] =	vst v63  }
0x8f: {  	s20 =	simm.s32 $0x11000  }
0x90: {  	[tilespmem:s20], [sflag:$0x3] =	stream.indirect_vreg.gather [hbm4b:s9+s2], $0x80, v3, vm0, $0xb8;
	[tilespmem:$0x16800] =	vst v63  }
0x91: {  	v3 =	vld [tilespmem:$0x1428];
	_ =	sdelay $0x4  }
0x92: {  	v61 =	vshll.u32 v3, $0x2  }
0x93: {  	v3 =	vand.u32 $0x7, v3;
	v4 =	vand.u32 $0xFFFFFFE0, v61  }
0x94: {  	v3 =	vor.u32 v3, v4  }
0x95: {  	v4 =	vperm.xlane v3, v0;
	_ =	sdelay $0x1  }
0x96: {  	v4 =	vadd.s32 v1, v4;
	_ =	sdelay $0x1  }
0x97: {  	v3 =	vperm.xlane v3, v2;
	_ =	sdelay $0x1  }
0x98: {  	s21 =	simm.s32 $0x11800;
	v3 =	vadd.s32 v1, v3  }
0x99: {  	[tilespmem:s21], [sflag:$0x4] =	stream.indirect_vreg.gather [hbm4b:s5+s2], $0x80, v4, vm0, $0xb8;
	[tilespmem:$0x16800] =	vst v63  }
0x9a: {  	s22 =	simm.s32 $0x12000  }
0x9b: {  	[tilespmem:s22], [sflag:$0x4] =	stream.indirect_vreg.gather [hbm4b:s10+s2], $0x80, v4, vm0, $0xb8;
	[tilespmem:$0x16800] =	vst v63  }
0x9c: {  	s23 =	simm.s32 $0x12800  }
0x9d: {  	[tilespmem:s23], [sflag:$0x4] =	stream.indirect_vreg.gather [hbm4b:s5+s2], $0x80, v3, vm0, $0xb8;
	[tilespmem:$0x16800] =	vst v63  }
0x9e: {  	s24 =	simm.s32 $0x13000  }
0x9f: {  	[tilespmem:s24], [sflag:$0x4] =	stream.indirect_vreg.gather [hbm4b:s10+s2], $0x80, v3, vm0, $0xb8;
	[tilespmem:$0x16800] =	vst v63  }
0xa0: {  	v3 =	vld [tilespmem:$0x1438];
	_ =	sdelay $0x4  }
0xa1: {  	v62 =	vshll.u32 v3, $0x2  }
0xa2: {  	v3 =	vand.u32 $0x7, v3;
	v4 =	vand.u32 $0xFFFFFFE0, v62  }
0xa3: {  	v3 =	vor.u32 v3, v4  }
0xa4: {  	v4 =	vperm.xlane v3, v0;
	_ =	sdelay $0x1  }
0xa5: {  	v4 =	vadd.s32 v1, v4;
	_ =	sdelay $0x1  }
0xa6: {  	v3 =	vperm.xlane v3, v2;
	_ =	sdelay $0x1  }
0xa7: {  	s25 =	simm.s32 $0x13800;
	v3 =	vadd.s32 v1, v3  }
0xa8: {  	[tilespmem:s25], [sflag:$0x4] =	stream.indirect_vreg.gather [hbm4b:s5+s2], $0x80, v4, vm0, $0xb8;
	[tilespmem:$0x16800] =	vst v63  }
0xa9: {  	s26 =	simm.s32 $0x14000  }
0xaa: {  	[tilespmem:s26], [sflag:$0x4] =	stream.indirect_vreg.gather [hbm4b:s10+s2], $0x80, v4, vm0, $0xb8;
	[tilespmem:$0x16800] =	vst v63  }
0xab: {  	s28 =	simm.s32 $0x14800  }
0xac: {  	[tilespmem:s28], [sflag:$0x4] =	stream.indirect_vreg.gather [hbm4b:s5+s2], $0x80, v3, vm0, $0xb8;
	[tilespmem:$0x16800] =	vst v63  }
0xad: {  	s29 =	simm.s32 $0x15000  }
0xae: {  	[tilespmem:s29], [sflag:$0x4] =	stream.indirect_vreg.gather [hbm4b:s10+s2], $0x80, v3, vm0, $0xb8;
	[tilespmem:$0x16800] =	vst v63  }
0xaf: {  	v3 =	vld.msk [tilespmem:$0x1448], $0xff;
	_ =	sdelay $0x4  }
0xb0: {  	v63 =	vshll.u32 v3, $0x2  }
0xb1: {  	v3 =	vand.u32 $0x7, v3;
	v4 =	vand.u32 $0xFFFFFFE0, v63  }
0xb2: {  	v3 =	vor.u32 v3, v4  }
0xb3: {  	v3 =	vperm.xlane v3, v0;
	_ =	sdelay $0x1  }
0xb4: {  	v3 =	vadd.s32 v1, v3;
	_ =	sdelay $0x3  }
0xb5: {  	s30 =	simm.s32 $0x15800  }
0xb6: {  	[tilespmem:s30], [sflag:$0x4] =	stream.indirect_vreg.gather [hbm4b:s5+s2], $0x80, v3, vm0, $0xb8;
	[tilespmem:$0x16800] =	vst v63  }
0xb7: {  	s31 =	simm.s32 $0x16000;
	s21 =	simm.s32 $0x0  }
0xb8: {  	[tilespmem:s31], [sflag:$0x4] =	stream.indirect_vreg.gather [hbm4b:s10+s2], $0x80, v3, vm0, $0xb8;
	[tilespmem:$0x16800] =	vst v63  }
.LBB2_2:
0xb9: {  	s0 =	simm.s32 $0x1  }
0xba: {  	_ =	swait.ge [sflag:s0], $0x5000  }
0xbb: {  	[sflag:s0] =	ssyncset.done $0x0  }
0xbc: {  	s7 =	simm.s32 $0x2;
	[sflag:s0] =	ssyncadd.s32 $0xFFFFB000  }
0xbd: {  	s1 =	simm.s32 $0x0;
	_ =	swait.ge [sflag:s7], $0x5000  }
0xbe: {  	s20 =	sand.u32 $0x7000, s1;
	s3 =	sand.u32 $0x300, s1;
	[sflag:s7] =	ssyncset.done $0x0  }
0xbf: {  	s0 =	sor.u32 s3, s20;
	[sflag:s7] =	ssyncadd.s32 $0xFFFFB000  }
0xc0: {  	v3 =	vld [tilespmem:s0+$0x7880]  }
0xc1: {  	v4 =	vld [tilespmem:s0+$0x7890]  }
0xc2: {  	v5 =	vld [tilespmem:s0+$0x78A0]  }
0xc3: {  	v6 =	vld [tilespmem:s0+$0x78B0]  }
0xc4: {  	v7 =	vld [tilespmem:s0+$0x78C0]  }
0xc5: {  	v8 =	vld [tilespmem:s0+$0x78D0]  }
0xc6: {  	v9 =	vld [tilespmem:s0+$0x78E0]  }
0xc7: {  	v10 =	vld [tilespmem:s0+$0x78F0]  }
0xc8: {  	v11 =	vld [tilespmem:s0+$0x7C80]  }
0xc9: {  	v12 =	vld [tilespmem:s0+$0x7C90]  }
0xca: {  	v13 =	vld [tilespmem:s0+$0x7CA0]  }
0xcb: {  	v14 =	vld [tilespmem:s0+$0x7CB0]  }
0xcc: {  	v15 =	vld [tilespmem:s0+$0x7CC0]  }
0xcd: {  	v16 =	vld [tilespmem:s0+$0x7CD0]  }
0xce: {  	v17 =	vld [tilespmem:s0+$0x7CE0]  }
0xcf: {  	v18 =	vld [tilespmem:s0+$0x7CF0]  }
0xd0: {  	v19 =	vld [tilespmem:s0+$0x8080]  }
0xd1: {  	v20 =	vld [tilespmem:s0+$0x8090]  }
0xd2: {  	v21 =	vld [tilespmem:s0+$0x80A0]  }
0xd3: {  	v22 =	vld [tilespmem:s0+$0x80B0]  }
0xd4: {  	v23 =	vld [tilespmem:s0+$0x80C0]  }
0xd5: {  	v24 =	vld [tilespmem:s0+$0x80D0]  }
0xd6: {  	v25 =	vld [tilespmem:s0+$0x80E0]  }
0xd7: {  	v26 =	vld [tilespmem:s0+$0x80F0]  }
0xd8: {  	v59 =	vld [tilespmem:s0+$0x7840]  }
0xd9: {  	v60 =	vld [tilespmem:s0+$0x7850]  }
0xda: {  	v61 =	vld [tilespmem:s0+$0x7860]  }
0xdb: {  	v62 =	vld [tilespmem:s0+$0x7870]  }
0xdc: {  	v63 =	vld [tilespmem:s0+$0x7C00]  }
0xdd: {  	v30 =	vld [tilespmem:s0+$0x7C10]  }
0xde: {  	v31 =	vld [tilespmem:s0+$0x7C20]  }
0xdf: {  	v32 =	vld [tilespmem:s0+$0x7C30]  }
0xe0: {  	v33 =	vld [tilespmem:s0+$0x7C40]  }
0xe1: {  	v34 =	vld [tilespmem:s0+$0x7C50]  }
0xe2: {  	v35 =	vld [tilespmem:s0+$0x7C60]  }
0xe3: {  	v36 =	vld [tilespmem:s0+$0x7C70]  }
0xe4: {  	v37 =	vld [tilespmem:s0+$0x8000]  }
0xe5: {  	v38 =	vld [tilespmem:s0+$0x8010]  }
0xe6: {  	v39 =	vld [tilespmem:s0+$0x8020]  }
0xe7: {  	v40 =	vld [tilespmem:s0+$0x8030]  }
0xe8: {  	v41 =	vld [tilespmem:s0+$0x8040]  }
0xe9: {  	v42 =	vld [tilespmem:s0+$0x8050]  }
0xea: {  	v43 =	vld [tilespmem:s0+$0x8060]  }
0xeb: {  	v27 =	vld [tilespmem:s0+$0x8070]  }
0xec: {  	[tilespmem:s0+$0x2880] =	vst.add.f32.msk $0xffff, v3  }
0xed: {  	[tilespmem:s0+$0x2890] =	vst.add.f32.msk $0xffff, v4  }
0xee: {  	[tilespmem:s0+$0x28A0] =	vst.add.f32.msk $0xffff, v5  }
0xef: {  	[tilespmem:s0+$0x28B0] =	vst.add.f32.msk $0xffff, v6  }
0xf0: {  	[tilespmem:s0+$0x28C0] =	vst.add.f32.msk $0xffff, v7  }
0xf1: {  	[tilespmem:s0+$0x28D0] =	vst.add.f32.msk $0xffff, v8  }
0xf2: {  	[tilespmem:s0+$0x28E0] =	vst.add.f32.msk $0xffff, v9  }
0xf3: {  	[tilespmem:s0+$0x28F0] =	vst.add.f32.msk $0xffff, v10  }
0xf4: {  	[tilespmem:s0+$0x2C80] =	vst.add.f32.msk $0xffff, v11  }
0xf5: {  	[tilespmem:s0+$0x2C90] =	vst.add.f32.msk $0xffff, v12  }
0xf6: {  	[tilespmem:s0+$0x2CA0] =	vst.add.f32.msk $0xffff, v13  }
0xf7: {  	[tilespmem:s0+$0x2CB0] =	vst.add.f32.msk $0xffff, v14  }
0xf8: {  	[tilespmem:s0+$0x2CC0] =	vst.add.f32.msk $0xffff, v15  }
0xf9: {  	[tilespmem:s0+$0x2CD0] =	vst.add.f32.msk $0xffff, v16  }
0xfa: {  	[tilespmem:s0+$0x2CE0] =	vst.add.f32.msk $0xffff, v17  }
0xfb: {  	[tilespmem:s0+$0x2CF0] =	vst.add.f32.msk $0xffff, v18  }
0xfc: {  	[tilespmem:s0+$0x3080] =	vst.add.f32.msk $0xffff, v19  }
0xfd: {  	[tilespmem:s0+$0x3090] =	vst.add.f32.msk $0xffff, v20  }
0xfe: {  	[tilespmem:s0+$0x30A0] =	vst.add.f32.msk $0xffff, v21  }
0xff: {  	[tilespmem:s0+$0x30B0] =	vst.add.f32.msk $0xffff, v22  }
0x100: {  	[tilespmem:s0+$0x30C0] =	vst.add.f32.msk $0xffff, v23  }
0x101: {  	[tilespmem:s0+$0x30D0] =	vst.add.f32.msk $0xffff, v24  }
0x102: {  	[tilespmem:s0+$0x30E0] =	vst.add.f32.msk $0xffff, v25  }
0x103: {  	[tilespmem:s0+$0x30F0] =	vst.add.f32.msk $0xffff, v26  }
0x104: {  	v4 =	vld [tilespmem:s0+$0x7800]  }
0x105: {  	v5 =	vld [tilespmem:s0+$0x7810]  }
0x106: {  	v6 =	vld [tilespmem:s0+$0x7820]  }
0x107: {  	v7 =	vld [tilespmem:s0+$0x7830]  }
0x108: {  	[tilespmem:s0+$0x2840] =	vst.add.f32.msk $0xffff, v59  }
0x109: {  	[tilespmem:s0+$0x2850] =	vst.add.f32.msk $0xffff, v60  }
0x10a: {  	[tilespmem:s0+$0x2860] =	vst.add.f32.msk $0xffff, v61  }
0x10b: {  	[tilespmem:s0+$0x2870] =	vst.add.f32.msk $0xffff, v62  }
0x10c: {  	s1 =	sand.u32 $0x3, s1;
	[tilespmem:s0+$0x2C00] =	vst.add.f32.msk $0xffff, v63  }
0x10d: {  	s1 =	sshll.u32 s1, $0x8;
	[tilespmem:s0+$0x2C10] =	vst.add.f32.msk $0xffff, v30  }
0x10e: {  	s23 =	sadd.s32 $0x0, s1;
	[tilespmem:s0+$0x2C20] =	vst.add.f32.msk $0xffff, v31  }
0x10f: {  	s1 =	sadd.s32 $0x80, s23;
	[tilespmem:s0+$0x2C30] =	vst.add.f32.msk $0xffff, v32  }
0x110: {  	s22 =	sor.u32 $0xC00, s1;
	[tilespmem:s0+$0x2C40] =	vst.add.f32.msk $0xffff, v33  }
0x111: {  	v3 =	vld [tilespmem:s22+$0x7800]  }
0x112: {  	[tilespmem:s0+$0x2C50] =	vst.add.f32.msk $0xffff, v34  }
0x113: {  	[tilespmem:s0+$0x2C60] =	vst.add.f32.msk $0xffff, v35  }
0x114: {  	[tilespmem:s0+$0x2C70] =	vst.add.f32.msk $0xffff, v36  }
0x115: {  	[tilespmem:s0+$0x3000] =	vst.add.f32.msk $0xffff, v37  }
0x116: {  	s24 =	sor.u32 $0xC10, s1;
	[tilespmem:s22+$0x2800] =	vst.add.f32.msk $0xffff, v3  }
0x117: {  	v3 =	vld [tilespmem:s24+$0x7800]  }
0x118: {  	[tilespmem:s0+$0x3010] =	vst.add.f32.msk $0xffff, v38  }
0x119: {  	[tilespmem:s0+$0x3020] =	vst.add.f32.msk $0xffff, v39  }
0x11a: {  	[tilespmem:s0+$0x3030] =	vst.add.f32.msk $0xffff, v40  }
0x11b: {  	[tilespmem:s0+$0x3040] =	vst.add.f32.msk $0xffff, v41  }
0x11c: {  	s25 =	sor.u32 $0xC20, s1;
	[tilespmem:s24+$0x2800] =	vst.add.f32.msk $0xffff, v3  }
0x11d: {  	v3 =	vld [tilespmem:s25+$0x7800]  }
0x11e: {  	[tilespmem:s0+$0x3050] =	vst.add.f32.msk $0xffff, v42  }
0x11f: {  	[tilespmem:s0+$0x3060] =	vst.add.f32.msk $0xffff, v43  }
0x120: {  	[tilespmem:s0+$0x3070] =	vst.add.f32.msk $0xffff, v27  }
0x121: {  	[tilespmem:s0+$0x2800] =	vst.add.f32.msk $0xffff, v4  }
0x122: {  	s26 =	sor.u32 $0xC30, s1;
	[tilespmem:s25+$0x2800] =	vst.add.f32.msk $0xffff, v3  }
0x123: {  	v3 =	vld [tilespmem:s26+$0x7800]  }
0x124: {  	[tilespmem:s0+$0x2810] =	vst.add.f32.msk $0xffff, v5  }
0x125: {  	[tilespmem:s0+$0x2820] =	vst.add.f32.msk $0xffff, v6  }
0x126: {  	s11 =	sor.u32 $0xC00, s23;
	[tilespmem:s0+$0x2830] =	vst.add.f32.msk $0xffff, v7  }
0x127: {  	v4 =	vld [tilespmem:s11+$0x7800]  }
0x128: {  	s7 =	sor.u32 $0xC40, s1;
	[tilespmem:s26+$0x2800] =	vst.add.f32.msk $0xffff, v3  }
0x129: {  	v3 =	vld [tilespmem:s7+$0x7800];
	_ =	sdelay $0x3  }
0x12a: {  	s13 =	simm.s32 $0x100;
	s14 =	simm.s32 $0x400;
	[tilespmem:s11+$0x2800] =	vst.add.f32.msk $0xffff, v4  }
0x12b: {  	s8 =	sor.u32 $0xC50, s1;
	s0 =	sand.u32 $0x300, s13;
	[tilespmem:s7+$0x2800] =	vst.add.f32.msk $0xffff, v3;
	s7 =	sand.u32 $0x7000, s14  }
0x12c: {  	v3 =	vld [tilespmem:s8+$0x7800];
	s7 =	sor.u32 s0, s7  }
0x12d: {  	v5 =	vld [tilespmem:s7+$0x7880]  }
0x12e: {  	v6 =	vld [tilespmem:s7+$0x7890]  }
0x12f: {  	v7 =	vld [tilespmem:s7+$0x78A0]  }
0x130: {  	v44 =	vld [tilespmem:s7+$0x78B0]  }
0x131: {  	v45 =	vld [tilespmem:s7+$0x78C0]  }
0x132: {  	v46 =	vld [tilespmem:s7+$0x78D0]  }
0x133: {  	v47 =	vld [tilespmem:s7+$0x78E0]  }
0x134: {  	v48 =	vld [tilespmem:s7+$0x78F0]  }
0x135: {  	v49 =	vld [tilespmem:s7+$0x7C80]  }
0x136: {  	v50 =	vld [tilespmem:s7+$0x7C90]  }
0x137: {  	v51 =	vld [tilespmem:s7+$0x7CA0]  }
0x138: {  	v52 =	vld [tilespmem:s7+$0x7CB0]  }
0x139: {  	v53 =	vld [tilespmem:s7+$0x7CC0]  }
0x13a: {  	v54 =	vld [tilespmem:s7+$0x7CD0]  }
0x13b: {  	v55 =	vld [tilespmem:s7+$0x7CE0]  }
0x13c: {  	v56 =	vld [tilespmem:s7+$0x7CF0]  }
0x13d: {  	v57 =	vld [tilespmem:s7+$0x8080]  }
0x13e: {  	v58 =	vld [tilespmem:s7+$0x8090]  }
0x13f: {  	v59 =	vld [tilespmem:s7+$0x80A0]  }
0x140: {  	v60 =	vld [tilespmem:s7+$0x80B0]  }
0x141: {  	v61 =	vld [tilespmem:s7+$0x80C0]  }
0x142: {  	v62 =	vld [tilespmem:s7+$0x80D0]  }
0x143: {  	v63 =	vld [tilespmem:s7+$0x80E0]  }
0x144: {  	v28 =	vld [tilespmem:s7+$0x80F0]  }
0x145: {  	v32 =	vld [tilespmem:s7+$0x7820]  }
0x146: {  	v33 =	vld [tilespmem:s7+$0x7830]  }
0x147: {  	v34 =	vld [tilespmem:s7+$0x7840]  }
0x148: {  	v35 =	vld [tilespmem:s7+$0x7850]  }
0x149: {  	v36 =	vld [tilespmem:s7+$0x7860]  }
0x14a: {  	v37 =	vld [tilespmem:s7+$0x7870]  }
0x14b: {  	v38 =	vld [tilespmem:s7+$0x7C00]  }
0x14c: {  	v39 =	vld [tilespmem:s7+$0x7C10]  }
0x14d: {  	v40 =	vld [tilespmem:s7+$0x7C20]  }
0x14e: {  	v41 =	vld [tilespmem:s7+$0x7C30]  }
0x14f: {  	v42 =	vld [tilespmem:s7+$0x7C40]  }
0x150: {  	v43 =	vld [tilespmem:s7+$0x7C50]  }
0x151: {  	v29 =	vld [tilespmem:s7+$0x8070]  }
0x152: {  	s12 =	sor.u32 $0xC60, s1;
	[tilespmem:s8+$0x2800] =	vst.add.f32.msk $0xffff, v3  }
0x153: {  	s8 =	sor.u32 $0xC10, s23;
	v3 =	vld [tilespmem:s12+$0x7800]  }
0x154: {  	v4 =	vld [tilespmem:s8+$0x7800]  }
0x155: {  	[tilespmem:s7+$0x2880] =	vst.add.f32.msk $0xffff, v5  }
0x156: {  	[tilespmem:s7+$0x2890] =	vst.add.f32.msk $0xffff, v6  }
0x157: {  	[tilespmem:s7+$0x28A0] =	vst.add.f32.msk $0xffff, v7  }
0x158: {  	[tilespmem:s7+$0x28B0] =	vst.add.f32.msk $0xffff, v44  }
0x159: {  	[tilespmem:s7+$0x28C0] =	vst.add.f32.msk $0xffff, v45  }
0x15a: {  	[tilespmem:s7+$0x28D0] =	vst.add.f32.msk $0xffff, v46  }
0x15b: {  	[tilespmem:s7+$0x28E0] =	vst.add.f32.msk $0xffff, v47  }
0x15c: {  	[tilespmem:s7+$0x28F0] =	vst.add.f32.msk $0xffff, v48  }
0x15d: {  	[tilespmem:s7+$0x2C80] =	vst.add.f32.msk $0xffff, v49  }
0x15e: {  	[tilespmem:s7+$0x2C90] =	vst.add.f32.msk $0xffff, v50  }
0x15f: {  	[tilespmem:s7+$0x2CA0] =	vst.add.f32.msk $0xffff, v51  }
0x160: {  	[tilespmem:s7+$0x2CB0] =	vst.add.f32.msk $0xffff, v52  }
0x161: {  	[tilespmem:s7+$0x2CC0] =	vst.add.f32.msk $0xffff, v53  }
0x162: {  	[tilespmem:s7+$0x2CD0] =	vst.add.f32.msk $0xffff, v54  }
0x163: {  	[tilespmem:s7+$0x2CE0] =	vst.add.f32.msk $0xffff, v55  }
0x164: {  	[tilespmem:s7+$0x2CF0] =	vst.add.f32.msk $0xffff, v56  }
0x165: {  	[tilespmem:s7+$0x3080] =	vst.add.f32.msk $0xffff, v57  }
0x166: {  	[tilespmem:s7+$0x3090] =	vst.add.f32.msk $0xffff, v58  }
0x167: {  	[tilespmem:s7+$0x30A0] =	vst.add.f32.msk $0xffff, v59  }
0x168: {  	[tilespmem:s7+$0x30B0] =	vst.add.f32.msk $0xffff, v60  }
0x169: {  	[tilespmem:s7+$0x30C0] =	vst.add.f32.msk $0xffff, v61  }
0x16a: {  	[tilespmem:s7+$0x30D0] =	vst.add.f32.msk $0xffff, v62  }
0x16b: {  	[tilespmem:s7+$0x30E0] =	vst.add.f32.msk $0xffff, v63  }
0x16c: {  	[tilespmem:s7+$0x30F0] =	vst.add.f32.msk $0xffff, v28  }
0x16d: {  	v6 =	vld [tilespmem:s7+$0x7800]  }
0x16e: {  	v7 =	vld [tilespmem:s7+$0x7810]  }
0x16f: {  	v44 =	vld [tilespmem:s7+$0x7C60]  }
0x170: {  	v45 =	vld [tilespmem:s7+$0x7C70]  }
0x171: {  	v46 =	vld [tilespmem:s7+$0x8000]  }
0x172: {  	v47 =	vld [tilespmem:s7+$0x8010]  }
0x173: {  	v48 =	vld [tilespmem:s7+$0x8020]  }
0x174: {  	v49 =	vld [tilespmem:s7+$0x8030]  }
0x175: {  	v50 =	vld [tilespmem:s7+$0x8040]  }
0x176: {  	v51 =	vld [tilespmem:s7+$0x8050]  }
0x177: {  	v52 =	vld [tilespmem:s7+$0x8060]  }
0x178: {  	[tilespmem:s7+$0x2820] =	vst.add.f32.msk $0xffff, v32  }
0x179: {  	[tilespmem:s7+$0x2830] =	vst.add.f32.msk $0xffff, v33  }
0x17a: {  	[tilespmem:s7+$0x2840] =	vst.add.f32.msk $0xffff, v34  }
0x17b: {  	[tilespmem:s7+$0x2850] =	vst.add.f32.msk $0xffff, v35  }
0x17c: {  	[tilespmem:s7+$0x2860] =	vst.add.f32.msk $0xffff, v36  }
0x17d: {  	[tilespmem:s7+$0x2870] =	vst.add.f32.msk $0xffff, v37  }
0x17e: {  	[tilespmem:s7+$0x2C00] =	vst.add.f32.msk $0xffff, v38  }
0x17f: {  	s16 =	simm.s32 $0x1;
	[tilespmem:s7+$0x2C10] =	vst.add.f32.msk $0xffff, v39  }
0x180: {  	s0 =	sand.u32 $0x3, s16;
	[tilespmem:s7+$0x2C20] =	vst.add.f32.msk $0xffff, v40  }
0x181: {  	s0 =	sshll.u32 s0, $0x8;
	[tilespmem:s7+$0x2C30] =	vst.add.f32.msk $0xffff, v41  }
0x182: {  	s0 =	sadd.s32 $0x400, s0;
	[tilespmem:s7+$0x2C40] =	vst.add.f32.msk $0xffff, v42  }
0x183: {  	s17 =	sadd.s32 $0x80, s0;
	[tilespmem:s7+$0x2C50] =	vst.add.f32.msk $0xffff, v43  }
0x184: {  	s11 =	sor.u32 $0xC00, s17;
	[tilespmem:s7+$0x3070] =	vst.add.f32.msk $0xffff, v29  }
0x185: {  	v5 =	vld [tilespmem:s11+$0x7800]  }
0x186: {  	[tilespmem:s12+$0x2800] =	vst.add.f32.msk $0xffff, v3  }
0x187: {  	[tilespmem:s8+$0x2800] =	vst.add.f32.msk $0xffff, v4  }
0x188: {  	[tilespmem:s7+$0x2800] =	vst.add.f32.msk $0xffff, v6  }
0x189: {  	[tilespmem:s7+$0x2810] =	vst.add.f32.msk $0xffff, v7  }
0x18a: {  	[tilespmem:s7+$0x2C60] =	vst.add.f32.msk $0xffff, v44  }
0x18b: {  	[tilespmem:s7+$0x2C70] =	vst.add.f32.msk $0xffff, v45  }
0x18c: {  	[tilespmem:s7+$0x3000] =	vst.add.f32.msk $0xffff, v46  }
0x18d: {  	[tilespmem:s7+$0x3010] =	vst.add.f32.msk $0xffff, v47  }
0x18e: {  	[tilespmem:s7+$0x3020] =	vst.add.f32.msk $0xffff, v48  }
0x18f: {  	[tilespmem:s7+$0x3030] =	vst.add.f32.msk $0xffff, v49  }
0x190: {  	[tilespmem:s7+$0x3040] =	vst.add.f32.msk $0xffff, v50  }
0x191: {  	[tilespmem:s7+$0x3050] =	vst.add.f32.msk $0xffff, v51  }
0x192: {  	s15 =	sor.u32 $0xC20, s23;
	s1 =	sor.u32 $0xC70, s1;
	s16 =	simm.s32 $0x200;
	[tilespmem:s7+$0x3060] =	vst.add.f32.msk $0xffff, v52  }
0x193: {  	s18 =	sor.u32 $0xC10, s17;
	s19 =	sor.u32 $0xC20, s17;
	s20 =	sor.u32 $0xC30, s17;
	v3 =	vld [tilespmem:s1+$0x7800]  }
0x194: {  	s22 =	sor.u32 $0xC40, s17;
	s24 =	sor.u32 $0xC50, s17;
	s25 =	sor.u32 $0xC60, s17;
	v4 =	vld [tilespmem:s15+$0x7800]  }
0x195: {  	s13 =	sor.u32 $0xC70, s17;
	s17 =	simm.s32 $0x800;
	s12 =	sor.u32 $0xC00, s0;
	[tilespmem:s11+$0x2800] =	vst.add.f32.msk $0xffff, v5  }
0x196: {  	s8 =	sand.u32 $0x7000, s17;
	s7 =	sand.u32 $0x300, s16;
	v6 =	vld [tilespmem:s12+$0x7800]  }
0x197: {  	s7 =	sor.u32 s7, s8;
	v5 =	vld [tilespmem:s18+$0x7800]  }
0x198: {  	v7 =	vld [tilespmem:s7+$0x78A0]  }
0x199: {  	v53 =	vld [tilespmem:s7+$0x78B0]  }
0x19a: {  	v54 =	vld [tilespmem:s7+$0x78C0]  }
0x19b: {  	v55 =	vld [tilespmem:s7+$0x78D0]  }
0x19c: {  	v56 =	vld [tilespmem:s7+$0x78E0]  }
0x19d: {  	v57 =	vld [tilespmem:s7+$0x78F0]  }
0x19e: {  	v58 =	vld [tilespmem:s7+$0x7C80]  }
0x19f: {  	v59 =	vld [tilespmem:s7+$0x7C90]  }
0x1a0: {  	v60 =	vld [tilespmem:s7+$0x7CA0]  }
0x1a1: {  	v61 =	vld [tilespmem:s7+$0x7CB0]  }
0x1a2: {  	v62 =	vld [tilespmem:s7+$0x7CC0]  }
0x1a3: {  	v63 =	vld [tilespmem:s7+$0x7CD0]  }
0x1a4: {  	v32 =	vld [tilespmem:s7+$0x7CE0]  }
0x1a5: {  	v33 =	vld [tilespmem:s7+$0x7CF0]  }
0x1a6: {  	v34 =	vld [tilespmem:s7+$0x8080]  }
0x1a7: {  	v35 =	vld [tilespmem:s7+$0x8090]  }
0x1a8: {  	v36 =	vld [tilespmem:s7+$0x80A0]  }
0x1a9: {  	v37 =	vld [tilespmem:s7+$0x80B0]  }
0x1aa: {  	v38 =	vld [tilespmem:s7+$0x80C0]  }
0x1ab: {  	v39 =	vld [tilespmem:s7+$0x80D0]  }
0x1ac: {  	v40 =	vld [tilespmem:s7+$0x80E0]  }
0x1ad: {  	v41 =	vld [tilespmem:s7+$0x80F0]  }
0x1ae: {  	v42 =	vld [tilespmem:s7+$0x7820]  }
0x1af: {  	v43 =	vld [tilespmem:s7+$0x7830]  }
0x1b0: {  	v44 =	vld [tilespmem:s7+$0x7840]  }
0x1b1: {  	v45 =	vld [tilespmem:s7+$0x7850]  }
0x1b2: {  	v46 =	vld [tilespmem:s7+$0x7860]  }
0x1b3: {  	v47 =	vld [tilespmem:s7+$0x7870]  }
0x1b4: {  	v48 =	vld [tilespmem:s7+$0x7C00]  }
0x1b5: {  	v49 =	vld [tilespmem:s7+$0x7C10]  }
0x1b6: {  	v50 =	vld [tilespmem:s7+$0x7C20]  }
0x1b7: {  	v51 =	vld [tilespmem:s7+$0x7C30]  }
0x1b8: {  	v52 =	vld [tilespmem:s7+$0x7C40]  }
0x1b9: {  	[tilespmem:s15+$0x2800] =	vst.add.f32.msk $0xffff, v4  }
0x1ba: {  	[tilespmem:s12+$0x2800] =	vst.add.f32.msk $0xffff, v6  }
0x1bb: {  	[tilespmem:s1+$0x2800] =	vst.add.f32.msk $0xffff, v3  }
0x1bc: {  	s26 =	sor.u32 $0xC30, s23;
	[tilespmem:s18+$0x2800] =	vst.add.f32.msk $0xffff, v5  }
0x1bd: {  	s14 =	sor.u32 $0xC10, s0;
	v4 =	vld [tilespmem:s26+$0x7800]  }
0x1be: {  	v6 =	vld [tilespmem:s14+$0x7800]  }
0x1bf: {  	[tilespmem:s7+$0x28A0] =	vst.add.f32.msk $0xffff, v7  }
0x1c0: {  	[tilespmem:s7+$0x28B0] =	vst.add.f32.msk $0xffff, v53  }
0x1c1: {  	[tilespmem:s7+$0x28C0] =	vst.add.f32.msk $0xffff, v54  }
0x1c2: {  	[tilespmem:s7+$0x28D0] =	vst.add.f32.msk $0xffff, v55  }
0x1c3: {  	[tilespmem:s7+$0x28E0] =	vst.add.f32.msk $0xffff, v56  }
0x1c4: {  	[tilespmem:s7+$0x28F0] =	vst.add.f32.msk $0xffff, v57  }
0x1c5: {  	[tilespmem:s7+$0x2C80] =	vst.add.f32.msk $0xffff, v58  }
0x1c6: {  	[tilespmem:s7+$0x2C90] =	vst.add.f32.msk $0xffff, v59  }
0x1c7: {  	[tilespmem:s7+$0x2CA0] =	vst.add.f32.msk $0xffff, v60  }
0x1c8: {  	v5 =	vld [tilespmem:s19+$0x7800]  }
0x1c9: {  	[tilespmem:s7+$0x2CB0] =	vst.add.f32.msk $0xffff, v61  }
0x1ca: {  	[tilespmem:s7+$0x2CC0] =	vst.add.f32.msk $0xffff, v62  }
0x1cb: {  	[tilespmem:s7+$0x2CD0] =	vst.add.f32.msk $0xffff, v63  }
0x1cc: {  	[tilespmem:s7+$0x2CE0] =	vst.add.f32.msk $0xffff, v32  }
0x1cd: {  	[tilespmem:s19+$0x2800] =	vst.add.f32.msk $0xffff, v5  }
0x1ce: {  	v5 =	vld [tilespmem:s20+$0x7800]  }
0x1cf: {  	[tilespmem:s7+$0x2CF0] =	vst.add.f32.msk $0xffff, v33  }
0x1d0: {  	[tilespmem:s7+$0x3080] =	vst.add.f32.msk $0xffff, v34  }
0x1d1: {  	[tilespmem:s7+$0x3090] =	vst.add.f32.msk $0xffff, v35  }
0x1d2: {  	[tilespmem:s7+$0x30A0] =	vst.add.f32.msk $0xffff, v36  }
0x1d3: {  	[tilespmem:s20+$0x2800] =	vst.add.f32.msk $0xffff, v5  }
0x1d4: {  	v5 =	vld [tilespmem:s22+$0x7800]  }
0x1d5: {  	[tilespmem:s7+$0x30B0] =	vst.add.f32.msk $0xffff, v37  }
0x1d6: {  	[tilespmem:s7+$0x30C0] =	vst.add.f32.msk $0xffff, v38  }
0x1d7: {  	[tilespmem:s7+$0x30D0] =	vst.add.f32.msk $0xffff, v39  }
0x1d8: {  	[tilespmem:s7+$0x30E0] =	vst.add.f32.msk $0xffff, v40  }
0x1d9: {  	[tilespmem:s22+$0x2800] =	vst.add.f32.msk $0xffff, v5  }
0x1da: {  	v5 =	vld [tilespmem:s24+$0x7800]  }
0x1db: {  	[tilespmem:s7+$0x30F0] =	vst.add.f32.msk $0xffff, v41  }
0x1dc: {  	v7 =	vld [tilespmem:s7+$0x7810]  }
0x1dd: {  	v53 =	vld [tilespmem:s7+$0x7C50]  }
0x1de: {  	v54 =	vld [tilespmem:s7+$0x7C60]  }
0x1df: {  	[tilespmem:s24+$0x2800] =	vst.add.f32.msk $0xffff, v5  }
0x1e0: {  	v5 =	vld [tilespmem:s25+$0x7800]  }
0x1e1: {  	v55 =	vld [tilespmem:s7+$0x7C70]  }
0x1e2: {  	v56 =	vld [tilespmem:s7+$0x8000]  }
0x1e3: {  	v57 =	vld [tilespmem:s7+$0x8010]  }
0x1e4: {  	v58 =	vld [tilespmem:s7+$0x8020]  }
0x1e5: {  	[tilespmem:s25+$0x2800] =	vst.add.f32.msk $0xffff, v5  }
0x1e6: {  	v5 =	vld [tilespmem:s13+$0x7800]  }
0x1e7: {  	v59 =	vld [tilespmem:s7+$0x8030]  }
0x1e8: {  	v60 =	vld [tilespmem:s7+$0x8040]  }
0x1e9: {  	[tilespmem:s14+$0x2800] =	vst.add.f32.msk $0xffff, v6  }
0x1ea: {  	v6 =	vld [tilespmem:s7+$0x7890]  }
0x1eb: {  	[tilespmem:s13+$0x2800] =	vst.add.f32.msk $0xffff, v5  }
0x1ec: {  	s22 =	simm.s32 $0x2;
	v5 =	vld [tilespmem:s7+$0x7880]  }
0x1ed: {  	v61 =	vld [tilespmem:s7+$0x8050];
	s18 =	sand.u32 $0x3, s22  }
0x1ee: {  	v62 =	vld [tilespmem:s7+$0x8060];
	s8 =	sshll.u32 s18, $0x8  }
0x1ef: {  	v63 =	vld [tilespmem:s7+$0x8070];
	s8 =	sadd.s32 $0x800, s8  }
0x1f0: {  	[tilespmem:s7+$0x2890] =	vst.add.f32.msk $0xffff, v6;
	s19 =	sadd.s32 $0x80, s8  }
0x1f1: {  	s20 =	sor.u32 $0xC00, s19;
	[tilespmem:s7+$0x2880] =	vst.add.f32.msk $0xffff, v5  }
0x1f2: {  	v5 =	vld [tilespmem:s20+$0x7800]  }
0x1f3: {  	[tilespmem:s7+$0x2820] =	vst.add.f32.msk $0xffff, v42  }
0x1f4: {  	[tilespmem:s7+$0x2830] =	vst.add.f32.msk $0xffff, v43  }
0x1f5: {  	[tilespmem:s7+$0x2840] =	vst.add.f32.msk $0xffff, v44  }
0x1f6: {  	[tilespmem:s7+$0x2850] =	vst.add.f32.msk $0xffff, v45  }
0x1f7: {  	s24 =	sor.u32 $0xC10, s19;
	[tilespmem:s20+$0x2800] =	vst.add.f32.msk $0xffff, v5  }
0x1f8: {  	v5 =	vld [tilespmem:s24+$0x7800]  }
0x1f9: {  	[tilespmem:s7+$0x2860] =	vst.add.f32.msk $0xffff, v46  }
0x1fa: {  	[tilespmem:s7+$0x2870] =	vst.add.f32.msk $0xffff, v47  }
0x1fb: {  	[tilespmem:s7+$0x2C00] =	vst.add.f32.msk $0xffff, v48  }
0x1fc: {  	[tilespmem:s7+$0x2C10] =	vst.add.f32.msk $0xffff, v49  }
0x1fd: {  	s25 =	sor.u32 $0xC20, s19;
	[tilespmem:s24+$0x2800] =	vst.add.f32.msk $0xffff, v5  }
0x1fe: {  	v5 =	vld [tilespmem:s25+$0x7800]  }
0x1ff: {  	[tilespmem:s7+$0x2C20] =	vst.add.f32.msk $0xffff, v50  }
0x200: {  	[tilespmem:s7+$0x2C30] =	vst.add.f32.msk $0xffff, v51  }
0x201: {  	[tilespmem:s7+$0x2C40] =	vst.add.f32.msk $0xffff, v52  }
0x202: {  	[tilespmem:s26+$0x2800] =	vst.add.f32.msk $0xffff, v4  }
0x203: {  	s26 =	sor.u32 $0xC30, s19;
	[tilespmem:s25+$0x2800] =	vst.add.f32.msk $0xffff, v5  }
0x204: {  	v5 =	vld [tilespmem:s26+$0x7800]  }
0x205: {  	[tilespmem:s7+$0x2810] =	vst.add.f32.msk $0xffff, v7  }
0x206: {  	[tilespmem:s7+$0x2C50] =	vst.add.f32.msk $0xffff, v53  }
0x207: {  	[tilespmem:s7+$0x2C60] =	vst.add.f32.msk $0xffff, v54  }
0x208: {  	[tilespmem:s7+$0x2C70] =	vst.add.f32.msk $0xffff, v55  }
0x209: {  	s13 =	sor.u32 $0xC40, s19;
	[tilespmem:s26+$0x2800] =	vst.add.f32.msk $0xffff, v5  }
0x20a: {  	v5 =	vld [tilespmem:s13+$0x7800]  }
0x20b: {  	[tilespmem:s7+$0x3000] =	vst.add.f32.msk $0xffff, v56  }
0x20c: {  	[tilespmem:s7+$0x3010] =	vst.add.f32.msk $0xffff, v57  }
0x20d: {  	s15 =	sor.u32 $0xC40, s23;
	[tilespmem:s7+$0x3020] =	vst.add.f32.msk $0xffff, v58  }
0x20e: {  	v4 =	vld [tilespmem:s15+$0x7800]  }
0x20f: {  	s14 =	sor.u32 $0xC50, s19;
	[tilespmem:s13+$0x2800] =	vst.add.f32.msk $0xffff, v5  }
0x210: {  	v5 =	vld [tilespmem:s14+$0x7800]  }
0x211: {  	[tilespmem:s7+$0x3030] =	vst.add.f32.msk $0xffff, v59  }
0x212: {  	[tilespmem:s7+$0x3040] =	vst.add.f32.msk $0xffff, v60  }
0x213: {  	[tilespmem:s7+$0x3050] =	vst.add.f32.msk $0xffff, v61  }
0x214: {  	[tilespmem:s15+$0x2800] =	vst.add.f32.msk $0xffff, v4  }
0x215: {  	s15 =	sor.u32 $0xC60, s19;
	[tilespmem:s14+$0x2800] =	vst.add.f32.msk $0xffff, v5  }
0x216: {  	v5 =	vld [tilespmem:s15+$0x7800]  }
0x217: {  	s1 =	sor.u32 $0xC20, s0;
	[tilespmem:s7+$0x3060] =	vst.add.f32.msk $0xffff, v62  }
0x218: {  	v3 =	vld [tilespmem:s1+$0x7800]  }
0x219: {  	[tilespmem:s7+$0x3070] =	vst.add.f32.msk $0xffff, v63  }
0x21a: {  	v6 =	vld [tilespmem:s7+$0x7800]  }
0x21b: {  	s11 =	sor.u32 $0xC70, s19;
	[tilespmem:s15+$0x2800] =	vst.add.f32.msk $0xffff, v5  }
0x21c: {  	v5 =	vld [tilespmem:s11+$0x7800]  }
0x21d: {  	s3 =	sor.u32 $0xC50, s23;
	[tilespmem:s1+$0x2800] =	vst.add.f32.msk $0xffff, v3  }
0x21e: {  	s17 =	sor.u32 $0xC30, s0;
	v4 =	vld [tilespmem:s3+$0x7800]  }
0x21f: {  	v3 =	vld [tilespmem:s17+$0x7800]  }
0x220: {  	[tilespmem:s7+$0x2800] =	vst.add.f32.msk $0xffff, v6  }
0x221: {  	s16 =	sor.u32 $0xC00, s8;
	[tilespmem:s11+$0x2800] =	vst.add.f32.msk $0xffff, v5  }
0x222: {  	v5 =	vld [tilespmem:s16+$0x7800]  }
0x223: {  	[tilespmem:s3+$0x2800] =	vst.add.f32.msk $0xffff, v4  }
0x224: {  	[tilespmem:s17+$0x2800] =	vst.add.f32.msk $0xffff, v3;
	s18 =	sor.u32 $0xC60, s23  }
0x225: {  	v4 =	vld [tilespmem:s18+$0x7800];
	s20 =	sor.u32 $0xC40, s0  }
0x226: {  	v7 =	vld [tilespmem:s20+$0x7800]  }
0x227: {  	s19 =	sor.u32 $0xC10, s8;
	[tilespmem:s16+$0x2800] =	vst.add.f32.msk $0xffff, v5  }
0x228: {  	v6 =	vld [tilespmem:s19+$0x7800];
	_ =	sdelay $0x1  }
0x229: {  	s23 =	sor.u32 $0xC70, s23;
	[tilespmem:s18+$0x2800] =	vst.add.f32.msk $0xffff, v4  }
0x22a: {  	s1 =	simm.s32 $0x4;
	s31 =	sor.u32 $0xC30, s8;
	s30 =	sor.u32 $0xC40, s8;
	v5 =	vld [tilespmem:s23+$0x7800]  }
0x22b: {  	s29 =	sor.u32 $0xC50, s8;
	s28 =	sor.u32 $0xC60, s8;
	s24 =	sor.u32 $0xC70, s0;
	[tilespmem:s20+$0x2800] =	vst.add.f32.msk $0xffff, v7  }
0x22c: {  	s25 =	sor.u32 $0xC60, s0;
	s26 =	sor.u32 $0xC50, s0;
	s0 =	sor.u32 $0xC20, s8;
	[tilespmem:s19+$0x2800] =	vst.add.f32.msk $0xffff, v6  }
0x22d: {  	s3 =	sor.u32 $0xC70, s8;
	s7 =	simm.s32 $0xC00;
	s15 =	simm.s32 $0x300;
	v3 =	vld [tilespmem:s0+$0x7800]  }
.LBB2_3:
0x22e: {  	s8 =	sand.u32 $0x7000, s7;
	s11 =	sand.u32 $0x300, s15;
	v4 =	vld [tilespmem:s26+$0x7800]  }
0x22f: {  	s8 =	sor.u32 s11, s8;
	[tilespmem:s23+$0x2800] =	vst.add.f32.msk $0xffff, v5;
	s23 =	smov.u32 s24;
	s24 =	smov.u32 s3  }
0x230: {  	v5 =	vld [tilespmem:s8+$0x7880]  }
0x231: {  	v6 =	vld [tilespmem:s8+$0x7890]  }
0x232: {  	v7 =	vld [tilespmem:s8+$0x78A0]  }
0x233: {  	v8 =	vld [tilespmem:s8+$0x78B0]  }
0x234: {  	v9 =	vld [tilespmem:s8+$0x78C0]  }
0x235: {  	v10 =	vld [tilespmem:s8+$0x78D0]  }
0x236: {  	v11 =	vld [tilespmem:s8+$0x78E0]  }
0x237: {  	v12 =	vld [tilespmem:s8+$0x78F0]  }
0x238: {  	v13 =	vld [tilespmem:s8+$0x7C80]  }
0x239: {  	v14 =	vld [tilespmem:s8+$0x7C90]  }
0x23a: {  	v15 =	vld [tilespmem:s8+$0x7CA0]  }
0x23b: {  	v16 =	vld [tilespmem:s8+$0x7CB0]  }
0x23c: {  	v17 =	vld [tilespmem:s8+$0x7CC0]  }
0x23d: {  	v18 =	vld [tilespmem:s8+$0x7CD0]  }
0x23e: {  	v19 =	vld [tilespmem:s8+$0x7CE0]  }
0x23f: {  	v20 =	vld [tilespmem:s8+$0x7CF0]  }
0x240: {  	v21 =	vld [tilespmem:s8+$0x8080]  }
0x241: {  	v22 =	vld [tilespmem:s8+$0x8090]  }
0x242: {  	v23 =	vld [tilespmem:s8+$0x80A0]  }
0x243: {  	v24 =	vld [tilespmem:s8+$0x80B0]  }
0x244: {  	v25 =	vld [tilespmem:s8+$0x80C0]  }
0x245: {  	v26 =	vld [tilespmem:s8+$0x80D0]  }
0x246: {  	v27 =	vld [tilespmem:s8+$0x80E0]  }
0x247: {  	v28 =	vld [tilespmem:s8+$0x80F0]  }
0x248: {  	[tilespmem:s8+$0x2880] =	vst.add.f32.msk $0xffff, v5  }
0x249: {  	[tilespmem:s8+$0x2890] =	vst.add.f32.msk $0xffff, v6  }
0x24a: {  	[tilespmem:s8+$0x28A0] =	vst.add.f32.msk $0xffff, v7  }
0x24b: {  	[tilespmem:s8+$0x28B0] =	vst.add.f32.msk $0xffff, v8  }
0x24c: {  	[tilespmem:s8+$0x28C0] =	vst.add.f32.msk $0xffff, v9  }
0x24d: {  	[tilespmem:s8+$0x28D0] =	vst.add.f32.msk $0xffff, v10  }
0x24e: {  	[tilespmem:s8+$0x28E0] =	vst.add.f32.msk $0xffff, v11  }
0x24f: {  	[tilespmem:s8+$0x28F0] =	vst.add.f32.msk $0xffff, v12  }
0x250: {  	[tilespmem:s8+$0x2C80] =	vst.add.f32.msk $0xffff, v13  }
0x251: {  	[tilespmem:s8+$0x2C90] =	vst.add.f32.msk $0xffff, v14  }
0x252: {  	[tilespmem:s8+$0x2CA0] =	vst.add.f32.msk $0xffff, v15  }
0x253: {  	[tilespmem:s8+$0x2CB0] =	vst.add.f32.msk $0xffff, v16  }
0x254: {  	[tilespmem:s8+$0x2CC0] =	vst.add.f32.msk $0xffff, v17  }
0x255: {  	[tilespmem:s8+$0x2CD0] =	vst.add.f32.msk $0xffff, v18  }
0x256: {  	[tilespmem:s8+$0x2CE0] =	vst.add.f32.msk $0xffff, v19  }
0x257: {  	[tilespmem:s8+$0x2CF0] =	vst.add.f32.msk $0xffff, v20  }
0x258: {  	s1 =	sadd.s32 $0x2, s1;
	[tilespmem:s8+$0x3080] =	vst.add.f32.msk $0xffff, v21  }
0x259: {  	p0 =	slt.u32 s1, $0x26;
	[tilespmem:s8+$0x3090] =	vst.add.f32.msk $0xffff, v22  }
0x25a: {  	s22 =	sadd.s32 $0x1, s22;
	[tilespmem:s8+$0x30A0] =	vst.add.f32.msk $0xffff, v23  }
0x25b: {  	s3 =	sand.u32 $0x3, s22;
	[tilespmem:s8+$0x30B0] =	vst.add.f32.msk $0xffff, v24  }
0x25c: {  	s3 =	sshll.u32 s3, $0x8;
	[tilespmem:s8+$0x30C0] =	vst.add.f32.msk $0xffff, v25  }
0x25d: {  	s3 =	sadd.s32 s3, s7;
	[tilespmem:s8+$0x30D0] =	vst.add.f32.msk $0xffff, v26  }
0x25e: {  	s16 =	sor.u32 $0xC00, s3;
	s11 =	sor.u32 $0xC10, s3;
	s14 =	sadd.s32 $0x80, s3;
	[tilespmem:s8+$0x30E0] =	vst.add.f32.msk $0xffff, v27  }
0x25f: {  	s19 =	sor.u32 $0xC20, s3;
	s17 =	sor.u32 $0xC30, s3;
	s13 =	sor.u32 $0xC00, s14;
	[tilespmem:s8+$0x30F0] =	vst.add.f32.msk $0xffff, v28  }
0x260: {  	s12 =	sor.u32 $0xC40, s3;
	s20 =	sor.u32 $0xC50, s3;
	s18 =	sor.u32 $0xC60, s3;
	v5 =	vld [tilespmem:s13+$0x7800]  }
0x261: {  	s3 =	sor.u32 $0xC70, s3;
	v6 =	vld [tilespmem:s8+$0x7800]  }
0x262: {  	v7 =	vld [tilespmem:s8+$0x7810]  }
0x263: {  	v8 =	vld [tilespmem:s8+$0x7820]  }
0x264: {  	v9 =	vld [tilespmem:s8+$0x7830]  }
0x265: {  	[tilespmem:s13+$0x2800] =	vst.add.f32.msk $0xffff, v5;
	s13 =	sor.u32 $0xC10, s14  }
0x266: {  	v5 =	vld [tilespmem:s13+$0x7800]  }
0x267: {  	v10 =	vld [tilespmem:s8+$0x7840]  }
0x268: {  	v11 =	vld [tilespmem:s8+$0x7850]  }
0x269: {  	v12 =	vld [tilespmem:s8+$0x7860]  }
0x26a: {  	v13 =	vld [tilespmem:s8+$0x7870]  }
0x26b: {  	[tilespmem:s13+$0x2800] =	vst.add.f32.msk $0xffff, v5;
	s13 =	sor.u32 $0xC20, s14  }
0x26c: {  	v5 =	vld [tilespmem:s13+$0x7800]  }
0x26d: {  	v14 =	vld [tilespmem:s8+$0x7C00]  }
0x26e: {  	v15 =	vld [tilespmem:s8+$0x7C10]  }
0x26f: {  	v16 =	vld [tilespmem:s8+$0x7C20]  }
0x270: {  	v17 =	vld [tilespmem:s8+$0x7C30]  }
0x271: {  	[tilespmem:s13+$0x2800] =	vst.add.f32.msk $0xffff, v5;
	s13 =	sor.u32 $0xC30, s14  }
0x272: {  	v5 =	vld [tilespmem:s13+$0x7800]  }
0x273: {  	v18 =	vld [tilespmem:s8+$0x7C40]  }
0x274: {  	v19 =	vld [tilespmem:s8+$0x7C50]  }
0x275: {  	v20 =	vld [tilespmem:s8+$0x7C60]  }
0x276: {  	v21 =	vld [tilespmem:s8+$0x7C70]  }
0x277: {  	[tilespmem:s13+$0x2800] =	vst.add.f32.msk $0xffff, v5;
	s13 =	sor.u32 $0xC40, s14  }
0x278: {  	v5 =	vld [tilespmem:s13+$0x7800]  }
0x279: {  	v22 =	vld [tilespmem:s8+$0x8000]  }
0x27a: {  	v23 =	vld [tilespmem:s8+$0x8010]  }
0x27b: {  	v24 =	vld [tilespmem:s8+$0x8020]  }
0x27c: {  	v25 =	vld [tilespmem:s8+$0x8030]  }
0x27d: {  	[tilespmem:s13+$0x2800] =	vst.add.f32.msk $0xffff, v5;
	s13 =	sor.u32 $0xC50, s14  }
0x27e: {  	v5 =	vld [tilespmem:s13+$0x7800]  }
0x27f: {  	v26 =	vld [tilespmem:s8+$0x8040]  }
0x280: {  	v27 =	vld [tilespmem:s8+$0x8050]  }
0x281: {  	v28 =	vld [tilespmem:s8+$0x8060]  }
0x282: {  	v29 =	vld [tilespmem:s8+$0x8070]  }
0x283: {  	[tilespmem:s13+$0x2800] =	vst.add.f32.msk $0xffff, v5;
	s13 =	sor.u32 $0xC60, s14  }
0x284: {  	v5 =	vld [tilespmem:s13+$0x7800]  }
0x285: {  	[tilespmem:s8+$0x2800] =	vst.add.f32.msk $0xffff, v6  }
0x286: {  	[tilespmem:s8+$0x2810] =	vst.add.f32.msk $0xffff, v7  }
0x287: {  	[tilespmem:s8+$0x2820] =	vst.add.f32.msk $0xffff, v8  }
0x288: {  	[tilespmem:s8+$0x2830] =	vst.add.f32.msk $0xffff, v9  }
0x289: {  	[tilespmem:s13+$0x2800] =	vst.add.f32.msk $0xffff, v5;
	s13 =	sor.u32 $0xC70, s14  }
0x28a: {  	v5 =	vld [tilespmem:s13+$0x7800]  }
0x28b: {  	[tilespmem:s8+$0x2840] =	vst.add.f32.msk $0xffff, v10  }
0x28c: {  	[tilespmem:s8+$0x2850] =	vst.add.f32.msk $0xffff, v11  }
0x28d: {  	[tilespmem:s8+$0x2860] =	vst.add.f32.msk $0xffff, v12  }
0x28e: {  	[tilespmem:s8+$0x2870] =	vst.add.f32.msk $0xffff, v13  }
0x28f: {  	[tilespmem:s13+$0x2800] =	vst.add.f32.msk $0xffff, v5  }
0x290: {  	[tilespmem:s8+$0x2C00] =	vst.add.f32.msk $0xffff, v14  }
0x291: {  	[tilespmem:s8+$0x2C10] =	vst.add.f32.msk $0xffff, v15  }
0x292: {  	[tilespmem:s8+$0x2C20] =	vst.add.f32.msk $0xffff, v16  }
0x293: {  	[tilespmem:s8+$0x2C30] =	vst.add.f32.msk $0xffff, v17  }
0x294: {  	[tilespmem:s8+$0x2C40] =	vst.add.f32.msk $0xffff, v18  }
0x295: {  	[tilespmem:s8+$0x2C50] =	vst.add.f32.msk $0xffff, v19  }
0x296: {  	[tilespmem:s8+$0x2C60] =	vst.add.f32.msk $0xffff, v20  }
0x297: {  	[tilespmem:s8+$0x2C70] =	vst.add.f32.msk $0xffff, v21  }
0x298: {  	[tilespmem:s8+$0x3000] =	vst.add.f32.msk $0xffff, v22  }
0x299: {  	[tilespmem:s8+$0x3010] =	vst.add.f32.msk $0xffff, v23  }
0x29a: {  	[tilespmem:s8+$0x3020] =	vst.add.f32.msk $0xffff, v24  }
0x29b: {  	[tilespmem:s8+$0x3030] =	vst.add.f32.msk $0xffff, v25  }
0x29c: {  	[tilespmem:s8+$0x3040] =	vst.add.f32.msk $0xffff, v26  }
0x29d: {  	[tilespmem:s8+$0x3050] =	vst.add.f32.msk $0xffff, v27  }
0x29e: {  	[tilespmem:s8+$0x3060] =	vst.add.f32.msk $0xffff, v28  }
0x29f: {  	[tilespmem:s8+$0x3070] =	vst.add.f32.msk $0xffff, v29  }
0x2a0: {  	v5 =	vld [tilespmem:s16+$0x7800]  }
0x2a1: {  	[tilespmem:s0+$0x2800] =	vst.add.f32.msk $0xffff, v3;
	s0 =	smov.u32 s19  }
0x2a2: {  	v3 =	vld [tilespmem:s31+$0x7800]  }
0x2a3: {  	[tilespmem:s26+$0x2800] =	vst.add.f32.msk $0xffff, v4;
	s26 =	smov.u32 s29;
	s29 =	smov.u32 s20  }
0x2a4: {  	v4 =	vld [tilespmem:s25+$0x7800]  }
0x2a5: {  	[tilespmem:s16+$0x2800] =	vst.add.f32.msk $0xffff, v5  }
0x2a6: {  	v6 =	vld [tilespmem:s11+$0x7800]  }
0x2a7: {  	[tilespmem:s31+$0x2800] =	vst.add.f32.msk $0xffff, v3;
	s31 =	smov.u32 s17  }
0x2a8: {  	v7 =	vld [tilespmem:s30+$0x7800]  }
.Ltmp0:
0x2a9: {  	[tilespmem:s25+$0x2800] =	vst.add.f32.msk $0xffff, v4;
	s25 =	smov.u32 s28;
	s28 =	smov.u32 s18;
	(pc) =	sbr.rel @p0 .LBB2_3-.Ltmp0, $4  }
0x2aa: {  	v5 =	vld [tilespmem:s23+$0x7800]  }
0x2ab: {  	[tilespmem:s11+$0x2800] =	vst.add.f32.msk $0xffff, v6  }
0x2ac: {  	v3 =	vld [tilespmem:s0+$0x7800]  }
0x2ad: {  	s15 =	sadd.s32 $0x100, s15;
	s7 =	sadd.s32 $0x400, s7;
	[tilespmem:s30+$0x2800] =	vst.add.f32.msk $0xffff, v7;
	s30 =	smov.u32 s12  }
0x2ae: {  	_ =	sdelay $0x2  }
0x2af: {  	[tilespmem:s0+$0x2800] =	vst.add.f32.msk $0xffff, v3  }
0x2b0: {  	v3 =	vld [tilespmem:s31+$0x7800];
	_ =	sdelay $0x4  }
0x2b1: {  	[tilespmem:s31+$0x2800] =	vst.add.f32.msk $0xffff, v3  }
0x2b2: {  	v3 =	vld [tilespmem:s30+$0x7800];
	_ =	sdelay $0x3  }
0x2b3: {  	v4 =	vld [tilespmem:s26+$0x7800]  }
0x2b4: {  	[tilespmem:s30+$0x2800] =	vst.add.f32.msk $0xffff, v3  }
0x2b5: {  	v3 =	vld [tilespmem:s29+$0x7800];
	_ =	sdelay $0x2  }
0x2b6: {  	[tilespmem:s26+$0x2800] =	vst.add.f32.msk $0xffff, v4  }
0x2b7: {  	v4 =	vld [tilespmem:s25+$0x7800]  }
0x2b8: {  	[tilespmem:s29+$0x2800] =	vst.add.f32.msk $0xffff, v3  }
0x2b9: {  	v3 =	vld [tilespmem:s28+$0x7800];
	_ =	sdelay $0x2  }
0x2ba: {  	[tilespmem:s25+$0x2800] =	vst.add.f32.msk $0xffff, v4  }
0x2bb: {  	v4 =	vld [tilespmem:s24+$0x7800]  }
0x2bc: {  	[tilespmem:s28+$0x2800] =	vst.add.f32.msk $0xffff, v3  }
0x2bd: {  	v3 =	vld [tilespmem:s3+$0x7800];
	_ =	sdelay $0x2  }
0x2be: {  	s22 =	smul.u32 $0x50, s21;
	[tilespmem:s23+$0x2800] =	vst.add.f32.msk $0xffff, v5  }
0x2bf: {  	s0 =	rddreg [dreg:$0x3];
	[tilespmem:s24+$0x2800] =	vst.add.f32.msk $0xffff, v4  }
0x2c0: {  	s0 =	sadd.s32 s0, s22;
	[tilespmem:s3+$0x2800] =	vst.add.f32.msk $0xffff, v3  }
0x2c1: {  	s0 =	sshll.u32 s0, $0x6;
	s1 =	rddreg [dreg:$0x4]  }
0x2c2: {  	s18 =	simm.s32 $0x0;
	s19 =	simm.s32 $0x3;
	s0 =	sadd.s32 s1, s0  }
0x2c3: {  	[hbm4b:s0+s18] =	stream.linear.scatter [tilespmem:s6], [sflag:$0x5], $0x5000, $0x38;
	[tilespmem:$0x16800] =	vst v63  }
0x2c4: {  	_ =	swait.ge [sflag:s19], $0x5000  }
0x2c5: {  	[sflag:s19] =	ssyncset.done $0x0  }
0x2c6: {  	s20 =	simm.s32 $0x4;
	[sflag:s19] =	ssyncadd.s32 $0xFFFFB000  }
0x2c7: {  	_ =	swait.ge [sflag:s20], $0x5000  }
0x2c8: {  	s23 =	sand.u32 $0x7000, s18;
	s24 =	sand.u32 $0x300, s18;
	[sflag:s20] =	ssyncset.done $0x0  }
0x2c9: {  	s0 =	sor.u32 s24, s23;
	[sflag:s20] =	ssyncadd.s32 $0xFFFFB000  }
0x2ca: {  	v3 =	vld [tilespmem:s0+$0x11880]  }
0x2cb: {  	v4 =	vld [tilespmem:s0+$0x11890]  }
0x2cc: {  	v5 =	vld [tilespmem:s0+$0x118A0]  }
0x2cd: {  	v6 =	vld [tilespmem:s0+$0x118B0]  }
0x2ce: {  	v7 =	vld [tilespmem:s0+$0x118C0]  }
0x2cf: {  	v8 =	vld [tilespmem:s0+$0x118D0]  }
0x2d0: {  	v9 =	vld [tilespmem:s0+$0x118E0]  }
0x2d1: {  	v10 =	vld [tilespmem:s0+$0x118F0]  }
0x2d2: {  	v11 =	vld [tilespmem:s0+$0x11C80]  }
0x2d3: {  	v12 =	vld [tilespmem:s0+$0x11C90]  }
0x2d4: {  	v13 =	vld [tilespmem:s0+$0x11CA0]  }
0x2d5: {  	v14 =	vld [tilespmem:s0+$0x11CB0]  }
0x2d6: {  	v15 =	vld [tilespmem:s0+$0x11CC0]  }
0x2d7: {  	v16 =	vld [tilespmem:s0+$0x11CD0]  }
0x2d8: {  	v17 =	vld [tilespmem:s0+$0x11CE0]  }
0x2d9: {  	v18 =	vld [tilespmem:s0+$0x11CF0]  }
0x2da: {  	v19 =	vld [tilespmem:s0+$0x12080]  }
0x2db: {  	v20 =	vld [tilespmem:s0+$0x12090]  }
0x2dc: {  	v21 =	vld [tilespmem:s0+$0x120A0]  }
0x2dd: {  	v22 =	vld [tilespmem:s0+$0x120B0]  }
0x2de: {  	v23 =	vld [tilespmem:s0+$0x120C0]  }
0x2df: {  	v24 =	vld [tilespmem:s0+$0x120D0]  }
0x2e0: {  	v25 =	vld [tilespmem:s0+$0x120E0]  }
0x2e1: {  	v26 =	vld [tilespmem:s0+$0x120F0]  }
0x2e2: {  	v59 =	vld [tilespmem:s0+$0x11840]  }
0x2e3: {  	v60 =	vld [tilespmem:s0+$0x11850]  }
0x2e4: {  	v61 =	vld [tilespmem:s0+$0x11860]  }
0x2e5: {  	v62 =	vld [tilespmem:s0+$0x11870]  }
0x2e6: {  	v63 =	vld [tilespmem:s0+$0x11C00]  }
0x2e7: {  	v30 =	vld [tilespmem:s0+$0x11C10]  }
0x2e8: {  	v31 =	vld [tilespmem:s0+$0x11C20]  }
0x2e9: {  	v32 =	vld [tilespmem:s0+$0x11C30]  }
0x2ea: {  	v33 =	vld [tilespmem:s0+$0x11C40]  }
0x2eb: {  	v34 =	vld [tilespmem:s0+$0x11C50]  }
0x2ec: {  	v35 =	vld [tilespmem:s0+$0x11C60]  }
0x2ed: {  	v36 =	vld [tilespmem:s0+$0x11C70]  }
0x2ee: {  	v37 =	vld [tilespmem:s0+$0x12000]  }
0x2ef: {  	v38 =	vld [tilespmem:s0+$0x12010]  }
0x2f0: {  	v39 =	vld [tilespmem:s0+$0x12020]  }
0x2f1: {  	v40 =	vld [tilespmem:s0+$0x12030]  }
0x2f2: {  	v41 =	vld [tilespmem:s0+$0x12040]  }
0x2f3: {  	v42 =	vld [tilespmem:s0+$0x12050]  }
0x2f4: {  	v43 =	vld [tilespmem:s0+$0x12060]  }
0x2f5: {  	v27 =	vld [tilespmem:s0+$0x12070]  }
0x2f6: {  	[tilespmem:s0+$0xC880] =	vst.add.f32.msk $0xffff, v3  }
0x2f7: {  	[tilespmem:s0+$0xC890] =	vst.add.f32.msk $0xffff, v4  }
0x2f8: {  	[tilespmem:s0+$0xC8A0] =	vst.add.f32.msk $0xffff, v5  }
0x2f9: {  	[tilespmem:s0+$0xC8B0] =	vst.add.f32.msk $0xffff, v6  }
0x2fa: {  	[tilespmem:s0+$0xC8C0] =	vst.add.f32.msk $0xffff, v7  }
0x2fb: {  	[tilespmem:s0+$0xC8D0] =	vst.add.f32.msk $0xffff, v8  }
0x2fc: {  	[tilespmem:s0+$0xC8E0] =	vst.add.f32.msk $0xffff, v9  }
0x2fd: {  	[tilespmem:s0+$0xC8F0] =	vst.add.f32.msk $0xffff, v10  }
0x2fe: {  	[tilespmem:s0+$0xCC80] =	vst.add.f32.msk $0xffff, v11  }
0x2ff: {  	[tilespmem:s0+$0xCC90] =	vst.add.f32.msk $0xffff, v12  }
0x300: {  	[tilespmem:s0+$0xCCA0] =	vst.add.f32.msk $0xffff, v13  }
0x301: {  	[tilespmem:s0+$0xCCB0] =	vst.add.f32.msk $0xffff, v14  }
0x302: {  	[tilespmem:s0+$0xCCC0] =	vst.add.f32.msk $0xffff, v15  }
0x303: {  	[tilespmem:s0+$0xCCD0] =	vst.add.f32.msk $0xffff, v16  }
0x304: {  	[tilespmem:s0+$0xCCE0] =	vst.add.f32.msk $0xffff, v17  }
0x305: {  	[tilespmem:s0+$0xCCF0] =	vst.add.f32.msk $0xffff, v18  }
0x306: {  	[tilespmem:s0+$0xD080] =	vst.add.f32.msk $0xffff, v19  }
0x307: {  	[tilespmem:s0+$0xD090] =	vst.add.f32.msk $0xffff, v20  }
0x308: {  	[tilespmem:s0+$0xD0A0] =	vst.add.f32.msk $0xffff, v21  }
0x309: {  	[tilespmem:s0+$0xD0B0] =	vst.add.f32.msk $0xffff, v22  }
0x30a: {  	[tilespmem:s0+$0xD0C0] =	vst.add.f32.msk $0xffff, v23  }
0x30b: {  	[tilespmem:s0+$0xD0D0] =	vst.add.f32.msk $0xffff, v24  }
0x30c: {  	[tilespmem:s0+$0xD0E0] =	vst.add.f32.msk $0xffff, v25  }
0x30d: {  	[tilespmem:s0+$0xD0F0] =	vst.add.f32.msk $0xffff, v26  }
0x30e: {  	v4 =	vld [tilespmem:s0+$0x11800]  }
0x30f: {  	v5 =	vld [tilespmem:s0+$0x11810]  }
0x310: {  	v6 =	vld [tilespmem:s0+$0x11820]  }
0x311: {  	v7 =	vld [tilespmem:s0+$0x11830]  }
0x312: {  	[tilespmem:s0+$0xC840] =	vst.add.f32.msk $0xffff, v59  }
0x313: {  	[tilespmem:s0+$0xC850] =	vst.add.f32.msk $0xffff, v60  }
0x314: {  	[tilespmem:s0+$0xC860] =	vst.add.f32.msk $0xffff, v61  }
0x315: {  	s1 =	sand.u32 $0x3, s18;
	[tilespmem:s0+$0xC870] =	vst.add.f32.msk $0xffff, v62  }
0x316: {  	s1 =	sshll.u32 s1, $0x8;
	[tilespmem:s0+$0xCC00] =	vst.add.f32.msk $0xffff, v63  }
0x317: {  	s24 =	sadd.s32 $0x0, s1;
	[tilespmem:s0+$0xCC10] =	vst.add.f32.msk $0xffff, v30  }
0x318: {  	s1 =	sadd.s32 $0x80, s24;
	[tilespmem:s0+$0xCC20] =	vst.add.f32.msk $0xffff, v31  }
0x319: {  	s25 =	sor.u32 $0xC00, s1;
	[tilespmem:s0+$0xCC30] =	vst.add.f32.msk $0xffff, v32  }
0x31a: {  	v3 =	vld [tilespmem:s25+$0x11800]  }
0x31b: {  	[tilespmem:s0+$0xCC40] =	vst.add.f32.msk $0xffff, v33  }
0x31c: {  	[tilespmem:s0+$0xCC50] =	vst.add.f32.msk $0xffff, v34  }
0x31d: {  	[tilespmem:s0+$0xCC60] =	vst.add.f32.msk $0xffff, v35  }
0x31e: {  	[tilespmem:s0+$0xCC70] =	vst.add.f32.msk $0xffff, v36  }
0x31f: {  	s26 =	sor.u32 $0xC10, s1;
	[tilespmem:s25+$0xC800] =	vst.add.f32.msk $0xffff, v3  }
0x320: {  	v3 =	vld [tilespmem:s26+$0x11800]  }
0x321: {  	[tilespmem:s0+$0xD000] =	vst.add.f32.msk $0xffff, v37  }
0x322: {  	[tilespmem:s0+$0xD010] =	vst.add.f32.msk $0xffff, v38  }
0x323: {  	[tilespmem:s0+$0xD020] =	vst.add.f32.msk $0xffff, v39  }
0x324: {  	[tilespmem:s0+$0xD030] =	vst.add.f32.msk $0xffff, v40  }
0x325: {  	s6 =	sor.u32 $0xC20, s1;
	[tilespmem:s26+$0xC800] =	vst.add.f32.msk $0xffff, v3  }
0x326: {  	v3 =	vld [tilespmem:s6+$0x11800]  }
0x327: {  	[tilespmem:s0+$0xD040] =	vst.add.f32.msk $0xffff, v41  }
0x328: {  	[tilespmem:s0+$0xD050] =	vst.add.f32.msk $0xffff, v42  }
0x329: {  	[tilespmem:s0+$0xD060] =	vst.add.f32.msk $0xffff, v43  }
0x32a: {  	[tilespmem:s0+$0xD070] =	vst.add.f32.msk $0xffff, v27  }
0x32b: {  	s7 =	sor.u32 $0xC30, s1;
	[tilespmem:s6+$0xC800] =	vst.add.f32.msk $0xffff, v3  }
0x32c: {  	v3 =	vld [tilespmem:s7+$0x11800]  }
0x32d: {  	[tilespmem:s0+$0xC800] =	vst.add.f32.msk $0xffff, v4  }
0x32e: {  	[tilespmem:s0+$0xC810] =	vst.add.f32.msk $0xffff, v5  }
0x32f: {  	[tilespmem:s0+$0xC820] =	vst.add.f32.msk $0xffff, v6  }
0x330: {  	[tilespmem:s0+$0xC830] =	vst.add.f32.msk $0xffff, v7  }
0x331: {  	s8 =	sor.u32 $0xC40, s1;
	[tilespmem:s7+$0xC800] =	vst.add.f32.msk $0xffff, v3  }
0x332: {  	s7 =	sor.u32 $0xC00, s24;
	v3 =	vld [tilespmem:s8+$0x11800]  }
0x333: {  	v4 =	vld [tilespmem:s7+$0x11800];
	_ =	sdelay $0x3  }
0x334: {  	[tilespmem:s8+$0xC800] =	vst.add.f32.msk $0xffff, v3  }
0x335: {  	s13 =	simm.s32 $0x100;
	s14 =	simm.s32 $0x400;
	s11 =	sor.u32 $0xC50, s1;
	[tilespmem:s7+$0xC800] =	vst.add.f32.msk $0xffff, v4  }
0x336: {  	s0 =	sand.u32 $0x300, s13;
	s8 =	sor.u32 $0xC10, s24;
	s7 =	sand.u32 $0x7000, s14;
	v3 =	vld [tilespmem:s11+$0x11800]  }
0x337: {  	v4 =	vld [tilespmem:s8+$0x11800];
	s7 =	sor.u32 s0, s7  }
0x338: {  	v5 =	vld [tilespmem:s7+$0x11880]  }
0x339: {  	v6 =	vld [tilespmem:s7+$0x11890]  }
0x33a: {  	v7 =	vld [tilespmem:s7+$0x118A0]  }
0x33b: {  	v44 =	vld [tilespmem:s7+$0x118B0]  }
0x33c: {  	v45 =	vld [tilespmem:s7+$0x118C0]  }
0x33d: {  	v46 =	vld [tilespmem:s7+$0x118D0]  }
0x33e: {  	v47 =	vld [tilespmem:s7+$0x118E0]  }
0x33f: {  	v48 =	vld [tilespmem:s7+$0x118F0]  }
0x340: {  	v49 =	vld [tilespmem:s7+$0x11C80]  }
0x341: {  	v50 =	vld [tilespmem:s7+$0x11C90]  }
0x342: {  	v51 =	vld [tilespmem:s7+$0x11CA0]  }
0x343: {  	v52 =	vld [tilespmem:s7+$0x11CB0]  }
0x344: {  	v53 =	vld [tilespmem:s7+$0x11CC0]  }
0x345: {  	v54 =	vld [tilespmem:s7+$0x11CD0]  }
0x346: {  	v55 =	vld [tilespmem:s7+$0x11CE0]  }
0x347: {  	v56 =	vld [tilespmem:s7+$0x11CF0]  }
0x348: {  	v57 =	vld [tilespmem:s7+$0x12080]  }
0x349: {  	v58 =	vld [tilespmem:s7+$0x12090]  }
0x34a: {  	v59 =	vld [tilespmem:s7+$0x120A0]  }
0x34b: {  	v60 =	vld [tilespmem:s7+$0x120B0]  }
0x34c: {  	v61 =	vld [tilespmem:s7+$0x120C0]  }
0x34d: {  	v62 =	vld [tilespmem:s7+$0x120D0]  }
0x34e: {  	v63 =	vld [tilespmem:s7+$0x120E0]  }
0x34f: {  	v28 =	vld [tilespmem:s7+$0x120F0]  }
0x350: {  	v32 =	vld [tilespmem:s7+$0x11820]  }
0x351: {  	v33 =	vld [tilespmem:s7+$0x11830]  }
0x352: {  	v34 =	vld [tilespmem:s7+$0x11840]  }
0x353: {  	v35 =	vld [tilespmem:s7+$0x11850]  }
0x354: {  	v36 =	vld [tilespmem:s7+$0x11860]  }
0x355: {  	v37 =	vld [tilespmem:s7+$0x11870]  }
0x356: {  	v38 =	vld [tilespmem:s7+$0x11C00]  }
0x357: {  	v39 =	vld [tilespmem:s7+$0x11C10]  }
0x358: {  	v40 =	vld [tilespmem:s7+$0x11C20]  }
0x359: {  	v41 =	vld [tilespmem:s7+$0x11C30]  }
0x35a: {  	v42 =	vld [tilespmem:s7+$0x11C40]  }
0x35b: {  	v43 =	vld [tilespmem:s7+$0x11C50]  }
0x35c: {  	v29 =	vld [tilespmem:s7+$0x12070]  }
0x35d: {  	[tilespmem:s11+$0xC800] =	vst.add.f32.msk $0xffff, v3  }
0x35e: {  	s12 =	sor.u32 $0xC60, s1;
	[tilespmem:s8+$0xC800] =	vst.add.f32.msk $0xffff, v4  }
0x35f: {  	s15 =	sor.u32 $0xC20, s24;
	v3 =	vld [tilespmem:s12+$0x11800]  }
0x360: {  	v4 =	vld [tilespmem:s15+$0x11800]  }
0x361: {  	[tilespmem:s7+$0xC880] =	vst.add.f32.msk $0xffff, v5  }
0x362: {  	[tilespmem:s7+$0xC890] =	vst.add.f32.msk $0xffff, v6  }
0x363: {  	[tilespmem:s7+$0xC8A0] =	vst.add.f32.msk $0xffff, v7  }
0x364: {  	[tilespmem:s7+$0xC8B0] =	vst.add.f32.msk $0xffff, v44  }
0x365: {  	[tilespmem:s7+$0xC8C0] =	vst.add.f32.msk $0xffff, v45  }
0x366: {  	[tilespmem:s7+$0xC8D0] =	vst.add.f32.msk $0xffff, v46  }
0x367: {  	[tilespmem:s7+$0xC8E0] =	vst.add.f32.msk $0xffff, v47  }
0x368: {  	[tilespmem:s7+$0xC8F0] =	vst.add.f32.msk $0xffff, v48  }
0x369: {  	[tilespmem:s7+$0xCC80] =	vst.add.f32.msk $0xffff, v49  }
0x36a: {  	[tilespmem:s7+$0xCC90] =	vst.add.f32.msk $0xffff, v50  }
0x36b: {  	[tilespmem:s7+$0xCCA0] =	vst.add.f32.msk $0xffff, v51  }
0x36c: {  	[tilespmem:s7+$0xCCB0] =	vst.add.f32.msk $0xffff, v52  }
0x36d: {  	[tilespmem:s7+$0xCCC0] =	vst.add.f32.msk $0xffff, v53  }
0x36e: {  	[tilespmem:s7+$0xCCD0] =	vst.add.f32.msk $0xffff, v54  }
0x36f: {  	[tilespmem:s7+$0xCCE0] =	vst.add.f32.msk $0xffff, v55  }
0x370: {  	[tilespmem:s7+$0xCCF0] =	vst.add.f32.msk $0xffff, v56  }
0x371: {  	[tilespmem:s7+$0xD080] =	vst.add.f32.msk $0xffff, v57  }
0x372: {  	[tilespmem:s7+$0xD090] =	vst.add.f32.msk $0xffff, v58  }
0x373: {  	[tilespmem:s7+$0xD0A0] =	vst.add.f32.msk $0xffff, v59  }
0x374: {  	[tilespmem:s7+$0xD0B0] =	vst.add.f32.msk $0xffff, v60  }
0x375: {  	[tilespmem:s7+$0xD0C0] =	vst.add.f32.msk $0xffff, v61  }
0x376: {  	[tilespmem:s7+$0xD0D0] =	vst.add.f32.msk $0xffff, v62  }
0x377: {  	[tilespmem:s7+$0xD0E0] =	vst.add.f32.msk $0xffff, v63  }
0x378: {  	[tilespmem:s7+$0xD0F0] =	vst.add.f32.msk $0xffff, v28  }
0x379: {  	v6 =	vld [tilespmem:s7+$0x11800]  }
0x37a: {  	v7 =	vld [tilespmem:s7+$0x11810]  }
0x37b: {  	v44 =	vld [tilespmem:s7+$0x11C60]  }
0x37c: {  	v45 =	vld [tilespmem:s7+$0x11C70]  }
0x37d: {  	v46 =	vld [tilespmem:s7+$0x12000]  }
0x37e: {  	v47 =	vld [tilespmem:s7+$0x12010]  }
0x37f: {  	v48 =	vld [tilespmem:s7+$0x12020]  }
0x380: {  	v49 =	vld [tilespmem:s7+$0x12030]  }
0x381: {  	v50 =	vld [tilespmem:s7+$0x12040]  }
0x382: {  	v51 =	vld [tilespmem:s7+$0x12050]  }
0x383: {  	v52 =	vld [tilespmem:s7+$0x12060]  }
0x384: {  	[tilespmem:s7+$0xC820] =	vst.add.f32.msk $0xffff, v32  }
0x385: {  	[tilespmem:s7+$0xC830] =	vst.add.f32.msk $0xffff, v33  }
0x386: {  	[tilespmem:s7+$0xC840] =	vst.add.f32.msk $0xffff, v34  }
0x387: {  	[tilespmem:s7+$0xC850] =	vst.add.f32.msk $0xffff, v35  }
0x388: {  	[tilespmem:s7+$0xC860] =	vst.add.f32.msk $0xffff, v36  }
0x389: {  	[tilespmem:s7+$0xC870] =	vst.add.f32.msk $0xffff, v37  }
0x38a: {  	[tilespmem:s7+$0xCC00] =	vst.add.f32.msk $0xffff, v38  }
0x38b: {  	s16 =	simm.s32 $0x1;
	[tilespmem:s7+$0xCC10] =	vst.add.f32.msk $0xffff, v39  }
0x38c: {  	s0 =	sand.u32 $0x3, s16;
	[tilespmem:s7+$0xCC20] =	vst.add.f32.msk $0xffff, v40  }
0x38d: {  	s0 =	sshll.u32 s0, $0x8;
	[tilespmem:s7+$0xCC30] =	vst.add.f32.msk $0xffff, v41  }
0x38e: {  	s0 =	sadd.s32 $0x400, s0;
	[tilespmem:s7+$0xCC40] =	vst.add.f32.msk $0xffff, v42  }
0x38f: {  	s17 =	sadd.s32 $0x80, s0;
	[tilespmem:s7+$0xCC50] =	vst.add.f32.msk $0xffff, v43  }
0x390: {  	s11 =	sor.u32 $0xC00, s17;
	[tilespmem:s7+$0xD070] =	vst.add.f32.msk $0xffff, v29  }
0x391: {  	v5 =	vld [tilespmem:s11+$0x11800]  }
0x392: {  	[tilespmem:s12+$0xC800] =	vst.add.f32.msk $0xffff, v3  }
0x393: {  	[tilespmem:s7+$0xC800] =	vst.add.f32.msk $0xffff, v6  }
0x394: {  	[tilespmem:s7+$0xC810] =	vst.add.f32.msk $0xffff, v7  }
0x395: {  	[tilespmem:s7+$0xCC60] =	vst.add.f32.msk $0xffff, v44  }
0x396: {  	[tilespmem:s7+$0xCC70] =	vst.add.f32.msk $0xffff, v45  }
0x397: {  	[tilespmem:s7+$0xD000] =	vst.add.f32.msk $0xffff, v46  }
0x398: {  	[tilespmem:s7+$0xD010] =	vst.add.f32.msk $0xffff, v47  }
0x399: {  	[tilespmem:s7+$0xD020] =	vst.add.f32.msk $0xffff, v48  }
0x39a: {  	[tilespmem:s7+$0xD030] =	vst.add.f32.msk $0xffff, v49  }
0x39b: {  	[tilespmem:s7+$0xD040] =	vst.add.f32.msk $0xffff, v50  }
0x39c: {  	[tilespmem:s7+$0xD050] =	vst.add.f32.msk $0xffff, v51  }
0x39d: {  	[tilespmem:s7+$0xD060] =	vst.add.f32.msk $0xffff, v52  }
0x39e: {  	s1 =	sor.u32 $0xC70, s1;
	s6 =	sor.u32 $0xC30, s24;
	s16 =	simm.s32 $0x200;
	[tilespmem:s15+$0xC800] =	vst.add.f32.msk $0xffff, v4  }
0x39f: {  	s18 =	sor.u32 $0xC10, s17;
	s19 =	sor.u32 $0xC20, s17;
	s20 =	sor.u32 $0xC30, s17;
	v3 =	vld [tilespmem:s1+$0x11800]  }
0x3a0: {  	s23 =	sor.u32 $0xC40, s17;
	s25 =	sor.u32 $0xC50, s17;
	s12 =	sor.u32 $0xC00, s0;
	[tilespmem:s11+$0xC800] =	vst.add.f32.msk $0xffff, v5  }
0x3a1: {  	s26 =	sor.u32 $0xC60, s17;
	s13 =	sor.u32 $0xC70, s17;
	s17 =	simm.s32 $0x800;
	v6 =	vld [tilespmem:s12+$0x11800]  }
0x3a2: {  	s8 =	sand.u32 $0x7000, s17;
	s7 =	sand.u32 $0x300, s16;
	v4 =	vld [tilespmem:s6+$0x11800]  }
0x3a3: {  	s7 =	sor.u32 s7, s8;
	v5 =	vld [tilespmem:s18+$0x11800]  }
0x3a4: {  	v7 =	vld [tilespmem:s7+$0x118A0]  }
0x3a5: {  	v53 =	vld [tilespmem:s7+$0x118B0]  }
0x3a6: {  	v54 =	vld [tilespmem:s7+$0x118C0]  }
0x3a7: {  	v55 =	vld [tilespmem:s7+$0x118D0]  }
0x3a8: {  	v56 =	vld [tilespmem:s7+$0x118E0]  }
0x3a9: {  	v57 =	vld [tilespmem:s7+$0x118F0]  }
0x3aa: {  	v58 =	vld [tilespmem:s7+$0x11C80]  }
0x3ab: {  	v59 =	vld [tilespmem:s7+$0x11C90]  }
0x3ac: {  	v60 =	vld [tilespmem:s7+$0x11CA0]  }
0x3ad: {  	v61 =	vld [tilespmem:s7+$0x11CB0]  }
0x3ae: {  	v62 =	vld [tilespmem:s7+$0x11CC0]  }
0x3af: {  	v63 =	vld [tilespmem:s7+$0x11CD0]  }
0x3b0: {  	v32 =	vld [tilespmem:s7+$0x11CE0]  }
0x3b1: {  	v33 =	vld [tilespmem:s7+$0x11CF0]  }
0x3b2: {  	v34 =	vld [tilespmem:s7+$0x12080]  }
0x3b3: {  	v35 =	vld [tilespmem:s7+$0x12090]  }
0x3b4: {  	v36 =	vld [tilespmem:s7+$0x120A0]  }
0x3b5: {  	v37 =	vld [tilespmem:s7+$0x120B0]  }
0x3b6: {  	v38 =	vld [tilespmem:s7+$0x120C0]  }
0x3b7: {  	v39 =	vld [tilespmem:s7+$0x120D0]  }
0x3b8: {  	v40 =	vld [tilespmem:s7+$0x120E0]  }
0x3b9: {  	v41 =	vld [tilespmem:s7+$0x120F0]  }
0x3ba: {  	v42 =	vld [tilespmem:s7+$0x11820]  }
0x3bb: {  	v43 =	vld [tilespmem:s7+$0x11830]  }
0x3bc: {  	v44 =	vld [tilespmem:s7+$0x11840]  }
0x3bd: {  	v45 =	vld [tilespmem:s7+$0x11850]  }
0x3be: {  	v46 =	vld [tilespmem:s7+$0x11860]  }
0x3bf: {  	v47 =	vld [tilespmem:s7+$0x11870]  }
0x3c0: {  	v48 =	vld [tilespmem:s7+$0x11C00]  }
0x3c1: {  	v49 =	vld [tilespmem:s7+$0x11C10]  }
0x3c2: {  	v50 =	vld [tilespmem:s7+$0x11C20]  }
0x3c3: {  	v51 =	vld [tilespmem:s7+$0x11C30]  }
0x3c4: {  	v52 =	vld [tilespmem:s7+$0x11C40]  }
0x3c5: {  	[tilespmem:s12+$0xC800] =	vst.add.f32.msk $0xffff, v6  }
0x3c6: {  	[tilespmem:s6+$0xC800] =	vst.add.f32.msk $0xffff, v4  }
0x3c7: {  	[tilespmem:s1+$0xC800] =	vst.add.f32.msk $0xffff, v3  }
0x3c8: {  	s14 =	sor.u32 $0xC10, s0;
	[tilespmem:s18+$0xC800] =	vst.add.f32.msk $0xffff, v5  }
0x3c9: {  	s15 =	sor.u32 $0xC40, s24;
	v6 =	vld [tilespmem:s14+$0x11800]  }
0x3ca: {  	v4 =	vld [tilespmem:s15+$0x11800]  }
0x3cb: {  	[tilespmem:s7+$0xC8A0] =	vst.add.f32.msk $0xffff, v7  }
0x3cc: {  	[tilespmem:s7+$0xC8B0] =	vst.add.f32.msk $0xffff, v53  }
0x3cd: {  	[tilespmem:s7+$0xC8C0] =	vst.add.f32.msk $0xffff, v54  }
0x3ce: {  	[tilespmem:s7+$0xC8D0] =	vst.add.f32.msk $0xffff, v55  }
0x3cf: {  	[tilespmem:s7+$0xC8E0] =	vst.add.f32.msk $0xffff, v56  }
0x3d0: {  	[tilespmem:s7+$0xC8F0] =	vst.add.f32.msk $0xffff, v57  }
0x3d1: {  	[tilespmem:s7+$0xCC80] =	vst.add.f32.msk $0xffff, v58  }
0x3d2: {  	v5 =	vld [tilespmem:s19+$0x11800]  }
0x3d3: {  	[tilespmem:s7+$0xCC90] =	vst.add.f32.msk $0xffff, v59  }
0x3d4: {  	[tilespmem:s7+$0xCCA0] =	vst.add.f32.msk $0xffff, v60  }
0x3d5: {  	[tilespmem:s7+$0xCCB0] =	vst.add.f32.msk $0xffff, v61  }
0x3d6: {  	[tilespmem:s7+$0xCCC0] =	vst.add.f32.msk $0xffff, v62  }
0x3d7: {  	[tilespmem:s19+$0xC800] =	vst.add.f32.msk $0xffff, v5  }
0x3d8: {  	v5 =	vld [tilespmem:s20+$0x11800]  }
0x3d9: {  	[tilespmem:s7+$0xCCD0] =	vst.add.f32.msk $0xffff, v63  }
0x3da: {  	[tilespmem:s7+$0xCCE0] =	vst.add.f32.msk $0xffff, v32  }
0x3db: {  	[tilespmem:s7+$0xCCF0] =	vst.add.f32.msk $0xffff, v33  }
0x3dc: {  	[tilespmem:s7+$0xD080] =	vst.add.f32.msk $0xffff, v34  }
0x3dd: {  	[tilespmem:s20+$0xC800] =	vst.add.f32.msk $0xffff, v5  }
0x3de: {  	v5 =	vld [tilespmem:s23+$0x11800]  }
0x3df: {  	[tilespmem:s7+$0xD090] =	vst.add.f32.msk $0xffff, v35  }
0x3e0: {  	[tilespmem:s7+$0xD0A0] =	vst.add.f32.msk $0xffff, v36  }
0x3e1: {  	[tilespmem:s7+$0xD0B0] =	vst.add.f32.msk $0xffff, v37  }
0x3e2: {  	[tilespmem:s7+$0xD0C0] =	vst.add.f32.msk $0xffff, v38  }
0x3e3: {  	[tilespmem:s23+$0xC800] =	vst.add.f32.msk $0xffff, v5  }
0x3e4: {  	v5 =	vld [tilespmem:s25+$0x11800]  }
0x3e5: {  	[tilespmem:s7+$0xD0D0] =	vst.add.f32.msk $0xffff, v39  }
0x3e6: {  	[tilespmem:s7+$0xD0E0] =	vst.add.f32.msk $0xffff, v40  }
0x3e7: {  	[tilespmem:s7+$0xD0F0] =	vst.add.f32.msk $0xffff, v41  }
0x3e8: {  	v7 =	vld [tilespmem:s7+$0x11810]  }
0x3e9: {  	[tilespmem:s25+$0xC800] =	vst.add.f32.msk $0xffff, v5  }
0x3ea: {  	v5 =	vld [tilespmem:s26+$0x11800]  }
0x3eb: {  	v53 =	vld [tilespmem:s7+$0x11C50]  }
0x3ec: {  	v54 =	vld [tilespmem:s7+$0x11C60]  }
0x3ed: {  	v55 =	vld [tilespmem:s7+$0x11C70]  }
0x3ee: {  	v56 =	vld [tilespmem:s7+$0x12000]  }
0x3ef: {  	[tilespmem:s26+$0xC800] =	vst.add.f32.msk $0xffff, v5  }
0x3f0: {  	v5 =	vld [tilespmem:s13+$0x11800]  }
0x3f1: {  	v57 =	vld [tilespmem:s7+$0x12010]  }
0x3f2: {  	v58 =	vld [tilespmem:s7+$0x12020]  }
0x3f3: {  	[tilespmem:s14+$0xC800] =	vst.add.f32.msk $0xffff, v6  }
0x3f4: {  	v6 =	vld [tilespmem:s7+$0x11890]  }
0x3f5: {  	[tilespmem:s13+$0xC800] =	vst.add.f32.msk $0xffff, v5  }
0x3f6: {  	s23 =	simm.s32 $0x2;
	v5 =	vld [tilespmem:s7+$0x11880]  }
0x3f7: {  	v59 =	vld [tilespmem:s7+$0x12030];
	s18 =	sand.u32 $0x3, s23  }
0x3f8: {  	v60 =	vld [tilespmem:s7+$0x12040];
	s8 =	sshll.u32 s18, $0x8  }
0x3f9: {  	v61 =	vld [tilespmem:s7+$0x12050];
	s8 =	sadd.s32 $0x800, s8  }
0x3fa: {  	[tilespmem:s7+$0xC890] =	vst.add.f32.msk $0xffff, v6;
	s19 =	sadd.s32 $0x80, s8  }
0x3fb: {  	s20 =	sor.u32 $0xC00, s19;
	[tilespmem:s7+$0xC880] =	vst.add.f32.msk $0xffff, v5  }
0x3fc: {  	v5 =	vld [tilespmem:s20+$0x11800]  }
0x3fd: {  	v62 =	vld [tilespmem:s7+$0x12060]  }
0x3fe: {  	v63 =	vld [tilespmem:s7+$0x12070]  }
0x3ff: {  	[tilespmem:s7+$0xC820] =	vst.add.f32.msk $0xffff, v42  }
0x400: {  	[tilespmem:s7+$0xC830] =	vst.add.f32.msk $0xffff, v43  }
0x401: {  	s25 =	sor.u32 $0xC10, s19;
	[tilespmem:s20+$0xC800] =	vst.add.f32.msk $0xffff, v5  }
0x402: {  	v5 =	vld [tilespmem:s25+$0x11800]  }
0x403: {  	[tilespmem:s7+$0xC840] =	vst.add.f32.msk $0xffff, v44  }
0x404: {  	[tilespmem:s7+$0xC850] =	vst.add.f32.msk $0xffff, v45  }
0x405: {  	[tilespmem:s7+$0xC860] =	vst.add.f32.msk $0xffff, v46  }
0x406: {  	[tilespmem:s7+$0xC870] =	vst.add.f32.msk $0xffff, v47  }
0x407: {  	s26 =	sor.u32 $0xC20, s19;
	[tilespmem:s25+$0xC800] =	vst.add.f32.msk $0xffff, v5  }
0x408: {  	v5 =	vld [tilespmem:s26+$0x11800]  }
0x409: {  	[tilespmem:s7+$0xCC00] =	vst.add.f32.msk $0xffff, v48  }
0x40a: {  	[tilespmem:s7+$0xCC10] =	vst.add.f32.msk $0xffff, v49  }
0x40b: {  	[tilespmem:s7+$0xCC20] =	vst.add.f32.msk $0xffff, v50  }
0x40c: {  	[tilespmem:s7+$0xCC30] =	vst.add.f32.msk $0xffff, v51  }
0x40d: {  	s6 =	sor.u32 $0xC30, s19;
	[tilespmem:s26+$0xC800] =	vst.add.f32.msk $0xffff, v5  }
0x40e: {  	v5 =	vld [tilespmem:s6+$0x11800]  }
0x40f: {  	[tilespmem:s7+$0xCC40] =	vst.add.f32.msk $0xffff, v52  }
0x410: {  	[tilespmem:s15+$0xC800] =	vst.add.f32.msk $0xffff, v4  }
0x411: {  	[tilespmem:s7+$0xC810] =	vst.add.f32.msk $0xffff, v7  }
0x412: {  	[tilespmem:s7+$0xCC50] =	vst.add.f32.msk $0xffff, v53  }
0x413: {  	s13 =	sor.u32 $0xC40, s19;
	[tilespmem:s6+$0xC800] =	vst.add.f32.msk $0xffff, v5  }
0x414: {  	v5 =	vld [tilespmem:s13+$0x11800]  }
0x415: {  	[tilespmem:s7+$0xCC60] =	vst.add.f32.msk $0xffff, v54  }
0x416: {  	[tilespmem:s7+$0xCC70] =	vst.add.f32.msk $0xffff, v55  }
0x417: {  	[tilespmem:s7+$0xD000] =	vst.add.f32.msk $0xffff, v56  }
0x418: {  	[tilespmem:s7+$0xD010] =	vst.add.f32.msk $0xffff, v57  }
0x419: {  	s14 =	sor.u32 $0xC50, s19;
	[tilespmem:s13+$0xC800] =	vst.add.f32.msk $0xffff, v5  }
0x41a: {  	v5 =	vld [tilespmem:s14+$0x11800]  }
0x41b: {  	[tilespmem:s7+$0xD020] =	vst.add.f32.msk $0xffff, v58  }
0x41c: {  	[tilespmem:s7+$0xD030] =	vst.add.f32.msk $0xffff, v59  }
0x41d: {  	[tilespmem:s7+$0xD040] =	vst.add.f32.msk $0xffff, v60  }
0x41e: {  	[tilespmem:s7+$0xD050] =	vst.add.f32.msk $0xffff, v61  }
0x41f: {  	s15 =	sor.u32 $0xC60, s19;
	[tilespmem:s14+$0xC800] =	vst.add.f32.msk $0xffff, v5  }
0x420: {  	v5 =	vld [tilespmem:s15+$0x11800]  }
0x421: {  	[tilespmem:s7+$0xD060] =	vst.add.f32.msk $0xffff, v62  }
0x422: {  	s1 =	sor.u32 $0xC20, s0;
	[tilespmem:s7+$0xD070] =	vst.add.f32.msk $0xffff, v63  }
0x423: {  	v3 =	vld [tilespmem:s1+$0x11800]  }
0x424: {  	v6 =	vld [tilespmem:s7+$0x11800]  }
0x425: {  	s11 =	sor.u32 $0xC70, s19;
	[tilespmem:s15+$0xC800] =	vst.add.f32.msk $0xffff, v5  }
0x426: {  	s3 =	sor.u32 $0xC50, s24;
	v5 =	vld [tilespmem:s11+$0x11800]  }
0x427: {  	v4 =	vld [tilespmem:s3+$0x11800]  }
0x428: {  	s17 =	sor.u32 $0xC30, s0;
	[tilespmem:s1+$0xC800] =	vst.add.f32.msk $0xffff, v3  }
0x429: {  	v3 =	vld [tilespmem:s17+$0x11800]  }
0x42a: {  	[tilespmem:s7+$0xC800] =	vst.add.f32.msk $0xffff, v6  }
0x42b: {  	s16 =	sor.u32 $0xC00, s8;
	[tilespmem:s11+$0xC800] =	vst.add.f32.msk $0xffff, v5  }
0x42c: {  	v5 =	vld [tilespmem:s16+$0x11800]  }
0x42d: {  	[tilespmem:s3+$0xC800] =	vst.add.f32.msk $0xffff, v4  }
0x42e: {  	[tilespmem:s17+$0xC800] =	vst.add.f32.msk $0xffff, v3;
	s18 =	sor.u32 $0xC60, s24  }
0x42f: {  	v4 =	vld [tilespmem:s18+$0x11800];
	s20 =	sor.u32 $0xC40, s0  }
0x430: {  	v7 =	vld [tilespmem:s20+$0x11800]  }
0x431: {  	s19 =	sor.u32 $0xC10, s8;
	[tilespmem:s16+$0xC800] =	vst.add.f32.msk $0xffff, v5  }
0x432: {  	v6 =	vld [tilespmem:s19+$0x11800];
	_ =	sdelay $0x1  }
0x433: {  	s24 =	sor.u32 $0xC70, s24;
	[tilespmem:s18+$0xC800] =	vst.add.f32.msk $0xffff, v4  }
0x434: {  	s28 =	sor.u32 $0xC50, s0;
	s1 =	sor.u32 $0xC30, s8;
	s31 =	sor.u32 $0xC40, s8;
	v5 =	vld [tilespmem:s24+$0x11800]  }
0x435: {  	s30 =	sor.u32 $0xC50, s8;
	s29 =	sor.u32 $0xC60, s8;
	s7 =	simm.s32 $0x300;
	[tilespmem:s20+$0xC800] =	vst.add.f32.msk $0xffff, v7  }
0x436: {  	s25 =	sor.u32 $0xC70, s0;
	s26 =	sor.u32 $0xC60, s0;
	s15 =	sor.u32 $0xC20, s8;
	[tilespmem:s19+$0xC800] =	vst.add.f32.msk $0xffff, v6  }
0x437: {  	s0 =	simm.s32 $0x4;
	s11 =	sor.u32 $0xC70, s8;
	s8 =	simm.s32 $0xC00;
	v3 =	vld [tilespmem:s15+$0x11800]  }
.LBB2_5:
0x438: {  	s3 =	sand.u32 $0x7000, s8;
	s12 =	sand.u32 $0x300, s7;
	v4 =	vld [tilespmem:s28+$0x11800]  }
0x439: {  	s3 =	sor.u32 s12, s3;
	[tilespmem:s24+$0xC800] =	vst.add.f32.msk $0xffff, v5;
	s24 =	smov.u32 s25;
	s25 =	smov.u32 s11  }
0x43a: {  	v5 =	vld [tilespmem:s3+$0x11880]  }
0x43b: {  	v6 =	vld [tilespmem:s3+$0x11890]  }
0x43c: {  	v7 =	vld [tilespmem:s3+$0x118A0]  }
0x43d: {  	v8 =	vld [tilespmem:s3+$0x118B0]  }
0x43e: {  	v9 =	vld [tilespmem:s3+$0x118C0]  }
0x43f: {  	v10 =	vld [tilespmem:s3+$0x118D0]  }
0x440: {  	v11 =	vld [tilespmem:s3+$0x118E0]  }
0x441: {  	v12 =	vld [tilespmem:s3+$0x118F0]  }
0x442: {  	v13 =	vld [tilespmem:s3+$0x11C80]  }
0x443: {  	v14 =	vld [tilespmem:s3+$0x11C90]  }
0x444: {  	v15 =	vld [tilespmem:s3+$0x11CA0]  }
0x445: {  	v16 =	vld [tilespmem:s3+$0x11CB0]  }
0x446: {  	v17 =	vld [tilespmem:s3+$0x11CC0]  }
0x447: {  	v18 =	vld [tilespmem:s3+$0x11CD0]  }
0x448: {  	v19 =	vld [tilespmem:s3+$0x11CE0]  }
0x449: {  	v20 =	vld [tilespmem:s3+$0x11CF0]  }
0x44a: {  	v21 =	vld [tilespmem:s3+$0x12080]  }
0x44b: {  	v22 =	vld [tilespmem:s3+$0x12090]  }
0x44c: {  	v23 =	vld [tilespmem:s3+$0x120A0]  }
0x44d: {  	v24 =	vld [tilespmem:s3+$0x120B0]  }
0x44e: {  	v25 =	vld [tilespmem:s3+$0x120C0]  }
0x44f: {  	v26 =	vld [tilespmem:s3+$0x120D0]  }
0x450: {  	v27 =	vld [tilespmem:s3+$0x120E0]  }
0x451: {  	v28 =	vld [tilespmem:s3+$0x120F0]  }
0x452: {  	[tilespmem:s3+$0xC880] =	vst.add.f32.msk $0xffff, v5  }
0x453: {  	[tilespmem:s3+$0xC890] =	vst.add.f32.msk $0xffff, v6  }
0x454: {  	[tilespmem:s3+$0xC8A0] =	vst.add.f32.msk $0xffff, v7  }
0x455: {  	[tilespmem:s3+$0xC8B0] =	vst.add.f32.msk $0xffff, v8  }
0x456: {  	[tilespmem:s3+$0xC8C0] =	vst.add.f32.msk $0xffff, v9  }
0x457: {  	[tilespmem:s3+$0xC8D0] =	vst.add.f32.msk $0xffff, v10  }
0x458: {  	[tilespmem:s3+$0xC8E0] =	vst.add.f32.msk $0xffff, v11  }
0x459: {  	[tilespmem:s3+$0xC8F0] =	vst.add.f32.msk $0xffff, v12  }
0x45a: {  	[tilespmem:s3+$0xCC80] =	vst.add.f32.msk $0xffff, v13  }
0x45b: {  	[tilespmem:s3+$0xCC90] =	vst.add.f32.msk $0xffff, v14  }
0x45c: {  	[tilespmem:s3+$0xCCA0] =	vst.add.f32.msk $0xffff, v15  }
0x45d: {  	[tilespmem:s3+$0xCCB0] =	vst.add.f32.msk $0xffff, v16  }
0x45e: {  	[tilespmem:s3+$0xCCC0] =	vst.add.f32.msk $0xffff, v17  }
0x45f: {  	[tilespmem:s3+$0xCCD0] =	vst.add.f32.msk $0xffff, v18  }
0x460: {  	[tilespmem:s3+$0xCCE0] =	vst.add.f32.msk $0xffff, v19  }
0x461: {  	[tilespmem:s3+$0xCCF0] =	vst.add.f32.msk $0xffff, v20  }
0x462: {  	s0 =	sadd.s32 $0x2, s0;
	[tilespmem:s3+$0xD080] =	vst.add.f32.msk $0xffff, v21  }
0x463: {  	p0 =	slt.u32 s0, $0x26;
	[tilespmem:s3+$0xD090] =	vst.add.f32.msk $0xffff, v22  }
0x464: {  	s23 =	sadd.s32 $0x1, s23;
	[tilespmem:s3+$0xD0A0] =	vst.add.f32.msk $0xffff, v23  }
0x465: {  	s11 =	sand.u32 $0x3, s23;
	[tilespmem:s3+$0xD0B0] =	vst.add.f32.msk $0xffff, v24  }
0x466: {  	s11 =	sshll.u32 s11, $0x8;
	[tilespmem:s3+$0xD0C0] =	vst.add.f32.msk $0xffff, v25  }
0x467: {  	s11 =	sadd.s32 s11, s8;
	[tilespmem:s3+$0xD0D0] =	vst.add.f32.msk $0xffff, v26  }
0x468: {  	s17 =	sor.u32 $0xC00, s11;
	s12 =	sor.u32 $0xC10, s11;
	s13 =	sadd.s32 $0x80, s11;
	[tilespmem:s3+$0xD0E0] =	vst.add.f32.msk $0xffff, v27  }
0x469: {  	s20 =	sor.u32 $0xC20, s11;
	s18 =	sor.u32 $0xC30, s11;
	s6 =	sor.u32 $0xC00, s13;
	[tilespmem:s3+$0xD0F0] =	vst.add.f32.msk $0xffff, v28  }
0x46a: {  	s16 =	sor.u32 $0xC40, s11;
	s14 =	sor.u32 $0xC50, s11;
	s19 =	sor.u32 $0xC60, s11;
	v5 =	vld [tilespmem:s6+$0x11800]  }
0x46b: {  	s11 =	sor.u32 $0xC70, s11;
	v6 =	vld [tilespmem:s3+$0x11800]  }
0x46c: {  	v7 =	vld [tilespmem:s3+$0x11810]  }
0x46d: {  	v8 =	vld [tilespmem:s3+$0x11820]  }
0x46e: {  	v9 =	vld [tilespmem:s3+$0x11830]  }
0x46f: {  	[tilespmem:s6+$0xC800] =	vst.add.f32.msk $0xffff, v5;
	s6 =	sor.u32 $0xC10, s13  }
0x470: {  	v5 =	vld [tilespmem:s6+$0x11800]  }
0x471: {  	v10 =	vld [tilespmem:s3+$0x11840]  }
0x472: {  	v11 =	vld [tilespmem:s3+$0x11850]  }
0x473: {  	v12 =	vld [tilespmem:s3+$0x11860]  }
0x474: {  	v13 =	vld [tilespmem:s3+$0x11870]  }
0x475: {  	[tilespmem:s6+$0xC800] =	vst.add.f32.msk $0xffff, v5;
	s6 =	sor.u32 $0xC20, s13  }
0x476: {  	v5 =	vld [tilespmem:s6+$0x11800]  }
0x477: {  	v14 =	vld [tilespmem:s3+$0x11C00]  }
0x478: {  	v15 =	vld [tilespmem:s3+$0x11C10]  }
0x479: {  	v16 =	vld [tilespmem:s3+$0x11C20]  }
0x47a: {  	v17 =	vld [tilespmem:s3+$0x11C30]  }
0x47b: {  	[tilespmem:s6+$0xC800] =	vst.add.f32.msk $0xffff, v5;
	s6 =	sor.u32 $0xC30, s13  }
0x47c: {  	v5 =	vld [tilespmem:s6+$0x11800]  }
0x47d: {  	v18 =	vld [tilespmem:s3+$0x11C40]  }
0x47e: {  	v19 =	vld [tilespmem:s3+$0x11C50]  }
0x47f: {  	v20 =	vld [tilespmem:s3+$0x11C60]  }
0x480: {  	v21 =	vld [tilespmem:s3+$0x11C70]  }
0x481: {  	[tilespmem:s6+$0xC800] =	vst.add.f32.msk $0xffff, v5;
	s6 =	sor.u32 $0xC40, s13  }
0x482: {  	v5 =	vld [tilespmem:s6+$0x11800]  }
0x483: {  	v22 =	vld [tilespmem:s3+$0x12000]  }
0x484: {  	v23 =	vld [tilespmem:s3+$0x12010]  }
0x485: {  	v24 =	vld [tilespmem:s3+$0x12020]  }
0x486: {  	v25 =	vld [tilespmem:s3+$0x12030]  }
0x487: {  	[tilespmem:s6+$0xC800] =	vst.add.f32.msk $0xffff, v5;
	s6 =	sor.u32 $0xC50, s13  }
0x488: {  	v5 =	vld [tilespmem:s6+$0x11800]  }
0x489: {  	v26 =	vld [tilespmem:s3+$0x12040]  }
0x48a: {  	v27 =	vld [tilespmem:s3+$0x12050]  }
0x48b: {  	v28 =	vld [tilespmem:s3+$0x12060]  }
0x48c: {  	v29 =	vld [tilespmem:s3+$0x12070]  }
0x48d: {  	[tilespmem:s6+$0xC800] =	vst.add.f32.msk $0xffff, v5;
	s6 =	sor.u32 $0xC60, s13  }
0x48e: {  	v5 =	vld [tilespmem:s6+$0x11800]  }
0x48f: {  	[tilespmem:s3+$0xC800] =	vst.add.f32.msk $0xffff, v6  }
0x490: {  	[tilespmem:s3+$0xC810] =	vst.add.f32.msk $0xffff, v7  }
0x491: {  	[tilespmem:s3+$0xC820] =	vst.add.f32.msk $0xffff, v8  }
0x492: {  	[tilespmem:s3+$0xC830] =	vst.add.f32.msk $0xffff, v9  }
0x493: {  	[tilespmem:s6+$0xC800] =	vst.add.f32.msk $0xffff, v5;
	s6 =	sor.u32 $0xC70, s13  }
0x494: {  	v5 =	vld [tilespmem:s6+$0x11800]  }
0x495: {  	[tilespmem:s3+$0xC840] =	vst.add.f32.msk $0xffff, v10  }
0x496: {  	[tilespmem:s3+$0xC850] =	vst.add.f32.msk $0xffff, v11  }
0x497: {  	[tilespmem:s3+$0xC860] =	vst.add.f32.msk $0xffff, v12  }
0x498: {  	[tilespmem:s3+$0xC870] =	vst.add.f32.msk $0xffff, v13  }
0x499: {  	[tilespmem:s6+$0xC800] =	vst.add.f32.msk $0xffff, v5  }
0x49a: {  	[tilespmem:s3+$0xCC00] =	vst.add.f32.msk $0xffff, v14  }
0x49b: {  	[tilespmem:s3+$0xCC10] =	vst.add.f32.msk $0xffff, v15  }
0x49c: {  	[tilespmem:s3+$0xCC20] =	vst.add.f32.msk $0xffff, v16  }
0x49d: {  	[tilespmem:s3+$0xCC30] =	vst.add.f32.msk $0xffff, v17  }
0x49e: {  	[tilespmem:s3+$0xCC40] =	vst.add.f32.msk $0xffff, v18  }
0x49f: {  	[tilespmem:s3+$0xCC50] =	vst.add.f32.msk $0xffff, v19  }
0x4a0: {  	[tilespmem:s3+$0xCC60] =	vst.add.f32.msk $0xffff, v20  }
0x4a1: {  	[tilespmem:s3+$0xCC70] =	vst.add.f32.msk $0xffff, v21  }
0x4a2: {  	[tilespmem:s3+$0xD000] =	vst.add.f32.msk $0xffff, v22  }
0x4a3: {  	[tilespmem:s3+$0xD010] =	vst.add.f32.msk $0xffff, v23  }
0x4a4: {  	[tilespmem:s3+$0xD020] =	vst.add.f32.msk $0xffff, v24  }
0x4a5: {  	[tilespmem:s3+$0xD030] =	vst.add.f32.msk $0xffff, v25  }
0x4a6: {  	[tilespmem:s3+$0xD040] =	vst.add.f32.msk $0xffff, v26  }
0x4a7: {  	[tilespmem:s3+$0xD050] =	vst.add.f32.msk $0xffff, v27  }
0x4a8: {  	[tilespmem:s3+$0xD060] =	vst.add.f32.msk $0xffff, v28  }
0x4a9: {  	[tilespmem:s3+$0xD070] =	vst.add.f32.msk $0xffff, v29  }
0x4aa: {  	v5 =	vld [tilespmem:s17+$0x11800]  }
0x4ab: {  	[tilespmem:s15+$0xC800] =	vst.add.f32.msk $0xffff, v3;
	s15 =	smov.u32 s20  }
0x4ac: {  	v3 =	vld [tilespmem:s1+$0x11800]  }
0x4ad: {  	[tilespmem:s28+$0xC800] =	vst.add.f32.msk $0xffff, v4;
	s28 =	smov.u32 s30;
	s30 =	smov.u32 s14  }
0x4ae: {  	v4 =	vld [tilespmem:s26+$0x11800]  }
0x4af: {  	[tilespmem:s17+$0xC800] =	vst.add.f32.msk $0xffff, v5  }
0x4b0: {  	v6 =	vld [tilespmem:s12+$0x11800]  }
0x4b1: {  	[tilespmem:s1+$0xC800] =	vst.add.f32.msk $0xffff, v3;
	s1 =	smov.u32 s18  }
0x4b2: {  	v7 =	vld [tilespmem:s31+$0x11800]  }
.Ltmp1:
0x4b3: {  	[tilespmem:s26+$0xC800] =	vst.add.f32.msk $0xffff, v4;
	s26 =	smov.u32 s29;
	s29 =	smov.u32 s19;
	(pc) =	sbr.rel @p0 .LBB2_5-.Ltmp1, $4  }
0x4b4: {  	v5 =	vld [tilespmem:s24+$0x11800]  }
0x4b5: {  	[tilespmem:s12+$0xC800] =	vst.add.f32.msk $0xffff, v6  }
0x4b6: {  	v3 =	vld [tilespmem:s15+$0x11800]  }
0x4b7: {  	s7 =	sadd.s32 $0x100, s7;
	s8 =	sadd.s32 $0x400, s8;
	[tilespmem:s31+$0xC800] =	vst.add.f32.msk $0xffff, v7;
	s31 =	smov.u32 s16  }
0x4b8: {  	_ =	sdelay $0x2  }
0x4b9: {  	[tilespmem:s15+$0xC800] =	vst.add.f32.msk $0xffff, v3  }
0x4ba: {  	v3 =	vld [tilespmem:s1+$0x11800];
	_ =	sdelay $0x4  }
0x4bb: {  	[tilespmem:s1+$0xC800] =	vst.add.f32.msk $0xffff, v3  }
0x4bc: {  	v3 =	vld [tilespmem:s31+$0x11800];
	_ =	sdelay $0x3  }
0x4bd: {  	v4 =	vld [tilespmem:s28+$0x11800]  }
0x4be: {  	[tilespmem:s31+$0xC800] =	vst.add.f32.msk $0xffff, v3  }
0x4bf: {  	v3 =	vld [tilespmem:s30+$0x11800];
	_ =	sdelay $0x2  }
0x4c0: {  	[tilespmem:s28+$0xC800] =	vst.add.f32.msk $0xffff, v4  }
0x4c1: {  	v4 =	vld [tilespmem:s26+$0x11800]  }
0x4c2: {  	[tilespmem:s30+$0xC800] =	vst.add.f32.msk $0xffff, v3  }
0x4c3: {  	v3 =	vld [tilespmem:s29+$0x11800];
	_ =	sdelay $0x2  }
0x4c4: {  	[tilespmem:s26+$0xC800] =	vst.add.f32.msk $0xffff, v4  }
0x4c5: {  	v4 =	vld [tilespmem:s25+$0x11800]  }
0x4c6: {  	[tilespmem:s29+$0xC800] =	vst.add.f32.msk $0xffff, v3  }
0x4c7: {  	v3 =	vld [tilespmem:s11+$0x11800];
	_ =	sdelay $0x2  }
0x4c8: {  	p0 =	seq.s32 s21, $0x3D;
	[tilespmem:s24+$0xC800] =	vst.add.f32.msk $0xffff, v5  }
.Ltmp2:
0x4c9: {  	s0 =	rddreg [dreg:$0x7];
	[tilespmem:s25+$0xC800] =	vst.add.f32.msk $0xffff, v4;
	(pc) =	sbr.rel @p0 .LBB2_8-.Ltmp2, $4  }
0x4ca: {  	s0 =	sadd.s32 s22, s0;
	[tilespmem:s11+$0xC800] =	vst.add.f32.msk $0xffff, v3  }
0x4cb: {  	s0 =	sshll.u32 s0, $0x6;
	s1 =	rddreg [dreg:$0x4]  }
0x4cc: {  	s6 =	simm.s32 $0x2800;
	s31 =	simm.s32 $0xC800;
	s0 =	sadd.s32 s1, s0  }
0x4cd: {  	[hbm4b:s0+s2] =	stream.linear.scatter [tilespmem:s31], [sflag:$0x6], $0x5000, $0x38;
	[tilespmem:$0x16800] =	vst v63  }
0x4ce: {  	s0 =	simm.s32 $0x5  }
0x4cf: {  	_ =	swait.ge [sflag:s0], $0x5000  }
0x4d0: {  	[sflag:s0] =	ssyncset.done $0x0  }
0x4d1: {  	[sflag:s0] =	ssyncadd.s32 $0xFFFFB000  }
0x4d2: {  	v3 =	vld [tilespmem:s22+$0x50];
	_ =	sdelay $0x4  }
0x4d3: {  	v4 =	vshll.u32 v3, $0x2  }
0x4d4: {  	v3 =	vand.u32 $0x7, v3;
	v4 =	vand.u32 $0xFFFFFFE0, v4  }
0x4d5: {  	v3 =	vor.u32 v3, v4  }
0x4d6: {  	v4 =	vperm.xlane v3, v0;
	_ =	sdelay $0x1  }
0x4d7: {  	v4 =	vadd.s32 v1, v4;
	_ =	sdelay $0x1  }
0x4d8: {  	v3 =	vperm.xlane v3, v2;
	_ =	sdelay $0x1  }
0x4d9: {  	v3 =	vadd.s32 v1, v3  }
0x4da: {  	[tilespmem:s6], [sflag:$0x1] =	stream.indirect_vreg.gather [hbm4b:s4+s2], $0x80, v4, vm0, $0xb8;
	[tilespmem:$0x16800] =	vst v63  }
0x4db: {  	s8 =	simm.s32 $0x3000  }
0x4dc: {  	[tilespmem:s8], [sflag:$0x1] =	stream.indirect_vreg.gather [hbm4b:s9+s2], $0x80, v4, vm0, $0xb8;
	[tilespmem:$0x16800] =	vst v63  }
0x4dd: {  	s11 =	simm.s32 $0x3800  }
0x4de: {  	[tilespmem:s11], [sflag:$0x1] =	stream.indirect_vreg.gather [hbm4b:s4+s2], $0x80, v3, vm0, $0xb8;
	[tilespmem:$0x16800] =	vst v63  }
0x4df: {  	s12 =	simm.s32 $0x4000  }
0x4e0: {  	[tilespmem:s12], [sflag:$0x1] =	stream.indirect_vreg.gather [hbm4b:s9+s2], $0x80, v3, vm0, $0xb8;
	[tilespmem:$0x16800] =	vst v63  }
0x4e1: {  	v3 =	vld [tilespmem:s22+$0x60];
	_ =	sdelay $0x4  }
0x4e2: {  	v53 =	vshll.u32 v3, $0x2  }
0x4e3: {  	v3 =	vand.u32 $0x7, v3;
	v4 =	vand.u32 $0xFFFFFFE0, v53  }
0x4e4: {  	v3 =	vor.u32 v3, v4  }
0x4e5: {  	v4 =	vperm.xlane v3, v0;
	_ =	sdelay $0x1  }
0x4e6: {  	v4 =	vadd.s32 v1, v4;
	_ =	sdelay $0x1  }
0x4e7: {  	v3 =	vperm.xlane v3, v2;
	_ =	sdelay $0x1  }
0x4e8: {  	s13 =	simm.s32 $0x4800;
	v3 =	vadd.s32 v1, v3  }
0x4e9: {  	[tilespmem:s13], [sflag:$0x1] =	stream.indirect_vreg.gather [hbm4b:s4+s2], $0x80, v4, vm0, $0xb8;
	[tilespmem:$0x16800] =	vst v63  }
0x4ea: {  	s14 =	simm.s32 $0x5000  }
0x4eb: {  	[tilespmem:s14], [sflag:$0x1] =	stream.indirect_vreg.gather [hbm4b:s9+s2], $0x80, v4, vm0, $0xb8;
	[tilespmem:$0x16800] =	vst v63  }
0x4ec: {  	s15 =	simm.s32 $0x5800  }
0x4ed: {  	[tilespmem:s15], [sflag:$0x1] =	stream.indirect_vreg.gather [hbm4b:s4+s2], $0x80, v3, vm0, $0xb8;
	[tilespmem:$0x16800] =	vst v63  }
0x4ee: {  	s16 =	simm.s32 $0x6000  }
0x4ef: {  	[tilespmem:s16], [sflag:$0x1] =	stream.indirect_vreg.gather [hbm4b:s9+s2], $0x80, v3, vm0, $0xb8;
	[tilespmem:$0x16800] =	vst v63  }
0x4f0: {  	v3 =	vld.msk [tilespmem:s22+$0x70], $0xff;
	_ =	sdelay $0x4  }
0x4f1: {  	v54 =	vshll.u32 v3, $0x2  }
0x4f2: {  	v3 =	vand.u32 $0x7, v3;
	v4 =	vand.u32 $0xFFFFFFE0, v54  }
0x4f3: {  	v3 =	vor.u32 v3, v4  }
0x4f4: {  	v3 =	vperm.xlane v3, v0;
	_ =	sdelay $0x1  }
0x4f5: {  	v3 =	vadd.s32 v1, v3;
	_ =	sdelay $0x3  }
0x4f6: {  	s17 =	simm.s32 $0x6800  }
0x4f7: {  	[tilespmem:s17], [sflag:$0x1] =	stream.indirect_vreg.gather [hbm4b:s4+s2], $0x80, v3, vm0, $0xb8;
	[tilespmem:$0x16800] =	vst v63  }
0x4f8: {  	s18 =	simm.s32 $0x7000  }
0x4f9: {  	[tilespmem:s18], [sflag:$0x1] =	stream.indirect_vreg.gather [hbm4b:s9+s2], $0x80, v3, vm0, $0xb8;
	[tilespmem:$0x16800] =	vst v63  }
0x4fa: {  	v3 =	vld [tilespmem:s22+$0x1450];
	_ =	sdelay $0x4  }
0x4fb: {  	v55 =	vshll.u32 v3, $0x2  }
0x4fc: {  	v3 =	vand.u32 $0x7, v3;
	v4 =	vand.u32 $0xFFFFFFE0, v55  }
0x4fd: {  	v3 =	vor.u32 v3, v4  }
0x4fe: {  	v4 =	vperm.xlane v3, v0;
	_ =	sdelay $0x1  }
0x4ff: {  	v4 =	vadd.s32 v1, v4;
	_ =	sdelay $0x1  }
0x500: {  	v3 =	vperm.xlane v3, v2;
	_ =	sdelay $0x1  }
0x501: {  	s19 =	simm.s32 $0x7800;
	v3 =	vadd.s32 v1, v3  }
0x502: {  	[tilespmem:s19], [sflag:$0x2] =	stream.indirect_vreg.gather [hbm4b:s5+s2], $0x80, v4, vm0, $0xb8;
	[tilespmem:$0x16800] =	vst v63  }
0x503: {  	s20 =	simm.s32 $0x8000  }
0x504: {  	[tilespmem:s20], [sflag:$0x2] =	stream.indirect_vreg.gather [hbm4b:s10+s2], $0x80, v4, vm0, $0xb8;
	[tilespmem:$0x16800] =	vst v63  }
0x505: {  	s23 =	simm.s32 $0x8800  }
0x506: {  	[tilespmem:s23], [sflag:$0x2] =	stream.indirect_vreg.gather [hbm4b:s5+s2], $0x80, v3, vm0, $0xb8;
	[tilespmem:$0x16800] =	vst v63  }
0x507: {  	s24 =	simm.s32 $0x9000  }
0x508: {  	[tilespmem:s24], [sflag:$0x2] =	stream.indirect_vreg.gather [hbm4b:s10+s2], $0x80, v3, vm0, $0xb8;
	[tilespmem:$0x16800] =	vst v63  }
0x509: {  	v3 =	vld [tilespmem:s22+$0x1460];
	_ =	sdelay $0x4  }
0x50a: {  	v56 =	vshll.u32 v3, $0x2  }
0x50b: {  	v3 =	vand.u32 $0x7, v3;
	v4 =	vand.u32 $0xFFFFFFE0, v56  }
0x50c: {  	v3 =	vor.u32 v3, v4  }
0x50d: {  	v4 =	vperm.xlane v3, v0;
	_ =	sdelay $0x1  }
0x50e: {  	v4 =	vadd.s32 v1, v4;
	_ =	sdelay $0x1  }
0x50f: {  	v3 =	vperm.xlane v3, v2;
	_ =	sdelay $0x1  }
0x510: {  	s25 =	simm.s32 $0x9800;
	v3 =	vadd.s32 v1, v3  }
0x511: {  	[tilespmem:s25], [sflag:$0x2] =	stream.indirect_vreg.gather [hbm4b:s5+s2], $0x80, v4, vm0, $0xb8;
	[tilespmem:$0x16800] =	vst v63  }
0x512: {  	s26 =	simm.s32 $0xA000  }
0x513: {  	[tilespmem:s26], [sflag:$0x2] =	stream.indirect_vreg.gather [hbm4b:s10+s2], $0x80, v4, vm0, $0xb8;
	[tilespmem:$0x16800] =	vst v63  }
0x514: {  	s28 =	simm.s32 $0xA800  }
0x515: {  	[tilespmem:s28], [sflag:$0x2] =	stream.indirect_vreg.gather [hbm4b:s5+s2], $0x80, v3, vm0, $0xb8;
	[tilespmem:$0x16800] =	vst v63  }
0x516: {  	s29 =	simm.s32 $0xB000  }
0x517: {  	[tilespmem:s29], [sflag:$0x2] =	stream.indirect_vreg.gather [hbm4b:s10+s2], $0x80, v3, vm0, $0xb8;
	[tilespmem:$0x16800] =	vst v63  }
0x518: {  	v3 =	vld.msk [tilespmem:s22+$0x1470], $0xff;
	_ =	sdelay $0x4  }
0x519: {  	v57 =	vshll.u32 v3, $0x2  }
0x51a: {  	v3 =	vand.u32 $0x7, v3;
	v4 =	vand.u32 $0xFFFFFFE0, v57  }
0x51b: {  	v3 =	vor.u32 v3, v4  }
0x51c: {  	v3 =	vperm.xlane v3, v0;
	_ =	sdelay $0x1  }
0x51d: {  	v3 =	vadd.s32 v1, v3;
	_ =	sdelay $0x3  }
0x51e: {  	s30 =	simm.s32 $0xB800  }
0x51f: {  	[tilespmem:s30], [sflag:$0x2] =	stream.indirect_vreg.gather [hbm4b:s5+s2], $0x80, v3, vm0, $0xb8;
	[tilespmem:$0x16800] =	vst v63  }
0x520: {  	s1 =	simm.s32 $0xC000;
	s3 =	simm.s32 $0x6  }
0x521: {  	[tilespmem:s1], [sflag:$0x2] =	stream.indirect_vreg.gather [hbm4b:s10+s2], $0x80, v3, vm0, $0xb8;
	[tilespmem:$0x16800] =	vst v63  }
0x522: {  	_ =	swait.ge [sflag:s3], $0x5000  }
0x523: {  	[sflag:s3] =	ssyncset.done $0x0  }
0x524: {  	[sflag:s3] =	ssyncadd.s32 $0xFFFFB000  }
0x525: {  	v3 =	vld [tilespmem:s22+$0x78];
	_ =	sdelay $0x4  }
0x526: {  	v58 =	vshll.u32 v3, $0x2  }
0x527: {  	v3 =	vand.u32 $0x7, v3;
	v4 =	vand.u32 $0xFFFFFFE0, v58  }
0x528: {  	v3 =	vor.u32 v3, v4  }
0x529: {  	v4 =	vperm.xlane v3, v0;
	_ =	sdelay $0x1  }
0x52a: {  	v4 =	vadd.s32 v1, v4;
	_ =	sdelay $0x1  }
0x52b: {  	v3 =	vperm.xlane v3, v2;
	_ =	sdelay $0x1  }
0x52c: {  	v3 =	vadd.s32 v1, v3  }
0x52d: {  	[tilespmem:s31], [sflag:$0x3] =	stream.indirect_vreg.gather [hbm4b:s4+s2], $0x80, v4, vm0, $0xb8;
	[tilespmem:$0x16800] =	vst v63  }
0x52e: {  	s7 =	simm.s32 $0xD000  }
0x52f: {  	[tilespmem:s7], [sflag:$0x3] =	stream.indirect_vreg.gather [hbm4b:s9+s2], $0x80, v4, vm0, $0xb8;
	[tilespmem:$0x16800] =	vst v63  }
0x530: {  	s8 =	simm.s32 $0xD800  }
0x531: {  	[tilespmem:s8], [sflag:$0x3] =	stream.indirect_vreg.gather [hbm4b:s4+s2], $0x80, v3, vm0, $0xb8;
	[tilespmem:$0x16800] =	vst v63  }
0x532: {  	s11 =	simm.s32 $0xE000  }
0x533: {  	[tilespmem:s11], [sflag:$0x3] =	stream.indirect_vreg.gather [hbm4b:s9+s2], $0x80, v3, vm0, $0xb8;
	[tilespmem:$0x16800] =	vst v63  }
0x534: {  	v3 =	vld [tilespmem:s22+$0x88];
	_ =	sdelay $0x4  }
0x535: {  	v59 =	vshll.u32 v3, $0x2  }
0x536: {  	v3 =	vand.u32 $0x7, v3;
	v4 =	vand.u32 $0xFFFFFFE0, v59  }
0x537: {  	v3 =	vor.u32 v3, v4  }
0x538: {  	v4 =	vperm.xlane v3, v0;
	_ =	sdelay $0x1  }
0x539: {  	v4 =	vadd.s32 v1, v4;
	_ =	sdelay $0x1  }
0x53a: {  	v3 =	vperm.xlane v3, v2;
	_ =	sdelay $0x1  }
0x53b: {  	s12 =	simm.s32 $0xE800;
	v3 =	vadd.s32 v1, v3  }
0x53c: {  	[tilespmem:s12], [sflag:$0x3] =	stream.indirect_vreg.gather [hbm4b:s4+s2], $0x80, v4, vm0, $0xb8;
	[tilespmem:$0x16800] =	vst v63  }
0x53d: {  	s13 =	simm.s32 $0xF000  }
0x53e: {  	[tilespmem:s13], [sflag:$0x3] =	stream.indirect_vreg.gather [hbm4b:s9+s2], $0x80, v4, vm0, $0xb8;
	[tilespmem:$0x16800] =	vst v63  }
0x53f: {  	s14 =	simm.s32 $0xF800  }
0x540: {  	[tilespmem:s14], [sflag:$0x3] =	stream.indirect_vreg.gather [hbm4b:s4+s2], $0x80, v3, vm0, $0xb8;
	[tilespmem:$0x16800] =	vst v63  }
0x541: {  	s15 =	simm.s32 $0x10000  }
0x542: {  	[tilespmem:s15], [sflag:$0x3] =	stream.indirect_vreg.gather [hbm4b:s9+s2], $0x80, v3, vm0, $0xb8;
	[tilespmem:$0x16800] =	vst v63  }
0x543: {  	v3 =	vld.msk [tilespmem:s22+$0x98], $0xff;
	_ =	sdelay $0x4  }
0x544: {  	v60 =	vshll.u32 v3, $0x2  }
0x545: {  	v3 =	vand.u32 $0x7, v3;
	v4 =	vand.u32 $0xFFFFFFE0, v60  }
0x546: {  	v3 =	vor.u32 v3, v4  }
0x547: {  	v3 =	vperm.xlane v3, v0;
	_ =	sdelay $0x1  }
0x548: {  	v3 =	vadd.s32 v1, v3;
	_ =	sdelay $0x3  }
0x549: {  	s16 =	simm.s32 $0x10800  }
0x54a: {  	[tilespmem:s16], [sflag:$0x3] =	stream.indirect_vreg.gather [hbm4b:s4+s2], $0x80, v3, vm0, $0xb8;
	[tilespmem:$0x16800] =	vst v63  }
0x54b: {  	s17 =	simm.s32 $0x11000  }
0x54c: {  	[tilespmem:s17], [sflag:$0x3] =	stream.indirect_vreg.gather [hbm4b:s9+s2], $0x80, v3, vm0, $0xb8;
	[tilespmem:$0x16800] =	vst v63  }
0x54d: {  	v3 =	vld [tilespmem:s22+$0x1478];
	_ =	sdelay $0x4  }
0x54e: {  	v61 =	vshll.u32 v3, $0x2  }
0x54f: {  	v3 =	vand.u32 $0x7, v3;
	v4 =	vand.u32 $0xFFFFFFE0, v61  }
0x550: {  	v3 =	vor.u32 v3, v4  }
0x551: {  	v4 =	vperm.xlane v3, v0;
	_ =	sdelay $0x1  }
0x552: {  	v4 =	vadd.s32 v1, v4;
	_ =	sdelay $0x1  }
0x553: {  	v3 =	vperm.xlane v3, v2;
	_ =	sdelay $0x1  }
0x554: {  	s18 =	simm.s32 $0x11800;
	v3 =	vadd.s32 v1, v3  }
0x555: {  	[tilespmem:s18], [sflag:$0x4] =	stream.indirect_vreg.gather [hbm4b:s5+s2], $0x80, v4, vm0, $0xb8;
	[tilespmem:$0x16800] =	vst v63  }
0x556: {  	s19 =	simm.s32 $0x12000  }
0x557: {  	[tilespmem:s19], [sflag:$0x4] =	stream.indirect_vreg.gather [hbm4b:s10+s2], $0x80, v4, vm0, $0xb8;
	[tilespmem:$0x16800] =	vst v63  }
0x558: {  	s20 =	simm.s32 $0x12800  }
0x559: {  	[tilespmem:s20], [sflag:$0x4] =	stream.indirect_vreg.gather [hbm4b:s5+s2], $0x80, v3, vm0, $0xb8;
	[tilespmem:$0x16800] =	vst v63  }
0x55a: {  	s23 =	simm.s32 $0x13000  }
0x55b: {  	[tilespmem:s23], [sflag:$0x4] =	stream.indirect_vreg.gather [hbm4b:s10+s2], $0x80, v3, vm0, $0xb8;
	[tilespmem:$0x16800] =	vst v63  }
0x55c: {  	v3 =	vld [tilespmem:s22+$0x1488];
	_ =	sdelay $0x4  }
0x55d: {  	v62 =	vshll.u32 v3, $0x2  }
0x55e: {  	v3 =	vand.u32 $0x7, v3;
	v4 =	vand.u32 $0xFFFFFFE0, v62  }
0x55f: {  	v3 =	vor.u32 v3, v4  }
0x560: {  	v4 =	vperm.xlane v3, v0;
	_ =	sdelay $0x1  }
0x561: {  	v4 =	vadd.s32 v1, v4;
	_ =	sdelay $0x1  }
0x562: {  	v3 =	vperm.xlane v3, v2;
	_ =	sdelay $0x1  }
0x563: {  	s24 =	simm.s32 $0x13800;
	v3 =	vadd.s32 v1, v3  }
0x564: {  	[tilespmem:s24], [sflag:$0x4] =	stream.indirect_vreg.gather [hbm4b:s5+s2], $0x80, v4, vm0, $0xb8;
	[tilespmem:$0x16800] =	vst v63  }
0x565: {  	s25 =	simm.s32 $0x14000  }
0x566: {  	[tilespmem:s25], [sflag:$0x4] =	stream.indirect_vreg.gather [hbm4b:s10+s2], $0x80, v4, vm0, $0xb8;
	[tilespmem:$0x16800] =	vst v63  }
0x567: {  	s26 =	simm.s32 $0x14800  }
0x568: {  	[tilespmem:s26], [sflag:$0x4] =	stream.indirect_vreg.gather [hbm4b:s5+s2], $0x80, v3, vm0, $0xb8;
	[tilespmem:$0x16800] =	vst v63  }
0x569: {  	s28 =	simm.s32 $0x15000  }
0x56a: {  	[tilespmem:s28], [sflag:$0x4] =	stream.indirect_vreg.gather [hbm4b:s10+s2], $0x80, v3, vm0, $0xb8;
	[tilespmem:$0x16800] =	vst v63  }
0x56b: {  	v3 =	vld.msk [tilespmem:s22+$0x1498], $0xff;
	_ =	sdelay $0x4  }
0x56c: {  	v63 =	vshll.u32 v3, $0x2  }
0x56d: {  	v3 =	vand.u32 $0x7, v3;
	v4 =	vand.u32 $0xFFFFFFE0, v63  }
0x56e: {  	v3 =	vor.u32 v3, v4  }
0x56f: {  	v3 =	vperm.xlane v3, v0;
	_ =	sdelay $0x1  }
0x570: {  	v3 =	vadd.s32 v1, v3  }
0x571: {  	s21 =	sadd.s32 $0x1, s21  }
0x572: {  	p0 =	sne.s32 s21, $0x3E  }
.Ltmp3:
0x573: {  	_ = 	snop;
	(pc) =	sbr.rel @p0 .LBB2_2-.Ltmp3, $4  }
0x574: {  	s29 =	simm.s32 $0x15800  }
0x575: {  	[tilespmem:s29], [sflag:$0x4] =	stream.indirect_vreg.gather [hbm4b:s5+s2], $0x80, v3, vm0, $0xb8;
	[tilespmem:$0x16800] =	vst v63  }
0x576: {  	s30 =	simm.s32 $0x16000  }
0x577: {  	[tilespmem:s30], [sflag:$0x4] =	stream.indirect_vreg.gather [hbm4b:s10+s2], $0x80, v3, vm0, $0xb8;
	[tilespmem:$0x16800] =	vst v63  }
.LBB2_8:
0x578: {  	s0 =	simm.s32 $0x5  }
0x579: {  	_ =	swait.ge [sflag:s0], $0x5000  }
0x57a: {  	[sflag:s0] =	ssyncset.done $0x0  }
0x57b: {  	s13 =	simm.s32 $0x6;
	[sflag:s0] =	ssyncadd.s32 $0xFFFFB000  }
0x57c: {  	_ =	swait.ge [sflag:s13], $0x5000  }
0x57d: {  	[sflag:s13] =	ssyncset.done $0x0  }
0x57e: {  	[sflag:s13] =	ssyncadd.s32 $0xFFFFB000  }
0x57f: {  	v3 =	vld [tilespmem:$0x1360];
	_ =	sdelay $0x4  }
0x580: {  	v4 =	vshll.u32 v3, $0x2  }
0x581: {  	v3 =	vand.u32 $0x7, v3;
	v4 =	vand.u32 $0xFFFFFFE0, v4  }
0x582: {  	v3 =	vor.u32 v3, v4  }
0x583: {  	v4 =	vperm.xlane v3, v0;
	_ =	sdelay $0x1  }
0x584: {  	v4 =	vadd.s32 v1, v4;
	_ =	sdelay $0x1  }
0x585: {  	v3 =	vperm.xlane v3, v2;
	_ =	sdelay $0x1  }
0x586: {  	s1 =	simm.s32 $0x0;
	v3 =	vadd.s32 v1, v3  }
0x587: {  	[tilespmem:s6], [sflag:$0x1] =	stream.indirect_vreg.gather [hbm4b:s4+s1], $0x80, v4, vm0, $0xb8;
	[tilespmem:$0x16800] =	vst v63  }
0x588: {  	s14 =	simm.s32 $0x3000  }
0x589: {  	[tilespmem:s14], [sflag:$0x1] =	stream.indirect_vreg.gather [hbm4b:s9+s1], $0x80, v4, vm0, $0xb8;
	[tilespmem:$0x16800] =	vst v63  }
0x58a: {  	s15 =	simm.s32 $0x3800  }
0x58b: {  	[tilespmem:s15], [sflag:$0x1] =	stream.indirect_vreg.gather [hbm4b:s4+s1], $0x80, v3, vm0, $0xb8;
	[tilespmem:$0x16800] =	vst v63  }
0x58c: {  	s16 =	simm.s32 $0x4000  }
0x58d: {  	[tilespmem:s16], [sflag:$0x1] =	stream.indirect_vreg.gather [hbm4b:s9+s1], $0x80, v3, vm0, $0xb8;
	[tilespmem:$0x16800] =	vst v63  }
0x58e: {  	v3 =	vld [tilespmem:$0x1370];
	_ =	sdelay $0x4  }
0x58f: {  	v4 =	vshll.u32 v3, $0x2  }
0x590: {  	v3 =	vand.u32 $0x7, v3;
	v4 =	vand.u32 $0xFFFFFFE0, v4  }
0x591: {  	v3 =	vor.u32 v3, v4  }
0x592: {  	v4 =	vperm.xlane v3, v0;
	_ =	sdelay $0x1  }
0x593: {  	v4 =	vadd.s32 v1, v4;
	_ =	sdelay $0x1  }
0x594: {  	v3 =	vperm.xlane v3, v2;
	_ =	sdelay $0x1  }
0x595: {  	s17 =	simm.s32 $0x4800;
	v3 =	vadd.s32 v1, v3  }
0x596: {  	[tilespmem:s17], [sflag:$0x1] =	stream.indirect_vreg.gather [hbm4b:s4+s1], $0x80, v4, vm0, $0xb8;
	[tilespmem:$0x16800] =	vst v63  }
0x597: {  	s18 =	simm.s32 $0x5000  }
0x598: {  	[tilespmem:s18], [sflag:$0x1] =	stream.indirect_vreg.gather [hbm4b:s9+s1], $0x80, v4, vm0, $0xb8;
	[tilespmem:$0x16800] =	vst v63  }
0x599: {  	s19 =	simm.s32 $0x5800  }
0x59a: {  	[tilespmem:s19], [sflag:$0x1] =	stream.indirect_vreg.gather [hbm4b:s4+s1], $0x80, v3, vm0, $0xb8;
	[tilespmem:$0x16800] =	vst v63  }
0x59b: {  	s20 =	simm.s32 $0x6000  }
0x59c: {  	[tilespmem:s20], [sflag:$0x1] =	stream.indirect_vreg.gather [hbm4b:s9+s1], $0x80, v3, vm0, $0xb8;
	[tilespmem:$0x16800] =	vst v63  }
0x59d: {  	v3 =	vld.msk [tilespmem:$0x1380], $0xff;
	_ =	sdelay $0x4  }
0x59e: {  	v4 =	vshll.u32 v3, $0x2  }
0x59f: {  	v3 =	vand.u32 $0x7, v3;
	v4 =	vand.u32 $0xFFFFFFE0, v4  }
0x5a0: {  	v3 =	vor.u32 v3, v4  }
0x5a1: {  	v3 =	vperm.xlane v3, v0;
	_ =	sdelay $0x1  }
0x5a2: {  	v3 =	vadd.s32 v1, v3;
	_ =	sdelay $0x3  }
0x5a3: {  	s21 =	simm.s32 $0x6800  }
0x5a4: {  	[tilespmem:s21], [sflag:$0x1] =	stream.indirect_vreg.gather [hbm4b:s4+s1], $0x80, v3, vm0, $0xb8;
	[tilespmem:$0x16800] =	vst v63  }
0x5a5: {  	s22 =	simm.s32 $0x7000  }
0x5a6: {  	[tilespmem:s22], [sflag:$0x1] =	stream.indirect_vreg.gather [hbm4b:s9+s1], $0x80, v3, vm0, $0xb8;
	[tilespmem:$0x16800] =	vst v63  }
0x5a7: {  	v3 =	vld [tilespmem:$0x2760];
	_ =	sdelay $0x4  }
0x5a8: {  	v4 =	vshll.u32 v3, $0x2  }
0x5a9: {  	v3 =	vand.u32 $0x7, v3;
	v4 =	vand.u32 $0xFFFFFFE0, v4  }
0x5aa: {  	v3 =	vor.u32 v3, v4  }
0x5ab: {  	v4 =	vperm.xlane v3, v0;
	_ =	sdelay $0x1  }
0x5ac: {  	v4 =	vadd.s32 v1, v4;
	_ =	sdelay $0x1  }
0x5ad: {  	v3 =	vperm.xlane v3, v2;
	_ =	sdelay $0x1  }
0x5ae: {  	s23 =	simm.s32 $0x7800;
	v3 =	vadd.s32 v1, v3  }
0x5af: {  	[tilespmem:s23], [sflag:$0x2] =	stream.indirect_vreg.gather [hbm4b:s5+s1], $0x80, v4, vm0, $0xb8;
	[tilespmem:$0x16800] =	vst v63  }
0x5b0: {  	s24 =	simm.s32 $0x8000  }
0x5b1: {  	[tilespmem:s24], [sflag:$0x2] =	stream.indirect_vreg.gather [hbm4b:s10+s1], $0x80, v4, vm0, $0xb8;
	[tilespmem:$0x16800] =	vst v63  }
0x5b2: {  	s25 =	simm.s32 $0x8800  }
0x5b3: {  	[tilespmem:s25], [sflag:$0x2] =	stream.indirect_vreg.gather [hbm4b:s5+s1], $0x80, v3, vm0, $0xb8;
	[tilespmem:$0x16800] =	vst v63  }
0x5b4: {  	s26 =	simm.s32 $0x9000  }
0x5b5: {  	[tilespmem:s26], [sflag:$0x2] =	stream.indirect_vreg.gather [hbm4b:s10+s1], $0x80, v3, vm0, $0xb8;
	[tilespmem:$0x16800] =	vst v63  }
0x5b6: {  	v3 =	vld [tilespmem:$0x2770];
	_ =	sdelay $0x4  }
0x5b7: {  	v4 =	vshll.u32 v3, $0x2  }
0x5b8: {  	v3 =	vand.u32 $0x7, v3;
	v4 =	vand.u32 $0xFFFFFFE0, v4  }
0x5b9: {  	v3 =	vor.u32 v3, v4  }
0x5ba: {  	v4 =	vperm.xlane v3, v0;
	_ =	sdelay $0x1  }
0x5bb: {  	v4 =	vadd.s32 v1, v4;
	_ =	sdelay $0x1  }
0x5bc: {  	v3 =	vperm.xlane v3, v2;
	_ =	sdelay $0x1  }
0x5bd: {  	s30 =	simm.s32 $0x9800;
	v3 =	vadd.s32 v1, v3  }
0x5be: {  	[tilespmem:s30], [sflag:$0x2] =	stream.indirect_vreg.gather [hbm4b:s5+s1], $0x80, v4, vm0, $0xb8;
	[tilespmem:$0x16800] =	vst v63  }
0x5bf: {  	s3 =	simm.s32 $0xA000  }
0x5c0: {  	[tilespmem:s3], [sflag:$0x2] =	stream.indirect_vreg.gather [hbm4b:s10+s1], $0x80, v4, vm0, $0xb8;
	[tilespmem:$0x16800] =	vst v63  }
0x5c1: {  	s6 =	simm.s32 $0xA800  }
0x5c2: {  	[tilespmem:s6], [sflag:$0x2] =	stream.indirect_vreg.gather [hbm4b:s5+s1], $0x80, v3, vm0, $0xb8;
	[tilespmem:$0x16800] =	vst v63  }
0x5c3: {  	s7 =	simm.s32 $0xB000  }
0x5c4: {  	[tilespmem:s7], [sflag:$0x2] =	stream.indirect_vreg.gather [hbm4b:s10+s1], $0x80, v3, vm0, $0xb8;
	[tilespmem:$0x16800] =	vst v63  }
0x5c5: {  	v3 =	vld.msk [tilespmem:$0x2780], $0xff;
	_ =	sdelay $0x4  }
0x5c6: {  	v4 =	vshll.u32 v3, $0x2  }
0x5c7: {  	v3 =	vand.u32 $0x7, v3;
	v4 =	vand.u32 $0xFFFFFFE0, v4  }
0x5c8: {  	v3 =	vor.u32 v3, v4  }
0x5c9: {  	v3 =	vperm.xlane v3, v0;
	_ =	sdelay $0x1  }
0x5ca: {  	v3 =	vadd.s32 v1, v3;
	_ =	sdelay $0x3  }
0x5cb: {  	s8 =	simm.s32 $0xB800  }
0x5cc: {  	[tilespmem:s8], [sflag:$0x2] =	stream.indirect_vreg.gather [hbm4b:s5+s1], $0x80, v3, vm0, $0xb8;
	[tilespmem:$0x16800] =	vst v63  }
0x5cd: {  	s11 =	simm.s32 $0xC000;
	s12 =	simm.s32 $0x1  }
0x5ce: {  	[tilespmem:s11], [sflag:$0x2] =	stream.indirect_vreg.gather [hbm4b:s10+s1], $0x80, v3, vm0, $0xb8;
	[tilespmem:$0x16800] =	vst v63  }
0x5cf: {  	_ =	swait.ge [sflag:s12], $0x5000  }
0x5d0: {  	[sflag:s12] =	ssyncset.done $0x0  }
0x5d1: {  	s13 =	simm.s32 $0x2;
	[sflag:s12] =	ssyncadd.s32 $0xFFFFB000  }
0x5d2: {  	_ =	swait.ge [sflag:s13], $0x5000  }
0x5d3: {  	s14 =	sand.u32 $0x7000, s1;
	s3 =	sand.u32 $0x300, s1;
	[sflag:s13] =	ssyncset.done $0x0  }
0x5d4: {  	s0 =	sor.u32 s3, s14;
	[sflag:s13] =	ssyncadd.s32 $0xFFFFB000  }
0x5d5: {  	v3 =	vld [tilespmem:s0+$0x7880]  }
0x5d6: {  	v4 =	vld [tilespmem:s0+$0x7890]  }
0x5d7: {  	v5 =	vld [tilespmem:s0+$0x78A0]  }
0x5d8: {  	v6 =	vld [tilespmem:s0+$0x78B0]  }
0x5d9: {  	v7 =	vld [tilespmem:s0+$0x78C0]  }
0x5da: {  	v8 =	vld [tilespmem:s0+$0x78D0]  }
0x5db: {  	v9 =	vld [tilespmem:s0+$0x78E0]  }
0x5dc: {  	v10 =	vld [tilespmem:s0+$0x78F0]  }
0x5dd: {  	v11 =	vld [tilespmem:s0+$0x7C80]  }
0x5de: {  	v12 =	vld [tilespmem:s0+$0x7C90]  }
0x5df: {  	v13 =	vld [tilespmem:s0+$0x7CA0]  }
0x5e0: {  	v14 =	vld [tilespmem:s0+$0x7CB0]  }
0x5e1: {  	v15 =	vld [tilespmem:s0+$0x7CC0]  }
0x5e2: {  	v16 =	vld [tilespmem:s0+$0x7CD0]  }
0x5e3: {  	v17 =	vld [tilespmem:s0+$0x7CE0]  }
0x5e4: {  	v18 =	vld [tilespmem:s0+$0x7CF0]  }
0x5e5: {  	v19 =	vld [tilespmem:s0+$0x8080]  }
0x5e6: {  	v20 =	vld [tilespmem:s0+$0x8090]  }
0x5e7: {  	v21 =	vld [tilespmem:s0+$0x80A0]  }
0x5e8: {  	v22 =	vld [tilespmem:s0+$0x80B0]  }
0x5e9: {  	v23 =	vld [tilespmem:s0+$0x80C0]  }
0x5ea: {  	v24 =	vld [tilespmem:s0+$0x80D0]  }
0x5eb: {  	v25 =	vld [tilespmem:s0+$0x80E0]  }
0x5ec: {  	v26 =	vld [tilespmem:s0+$0x80F0]  }
0x5ed: {  	v59 =	vld [tilespmem:s0+$0x7840]  }
0x5ee: {  	v60 =	vld [tilespmem:s0+$0x7850]  }
0x5ef: {  	v61 =	vld [tilespmem:s0+$0x7860]  }
0x5f0: {  	v62 =	vld [tilespmem:s0+$0x7870]  }
0x5f1: {  	v63 =	vld [tilespmem:s0+$0x7C00]  }
0x5f2: {  	v30 =	vld [tilespmem:s0+$0x7C10]  }
0x5f3: {  	v31 =	vld [tilespmem:s0+$0x7C20]  }
0x5f4: {  	v32 =	vld [tilespmem:s0+$0x7C30]  }
0x5f5: {  	v33 =	vld [tilespmem:s0+$0x7C40]  }
0x5f6: {  	v34 =	vld [tilespmem:s0+$0x7C50]  }
0x5f7: {  	v35 =	vld [tilespmem:s0+$0x7C60]  }
0x5f8: {  	v36 =	vld [tilespmem:s0+$0x7C70]  }
0x5f9: {  	v37 =	vld [tilespmem:s0+$0x8000]  }
0x5fa: {  	v38 =	vld [tilespmem:s0+$0x8010]  }
0x5fb: {  	v39 =	vld [tilespmem:s0+$0x8020]  }
0x5fc: {  	v40 =	vld [tilespmem:s0+$0x8030]  }
0x5fd: {  	v41 =	vld [tilespmem:s0+$0x8040]  }
0x5fe: {  	v42 =	vld [tilespmem:s0+$0x8050]  }
0x5ff: {  	v43 =	vld [tilespmem:s0+$0x8060]  }
0x600: {  	v27 =	vld [tilespmem:s0+$0x8070]  }
0x601: {  	[tilespmem:s0+$0x2880] =	vst.add.f32.msk $0xffff, v3  }
0x602: {  	[tilespmem:s0+$0x2890] =	vst.add.f32.msk $0xffff, v4  }
0x603: {  	[tilespmem:s0+$0x28A0] =	vst.add.f32.msk $0xffff, v5  }
0x604: {  	[tilespmem:s0+$0x28B0] =	vst.add.f32.msk $0xffff, v6  }
0x605: {  	[tilespmem:s0+$0x28C0] =	vst.add.f32.msk $0xffff, v7  }
0x606: {  	[tilespmem:s0+$0x28D0] =	vst.add.f32.msk $0xffff, v8  }
0x607: {  	[tilespmem:s0+$0x28E0] =	vst.add.f32.msk $0xffff, v9  }
0x608: {  	[tilespmem:s0+$0x28F0] =	vst.add.f32.msk $0xffff, v10  }
0x609: {  	[tilespmem:s0+$0x2C80] =	vst.add.f32.msk $0xffff, v11  }
0x60a: {  	[tilespmem:s0+$0x2C90] =	vst.add.f32.msk $0xffff, v12  }
0x60b: {  	[tilespmem:s0+$0x2CA0] =	vst.add.f32.msk $0xffff, v13  }
0x60c: {  	[tilespmem:s0+$0x2CB0] =	vst.add.f32.msk $0xffff, v14  }
0x60d: {  	[tilespmem:s0+$0x2CC0] =	vst.add.f32.msk $0xffff, v15  }
0x60e: {  	[tilespmem:s0+$0x2CD0] =	vst.add.f32.msk $0xffff, v16  }
0x60f: {  	[tilespmem:s0+$0x2CE0] =	vst.add.f32.msk $0xffff, v17  }
0x610: {  	[tilespmem:s0+$0x2CF0] =	vst.add.f32.msk $0xffff, v18  }
0x611: {  	[tilespmem:s0+$0x3080] =	vst.add.f32.msk $0xffff, v19  }
0x612: {  	[tilespmem:s0+$0x3090] =	vst.add.f32.msk $0xffff, v20  }
0x613: {  	[tilespmem:s0+$0x30A0] =	vst.add.f32.msk $0xffff, v21  }
0x614: {  	[tilespmem:s0+$0x30B0] =	vst.add.f32.msk $0xffff, v22  }
0x615: {  	[tilespmem:s0+$0x30C0] =	vst.add.f32.msk $0xffff, v23  }
0x616: {  	[tilespmem:s0+$0x30D0] =	vst.add.f32.msk $0xffff, v24  }
0x617: {  	[tilespmem:s0+$0x30E0] =	vst.add.f32.msk $0xffff, v25  }
0x618: {  	[tilespmem:s0+$0x30F0] =	vst.add.f32.msk $0xffff, v26  }
0x619: {  	v4 =	vld [tilespmem:s0+$0x7800]  }
0x61a: {  	v5 =	vld [tilespmem:s0+$0x7810]  }
0x61b: {  	v6 =	vld [tilespmem:s0+$0x7820]  }
0x61c: {  	v7 =	vld [tilespmem:s0+$0x7830]  }
0x61d: {  	[tilespmem:s0+$0x2840] =	vst.add.f32.msk $0xffff, v59  }
0x61e: {  	[tilespmem:s0+$0x2850] =	vst.add.f32.msk $0xffff, v60  }
0x61f: {  	[tilespmem:s0+$0x2860] =	vst.add.f32.msk $0xffff, v61  }
0x620: {  	[tilespmem:s0+$0x2870] =	vst.add.f32.msk $0xffff, v62  }
0x621: {  	[tilespmem:s0+$0x2C00] =	vst.add.f32.msk $0xffff, v63  }
0x622: {  	[tilespmem:s0+$0x2C10] =	vst.add.f32.msk $0xffff, v30  }
0x623: {  	[tilespmem:s0+$0x2C20] =	vst.add.f32.msk $0xffff, v31  }
0x624: {  	[tilespmem:s0+$0x2C30] =	vst.add.f32.msk $0xffff, v32  }
0x625: {  	[tilespmem:s0+$0x2C40] =	vst.add.f32.msk $0xffff, v33  }
0x626: {  	[tilespmem:s0+$0x2C50] =	vst.add.f32.msk $0xffff, v34  }
0x627: {  	[tilespmem:s0+$0x2C60] =	vst.add.f32.msk $0xffff, v35  }
0x628: {  	[tilespmem:s0+$0x2C70] =	vst.add.f32.msk $0xffff, v36  }
0x629: {  	[tilespmem:s0+$0x3000] =	vst.add.f32.msk $0xffff, v37  }
0x62a: {  	[tilespmem:s0+$0x3010] =	vst.add.f32.msk $0xffff, v38  }
0x62b: {  	[tilespmem:s0+$0x3020] =	vst.add.f32.msk $0xffff, v39  }
0x62c: {  	s1 =	sand.u32 $0x3, s1;
	[tilespmem:s0+$0x3030] =	vst.add.f32.msk $0xffff, v40  }
0x62d: {  	s1 =	sshll.u32 s1, $0x8;
	[tilespmem:s0+$0x3040] =	vst.add.f32.msk $0xffff, v41  }
0x62e: {  	s22 =	sadd.s32 $0x0, s1;
	[tilespmem:s0+$0x3050] =	vst.add.f32.msk $0xffff, v42  }
0x62f: {  	s1 =	sadd.s32 $0x80, s22;
	[tilespmem:s0+$0x3060] =	vst.add.f32.msk $0xffff, v43  }
0x630: {  	s15 =	sor.u32 $0xC00, s1;
	[tilespmem:s0+$0x3070] =	vst.add.f32.msk $0xffff, v27  }
0x631: {  	v3 =	vld [tilespmem:s15+$0x7800]  }
0x632: {  	[tilespmem:s0+$0x2800] =	vst.add.f32.msk $0xffff, v4  }
0x633: {  	[tilespmem:s0+$0x2810] =	vst.add.f32.msk $0xffff, v5  }
0x634: {  	[tilespmem:s0+$0x2820] =	vst.add.f32.msk $0xffff, v6  }
0x635: {  	[tilespmem:s0+$0x2830] =	vst.add.f32.msk $0xffff, v7  }
0x636: {  	s24 =	simm.s32 $0x100;
	s25 =	simm.s32 $0x400;
	s21 =	sor.u32 $0xC00, s22;
	[tilespmem:s15+$0x2800] =	vst.add.f32.msk $0xffff, v3  }
0x637: {  	s6 =	sand.u32 $0x7000, s25;
	s16 =	sor.u32 $0xC10, s1;
	s0 =	sand.u32 $0x300, s24;
	v4 =	vld [tilespmem:s21+$0x7800]  }
0x638: {  	s30 =	sor.u32 s0, s6;
	v3 =	vld [tilespmem:s16+$0x7800]  }
0x639: {  	v5 =	vld [tilespmem:s30+$0x7880]  }
0x63a: {  	v6 =	vld [tilespmem:s30+$0x7890]  }
0x63b: {  	v7 =	vld [tilespmem:s30+$0x78A0]  }
0x63c: {  	v44 =	vld [tilespmem:s30+$0x78B0]  }
0x63d: {  	v45 =	vld [tilespmem:s30+$0x78C0]  }
0x63e: {  	v46 =	vld [tilespmem:s30+$0x78D0]  }
0x63f: {  	v47 =	vld [tilespmem:s30+$0x78E0]  }
0x640: {  	v48 =	vld [tilespmem:s30+$0x78F0]  }
0x641: {  	v49 =	vld [tilespmem:s30+$0x7C80]  }
0x642: {  	v50 =	vld [tilespmem:s30+$0x7C90]  }
0x643: {  	v51 =	vld [tilespmem:s30+$0x7CA0]  }
0x644: {  	v52 =	vld [tilespmem:s30+$0x7CB0]  }
0x645: {  	v53 =	vld [tilespmem:s30+$0x7CC0]  }
0x646: {  	v54 =	vld [tilespmem:s30+$0x7CD0]  }
0x647: {  	v55 =	vld [tilespmem:s30+$0x7CE0]  }
0x648: {  	v56 =	vld [tilespmem:s30+$0x7CF0]  }
0x649: {  	v57 =	vld [tilespmem:s30+$0x8080]  }
0x64a: {  	v58 =	vld [tilespmem:s30+$0x8090]  }
0x64b: {  	v59 =	vld [tilespmem:s30+$0x80A0]  }
0x64c: {  	v60 =	vld [tilespmem:s30+$0x80B0]  }
0x64d: {  	v61 =	vld [tilespmem:s30+$0x80C0]  }
0x64e: {  	v62 =	vld [tilespmem:s30+$0x80D0]  }
0x64f: {  	v63 =	vld [tilespmem:s30+$0x80E0]  }
0x650: {  	v28 =	vld [tilespmem:s30+$0x80F0]  }
0x651: {  	v32 =	vld [tilespmem:s30+$0x7820]  }
0x652: {  	v33 =	vld [tilespmem:s30+$0x7830]  }
0x653: {  	v34 =	vld [tilespmem:s30+$0x7840]  }
0x654: {  	v35 =	vld [tilespmem:s30+$0x7850]  }
0x655: {  	v36 =	vld [tilespmem:s30+$0x7860]  }
0x656: {  	v37 =	vld [tilespmem:s30+$0x7870]  }
0x657: {  	v38 =	vld [tilespmem:s30+$0x7C00]  }
0x658: {  	v39 =	vld [tilespmem:s30+$0x7C10]  }
0x659: {  	v40 =	vld [tilespmem:s30+$0x7C20]  }
0x65a: {  	v41 =	vld [tilespmem:s30+$0x7C30]  }
0x65b: {  	v42 =	vld [tilespmem:s30+$0x7C40]  }
0x65c: {  	v43 =	vld [tilespmem:s30+$0x7C50]  }
0x65d: {  	v29 =	vld [tilespmem:s30+$0x8070]  }
0x65e: {  	[tilespmem:s21+$0x2800] =	vst.add.f32.msk $0xffff, v4  }
0x65f: {  	s7 =	sor.u32 $0xC10, s22;
	[tilespmem:s16+$0x2800] =	vst.add.f32.msk $0xffff, v3  }
0x660: {  	v4 =	vld [tilespmem:s7+$0x7800]  }
0x661: {  	[tilespmem:s30+$0x2880] =	vst.add.f32.msk $0xffff, v5  }
0x662: {  	[tilespmem:s30+$0x2890] =	vst.add.f32.msk $0xffff, v6  }
0x663: {  	[tilespmem:s30+$0x28A0] =	vst.add.f32.msk $0xffff, v7  }
0x664: {  	[tilespmem:s30+$0x28B0] =	vst.add.f32.msk $0xffff, v44  }
0x665: {  	[tilespmem:s30+$0x28C0] =	vst.add.f32.msk $0xffff, v45  }
0x666: {  	[tilespmem:s30+$0x28D0] =	vst.add.f32.msk $0xffff, v46  }
0x667: {  	[tilespmem:s30+$0x28E0] =	vst.add.f32.msk $0xffff, v47  }
0x668: {  	[tilespmem:s30+$0x28F0] =	vst.add.f32.msk $0xffff, v48  }
0x669: {  	[tilespmem:s30+$0x2C80] =	vst.add.f32.msk $0xffff, v49  }
0x66a: {  	[tilespmem:s30+$0x2C90] =	vst.add.f32.msk $0xffff, v50  }
0x66b: {  	[tilespmem:s30+$0x2CA0] =	vst.add.f32.msk $0xffff, v51  }
0x66c: {  	[tilespmem:s30+$0x2CB0] =	vst.add.f32.msk $0xffff, v52  }
0x66d: {  	[tilespmem:s30+$0x2CC0] =	vst.add.f32.msk $0xffff, v53  }
0x66e: {  	[tilespmem:s30+$0x2CD0] =	vst.add.f32.msk $0xffff, v54  }
0x66f: {  	[tilespmem:s30+$0x2CE0] =	vst.add.f32.msk $0xffff, v55  }
0x670: {  	[tilespmem:s30+$0x2CF0] =	vst.add.f32.msk $0xffff, v56  }
0x671: {  	[tilespmem:s30+$0x3080] =	vst.add.f32.msk $0xffff, v57  }
0x672: {  	[tilespmem:s30+$0x3090] =	vst.add.f32.msk $0xffff, v58  }
0x673: {  	[tilespmem:s30+$0x30A0] =	vst.add.f32.msk $0xffff, v59  }
0x674: {  	[tilespmem:s30+$0x30B0] =	vst.add.f32.msk $0xffff, v60  }
0x675: {  	[tilespmem:s30+$0x30C0] =	vst.add.f32.msk $0xffff, v61  }
0x676: {  	[tilespmem:s30+$0x30D0] =	vst.add.f32.msk $0xffff, v62  }
0x677: {  	[tilespmem:s30+$0x30E0] =	vst.add.f32.msk $0xffff, v63  }
0x678: {  	[tilespmem:s30+$0x30F0] =	vst.add.f32.msk $0xffff, v28  }
0x679: {  	v6 =	vld [tilespmem:s30+$0x7800]  }
0x67a: {  	v7 =	vld [tilespmem:s30+$0x7810]  }
0x67b: {  	v44 =	vld [tilespmem:s30+$0x7C60]  }
0x67c: {  	v45 =	vld [tilespmem:s30+$0x7C70]  }
0x67d: {  	v46 =	vld [tilespmem:s30+$0x8000]  }
0x67e: {  	v47 =	vld [tilespmem:s30+$0x8010]  }
0x67f: {  	v48 =	vld [tilespmem:s30+$0x8020]  }
0x680: {  	v49 =	vld [tilespmem:s30+$0x8030]  }
0x681: {  	v50 =	vld [tilespmem:s30+$0x8040]  }
0x682: {  	v51 =	vld [tilespmem:s30+$0x8050]  }
0x683: {  	v52 =	vld [tilespmem:s30+$0x8060]  }
0x684: {  	[tilespmem:s30+$0x2820] =	vst.add.f32.msk $0xffff, v32  }
0x685: {  	[tilespmem:s30+$0x2830] =	vst.add.f32.msk $0xffff, v33  }
0x686: {  	[tilespmem:s30+$0x2840] =	vst.add.f32.msk $0xffff, v34  }
0x687: {  	[tilespmem:s30+$0x2850] =	vst.add.f32.msk $0xffff, v35  }
0x688: {  	[tilespmem:s30+$0x2860] =	vst.add.f32.msk $0xffff, v36  }
0x689: {  	[tilespmem:s30+$0x2870] =	vst.add.f32.msk $0xffff, v37  }
0x68a: {  	[tilespmem:s30+$0x2C00] =	vst.add.f32.msk $0xffff, v38  }
0x68b: {  	[tilespmem:s30+$0x2C10] =	vst.add.f32.msk $0xffff, v39  }
0x68c: {  	s12 =	simm.s32 $0x1;
	[tilespmem:s30+$0x2C20] =	vst.add.f32.msk $0xffff, v40  }
0x68d: {  	s0 =	sand.u32 $0x3, s12;
	[tilespmem:s30+$0x2C30] =	vst.add.f32.msk $0xffff, v41  }
0x68e: {  	s0 =	sshll.u32 s0, $0x8;
	[tilespmem:s30+$0x2C40] =	vst.add.f32.msk $0xffff, v42  }
0x68f: {  	s0 =	sadd.s32 $0x400, s0;
	[tilespmem:s30+$0x2C50] =	vst.add.f32.msk $0xffff, v43  }
0x690: {  	s17 =	sor.u32 $0xC20, s1;
	s8 =	sadd.s32 $0x80, s0;
	[tilespmem:s30+$0x3070] =	vst.add.f32.msk $0xffff, v29  }
0x691: {  	s13 =	sor.u32 $0xC00, s8;
	v3 =	vld [tilespmem:s17+$0x7800]  }
0x692: {  	v5 =	vld [tilespmem:s13+$0x7800]  }
0x693: {  	[tilespmem:s7+$0x2800] =	vst.add.f32.msk $0xffff, v4  }
0x694: {  	[tilespmem:s30+$0x2800] =	vst.add.f32.msk $0xffff, v6  }
0x695: {  	[tilespmem:s30+$0x2810] =	vst.add.f32.msk $0xffff, v7  }
0x696: {  	[tilespmem:s30+$0x2C60] =	vst.add.f32.msk $0xffff, v44  }
0x697: {  	[tilespmem:s30+$0x2C70] =	vst.add.f32.msk $0xffff, v45  }
0x698: {  	[tilespmem:s30+$0x3000] =	vst.add.f32.msk $0xffff, v46  }
0x699: {  	[tilespmem:s30+$0x3010] =	vst.add.f32.msk $0xffff, v47  }
0x69a: {  	[tilespmem:s30+$0x3020] =	vst.add.f32.msk $0xffff, v48  }
0x69b: {  	[tilespmem:s30+$0x3030] =	vst.add.f32.msk $0xffff, v49  }
0x69c: {  	[tilespmem:s30+$0x3040] =	vst.add.f32.msk $0xffff, v50  }
0x69d: {  	[tilespmem:s30+$0x3050] =	vst.add.f32.msk $0xffff, v51  }
0x69e: {  	[tilespmem:s30+$0x3060] =	vst.add.f32.msk $0xffff, v52  }
0x69f: {  	s26 =	sor.u32 $0xC20, s22;
	[tilespmem:s17+$0x2800] =	vst.add.f32.msk $0xffff, v3  }
0x6a0: {  	v4 =	vld [tilespmem:s26+$0x7800]  }
0x6a1: {  	s11 =	sor.u32 $0xC00, s0;
	[tilespmem:s13+$0x2800] =	vst.add.f32.msk $0xffff, v5  }
0x6a2: {  	s18 =	sor.u32 $0xC30, s1;
	v6 =	vld [tilespmem:s11+$0x7800]  }
0x6a3: {  	s14 =	sor.u32 $0xC10, s8;
	v3 =	vld [tilespmem:s18+$0x7800]  }
0x6a4: {  	v5 =	vld [tilespmem:s14+$0x7800];
	_ =	sdelay $0x1  }
0x6a5: {  	[tilespmem:s26+$0x2800] =	vst.add.f32.msk $0xffff, v4  }
0x6a6: {  	[tilespmem:s11+$0x2800] =	vst.add.f32.msk $0xffff, v6  }
0x6a7: {  	[tilespmem:s18+$0x2800] =	vst.add.f32.msk $0xffff, v3  }
0x6a8: {  	s25 =	simm.s32 $0x200;
	s19 =	sor.u32 $0xC40, s1;
	s26 =	simm.s32 $0x800;
	[tilespmem:s14+$0x2800] =	vst.add.f32.msk $0xffff, v5  }
0x6a9: {  	s6 =	sand.u32 $0x300, s25;
	s15 =	sor.u32 $0xC20, s8;
	s7 =	sand.u32 $0x7000, s26;
	v3 =	vld [tilespmem:s19+$0x7800]  }
0x6aa: {  	v5 =	vld [tilespmem:s15+$0x7800];
	s7 =	sor.u32 s6, s7  }
0x6ab: {  	v7 =	vld [tilespmem:s7+$0x78A0]  }
0x6ac: {  	v53 =	vld [tilespmem:s7+$0x78B0]  }
0x6ad: {  	v54 =	vld [tilespmem:s7+$0x78C0]  }
0x6ae: {  	v55 =	vld [tilespmem:s7+$0x78D0]  }
0x6af: {  	v56 =	vld [tilespmem:s7+$0x78E0]  }
0x6b0: {  	v57 =	vld [tilespmem:s7+$0x78F0]  }
0x6b1: {  	v58 =	vld [tilespmem:s7+$0x7C80]  }
0x6b2: {  	v59 =	vld [tilespmem:s7+$0x7C90]  }
0x6b3: {  	v60 =	vld [tilespmem:s7+$0x7CA0]  }
0x6b4: {  	v61 =	vld [tilespmem:s7+$0x7CB0]  }
0x6b5: {  	v62 =	vld [tilespmem:s7+$0x7CC0]  }
0x6b6: {  	v63 =	vld [tilespmem:s7+$0x7CD0]  }
0x6b7: {  	v32 =	vld [tilespmem:s7+$0x7CE0]  }
0x6b8: {  	v33 =	vld [tilespmem:s7+$0x7CF0]  }
0x6b9: {  	v34 =	vld [tilespmem:s7+$0x8080]  }
0x6ba: {  	v35 =	vld [tilespmem:s7+$0x8090]  }
0x6bb: {  	v36 =	vld [tilespmem:s7+$0x80A0]  }
0x6bc: {  	v37 =	vld [tilespmem:s7+$0x80B0]  }
0x6bd: {  	v38 =	vld [tilespmem:s7+$0x80C0]  }
0x6be: {  	v39 =	vld [tilespmem:s7+$0x80D0]  }
0x6bf: {  	v40 =	vld [tilespmem:s7+$0x80E0]  }
0x6c0: {  	v41 =	vld [tilespmem:s7+$0x80F0]  }
0x6c1: {  	v42 =	vld [tilespmem:s7+$0x7820]  }
0x6c2: {  	v43 =	vld [tilespmem:s7+$0x7830]  }
0x6c3: {  	v44 =	vld [tilespmem:s7+$0x7840]  }
0x6c4: {  	v45 =	vld [tilespmem:s7+$0x7850]  }
0x6c5: {  	v46 =	vld [tilespmem:s7+$0x7860]  }
0x6c6: {  	v47 =	vld [tilespmem:s7+$0x7870]  }
0x6c7: {  	v48 =	vld [tilespmem:s7+$0x7C00]  }
0x6c8: {  	v49 =	vld [tilespmem:s7+$0x7C10]  }
0x6c9: {  	v50 =	vld [tilespmem:s7+$0x7C20]  }
0x6ca: {  	v51 =	vld [tilespmem:s7+$0x7C30]  }
0x6cb: {  	v52 =	vld [tilespmem:s7+$0x7C40]  }
0x6cc: {  	[tilespmem:s19+$0x2800] =	vst.add.f32.msk $0xffff, v3  }
0x6cd: {  	s20 =	sor.u32 $0xC50, s1;
	[tilespmem:s15+$0x2800] =	vst.add.f32.msk $0xffff, v5  }
0x6ce: {  	s16 =	sor.u32 $0xC30, s8;
	v3 =	vld [tilespmem:s20+$0x7800]  }
0x6cf: {  	v5 =	vld [tilespmem:s16+$0x7800]  }
0x6d0: {  	[tilespmem:s7+$0x28A0] =	vst.add.f32.msk $0xffff, v7  }
0x6d1: {  	[tilespmem:s7+$0x28B0] =	vst.add.f32.msk $0xffff, v53  }
0x6d2: {  	[tilespmem:s7+$0x28C0] =	vst.add.f32.msk $0xffff, v54  }
0x6d3: {  	[tilespmem:s7+$0x28D0] =	vst.add.f32.msk $0xffff, v55  }
0x6d4: {  	[tilespmem:s7+$0x28E0] =	vst.add.f32.msk $0xffff, v56  }
0x6d5: {  	[tilespmem:s7+$0x28F0] =	vst.add.f32.msk $0xffff, v57  }
0x6d6: {  	[tilespmem:s7+$0x2C80] =	vst.add.f32.msk $0xffff, v58  }
0x6d7: {  	[tilespmem:s7+$0x2C90] =	vst.add.f32.msk $0xffff, v59  }
0x6d8: {  	[tilespmem:s7+$0x2CA0] =	vst.add.f32.msk $0xffff, v60  }
0x6d9: {  	[tilespmem:s7+$0x2CB0] =	vst.add.f32.msk $0xffff, v61  }
0x6da: {  	[tilespmem:s7+$0x2CC0] =	vst.add.f32.msk $0xffff, v62  }
0x6db: {  	[tilespmem:s7+$0x2CD0] =	vst.add.f32.msk $0xffff, v63  }
0x6dc: {  	[tilespmem:s7+$0x2CE0] =	vst.add.f32.msk $0xffff, v32  }
0x6dd: {  	[tilespmem:s7+$0x2CF0] =	vst.add.f32.msk $0xffff, v33  }
0x6de: {  	[tilespmem:s7+$0x3080] =	vst.add.f32.msk $0xffff, v34  }
0x6df: {  	[tilespmem:s7+$0x3090] =	vst.add.f32.msk $0xffff, v35  }
0x6e0: {  	[tilespmem:s7+$0x30A0] =	vst.add.f32.msk $0xffff, v36  }
0x6e1: {  	[tilespmem:s7+$0x30B0] =	vst.add.f32.msk $0xffff, v37  }
0x6e2: {  	[tilespmem:s7+$0x30C0] =	vst.add.f32.msk $0xffff, v38  }
0x6e3: {  	[tilespmem:s7+$0x30D0] =	vst.add.f32.msk $0xffff, v39  }
0x6e4: {  	[tilespmem:s7+$0x30E0] =	vst.add.f32.msk $0xffff, v40  }
0x6e5: {  	[tilespmem:s7+$0x30F0] =	vst.add.f32.msk $0xffff, v41  }
0x6e6: {  	v7 =	vld [tilespmem:s7+$0x7810]  }
0x6e7: {  	v53 =	vld [tilespmem:s7+$0x7C50]  }
0x6e8: {  	s17 =	sor.u32 $0xC40, s8;
	[tilespmem:s16+$0x2800] =	vst.add.f32.msk $0xffff, v5  }
0x6e9: {  	v5 =	vld [tilespmem:s17+$0x7800]  }
0x6ea: {  	v54 =	vld [tilespmem:s7+$0x7C60]  }
0x6eb: {  	v55 =	vld [tilespmem:s7+$0x7C70]  }
0x6ec: {  	v56 =	vld [tilespmem:s7+$0x8000]  }
0x6ed: {  	v57 =	vld [tilespmem:s7+$0x8010]  }
0x6ee: {  	s18 =	sor.u32 $0xC50, s8;
	[tilespmem:s17+$0x2800] =	vst.add.f32.msk $0xffff, v5  }
0x6ef: {  	v5 =	vld [tilespmem:s18+$0x7800]  }
0x6f0: {  	v58 =	vld [tilespmem:s7+$0x8020]  }
0x6f1: {  	v59 =	vld [tilespmem:s7+$0x8030]  }
0x6f2: {  	s23 =	sor.u32 $0xC60, s1;
	[tilespmem:s20+$0x2800] =	vst.add.f32.msk $0xffff, v3  }
0x6f3: {  	v3 =	vld [tilespmem:s23+$0x7800]  }
0x6f4: {  	s19 =	sor.u32 $0xC60, s8;
	[tilespmem:s18+$0x2800] =	vst.add.f32.msk $0xffff, v5  }
0x6f5: {  	v5 =	vld [tilespmem:s19+$0x7800]  }
0x6f6: {  	v60 =	vld [tilespmem:s7+$0x8040]  }
0x6f7: {  	v61 =	vld [tilespmem:s7+$0x8050]  }
0x6f8: {  	[tilespmem:s23+$0x2800] =	vst.add.f32.msk $0xffff, v3;
	s23 =	sor.u32 $0xC10, s0  }
0x6f9: {  	v6 =	vld [tilespmem:s23+$0x7800]  }
0x6fa: {  	s21 =	sor.u32 $0xC70, s8;
	[tilespmem:s19+$0x2800] =	vst.add.f32.msk $0xffff, v5  }
0x6fb: {  	v5 =	vld [tilespmem:s21+$0x7800]  }
0x6fc: {  	v62 =	vld [tilespmem:s7+$0x8060]  }
0x6fd: {  	v63 =	vld [tilespmem:s7+$0x8070]  }
0x6fe: {  	[tilespmem:s23+$0x2800] =	vst.add.f32.msk $0xffff, v6  }
0x6ff: {  	v6 =	vld [tilespmem:s7+$0x7890]  }
0x700: {  	[tilespmem:s21+$0x2800] =	vst.add.f32.msk $0xffff, v5  }
0x701: {  	v5 =	vld [tilespmem:s7+$0x7880];
	s21 =	simm.s32 $0x2  }
0x702: {  	[tilespmem:s7+$0x2820] =	vst.add.f32.msk $0xffff, v42;
	s12 =	sand.u32 $0x3, s21  }
0x703: {  	[tilespmem:s7+$0x2830] =	vst.add.f32.msk $0xffff, v43;
	s6 =	sshll.u32 s12, $0x8  }
0x704: {  	[tilespmem:s7+$0x2840] =	vst.add.f32.msk $0xffff, v44;
	s13 =	sadd.s32 $0x800, s6  }
0x705: {  	[tilespmem:s7+$0x2890] =	vst.add.f32.msk $0xffff, v6;
	s6 =	sadd.s32 $0x80, s13  }
0x706: {  	[tilespmem:s7+$0x2880] =	vst.add.f32.msk $0xffff, v5;
	s14 =	sor.u32 $0xC00, s6  }
0x707: {  	v5 =	vld [tilespmem:s14+$0x7800]  }
0x708: {  	[tilespmem:s7+$0x2850] =	vst.add.f32.msk $0xffff, v45  }
0x709: {  	[tilespmem:s7+$0x2860] =	vst.add.f32.msk $0xffff, v46  }
0x70a: {  	[tilespmem:s7+$0x2870] =	vst.add.f32.msk $0xffff, v47  }
0x70b: {  	[tilespmem:s7+$0x2C00] =	vst.add.f32.msk $0xffff, v48  }
0x70c: {  	s15 =	sor.u32 $0xC10, s6;
	[tilespmem:s14+$0x2800] =	vst.add.f32.msk $0xffff, v5  }
0x70d: {  	v5 =	vld [tilespmem:s15+$0x7800]  }
0x70e: {  	[tilespmem:s7+$0x2C10] =	vst.add.f32.msk $0xffff, v49  }
0x70f: {  	[tilespmem:s7+$0x2C20] =	vst.add.f32.msk $0xffff, v50  }
0x710: {  	[tilespmem:s7+$0x2C30] =	vst.add.f32.msk $0xffff, v51  }
0x711: {  	[tilespmem:s7+$0x2C40] =	vst.add.f32.msk $0xffff, v52  }
0x712: {  	s16 =	sor.u32 $0xC20, s6;
	[tilespmem:s15+$0x2800] =	vst.add.f32.msk $0xffff, v5  }
0x713: {  	v5 =	vld [tilespmem:s16+$0x7800]  }
0x714: {  	[tilespmem:s7+$0x2810] =	vst.add.f32.msk $0xffff, v7  }
0x715: {  	[tilespmem:s7+$0x2C50] =	vst.add.f32.msk $0xffff, v53  }
0x716: {  	[tilespmem:s7+$0x2C60] =	vst.add.f32.msk $0xffff, v54  }
0x717: {  	[tilespmem:s7+$0x2C70] =	vst.add.f32.msk $0xffff, v55  }
0x718: {  	s17 =	sor.u32 $0xC30, s6;
	[tilespmem:s16+$0x2800] =	vst.add.f32.msk $0xffff, v5  }
0x719: {  	v5 =	vld [tilespmem:s17+$0x7800]  }
0x71a: {  	[tilespmem:s7+$0x3000] =	vst.add.f32.msk $0xffff, v56  }
0x71b: {  	[tilespmem:s7+$0x3010] =	vst.add.f32.msk $0xffff, v57  }
0x71c: {  	[tilespmem:s7+$0x3020] =	vst.add.f32.msk $0xffff, v58  }
0x71d: {  	[tilespmem:s7+$0x3030] =	vst.add.f32.msk $0xffff, v59  }
0x71e: {  	s18 =	sor.u32 $0xC40, s6;
	[tilespmem:s17+$0x2800] =	vst.add.f32.msk $0xffff, v5  }
0x71f: {  	v5 =	vld [tilespmem:s18+$0x7800]  }
0x720: {  	s20 =	sor.u32 $0xC30, s22;
	[tilespmem:s7+$0x3040] =	vst.add.f32.msk $0xffff, v60  }
0x721: {  	v4 =	vld [tilespmem:s20+$0x7800]  }
0x722: {  	[tilespmem:s7+$0x3050] =	vst.add.f32.msk $0xffff, v61  }
0x723: {  	[tilespmem:s7+$0x3060] =	vst.add.f32.msk $0xffff, v62  }
0x724: {  	s19 =	sor.u32 $0xC50, s6;
	[tilespmem:s18+$0x2800] =	vst.add.f32.msk $0xffff, v5  }
0x725: {  	v5 =	vld [tilespmem:s19+$0x7800]  }
0x726: {  	s1 =	sor.u32 $0xC70, s1;
	[tilespmem:s20+$0x2800] =	vst.add.f32.msk $0xffff, v4  }
0x727: {  	s24 =	sor.u32 $0xC40, s22;
	v3 =	vld [tilespmem:s1+$0x7800]  }
0x728: {  	v4 =	vld [tilespmem:s24+$0x7800]  }
0x729: {  	[tilespmem:s7+$0x3070] =	vst.add.f32.msk $0xffff, v63  }
0x72a: {  	s20 =	sor.u32 $0xC60, s6;
	[tilespmem:s19+$0x2800] =	vst.add.f32.msk $0xffff, v5  }
0x72b: {  	v5 =	vld [tilespmem:s20+$0x7800]  }
0x72c: {  	[tilespmem:s1+$0x2800] =	vst.add.f32.msk $0xffff, v3  }
0x72d: {  	s3 =	sor.u32 $0xC20, s0;
	[tilespmem:s24+$0x2800] =	vst.add.f32.msk $0xffff, v4  }
0x72e: {  	v3 =	vld [tilespmem:s3+$0x7800]  }
0x72f: {  	v6 =	vld [tilespmem:s7+$0x7800]  }
0x730: {  	s6 =	sor.u32 $0xC70, s6;
	[tilespmem:s20+$0x2800] =	vst.add.f32.msk $0xffff, v5  }
0x731: {  	s30 =	sor.u32 $0xC50, s22;
	v5 =	vld [tilespmem:s6+$0x7800]  }
0x732: {  	v4 =	vld [tilespmem:s30+$0x7800]  }
0x733: {  	s24 =	sor.u32 $0xC30, s0;
	[tilespmem:s3+$0x2800] =	vst.add.f32.msk $0xffff, v3  }
0x734: {  	v3 =	vld [tilespmem:s24+$0x7800]  }
0x735: {  	[tilespmem:s7+$0x2800] =	vst.add.f32.msk $0xffff, v6  }
0x736: {  	s23 =	sor.u32 $0xC00, s13;
	[tilespmem:s6+$0x2800] =	vst.add.f32.msk $0xffff, v5  }
0x737: {  	v5 =	vld [tilespmem:s23+$0x7800]  }
0x738: {  	s25 =	sor.u32 $0xC60, s22;
	[tilespmem:s30+$0x2800] =	vst.add.f32.msk $0xffff, v4  }
0x739: {  	v4 =	vld [tilespmem:s25+$0x7800]  }
0x73a: {  	s30 =	sor.u32 $0xC40, s0;
	[tilespmem:s24+$0x2800] =	vst.add.f32.msk $0xffff, v3  }
0x73b: {  	v7 =	vld [tilespmem:s30+$0x7800]  }
0x73c: {  	s26 =	sor.u32 $0xC10, s13;
	[tilespmem:s23+$0x2800] =	vst.add.f32.msk $0xffff, v5  }
0x73d: {  	v6 =	vld [tilespmem:s26+$0x7800];
	_ =	sdelay $0x1  }
0x73e: {  	s22 =	sor.u32 $0xC70, s22;
	[tilespmem:s25+$0x2800] =	vst.add.f32.msk $0xffff, v4  }
0x73f: {  	s8 =	simm.s32 $0xC00;
	s25 =	sor.u32 $0xC50, s0;
	s24 =	sor.u32 $0xC60, s0;
	v5 =	vld [tilespmem:s22+$0x7800]  }
0x740: {  	s1 =	sor.u32 $0xC30, s13;
	s29 =	sor.u32 $0xC40, s13;
	s28 =	sor.u32 $0xC50, s13;
	[tilespmem:s30+$0x2800] =	vst.add.f32.msk $0xffff, v7  }
0x741: {  	s11 =	sor.u32 $0xC70, s13;
	s7 =	simm.s32 $0x300;
	s15 =	sor.u32 $0xC20, s13;
	[tilespmem:s26+$0x2800] =	vst.add.f32.msk $0xffff, v6  }
0x742: {  	s23 =	sor.u32 $0xC70, s0;
	s0 =	simm.s32 $0x4;
	s26 =	sor.u32 $0xC60, s13;
	v3 =	vld [tilespmem:s15+$0x7800]  }
.LBB2_9:
0x743: {  	s3 =	sand.u32 $0x7000, s8;
	s6 =	sand.u32 $0x300, s7;
	v4 =	vld [tilespmem:s25+$0x7800]  }
0x744: {  	s3 =	sor.u32 s6, s3;
	[tilespmem:s22+$0x2800] =	vst.add.f32.msk $0xffff, v5;
	s22 =	smov.u32 s23;
	s23 =	smov.u32 s11  }
0x745: {  	v5 =	vld [tilespmem:s3+$0x7880]  }
0x746: {  	v6 =	vld [tilespmem:s3+$0x7890]  }
0x747: {  	v7 =	vld [tilespmem:s3+$0x78A0]  }
0x748: {  	v8 =	vld [tilespmem:s3+$0x78B0]  }
0x749: {  	v9 =	vld [tilespmem:s3+$0x78C0]  }
0x74a: {  	v10 =	vld [tilespmem:s3+$0x78D0]  }
0x74b: {  	v11 =	vld [tilespmem:s3+$0x78E0]  }
0x74c: {  	v12 =	vld [tilespmem:s3+$0x78F0]  }
0x74d: {  	v13 =	vld [tilespmem:s3+$0x7C80]  }
0x74e: {  	v14 =	vld [tilespmem:s3+$0x7C90]  }
0x74f: {  	v15 =	vld [tilespmem:s3+$0x7CA0]  }
0x750: {  	v16 =	vld [tilespmem:s3+$0x7CB0]  }
0x751: {  	v17 =	vld [tilespmem:s3+$0x7CC0]  }
0x752: {  	v18 =	vld [tilespmem:s3+$0x7CD0]  }
0x753: {  	v19 =	vld [tilespmem:s3+$0x7CE0]  }
0x754: {  	v20 =	vld [tilespmem:s3+$0x7CF0]  }
0x755: {  	v21 =	vld [tilespmem:s3+$0x8080]  }
0x756: {  	v22 =	vld [tilespmem:s3+$0x8090]  }
0x757: {  	v23 =	vld [tilespmem:s3+$0x80A0]  }
0x758: {  	v24 =	vld [tilespmem:s3+$0x80B0]  }
0x759: {  	v25 =	vld [tilespmem:s3+$0x80C0]  }
0x75a: {  	v26 =	vld [tilespmem:s3+$0x80D0]  }
0x75b: {  	v27 =	vld [tilespmem:s3+$0x80E0]  }
0x75c: {  	v28 =	vld [tilespmem:s3+$0x80F0]  }
0x75d: {  	[tilespmem:s3+$0x2880] =	vst.add.f32.msk $0xffff, v5  }
0x75e: {  	[tilespmem:s3+$0x2890] =	vst.add.f32.msk $0xffff, v6  }
0x75f: {  	[tilespmem:s3+$0x28A0] =	vst.add.f32.msk $0xffff, v7  }
0x760: {  	[tilespmem:s3+$0x28B0] =	vst.add.f32.msk $0xffff, v8  }
0x761: {  	[tilespmem:s3+$0x28C0] =	vst.add.f32.msk $0xffff, v9  }
0x762: {  	[tilespmem:s3+$0x28D0] =	vst.add.f32.msk $0xffff, v10  }
0x763: {  	[tilespmem:s3+$0x28E0] =	vst.add.f32.msk $0xffff, v11  }
0x764: {  	[tilespmem:s3+$0x28F0] =	vst.add.f32.msk $0xffff, v12  }
0x765: {  	[tilespmem:s3+$0x2C80] =	vst.add.f32.msk $0xffff, v13  }
0x766: {  	[tilespmem:s3+$0x2C90] =	vst.add.f32.msk $0xffff, v14  }
0x767: {  	[tilespmem:s3+$0x2CA0] =	vst.add.f32.msk $0xffff, v15  }
0x768: {  	[tilespmem:s3+$0x2CB0] =	vst.add.f32.msk $0xffff, v16  }
0x769: {  	[tilespmem:s3+$0x2CC0] =	vst.add.f32.msk $0xffff, v17  }
0x76a: {  	[tilespmem:s3+$0x2CD0] =	vst.add.f32.msk $0xffff, v18  }
0x76b: {  	[tilespmem:s3+$0x2CE0] =	vst.add.f32.msk $0xffff, v19  }
0x76c: {  	[tilespmem:s3+$0x2CF0] =	vst.add.f32.msk $0xffff, v20  }
0x76d: {  	s0 =	sadd.s32 $0x2, s0;
	[tilespmem:s3+$0x3080] =	vst.add.f32.msk $0xffff, v21  }
0x76e: {  	p0 =	slt.u32 s0, $0x26;
	[tilespmem:s3+$0x3090] =	vst.add.f32.msk $0xffff, v22  }
0x76f: {  	s21 =	sadd.s32 $0x1, s21;
	[tilespmem:s3+$0x30A0] =	vst.add.f32.msk $0xffff, v23  }
0x770: {  	s6 =	sand.u32 $0x3, s21;
	[tilespmem:s3+$0x30B0] =	vst.add.f32.msk $0xffff, v24  }
0x771: {  	s6 =	sshll.u32 s6, $0x8;
	[tilespmem:s3+$0x30C0] =	vst.add.f32.msk $0xffff, v25  }
0x772: {  	s6 =	sadd.s32 s6, s8;
	[tilespmem:s3+$0x30D0] =	vst.add.f32.msk $0xffff, v26  }
0x773: {  	s17 =	sor.u32 $0xC00, s6;
	s12 =	sor.u32 $0xC10, s6;
	s13 =	sadd.s32 $0x80, s6;
	[tilespmem:s3+$0x30E0] =	vst.add.f32.msk $0xffff, v27  }
0x774: {  	s14 =	sor.u32 $0xC20, s6;
	s18 =	sor.u32 $0xC30, s6;
	s30 =	sor.u32 $0xC00, s13;
	[tilespmem:s3+$0x30F0] =	vst.add.f32.msk $0xffff, v28  }
0x775: {  	s16 =	sor.u32 $0xC40, s6;
	s20 =	sor.u32 $0xC50, s6;
	s19 =	sor.u32 $0xC60, s6;
	v5 =	vld [tilespmem:s30+$0x7800]  }
0x776: {  	s11 =	sor.u32 $0xC70, s6;
	v6 =	vld [tilespmem:s3+$0x7800]  }
0x777: {  	v7 =	vld [tilespmem:s3+$0x7810]  }
0x778: {  	v8 =	vld [tilespmem:s3+$0x7820]  }
0x779: {  	v9 =	vld [tilespmem:s3+$0x7830]  }
0x77a: {  	s6 =	sor.u32 $0xC10, s13;
	[tilespmem:s30+$0x2800] =	vst.add.f32.msk $0xffff, v5  }
0x77b: {  	v5 =	vld [tilespmem:s6+$0x7800]  }
0x77c: {  	v10 =	vld [tilespmem:s3+$0x7840]  }
0x77d: {  	v11 =	vld [tilespmem:s3+$0x7850]  }
0x77e: {  	v12 =	vld [tilespmem:s3+$0x7860]  }
0x77f: {  	v13 =	vld [tilespmem:s3+$0x7870]  }
0x780: {  	[tilespmem:s6+$0x2800] =	vst.add.f32.msk $0xffff, v5;
	s6 =	sor.u32 $0xC20, s13  }
0x781: {  	v5 =	vld [tilespmem:s6+$0x7800]  }
0x782: {  	v14 =	vld [tilespmem:s3+$0x7C00]  }
0x783: {  	v15 =	vld [tilespmem:s3+$0x7C10]  }
0x784: {  	v16 =	vld [tilespmem:s3+$0x7C20]  }
0x785: {  	v17 =	vld [tilespmem:s3+$0x7C30]  }
0x786: {  	[tilespmem:s6+$0x2800] =	vst.add.f32.msk $0xffff, v5;
	s6 =	sor.u32 $0xC30, s13  }
0x787: {  	v5 =	vld [tilespmem:s6+$0x7800]  }
0x788: {  	v18 =	vld [tilespmem:s3+$0x7C40]  }
0x789: {  	v19 =	vld [tilespmem:s3+$0x7C50]  }
0x78a: {  	v20 =	vld [tilespmem:s3+$0x7C60]  }
0x78b: {  	v21 =	vld [tilespmem:s3+$0x7C70]  }
0x78c: {  	[tilespmem:s6+$0x2800] =	vst.add.f32.msk $0xffff, v5;
	s6 =	sor.u32 $0xC40, s13  }
0x78d: {  	v5 =	vld [tilespmem:s6+$0x7800]  }
0x78e: {  	v22 =	vld [tilespmem:s3+$0x8000]  }
0x78f: {  	v23 =	vld [tilespmem:s3+$0x8010]  }
0x790: {  	v24 =	vld [tilespmem:s3+$0x8020]  }
0x791: {  	v25 =	vld [tilespmem:s3+$0x8030]  }
0x792: {  	[tilespmem:s6+$0x2800] =	vst.add.f32.msk $0xffff, v5;
	s6 =	sor.u32 $0xC50, s13  }
0x793: {  	v5 =	vld [tilespmem:s6+$0x7800]  }
0x794: {  	v26 =	vld [tilespmem:s3+$0x8040]  }
0x795: {  	v27 =	vld [tilespmem:s3+$0x8050]  }
0x796: {  	v28 =	vld [tilespmem:s3+$0x8060]  }
0x797: {  	v29 =	vld [tilespmem:s3+$0x8070]  }
0x798: {  	[tilespmem:s6+$0x2800] =	vst.add.f32.msk $0xffff, v5;
	s6 =	sor.u32 $0xC60, s13  }
0x799: {  	v5 =	vld [tilespmem:s6+$0x7800]  }
0x79a: {  	[tilespmem:s3+$0x2800] =	vst.add.f32.msk $0xffff, v6  }
0x79b: {  	[tilespmem:s3+$0x2810] =	vst.add.f32.msk $0xffff, v7  }
0x79c: {  	[tilespmem:s3+$0x2820] =	vst.add.f32.msk $0xffff, v8  }
0x79d: {  	[tilespmem:s3+$0x2830] =	vst.add.f32.msk $0xffff, v9  }
0x79e: {  	[tilespmem:s6+$0x2800] =	vst.add.f32.msk $0xffff, v5;
	s6 =	sor.u32 $0xC70, s13  }
0x79f: {  	v5 =	vld [tilespmem:s6+$0x7800]  }
0x7a0: {  	[tilespmem:s3+$0x2840] =	vst.add.f32.msk $0xffff, v10  }
0x7a1: {  	[tilespmem:s3+$0x2850] =	vst.add.f32.msk $0xffff, v11  }
0x7a2: {  	[tilespmem:s3+$0x2860] =	vst.add.f32.msk $0xffff, v12  }
0x7a3: {  	[tilespmem:s3+$0x2870] =	vst.add.f32.msk $0xffff, v13  }
0x7a4: {  	[tilespmem:s6+$0x2800] =	vst.add.f32.msk $0xffff, v5  }
0x7a5: {  	[tilespmem:s3+$0x2C00] =	vst.add.f32.msk $0xffff, v14  }
0x7a6: {  	[tilespmem:s3+$0x2C10] =	vst.add.f32.msk $0xffff, v15  }
0x7a7: {  	[tilespmem:s3+$0x2C20] =	vst.add.f32.msk $0xffff, v16  }
0x7a8: {  	[tilespmem:s3+$0x2C30] =	vst.add.f32.msk $0xffff, v17  }
0x7a9: {  	[tilespmem:s3+$0x2C40] =	vst.add.f32.msk $0xffff, v18  }
0x7aa: {  	[tilespmem:s3+$0x2C50] =	vst.add.f32.msk $0xffff, v19  }
0x7ab: {  	[tilespmem:s3+$0x2C60] =	vst.add.f32.msk $0xffff, v20  }
0x7ac: {  	[tilespmem:s3+$0x2C70] =	vst.add.f32.msk $0xffff, v21  }
0x7ad: {  	[tilespmem:s3+$0x3000] =	vst.add.f32.msk $0xffff, v22  }
0x7ae: {  	[tilespmem:s3+$0x3010] =	vst.add.f32.msk $0xffff, v23  }
0x7af: {  	[tilespmem:s3+$0x3020] =	vst.add.f32.msk $0xffff, v24  }
0x7b0: {  	[tilespmem:s3+$0x3030] =	vst.add.f32.msk $0xffff, v25  }
0x7b1: {  	[tilespmem:s3+$0x3040] =	vst.add.f32.msk $0xffff, v26  }
0x7b2: {  	[tilespmem:s3+$0x3050] =	vst.add.f32.msk $0xffff, v27  }
0x7b3: {  	[tilespmem:s3+$0x3060] =	vst.add.f32.msk $0xffff, v28  }
0x7b4: {  	[tilespmem:s3+$0x3070] =	vst.add.f32.msk $0xffff, v29  }
0x7b5: {  	v5 =	vld [tilespmem:s17+$0x7800]  }
0x7b6: {  	[tilespmem:s15+$0x2800] =	vst.add.f32.msk $0xffff, v3;
	s15 =	smov.u32 s14  }
0x7b7: {  	v3 =	vld [tilespmem:s1+$0x7800]  }
0x7b8: {  	[tilespmem:s25+$0x2800] =	vst.add.f32.msk $0xffff, v4;
	s25 =	smov.u32 s28;
	s28 =	smov.u32 s20  }
0x7b9: {  	v4 =	vld [tilespmem:s24+$0x7800]  }
0x7ba: {  	[tilespmem:s17+$0x2800] =	vst.add.f32.msk $0xffff, v5  }
0x7bb: {  	v6 =	vld [tilespmem:s12+$0x7800]  }
0x7bc: {  	[tilespmem:s1+$0x2800] =	vst.add.f32.msk $0xffff, v3;
	s1 =	smov.u32 s18  }
0x7bd: {  	v7 =	vld [tilespmem:s29+$0x7800]  }
.Ltmp4:
0x7be: {  	[tilespmem:s24+$0x2800] =	vst.add.f32.msk $0xffff, v4;
	s24 =	smov.u32 s26;
	s26 =	smov.u32 s19;
	(pc) =	sbr.rel @p0 .LBB2_9-.Ltmp4, $4  }
0x7bf: {  	v5 =	vld [tilespmem:s22+$0x7800]  }
0x7c0: {  	[tilespmem:s12+$0x2800] =	vst.add.f32.msk $0xffff, v6  }
0x7c1: {  	v3 =	vld [tilespmem:s15+$0x7800]  }
0x7c2: {  	s7 =	sadd.s32 $0x100, s7;
	s8 =	sadd.s32 $0x400, s8;
	[tilespmem:s29+$0x2800] =	vst.add.f32.msk $0xffff, v7;
	s29 =	smov.u32 s16  }
0x7c3: {  	_ =	sdelay $0x2  }
0x7c4: {  	[tilespmem:s15+$0x2800] =	vst.add.f32.msk $0xffff, v3  }
0x7c5: {  	v3 =	vld [tilespmem:s1+$0x7800];
	_ =	sdelay $0x4  }
0x7c6: {  	[tilespmem:s1+$0x2800] =	vst.add.f32.msk $0xffff, v3  }
0x7c7: {  	v3 =	vld [tilespmem:s29+$0x7800];
	_ =	sdelay $0x3  }
0x7c8: {  	v4 =	vld [tilespmem:s25+$0x7800]  }
0x7c9: {  	[tilespmem:s29+$0x2800] =	vst.add.f32.msk $0xffff, v3  }
0x7ca: {  	v3 =	vld [tilespmem:s28+$0x7800];
	_ =	sdelay $0x2  }
0x7cb: {  	[tilespmem:s25+$0x2800] =	vst.add.f32.msk $0xffff, v4  }
0x7cc: {  	v4 =	vld [tilespmem:s24+$0x7800]  }
0x7cd: {  	[tilespmem:s28+$0x2800] =	vst.add.f32.msk $0xffff, v3  }
0x7ce: {  	v3 =	vld [tilespmem:s26+$0x7800];
	_ =	sdelay $0x2  }
0x7cf: {  	[tilespmem:s24+$0x2800] =	vst.add.f32.msk $0xffff, v4  }
0x7d0: {  	v4 =	vld [tilespmem:s23+$0x7800]  }
0x7d1: {  	[tilespmem:s26+$0x2800] =	vst.add.f32.msk $0xffff, v3  }
0x7d2: {  	v3 =	vld [tilespmem:s11+$0x7800];
	_ =	sdelay $0x2  }
0x7d3: {  	[tilespmem:s22+$0x2800] =	vst.add.f32.msk $0xffff, v5  }
0x7d4: {  	[tilespmem:s23+$0x2800] =	vst.add.f32.msk $0xffff, v4  }
0x7d5: {  	[tilespmem:s11+$0x2800] =	vst.add.f32.msk $0xffff, v3  }
0x7d6: {  	s6 =	simm.s32 $0x2800;
	s1 =	simm.s32 $0x7;
	s0 =	rddreg [dreg:$0x8]  }
0x7d7: {  	[hbm4b:s0+s2] =	stream.linear.scatter [tilespmem:s6], [sflag:$0x7], $0x5000, $0x38;
	[tilespmem:$0x16800] =	vst v63  }
0x7d8: {  	_ =	swait.ge [sflag:s1], $0x5000  }
0x7d9: {  	s3 =	rddreg [dreg:$0xa]  }
0x7da: {  	s30 =	rddreg [dreg:$0x9];
	s3 =	sadd.s32 $0x1, s3  }
0x7db: {  	p0 =	sne.s32 s3, s30  }
.Ltmp5:
0x7dc: {  	_ = 	snop;
	(pc) =	sbr.rel @p0 .LBB2_1-.Ltmp5, $3  }
0x7dd: {  	_ =	sdelay $0x1  }
0x7de: {  	[sflag:s1] =	ssyncset.done $0x0  }
0x7df: {  	[sflag:s1] =	ssyncadd.s32 $0xFFFFB000  }
0x7e0: {  	_ =	sfence.sel $0x180000  }
0x7e1: {  	[bflag:$0x0] =	sbarrier.arrive $0xFFFF  }
0x7e2: {  	_ =	strace $0x90000047  }
0x7e3: {  	s0 =	stileid.u32;
	[bflag:$0x2] =	sbarrier.arrive $0xFFFF  }
0x7e4: {  	p0 =	sne.s32 s0, $0x0;
	s0 =	rddreg [dreg:$0x2]  }
0x7e5: {  	s0 =	sadd.s32 @!p0 $0x100000, s0  }
0x7e6: {  	[sflag:s0] =	ssyncadd.tile.s32 @!p0 $0x1;
	_ =	shalt  }
.Lfunc_end2:
_tile_overlayer_lowered:
.L_overlay_start_2:
0x7e7: {  	(tag) =	ssettag $0x2  }
0x7e8: {  	s0 =	rddreg [dreg:$0x0];
	s2 =	stileid.u32  }
0x7e9: {  	s1 =	rddreg [dreg:$0x1];
	p0 =	sne.s32 s2, $0x0  }
0x7ea: {  	s3 =	rddreg [dreg:$0x2];
	[bflag:$0x3] =	sbarrier.arrive $0xFFFF;
	s2 =	simm.s32 @!p0 $0x1C07  }
0x7eb: {  	[timem:s3], [sflag:s2] =	dma.local @!p0 [hbm:s0], s1  }
0x7ec: {  	s0 =	simm.s32 @!p0 $0x7  }
0x7ed: {  	_ =	swait.ge @!p0 [sflag:s0], s1  }
0x7ee: {  	s1 =	ssub.s32 @!p0 $0x0, s1;
	[sflag:s0] =	ssyncset.done @!p0 $0x0  }
0x7ef: {  	[sflag:s0] =	ssyncadd.s32 @!p0 s1  }
0x7f0: {  	[bflag:$0x3] =	sbarrier.arrive $0xFFFF  }
0x7f1: {  	_ =	shalt  }

</sc_bundles>
